<compile_context>
chip_gen: v7x
topology: tpu7x:2x2x1
jax: 0.10.2.dev20260603
libtpu: 0.0.44.dev20260713+nightly
codegen_flags: <defaults>
</compile_context>

<pallas_src>
import functools

import jax
import jax.numpy as jnp
from jax import lax
from jax.experimental import pallas as pl
from jax.experimental.pallas import tpu as pltpu
from jax.experimental.pallas import tpu_sc as plsc

F32 = jnp.float32

N = 10000
E = 320000
NC, NS = 2, 16
NW = NC * NS
PER_W = E // NW
CH = 80
NCHUNK = PER_W // CH
ROWS_T = 800
N_PAD = NS * ROWS_T
AW = 128
BN = 400
BE = 1000


def _sc_mesh():
    return plsc.VectorSubcoreMesh(core_axis_name="c", subcore_axis_name="s",
                                  num_cores=NC, num_subcores=NS)



def _gather_body(with_lu, q_hbm, kv_hbm, lu_hbm, dst_hbm, src_hbm, *rest):
    if with_lu:
        qd_hbm, kvs_hbm, lus_hbm, di, si, qbuf, kvbuf, lubuf = rest
    else:
        qd_hbm, kvs_hbm, di, si, qbuf, kvbuf = rest
    wid = lax.axis_index("s") * NC + lax.axis_index("c")
    base = wid * PER_W

    def step(j, carry):
        off = base + j * CH
        pltpu.sync_copy(dst_hbm.at[pl.ds(off, CH)], di)
        pltpu.sync_copy(src_hbm.at[pl.ds(off, CH)], si)
        pltpu.sync_copy(q_hbm.at[di], qbuf)
        pltpu.sync_copy(kv_hbm.at[si], kvbuf)
        pltpu.sync_copy(qbuf, qd_hbm.at[pl.ds(off, CH)])
        pltpu.sync_copy(kvbuf, kvs_hbm.at[pl.ds(off, CH)])
        if with_lu:
            pltpu.sync_copy(lu_hbm.at[si], lubuf)
            pltpu.sync_copy(lubuf, lus_hbm.at[pl.ds(off, CH)])
        return carry

    lax.fori_loop(0, NCHUNK, step, 0)


def _sc_gather(q, kv, lu, dst, src, with_lu):
    outs = [jax.ShapeDtypeStruct((E, 128), F32), jax.ShapeDtypeStruct((E, 256), F32)]
    scratch = [pltpu.VMEM((CH,), jnp.int32), pltpu.VMEM((CH,), jnp.int32),
               pltpu.VMEM((CH, 128), F32), pltpu.VMEM((CH, 256), F32)]
    if with_lu:
        outs.insert(2, jax.ShapeDtypeStruct((E,), F32))
        scratch.append(pltpu.VMEM((CH,), F32))
    fn = pl.kernel(functools.partial(_gather_body, with_lu),
                   out_type=tuple(outs), mesh=_sc_mesh(), scratch_types=scratch)
    return fn(q, kv, lu, dst, src)



def _scatter_body(wm_hbm, dst_hbm, z_hbm, parts_hbm, acc, buf, di):
    c = lax.axis_index("c")
    s = lax.axis_index("s")
    pltpu.sync_copy(z_hbm, buf)

    def zstep(k, carry):
        pltpu.sync_copy(buf, acc.at[pl.ds(s * ROWS_T + k * CH, CH)])
        return carry

    lax.fori_loop(0, ROWS_T // CH, zstep, 0)
    plsc.subcore_barrier()
    base = c * (E // NC) + s * PER_W

    def step(j, carry):
        off = base + j * CH
        pltpu.sync_copy(dst_hbm.at[pl.ds(off, CH)], di)
        pltpu.sync_copy(wm_hbm.at[pl.ds(off, CH)], buf)
        pltpu.sync_copy(buf, acc.at[di], add=True)
        return carry

    lax.fori_loop(0, NCHUNK, step, 0)
    plsc.subcore_barrier()
    row0 = c * N_PAD + s * ROWS_T

    def ostep(k, carry):
        pltpu.sync_copy(acc.at[pl.ds(s * ROWS_T + k * CH, CH)], buf)
        pltpu.sync_copy(buf, parts_hbm.at[pl.ds(row0 + k * CH, CH)])
        return carry

    lax.fori_loop(0, ROWS_T // CH, ostep, 0)


def _sc_scatter(wm, dst, zeros):
    fn = pl.kernel(_scatter_body,
                   out_type=jax.ShapeDtypeStruct((2 * N_PAD, AW), F32),
                   mesh=_sc_mesh(),
                   scratch_types=[pltpu.VMEM_SHARED((N_PAD, AW), F32),
                                  pltpu.VMEM((CH, AW), F32),
                                  pltpu.VMEM((CH,), jnp.int32)])
    return fn(wm, dst, zeros)



def _project_kernel(h_ref, w_ref, b_ref, q_ref, kv_ref, s_ref):
    out = jnp.dot(h_ref[...], w_ref[...], preferred_element_type=F32) + b_ref[...]
    q_ref[...] = out[:, :128]
    kv_ref[...] = out[:, 128:384]
    s_ref[...] = out[:, 384:]


def _tc_project(h, w_all, b_all):
    return pl.pallas_call(
        _project_kernel,
        grid=(N // BN,),
        in_specs=[pl.BlockSpec((BN, 128), lambda i: (i, 0)),
                  pl.BlockSpec((128, 512), lambda i: (0, 0)),
                  pl.BlockSpec((1, 512), lambda i: (0, 0))],
        out_specs=[pl.BlockSpec((BN, 128), lambda i: (i, 0)),
                   pl.BlockSpec((BN, 256), lambda i: (i, 0)),
                   pl.BlockSpec((BN, 128), lambda i: (i, 0))],
        out_shape=[jax.ShapeDtypeStruct((N, 128), F32),
                   jax.ShapeDtypeStruct((N, 256), F32),
                   jax.ShapeDtypeStruct((N, 128), F32)],
    )(h, w_all, b_all)



def _edge_kernel(qd_ref, kvs_ref, lus_ref, t_ref, msg_ref, tw_ref, tb_ref,
                 mw_ref, mb_ref, we_ref, be_ref, out0_ref, out1_ref):
    rel = lus_ref[...] - t_ref[...]
    enc = jnp.cos(rel * tw_ref[...] + tb_ref[...])
    mp = jnp.dot(msg_ref[...], mw_ref[...], preferred_element_type=F32) + mb_ref[...]
    ea = jnp.concatenate([enc, mp], axis=1)
    e = jnp.dot(ea, we_ref[...], preferred_element_type=F32) + be_ref[...]
    q = qd_ref[...]
    k = kvs_ref[:, :128] + e
    v = kvs_ref[:, 128:] + e
    a0 = jnp.sum(q[:, :64] * k[:, :64], axis=1, keepdims=True) * 0.125
    a1 = jnp.sum(q[:, 64:] * k[:, 64:], axis=1, keepdims=True) * 0.125
    ex0 = jnp.exp(a0)
    ex1 = jnp.exp(a1)
    pad = jnp.zeros((BE, 63), F32)
    out0_ref[...] = jnp.concatenate([v[:, :64] * ex0, ex0, pad], axis=1)
    out1_ref[...] = jnp.concatenate([v[:, 64:] * ex1, ex1, pad], axis=1)


def _tc_edge(qd, kvs, lus, t2, msg, tw, tb, mw, mb, we, be):
    return pl.pallas_call(
        _edge_kernel,
        grid=(E // BE,),
        in_specs=[pl.BlockSpec((BE, 128), lambda i: (i, 0)),
                  pl.BlockSpec((BE, 256), lambda i: (i, 0)),
                  pl.BlockSpec((BE, 1), lambda i: (i, 0)),
                  pl.BlockSpec((BE, 1), lambda i: (i, 0)),
                  pl.BlockSpec((BE, 16), lambda i: (i, 0)),
                  pl.BlockSpec((1, 64), lambda i: (0, 0)),
                  pl.BlockSpec((1, 64), lambda i: (0, 0)),
                  pl.BlockSpec((16, 64), lambda i: (0, 0)),
                  pl.BlockSpec((1, 64), lambda i: (0, 0)),
                  pl.BlockSpec((128, 128), lambda i: (0, 0)),
                  pl.BlockSpec((1, 128), lambda i: (0, 0))],
        out_specs=[pl.BlockSpec((BE, AW), lambda i: (i, 0)),
                   pl.BlockSpec((BE, AW), lambda i: (i, 0))],
        out_shape=[jax.ShapeDtypeStruct((E, AW), F32),
                   jax.ShapeDtypeStruct((E, AW), F32)],
    )(qd, kvs, lus, t2, msg, tw, tb, mw, mb, we, be)



def _combine(a0p0, a0p1, a1p0, a1p1, s_prev, g, b):
    agg0 = a0p0 + a0p1
    agg1 = a1p0 + a1p1
    den0 = agg0[:, 64:65] + 1e-16
    den1 = agg1[:, 64:65] + 1e-16
    o = jnp.concatenate([agg0[:, :64] / den0, agg1[:, :64] / den1], axis=1)
    o = o + s_prev
    mu = jnp.mean(o, axis=1, keepdims=True)
    var = jnp.mean((o - mu) ** 2, axis=1, keepdims=True)
    return (o - mu) / jnp.sqrt(var + 1e-5) * g + b


def _mid_kernel(a0p0_ref, a0p1_ref, a1p0_ref, a1p1_ref, sp_ref, g_ref, b_ref,
                w_ref, ba_ref, q_ref, kv_ref, s_ref):
    h = _combine(a0p0_ref[...], a0p1_ref[...], a1p0_ref[...], a1p1_ref[...],
                 sp_ref[...], g_ref[...], b_ref[...])
    h = jnp.maximum(h, 0.0)
    out = jnp.dot(h, w_ref[...], preferred_element_type=F32) + ba_ref[...]
    q_ref[...] = out[:, :128]
    kv_ref[...] = out[:, 128:384]
    s_ref[...] = out[:, 384:]


_PARTS_SPECS = [pl.BlockSpec((BN, AW), lambda i: (i, 0)),
                pl.BlockSpec((BN, AW), lambda i: (i + N_PAD // BN, 0)),
                pl.BlockSpec((BN, AW), lambda i: (i, 0)),
                pl.BlockSpec((BN, AW), lambda i: (i + N_PAD // BN, 0))]


def _tc_mid(parts0, parts1, s_prev, g, b, w_all, b_all):
    return pl.pallas_call(
        _mid_kernel,
        grid=(N // BN,),
        in_specs=_PARTS_SPECS +
                 [pl.BlockSpec((BN, 128), lambda i: (i, 0)),
                  pl.BlockSpec((1, 128), lambda i: (0, 0)),
                  pl.BlockSpec((1, 128), lambda i: (0, 0)),
                  pl.BlockSpec((128, 512), lambda i: (0, 0)),
                  pl.BlockSpec((1, 512), lambda i: (0, 0))],
        out_specs=[pl.BlockSpec((BN, 128), lambda i: (i, 0)),
                   pl.BlockSpec((BN, 256), lambda i: (i, 0)),
                   pl.BlockSpec((BN, 128), lambda i: (i, 0))],
        out_shape=[jax.ShapeDtypeStruct((N, 128), F32),
                   jax.ShapeDtypeStruct((N, 256), F32),
                   jax.ShapeDtypeStruct((N, 128), F32)],
    )(parts0, parts0, parts1, parts1, s_prev, g, b, w_all, b_all)


def _post_kernel(a0p0_ref, a0p1_ref, a1p0_ref, a1p1_ref, sp_ref, g_ref, b_ref,
                 h_ref):
    h_ref[...] = _combine(a0p0_ref[...], a0p1_ref[...], a1p0_ref[...],
                          a1p1_ref[...], sp_ref[...], g_ref[...], b_ref[...])


def _tc_post(parts0, parts1, s_prev, g, b):
    return pl.pallas_call(
        _post_kernel,
        grid=(N // BN,),
        in_specs=_PARTS_SPECS +
                 [pl.BlockSpec((BN, 128), lambda i: (i, 0)),
                  pl.BlockSpec((1, 128), lambda i: (0, 0)),
                  pl.BlockSpec((1, 128), lambda i: (0, 0))],
        out_specs=pl.BlockSpec((BN, 128), lambda i: (i, 0)),
        out_shape=jax.ShapeDtypeStruct((N, 128), F32),
    )(parts0, parts0, parts1, parts1, s_prev, g, b)



def kernel(x, last_update, edge_index, t, msg, params):
    p = params
    src = edge_index[0]
    dst = edge_index[1]
    t2 = t.reshape(E, 1)
    zeros = jnp.zeros((CH, AW), F32)
    tw = p['time_w']
    tb = p['time_b'].reshape(1, 64)
    mw = p['msg_w']
    mb = p['msg_b'].reshape(1, 64)
    w_all, b_all, ew, eb, lng, lnb = [], [], [], [], [], []
    for i in range(3):
        w_all.append(jnp.concatenate([p['c%d_q_w' % i], p['c%d_k_w' % i],
                                      p['c%d_v_w' % i], p['c%d_s_w' % i]], axis=1))
        b_all.append(jnp.concatenate([p['c%d_q_b' % i], p['c%d_k_b' % i],
                                      p['c%d_v_b' % i], p['c%d_s_b' % i]]).reshape(1, 512))
        ew.append(p['c%d_e_w' % i])
        eb.append(p['c%d_e_b' % i].reshape(1, 128))
        lng.append(p['ln%d_g' % i].reshape(1, 128))
        lnb.append(p['ln%d_b' % i].reshape(1, 128))

    q, kv, s = _tc_project(x, w_all[0], b_all[0])
    qd, kvs, lus = _sc_gather(q, kv, last_update, dst, src, with_lu=True)
    lus2 = lus.reshape(E, 1)

    wm0, wm1 = _tc_edge(qd, kvs, lus2, t2, msg, tw, tb, mw, mb, ew[0], eb[0])
    parts0 = _sc_scatter(wm0, dst, zeros)
    parts1 = _sc_scatter(wm1, dst, zeros)
    q, kv, s = _tc_mid(parts0, parts1, s, lng[0], lnb[0], w_all[1], b_all[1])

    qd, kvs = _sc_gather(q, kv, last_update, dst, src, with_lu=False)
    wm0, wm1 = _tc_edge(qd, kvs, lus2, t2, msg, tw, tb, mw, mb, ew[1], eb[1])
    parts0 = _sc_scatter(wm0, dst, zeros)
    parts1 = _sc_scatter(wm1, dst, zeros)
    q, kv, s = _tc_mid(parts0, parts1, s, lng[1], lnb[1], w_all[2], b_all[2])

    qd, kvs = _sc_gather(q, kv, last_update, dst, src, with_lu=False)
    wm0, wm1 = _tc_edge(qd, kvs, lus2, t2, msg, tw, tb, mw, mb, ew[2], eb[2])
    parts0 = _sc_scatter(wm0, dst, zeros)
    parts1 = _sc_scatter(wm1, dst, zeros)
    return _tc_post(parts0, parts1, s, lng[2], lnb[2])

# --- scband reference (transcript-rebuilt; emitter-appended) ---
"""Pipeline reference for scband-graph-attention-embedding-87763361726822 (READ-ONLY COPY).

The authoritative reference and input builder live on the scoring server;
editing this copy changes nothing except your own understanding.
"""

import jax, jax.numpy as jnp
import numpy as np

N = 10000
E = 320000
D_IN = 128
D_OUT = 128
RAW_MSG = 16
MSG_DIM = 64
T_ENC = 64
HEADS = 2
C = 64
EDGE_DIM = 128

def _lin(k, fan_in, fan_out):
    w = jax.random.normal(k, (fan_in, fan_out), jnp.float32) * (1.0 / np.sqrt(fan_in))
    b = jnp.zeros((fan_out,), jnp.float32)
    return w, b

def setup_inputs(seed: int = 0):
    key = jax.random.key(seed)
    ks = jax.random.split(key, 24)
    x = jax.random.normal(ks[0], (N, D_IN), jnp.float32)
    last_update = jax.random.uniform(ks[1], (N,), jnp.float32)
    edge_index = jax.random.randint(ks[2], (2, E), 0, N, jnp.int32)
    t = jax.random.uniform(ks[3], (E,), jnp.float32)
    msg = jax.random.normal(ks[4], (E, RAW_MSG), jnp.float32)
    params = {}
    params['time_w'], params['time_b'] = _lin(ks[5], 1, T_ENC)
    params['msg_w'], params['msg_b'] = _lin(ks[6], RAW_MSG, MSG_DIM)
    for i in range(3):
        base = 7 + i * 5
        for j, nm in enumerate(['q', 'k', 'v', 'e', 's']):
            fi = EDGE_DIM if nm == 'e' else D_IN
            params['c%d_%s_w' % (i, nm)], params['c%d_%s_b' % (i, nm)] = _lin(ks[base + j], fi, HEADS * C)
        params['ln%d_g' % i] = jnp.ones((D_OUT,), jnp.float32)
        params['ln%d_b' % i] = jnp.zeros((D_OUT,), jnp.float32)
    return {'x': x, 'last_update': last_update, 'edge_index': edge_index, 't': t, 'msg': msg, 'params': params}

def _layer_norm(h, g, b):
    mu = jnp.mean(h, axis=-1, keepdims=True)
    var = jnp.mean((h - mu) ** 2, axis=-1, keepdims=True)
    return (h - mu) / jnp.sqrt(var + 1e-5) * g + b

def _tconv(x, src, dst, edge_attr, p, i):
    q = (x @ p['c%d_q_w' % i] + p['c%d_q_b' % i]).reshape(-1, HEADS, C)
    k = (x @ p['c%d_k_w' % i] + p['c%d_k_b' % i]).reshape(-1, HEADS, C)
    v = (x @ p['c%d_v_w' % i] + p['c%d_v_b' % i]).reshape(-1, HEADS, C)
    e = (edge_attr @ p['c%d_e_w' % i] + p['c%d_e_b' % i]).reshape(-1, HEADS, C)
    k_j = k[src] + e
    q_i = q[dst]
    alpha = jnp.sum(q_i * k_j, axis=-1) / np.sqrt(C)
    amax = jax.ops.segment_max(alpha, dst, num_segments=N)
    amax = jnp.where(jnp.isfinite(amax), amax, 0.0)
    ex = jnp.exp(alpha - amax[dst])
    den = jax.ops.segment_sum(ex, dst, num_segments=N)
    a = ex / (den[dst] + 1e-16)
    m = (v[src] + e) * a[:, :, None]
    out = jax.ops.segment_sum(m, dst, num_segments=N).reshape(-1, HEADS * C)
    out = out + x @ p['c%d_s_w' % i] + p['c%d_s_b' % i]
    return out

def _forward(x, last_update, t, msg, params, edge_index):
    src = edge_index[0]
    dst = edge_index[1]
    rel_t = last_update[src] - t
    rel_t_enc = jnp.cos(rel_t[:, None] @ params['time_w'] + params['time_b'])
    msg_proj = msg @ params['msg_w'] + params['msg_b']
    edge_attr = jnp.concatenate([rel_t_enc, msg_proj], axis=-1)
    h = _tconv(x, src, dst, edge_attr, params, 0)
    h = jax.nn.relu(_layer_norm(h, params['ln0_g'], params['ln0_b']))
    h = _tconv(h, src, dst, edge_attr, params, 1)
    h = jax.nn.relu(_layer_norm(h, params['ln1_g'], params['ln1_b']))
    h = _tconv(h, src, dst, edge_attr, params, 2)
    h = _layer_norm(h, params['ln2_g'], params['ln2_b'])
    return h

def reference(x, last_update, edge_index, t, msg, params):
    return _forward(x, last_update, t, msg, params, edge_index)

if __name__ == "__main__":
    import jax
    _d = setup_inputs()
    print(jax.jit(kernel)(*tuple(_d.values())))

</pallas_src>

<mosaic_0001>
#map = affine_map<(d0, d1) -> (0, 0)>
#map1 = affine_map<(d0, d1) -> (0)>
module attributes {stable_mosaic.version = 14 : i64} {
  func.func @_scatter_body(%arg0: i32, %arg1: i32, %arg2: memref<320000x128xf32, #tpu.memory_space<hbm>>, %arg3: memref<320000xi32, #tpu.memory_space<hbm>>, %arg4: memref<80x128xf32, #tpu.memory_space<hbm>>, %arg5: memref<25600x128xf32, #tpu.memory_space<hbm>>, %arg6: memref<12800x128xf32, #tpu.memory_space<vmem_shared>>, %arg7: memref<80x128xf32, #tpu.memory_space<vmem>>, %arg8: memref<80xi32, #tpu.memory_space<vmem>>) attributes {dimension_semantics = [#tpu.dimension_semantics<core_parallel>, #tpu.dimension_semantics<subcore_parallel>], iteration_bounds = array<i64: 2, 16>, scalar_prefetch = 0 : i64, scratch_operands = 3 : i64, tpu.core_type = #tpu.core_type<sc_vector_subcore>, window_params = [{transform_indices = #map}, {transform_indices = #map1}, {transform_indices = #map}, {transform_indices = #map}]} {
    "tpu.region"() ({
      %run_scoped3A = tpu.sem_alloc : memref<!tpu.dma_semaphore, #tpu.memory_space<semaphore_mem>>
      tpu.enqueue_dma source(%arg4 : memref<80x128xf32, #tpu.memory_space<hbm>>) target(%arg7 : memref<80x128xf32, #tpu.memory_space<vmem>>) target_semaphore(%run_scoped3A : memref<!tpu.dma_semaphore, #tpu.memory_space<semaphore_mem>>)
      tpu.wait_dma2 semaphore(%run_scoped3A : memref<!tpu.dma_semaphore, #tpu.memory_space<semaphore_mem>>) src(%arg4 : memref<80x128xf32, #tpu.memory_space<hbm>>) dst(%arg7 : memref<80x128xf32, #tpu.memory_space<vmem>>)
      tpu.yield
    }) : () -> ()
    %scan3A = arith.constant 0 : i32
    %scan3A_0 = arith.constant 0 : i32
    %scan3A_1 = arith.constant 10 : i32
    %scan3A_2 = arith.addi %scan3A_0, %scan3A_1 : i32
    %scan3A_3 = arith.constant 1 : i32
    scf.for %scan3A_26 = %scan3A_0 to %scan3A_2 step %scan3A_3  : i32 {
      %mul3A_27 = arith.constant 800 : i32
      %mul3A_28 = arith.muli %arg1, %mul3A_27 : i32
      %mul3A_29 = arith.constant 80 : i32
      %mul3A_30 = arith.muli %scan3A_26, %mul3A_29 : i32
      %add3A_31 = arith.addi %mul3A_28, %mul3A_30 : i32
      "tpu.region"() ({
        %run_scoped3A = tpu.sem_alloc : memref<!tpu.dma_semaphore, #tpu.memory_space<semaphore_mem>>
        %dma_start3A = arith.constant 0 : i32
        %dma_start3A_32 = tpu.memref_slice %arg6[%add3A_31, %dma_start3A] : memref<12800x128xf32, #tpu.memory_space<vmem_shared>> -> memref<80x128xf32, #tpu.memory_space<vmem_shared>>
        %dma_start3A_33 = arith.constant 0 : i32
        %dma_start3A_34 = tpu.memref_slice %arg6[%add3A_31, %dma_start3A_33] : memref<12800x128xf32, #tpu.memory_space<vmem_shared>> -> memref<80x128xf32, #tpu.memory_space<vmem_shared>>
        tpu.enqueue_dma source(%arg7 : memref<80x128xf32, #tpu.memory_space<vmem>>) target(%dma_start3A_34 : memref<80x128xf32, #tpu.memory_space<vmem_shared>>) target_semaphore(%run_scoped3A : memref<!tpu.dma_semaphore, #tpu.memory_space<semaphore_mem>>)
        %dma_wait3A = arith.constant 0 : i32
        %dma_wait3A_35 = tpu.memref_slice %arg6[%add3A_31, %dma_wait3A] : memref<12800x128xf32, #tpu.memory_space<vmem_shared>> -> memref<80x128xf32, #tpu.memory_space<vmem_shared>>
        %dma_wait3A_36 = arith.constant 0 : i32
        %dma_wait3A_37 = tpu.memref_slice %arg6[%add3A_31, %dma_wait3A_36] : memref<12800x128xf32, #tpu.memory_space<vmem_shared>> -> memref<80x128xf32, #tpu.memory_space<vmem_shared>>
        tpu.wait_dma2 semaphore(%run_scoped3A : memref<!tpu.dma_semaphore, #tpu.memory_space<semaphore_mem>>) src(%arg7 : memref<80x128xf32, #tpu.memory_space<vmem>>) dst(%dma_wait3A_37 : memref<80x128xf32, #tpu.memory_space<vmem_shared>>)
        tpu.yield
      }) : () -> ()
    }
    %scan3A_4 = arith.constant 10 : i32
    %barrier3A = arith.constant 0 : index
    tpu.barrier barrier_id(%barrier3A)
    %mul3A = arith.constant 160000 : i32
    %mul3A_5 = arith.muli %arg0, %mul3A : i32
    %mul3A_6 = arith.constant 10000 : i32
    %mul3A_7 = arith.muli %arg1, %mul3A_6 : i32
    %add3A = arith.addi %mul3A_5, %mul3A_7 : i32
    %scan3A_8 = arith.constant 0 : i32
    %scan3A_9 = arith.constant 0 : i32
    %scan3A_10 = arith.constant 125 : i32
    %scan3A_11 = arith.addi %scan3A_9, %scan3A_10 : i32
    %scan3A_12 = arith.constant 1 : i32
    scf.for %scan3A_26 = %scan3A_9 to %scan3A_11 step %scan3A_12  : i32 {
      %mul3A_27 = arith.constant 80 : i32
      %mul3A_28 = arith.muli %scan3A_26, %mul3A_27 : i32
      %add3A_29 = arith.addi %add3A, %mul3A_28 : i32
      "tpu.region"() ({
        %run_scoped3A = tpu.sem_alloc : memref<!tpu.dma_semaphore, #tpu.memory_space<semaphore_mem>>
        %dma_start3A = tpu.memref_slice %arg3[%add3A_29] : memref<320000xi32, #tpu.memory_space<hbm>> -> memref<80xi32, #tpu.memory_space<hbm>>
        %dma_start3A_30 = tpu.memref_slice %arg3[%add3A_29] : memref<320000xi32, #tpu.memory_space<hbm>> -> memref<80xi32, #tpu.memory_space<hbm>>
        tpu.enqueue_dma source(%dma_start3A_30 : memref<80xi32, #tpu.memory_space<hbm>>) target(%arg8 : memref<80xi32, #tpu.memory_space<vmem>>) target_semaphore(%run_scoped3A : memref<!tpu.dma_semaphore, #tpu.memory_space<semaphore_mem>>)
        %dma_wait3A = tpu.memref_slice %arg3[%add3A_29] : memref<320000xi32, #tpu.memory_space<hbm>> -> memref<80xi32, #tpu.memory_space<hbm>>
        %dma_wait3A_31 = tpu.memref_slice %arg3[%add3A_29] : memref<320000xi32, #tpu.memory_space<hbm>> -> memref<80xi32, #tpu.memory_space<hbm>>
        tpu.wait_dma2 semaphore(%run_scoped3A : memref<!tpu.dma_semaphore, #tpu.memory_space<semaphore_mem>>) src(%dma_wait3A_31 : memref<80xi32, #tpu.memory_space<hbm>>) dst(%arg8 : memref<80xi32, #tpu.memory_space<vmem>>)
        tpu.yield
      }) : () -> ()
      "tpu.region"() ({
        %run_scoped3A = tpu.sem_alloc : memref<!tpu.dma_semaphore, #tpu.memory_space<semaphore_mem>>
        %dma_start3A = arith.constant 0 : i32
        %dma_start3A_30 = tpu.memref_slice %arg2[%add3A_29, %dma_start3A] : memref<320000x128xf32, #tpu.memory_space<hbm>> -> memref<80x128xf32, #tpu.memory_space<hbm>>
        %dma_start3A_31 = arith.constant 0 : i32
        %dma_start3A_32 = tpu.memref_slice %arg2[%add3A_29, %dma_start3A_31] : memref<320000x128xf32, #tpu.memory_space<hbm>> -> memref<80x128xf32, #tpu.memory_space<hbm>>
        tpu.enqueue_dma source(%dma_start3A_32 : memref<80x128xf32, #tpu.memory_space<hbm>>) target(%arg7 : memref<80x128xf32, #tpu.memory_space<vmem>>) target_semaphore(%run_scoped3A : memref<!tpu.dma_semaphore, #tpu.memory_space<semaphore_mem>>)
        %dma_wait3A = arith.constant 0 : i32
        %dma_wait3A_33 = tpu.memref_slice %arg2[%add3A_29, %dma_wait3A] : memref<320000x128xf32, #tpu.memory_space<hbm>> -> memref<80x128xf32, #tpu.memory_space<hbm>>
        %dma_wait3A_34 = arith.constant 0 : i32
        %dma_wait3A_35 = tpu.memref_slice %arg2[%add3A_29, %dma_wait3A_34] : memref<320000x128xf32, #tpu.memory_space<hbm>> -> memref<80x128xf32, #tpu.memory_space<hbm>>
        tpu.wait_dma2 semaphore(%run_scoped3A : memref<!tpu.dma_semaphore, #tpu.memory_space<semaphore_mem>>) src(%dma_wait3A_35 : memref<80x128xf32, #tpu.memory_space<hbm>>) dst(%arg7 : memref<80x128xf32, #tpu.memory_space<vmem>>)
        tpu.yield
      }) : () -> ()
      "tpu.region"() ({
        %run_scoped3A = tpu.sem_alloc : memref<!tpu.dma_semaphore, #tpu.memory_space<semaphore_mem>>
        %dma_start3A = arith.constant 0 : i32
        %dma_start3A_30 = arith.constant 0 : i32
        %dma_start3A_31 = tpu.memref_slice %arg6[%dma_start3A, %dma_start3A_30] : memref<12800x128xf32, #tpu.memory_space<vmem_shared>> -> memref<12800x128xf32, #tpu.memory_space<vmem_shared>>
        tpu.enqueue_indirect_dma source(%arg7 : memref<80x128xf32, #tpu.memory_space<vmem>>) target(%dma_start3A_31 : memref<12800x128xf32, #tpu.memory_space<vmem_shared>>) offsets(%arg8 : memref<80xi32, #tpu.memory_space<vmem>>) semaphore(%run_scoped3A : memref<!tpu.dma_semaphore, #tpu.memory_space<semaphore_mem>>) {add = true}
        %dma_wait3A = arith.constant 0 : i32
        %dma_wait3A_32 = arith.constant 0 : i32
        %dma_wait3A_33 = tpu.memref_slice %arg6[%dma_wait3A, %dma_wait3A_32] : memref<12800x128xf32, #tpu.memory_space<vmem_shared>> -> memref<12800x128xf32, #tpu.memory_space<vmem_shared>>
        tpu.wait_indirect_dma semaphore(%run_scoped3A : memref<!tpu.dma_semaphore, #tpu.memory_space<semaphore_mem>>) src(%arg7 : memref<80x128xf32, #tpu.memory_space<vmem>>) dst(%dma_wait3A_33 : memref<12800x128xf32, #tpu.memory_space<vmem_shared>>)
        tpu.yield
      }) : () -> ()
    }
    %scan3A_13 = arith.constant 125 : i32
    %barrier3A_14 = arith.constant 0 : index
    tpu.barrier barrier_id(%barrier3A_14)
    %mul3A_15 = arith.constant 12800 : i32
    %mul3A_16 = arith.muli %arg0, %mul3A_15 : i32
    %mul3A_17 = arith.constant 800 : i32
    %mul3A_18 = arith.muli %arg1, %mul3A_17 : i32
    %add3A_19 = arith.addi %mul3A_16, %mul3A_18 : i32
    %scan3A_20 = arith.constant 0 : i32
    %scan3A_21 = arith.constant 0 : i32
    %scan3A_22 = arith.constant 10 : i32
    %scan3A_23 = arith.addi %scan3A_21, %scan3A_22 : i32
    %scan3A_24 = arith.constant 1 : i32
    scf.for %scan3A_26 = %scan3A_21 to %scan3A_23 step %scan3A_24  : i32 {
      %mul3A_27 = arith.constant 800 : i32
      %mul3A_28 = arith.muli %arg1, %mul3A_27 : i32
      %mul3A_29 = arith.constant 80 : i32
      %mul3A_30 = arith.muli %scan3A_26, %mul3A_29 : i32
      %add3A_31 = arith.addi %mul3A_28, %mul3A_30 : i32
      "tpu.region"() ({
        %run_scoped3A = tpu.sem_alloc : memref<!tpu.dma_semaphore, #tpu.memory_space<semaphore_mem>>
        %dma_start3A = arith.constant 0 : i32
        %dma_start3A_35 = tpu.memref_slice %arg6[%add3A_31, %dma_start3A] : memref<12800x128xf32, #tpu.memory_space<vmem_shared>> -> memref<80x128xf32, #tpu.memory_space<vmem_shared>>
        %dma_start3A_36 = arith.constant 0 : i32
        %dma_start3A_37 = tpu.memref_slice %arg6[%add3A_31, %dma_start3A_36] : memref<12800x128xf32, #tpu.memory_space<vmem_shared>> -> memref<80x128xf32, #tpu.memory_space<vmem_shared>>
        tpu.enqueue_dma source(%dma_start3A_37 : memref<80x128xf32, #tpu.memory_space<vmem_shared>>) target(%arg7 : memref<80x128xf32, #tpu.memory_space<vmem>>) target_semaphore(%run_scoped3A : memref<!tpu.dma_semaphore, #tpu.memory_space<semaphore_mem>>)
        %dma_wait3A = arith.constant 0 : i32
        %dma_wait3A_38 = tpu.memref_slice %arg6[%add3A_31, %dma_wait3A] : memref<12800x128xf32, #tpu.memory_space<vmem_shared>> -> memref<80x128xf32, #tpu.memory_space<vmem_shared>>
        %dma_wait3A_39 = arith.constant 0 : i32
        %dma_wait3A_40 = tpu.memref_slice %arg6[%add3A_31, %dma_wait3A_39] : memref<12800x128xf32, #tpu.memory_space<vmem_shared>> -> memref<80x128xf32, #tpu.memory_space<vmem_shared>>
        tpu.wait_dma2 semaphore(%run_scoped3A : memref<!tpu.dma_semaphore, #tpu.memory_space<semaphore_mem>>) src(%dma_wait3A_40 : memref<80x128xf32, #tpu.memory_space<vmem_shared>>) dst(%arg7 : memref<80x128xf32, #tpu.memory_space<vmem>>)
        tpu.yield
      }) : () -> ()
      %mul3A_32 = arith.constant 80 : i32
      %mul3A_33 = arith.muli %scan3A_26, %mul3A_32 : i32
      %add3A_34 = arith.addi %add3A_19, %mul3A_33 : i32
      "tpu.region"() ({
        %run_scoped3A = tpu.sem_alloc : memref<!tpu.dma_semaphore, #tpu.memory_space<semaphore_mem>>
        %dma_start3A = arith.constant 0 : i32
        %dma_start3A_35 = tpu.memref_slice %arg5[%add3A_34, %dma_start3A] : memref<25600x128xf32, #tpu.memory_space<hbm>> -> memref<80x128xf32, #tpu.memory_space<hbm>>
        %dma_start3A_36 = arith.constant 0 : i32
        %dma_start3A_37 = tpu.memref_slice %arg5[%add3A_34, %dma_start3A_36] : memref<25600x128xf32, #tpu.memory_space<hbm>> -> memref<80x128xf32, #tpu.memory_space<hbm>>
        tpu.enqueue_dma source(%arg7 : memref<80x128xf32, #tpu.memory_space<vmem>>) target(%dma_start3A_37 : memref<80x128xf32, #tpu.memory_space<hbm>>) target_semaphore(%run_scoped3A : memref<!tpu.dma_semaphore, #tpu.memory_space<semaphore_mem>>)
        %dma_wait3A = arith.constant 0 : i32
        %dma_wait3A_38 = tpu.memref_slice %arg5[%add3A_34, %dma_wait3A] : memref<25600x128xf32, #tpu.memory_space<hbm>> -> memref<80x128xf32, #tpu.memory_space<hbm>>
        %dma_wait3A_39 = arith.constant 0 : i32
        %dma_wait3A_40 = tpu.memref_slice %arg5[%add3A_34, %dma_wait3A_39] : memref<25600x128xf32, #tpu.memory_space<hbm>> -> memref<80x128xf32, #tpu.memory_space<hbm>>
        tpu.wait_dma2 semaphore(%run_scoped3A : memref<!tpu.dma_semaphore, #tpu.memory_space<semaphore_mem>>) src(%arg7 : memref<80x128xf32, #tpu.memory_space<vmem>>) dst(%dma_wait3A_40 : memref<80x128xf32, #tpu.memory_space<hbm>>)
        tpu.yield
      }) : () -> ()
    }
    %scan3A_25 = arith.constant 10 : i32
    return
  }
}

#map = affine_map<(d0, d1) -> (0, 0)>
#map1 = affine_map<(d0, d1) -> (0)>
module attributes {stable_mosaic.version = 14 : i64} {
  func.func @_gather_body(%arg0: i32, %arg1: i32, %arg2: memref<10000x128xf32, #tpu.memory_space<hbm>>, %arg3: memref<10000x256xf32, #tpu.memory_space<hbm>>, %arg4: memref<10000xf32, #tpu.memory_space<hbm>>, %arg5: memref<320000xi32, #tpu.memory_space<hbm>>, %arg6: memref<320000xi32, #tpu.memory_space<hbm>>, %arg7: memref<320000x128xf32, #tpu.memory_space<hbm>>, %arg8: memref<320000x256xf32, #tpu.memory_space<hbm>>, %arg9: memref<80xi32, #tpu.memory_space<vmem>>, %arg10: memref<80xi32, #tpu.memory_space<vmem>>, %arg11: memref<80x128xf32, #tpu.memory_space<vmem>>, %arg12: memref<80x256xf32, #tpu.memory_space<vmem>>) attributes {dimension_semantics = [#tpu.dimension_semantics<core_parallel>, #tpu.dimension_semantics<subcore_parallel>], iteration_bounds = array<i64: 2, 16>, scalar_prefetch = 0 : i64, scratch_operands = 4 : i64, tpu.core_type = #tpu.core_type<sc_vector_subcore>, window_params = [{transform_indices = #map}, {transform_indices = #map}, {transform_indices = #map1}, {transform_indices = #map1}, {transform_indices = #map1}, {transform_indices = #map}, {transform_indices = #map}]} {
    %mul3A = arith.constant 2 : i32
    %mul3A_0 = arith.muli %arg1, %mul3A : i32
    %add3A = arith.addi %mul3A_0, %arg0 : i32
    %mul3A_1 = arith.constant 10000 : i32
    %mul3A_2 = arith.muli %add3A, %mul3A_1 : i32
    %scan3A = arith.constant 0 : i32
    %scan3A_3 = arith.constant 0 : i32
    %scan3A_4 = arith.constant 125 : i32
    %scan3A_5 = arith.addi %scan3A_3, %scan3A_4 : i32
    %scan3A_6 = arith.constant 1 : i32
    scf.for %scan3A_8 = %scan3A_3 to %scan3A_5 step %scan3A_6  : i32 {
      %mul3A_9 = arith.constant 80 : i32
      %mul3A_10 = arith.muli %scan3A_8, %mul3A_9 : i32
      %add3A_11 = arith.addi %mul3A_2, %mul3A_10 : i32
      "tpu.region"() ({
        %run_scoped3A = tpu.sem_alloc : memref<!tpu.dma_semaphore, #tpu.memory_space<semaphore_mem>>
        %dma_start3A = tpu.memref_slice %arg5[%add3A_11] : memref<320000xi32, #tpu.memory_space<hbm>> -> memref<80xi32, #tpu.memory_space<hbm>>
        %dma_start3A_12 = tpu.memref_slice %arg5[%add3A_11] : memref<320000xi32, #tpu.memory_space<hbm>> -> memref<80xi32, #tpu.memory_space<hbm>>
        tpu.enqueue_dma source(%dma_start3A_12 : memref<80xi32, #tpu.memory_space<hbm>>) target(%arg9 : memref<80xi32, #tpu.memory_space<vmem>>) target_semaphore(%run_scoped3A : memref<!tpu.dma_semaphore, #tpu.memory_space<semaphore_mem>>)
        %dma_wait3A = tpu.memref_slice %arg5[%add3A_11] : memref<320000xi32, #tpu.memory_space<hbm>> -> memref<80xi32, #tpu.memory_space<hbm>>
        %dma_wait3A_13 = tpu.memref_slice %arg5[%add3A_11] : memref<320000xi32, #tpu.memory_space<hbm>> -> memref<80xi32, #tpu.memory_space<hbm>>
        tpu.wait_dma2 semaphore(%run_scoped3A : memref<!tpu.dma_semaphore, #tpu.memory_space<semaphore_mem>>) src(%dma_wait3A_13 : memref<80xi32, #tpu.memory_space<hbm>>) dst(%arg9 : memref<80xi32, #tpu.memory_space<vmem>>)
        tpu.yield
      }) : () -> ()
      "tpu.region"() ({
        %run_scoped3A = tpu.sem_alloc : memref<!tpu.dma_semaphore, #tpu.memory_space<semaphore_mem>>
        %dma_start3A = tpu.memref_slice %arg6[%add3A_11] : memref<320000xi32, #tpu.memory_space<hbm>> -> memref<80xi32, #tpu.memory_space<hbm>>
        %dma_start3A_12 = tpu.memref_slice %arg6[%add3A_11] : memref<320000xi32, #tpu.memory_space<hbm>> -> memref<80xi32, #tpu.memory_space<hbm>>
        tpu.enqueue_dma source(%dma_start3A_12 : memref<80xi32, #tpu.memory_space<hbm>>) target(%arg10 : memref<80xi32, #tpu.memory_space<vmem>>) target_semaphore(%run_scoped3A : memref<!tpu.dma_semaphore, #tpu.memory_space<semaphore_mem>>)
        %dma_wait3A = tpu.memref_slice %arg6[%add3A_11] : memref<320000xi32, #tpu.memory_space<hbm>> -> memref<80xi32, #tpu.memory_space<hbm>>
        %dma_wait3A_13 = tpu.memref_slice %arg6[%add3A_11] : memref<320000xi32, #tpu.memory_space<hbm>> -> memref<80xi32, #tpu.memory_space<hbm>>
        tpu.wait_dma2 semaphore(%run_scoped3A : memref<!tpu.dma_semaphore, #tpu.memory_space<semaphore_mem>>) src(%dma_wait3A_13 : memref<80xi32, #tpu.memory_space<hbm>>) dst(%arg10 : memref<80xi32, #tpu.memory_space<vmem>>)
        tpu.yield
      }) : () -> ()
      "tpu.region"() ({
        %run_scoped3A = tpu.sem_alloc : memref<!tpu.dma_semaphore, #tpu.memory_space<semaphore_mem>>
        %dma_start3A = arith.constant 0 : i32
        %dma_start3A_12 = arith.constant 0 : i32
        %dma_start3A_13 = tpu.memref_slice %arg2[%dma_start3A, %dma_start3A_12] : memref<10000x128xf32, #tpu.memory_space<hbm>> -> memref<10000x128xf32, #tpu.memory_space<hbm>>
        tpu.enqueue_indirect_dma source(%dma_start3A_13 : memref<10000x128xf32, #tpu.memory_space<hbm>>) target(%arg11 : memref<80x128xf32, #tpu.memory_space<vmem>>) offsets(%arg9 : memref<80xi32, #tpu.memory_space<vmem>>) semaphore(%run_scoped3A : memref<!tpu.dma_semaphore, #tpu.memory_space<semaphore_mem>>)
        %dma_wait3A = arith.constant 0 : i32
        %dma_wait3A_14 = arith.constant 0 : i32
        %dma_wait3A_15 = tpu.memref_slice %arg2[%dma_wait3A, %dma_wait3A_14] : memref<10000x128xf32, #tpu.memory_space<hbm>> -> memref<10000x128xf32, #tpu.memory_space<hbm>>
        tpu.wait_indirect_dma semaphore(%run_scoped3A : memref<!tpu.dma_semaphore, #tpu.memory_space<semaphore_mem>>) src(%dma_wait3A_15 : memref<10000x128xf32, #tpu.memory_space<hbm>>) dst(%arg11 : memref<80x128xf32, #tpu.memory_space<vmem>>)
        tpu.yield
      }) : () -> ()
      "tpu.region"() ({
        %run_scoped3A = tpu.sem_alloc : memref<!tpu.dma_semaphore, #tpu.memory_space<semaphore_mem>>
        %dma_start3A = arith.constant 0 : i32
        %dma_start3A_12 = arith.constant 0 : i32
        %dma_start3A_13 = tpu.memref_slice %arg3[%dma_start3A, %dma_start3A_12] : memref<10000x256xf32, #tpu.memory_space<hbm>> -> memref<10000x256xf32, #tpu.memory_space<hbm>>
        tpu.enqueue_indirect_dma source(%dma_start3A_13 : memref<10000x256xf32, #tpu.memory_space<hbm>>) target(%arg12 : memref<80x256xf32, #tpu.memory_space<vmem>>) offsets(%arg10 : memref<80xi32, #tpu.memory_space<vmem>>) semaphore(%run_scoped3A : memref<!tpu.dma_semaphore, #tpu.memory_space<semaphore_mem>>)
        %dma_wait3A = arith.constant 0 : i32
        %dma_wait3A_14 = arith.constant 0 : i32
        %dma_wait3A_15 = tpu.memref_slice %arg3[%dma_wait3A, %dma_wait3A_14] : memref<10000x256xf32, #tpu.memory_space<hbm>> -> memref<10000x256xf32, #tpu.memory_space<hbm>>
        tpu.wait_indirect_dma semaphore(%run_scoped3A : memref<!tpu.dma_semaphore, #tpu.memory_space<semaphore_mem>>) src(%dma_wait3A_15 : memref<10000x256xf32, #tpu.memory_space<hbm>>) dst(%arg12 : memref<80x256xf32, #tpu.memory_space<vmem>>)
        tpu.yield
      }) : () -> ()
      "tpu.region"() ({
        %run_scoped3A = tpu.sem_alloc : memref<!tpu.dma_semaphore, #tpu.memory_space<semaphore_mem>>
        %dma_start3A = arith.constant 0 : i32
        %dma_start3A_12 = tpu.memref_slice %arg7[%add3A_11, %dma_start3A] : memref<320000x128xf32, #tpu.memory_space<hbm>> -> memref<80x128xf32, #tpu.memory_space<hbm>>
        %dma_start3A_13 = arith.constant 0 : i32
        %dma_start3A_14 = tpu.memref_slice %arg7[%add3A_11, %dma_start3A_13] : memref<320000x128xf32, #tpu.memory_space<hbm>> -> memref<80x128xf32, #tpu.memory_space<hbm>>
        tpu.enqueue_dma source(%arg11 : memref<80x128xf32, #tpu.memory_space<vmem>>) target(%dma_start3A_14 : memref<80x128xf32, #tpu.memory_space<hbm>>) target_semaphore(%run_scoped3A : memref<!tpu.dma_semaphore, #tpu.memory_space<semaphore_mem>>)
        %dma_wait3A = arith.constant 0 : i32
        %dma_wait3A_15 = tpu.memref_slice %arg7[%add3A_11, %dma_wait3A] : memref<320000x128xf32, #tpu.memory_space<hbm>> -> memref<80x128xf32, #tpu.memory_space<hbm>>
        %dma_wait3A_16 = arith.constant 0 : i32
        %dma_wait3A_17 = tpu.memref_slice %arg7[%add3A_11, %dma_wait3A_16] : memref<320000x128xf32, #tpu.memory_space<hbm>> -> memref<80x128xf32, #tpu.memory_space<hbm>>
        tpu.wait_dma2 semaphore(%run_scoped3A : memref<!tpu.dma_semaphore, #tpu.memory_space<semaphore_mem>>) src(%arg11 : memref<80x128xf32, #tpu.memory_space<vmem>>) dst(%dma_wait3A_17 : memref<80x128xf32, #tpu.memory_space<hbm>>)
        tpu.yield
      }) : () -> ()
      "tpu.region"() ({
        %run_scoped3A = tpu.sem_alloc : memref<!tpu.dma_semaphore, #tpu.memory_space<semaphore_mem>>
        %dma_start3A = arith.constant 0 : i32
        %dma_start3A_12 = tpu.memref_slice %arg8[%add3A_11, %dma_start3A] : memref<320000x256xf32, #tpu.memory_space<hbm>> -> memref<80x256xf32, #tpu.memory_space<hbm>>
        %dma_start3A_13 = arith.constant 0 : i32
        %dma_start3A_14 = tpu.memref_slice %arg8[%add3A_11, %dma_start3A_13] : memref<320000x256xf32, #tpu.memory_space<hbm>> -> memref<80x256xf32, #tpu.memory_space<hbm>>
        tpu.enqueue_dma source(%arg12 : memref<80x256xf32, #tpu.memory_space<vmem>>) target(%dma_start3A_14 : memref<80x256xf32, #tpu.memory_space<hbm>>) target_semaphore(%run_scoped3A : memref<!tpu.dma_semaphore, #tpu.memory_space<semaphore_mem>>)
        %dma_wait3A = arith.constant 0 : i32
        %dma_wait3A_15 = tpu.memref_slice %arg8[%add3A_11, %dma_wait3A] : memref<320000x256xf32, #tpu.memory_space<hbm>> -> memref<80x256xf32, #tpu.memory_space<hbm>>
        %dma_wait3A_16 = arith.constant 0 : i32
        %dma_wait3A_17 = tpu.memref_slice %arg8[%add3A_11, %dma_wait3A_16] : memref<320000x256xf32, #tpu.memory_space<hbm>> -> memref<80x256xf32, #tpu.memory_space<hbm>>
        tpu.wait_dma2 semaphore(%run_scoped3A : memref<!tpu.dma_semaphore, #tpu.memory_space<semaphore_mem>>) src(%arg12 : memref<80x256xf32, #tpu.memory_space<vmem>>) dst(%dma_wait3A_17 : memref<80x256xf32, #tpu.memory_space<hbm>>)
        tpu.yield
      }) : () -> ()
    }
    %scan3A_7 = arith.constant 125 : i32
    return
  }
}

#map = affine_map<(d0, d1) -> (0, 0)>
#map1 = affine_map<(d0, d1) -> (0)>
module attributes {stable_mosaic.version = 14 : i64} {
  func.func @_gather_body(%arg0: i32, %arg1: i32, %arg2: memref<10000x128xf32, #tpu.memory_space<hbm>>, %arg3: memref<10000x256xf32, #tpu.memory_space<hbm>>, %arg4: memref<10000xf32, #tpu.memory_space<hbm>>, %arg5: memref<320000xi32, #tpu.memory_space<hbm>>, %arg6: memref<320000xi32, #tpu.memory_space<hbm>>, %arg7: memref<320000x128xf32, #tpu.memory_space<hbm>>, %arg8: memref<320000x256xf32, #tpu.memory_space<hbm>>, %arg9: memref<320000xf32, #tpu.memory_space<hbm>>, %arg10: memref<80xi32, #tpu.memory_space<vmem>>, %arg11: memref<80xi32, #tpu.memory_space<vmem>>, %arg12: memref<80x128xf32, #tpu.memory_space<vmem>>, %arg13: memref<80x256xf32, #tpu.memory_space<vmem>>, %arg14: memref<80xf32, #tpu.memory_space<vmem>>) attributes {dimension_semantics = [#tpu.dimension_semantics<core_parallel>, #tpu.dimension_semantics<subcore_parallel>], iteration_bounds = array<i64: 2, 16>, scalar_prefetch = 0 : i64, scratch_operands = 5 : i64, tpu.core_type = #tpu.core_type<sc_vector_subcore>, window_params = [{transform_indices = #map}, {transform_indices = #map}, {transform_indices = #map1}, {transform_indices = #map1}, {transform_indices = #map1}, {transform_indices = #map}, {transform_indices = #map}, {transform_indices = #map1}]} {
    %mul3A = arith.constant 2 : i32
    %mul3A_0 = arith.muli %arg1, %mul3A : i32
    %add3A = arith.addi %mul3A_0, %arg0 : i32
    %mul3A_1 = arith.constant 10000 : i32
    %mul3A_2 = arith.muli %add3A, %mul3A_1 : i32
    %scan3A = arith.constant 0 : i32
    %scan3A_3 = arith.constant 0 : i32
    %scan3A_4 = arith.constant 125 : i32
    %scan3A_5 = arith.addi %scan3A_3, %scan3A_4 : i32
    %scan3A_6 = arith.constant 1 : i32
    scf.for %scan3A_8 = %scan3A_3 to %scan3A_5 step %scan3A_6  : i32 {
      %mul3A_9 = arith.constant 80 : i32
      %mul3A_10 = arith.muli %scan3A_8, %mul3A_9 : i32
      %add3A_11 = arith.addi %mul3A_2, %mul3A_10 : i32
      "tpu.region"() ({
        %run_scoped3A = tpu.sem_alloc : memref<!tpu.dma_semaphore, #tpu.memory_space<semaphore_mem>>
        %dma_start3A = tpu.memref_slice %arg5[%add3A_11] : memref<320000xi32, #tpu.memory_space<hbm>> -> memref<80xi32, #tpu.memory_space<hbm>>
        %dma_start3A_12 = tpu.memref_slice %arg5[%add3A_11] : memref<320000xi32, #tpu.memory_space<hbm>> -> memref<80xi32, #tpu.memory_space<hbm>>
        tpu.enqueue_dma source(%dma_start3A_12 : memref<80xi32, #tpu.memory_space<hbm>>) target(%arg10 : memref<80xi32, #tpu.memory_space<vmem>>) target_semaphore(%run_scoped3A : memref<!tpu.dma_semaphore, #tpu.memory_space<semaphore_mem>>)
        %dma_wait3A = tpu.memref_slice %arg5[%add3A_11] : memref<320000xi32, #tpu.memory_space<hbm>> -> memref<80xi32, #tpu.memory_space<hbm>>
        %dma_wait3A_13 = tpu.memref_slice %arg5[%add3A_11] : memref<320000xi32, #tpu.memory_space<hbm>> -> memref<80xi32, #tpu.memory_space<hbm>>
        tpu.wait_dma2 semaphore(%run_scoped3A : memref<!tpu.dma_semaphore, #tpu.memory_space<semaphore_mem>>) src(%dma_wait3A_13 : memref<80xi32, #tpu.memory_space<hbm>>) dst(%arg10 : memref<80xi32, #tpu.memory_space<vmem>>)
        tpu.yield
      }) : () -> ()
      "tpu.region"() ({
        %run_scoped3A = tpu.sem_alloc : memref<!tpu.dma_semaphore, #tpu.memory_space<semaphore_mem>>
        %dma_start3A = tpu.memref_slice %arg6[%add3A_11] : memref<320000xi32, #tpu.memory_space<hbm>> -> memref<80xi32, #tpu.memory_space<hbm>>
        %dma_start3A_12 = tpu.memref_slice %arg6[%add3A_11] : memref<320000xi32, #tpu.memory_space<hbm>> -> memref<80xi32, #tpu.memory_space<hbm>>
        tpu.enqueue_dma source(%dma_start3A_12 : memref<80xi32, #tpu.memory_space<hbm>>) target(%arg11 : memref<80xi32, #tpu.memory_space<vmem>>) target_semaphore(%run_scoped3A : memref<!tpu.dma_semaphore, #tpu.memory_space<semaphore_mem>>)
        %dma_wait3A = tpu.memref_slice %arg6[%add3A_11] : memref<320000xi32, #tpu.memory_space<hbm>> -> memref<80xi32, #tpu.memory_space<hbm>>
        %dma_wait3A_13 = tpu.memref_slice %arg6[%add3A_11] : memref<320000xi32, #tpu.memory_space<hbm>> -> memref<80xi32, #tpu.memory_space<hbm>>
        tpu.wait_dma2 semaphore(%run_scoped3A : memref<!tpu.dma_semaphore, #tpu.memory_space<semaphore_mem>>) src(%dma_wait3A_13 : memref<80xi32, #tpu.memory_space<hbm>>) dst(%arg11 : memref<80xi32, #tpu.memory_space<vmem>>)
        tpu.yield
      }) : () -> ()
      "tpu.region"() ({
        %run_scoped3A = tpu.sem_alloc : memref<!tpu.dma_semaphore, #tpu.memory_space<semaphore_mem>>
        %dma_start3A = arith.constant 0 : i32
        %dma_start3A_12 = arith.constant 0 : i32
        %dma_start3A_13 = tpu.memref_slice %arg2[%dma_start3A, %dma_start3A_12] : memref<10000x128xf32, #tpu.memory_space<hbm>> -> memref<10000x128xf32, #tpu.memory_space<hbm>>
        tpu.enqueue_indirect_dma source(%dma_start3A_13 : memref<10000x128xf32, #tpu.memory_space<hbm>>) target(%arg12 : memref<80x128xf32, #tpu.memory_space<vmem>>) offsets(%arg10 : memref<80xi32, #tpu.memory_space<vmem>>) semaphore(%run_scoped3A : memref<!tpu.dma_semaphore, #tpu.memory_space<semaphore_mem>>)
        %dma_wait3A = arith.constant 0 : i32
        %dma_wait3A_14 = arith.constant 0 : i32
        %dma_wait3A_15 = tpu.memref_slice %arg2[%dma_wait3A, %dma_wait3A_14] : memref<10000x128xf32, #tpu.memory_space<hbm>> -> memref<10000x128xf32, #tpu.memory_space<hbm>>
        tpu.wait_indirect_dma semaphore(%run_scoped3A : memref<!tpu.dma_semaphore, #tpu.memory_space<semaphore_mem>>) src(%dma_wait3A_15 : memref<10000x128xf32, #tpu.memory_space<hbm>>) dst(%arg12 : memref<80x128xf32, #tpu.memory_space<vmem>>)
        tpu.yield
      }) : () -> ()
      "tpu.region"() ({
        %run_scoped3A = tpu.sem_alloc : memref<!tpu.dma_semaphore, #tpu.memory_space<semaphore_mem>>
        %dma_start3A = arith.constant 0 : i32
        %dma_start3A_12 = arith.constant 0 : i32
        %dma_start3A_13 = tpu.memref_slice %arg3[%dma_start3A, %dma_start3A_12] : memref<10000x256xf32, #tpu.memory_space<hbm>> -> memref<10000x256xf32, #tpu.memory_space<hbm>>
        tpu.enqueue_indirect_dma source(%dma_start3A_13 : memref<10000x256xf32, #tpu.memory_space<hbm>>) target(%arg13 : memref<80x256xf32, #tpu.memory_space<vmem>>) offsets(%arg11 : memref<80xi32, #tpu.memory_space<vmem>>) semaphore(%run_scoped3A : memref<!tpu.dma_semaphore, #tpu.memory_space<semaphore_mem>>)
        %dma_wait3A = arith.constant 0 : i32
        %dma_wait3A_14 = arith.constant 0 : i32
        %dma_wait3A_15 = tpu.memref_slice %arg3[%dma_wait3A, %dma_wait3A_14] : memref<10000x256xf32, #tpu.memory_space<hbm>> -> memref<10000x256xf32, #tpu.memory_space<hbm>>
        tpu.wait_indirect_dma semaphore(%run_scoped3A : memref<!tpu.dma_semaphore, #tpu.memory_space<semaphore_mem>>) src(%dma_wait3A_15 : memref<10000x256xf32, #tpu.memory_space<hbm>>) dst(%arg13 : memref<80x256xf32, #tpu.memory_space<vmem>>)
        tpu.yield
      }) : () -> ()
      "tpu.region"() ({
        %run_scoped3A = tpu.sem_alloc : memref<!tpu.dma_semaphore, #tpu.memory_space<semaphore_mem>>
        %dma_start3A = arith.constant 0 : i32
        %dma_start3A_12 = tpu.memref_slice %arg7[%add3A_11, %dma_start3A] : memref<320000x128xf32, #tpu.memory_space<hbm>> -> memref<80x128xf32, #tpu.memory_space<hbm>>
        %dma_start3A_13 = arith.constant 0 : i32
        %dma_start3A_14 = tpu.memref_slice %arg7[%add3A_11, %dma_start3A_13] : memref<320000x128xf32, #tpu.memory_space<hbm>> -> memref<80x128xf32, #tpu.memory_space<hbm>>
        tpu.enqueue_dma source(%arg12 : memref<80x128xf32, #tpu.memory_space<vmem>>) target(%dma_start3A_14 : memref<80x128xf32, #tpu.memory_space<hbm>>) target_semaphore(%run_scoped3A : memref<!tpu.dma_semaphore, #tpu.memory_space<semaphore_mem>>)
        %dma_wait3A = arith.constant 0 : i32
        %dma_wait3A_15 = tpu.memref_slice %arg7[%add3A_11, %dma_wait3A] : memref<320000x128xf32, #tpu.memory_space<hbm>> -> memref<80x128xf32, #tpu.memory_space<hbm>>
        %dma_wait3A_16 = arith.constant 0 : i32
        %dma_wait3A_17 = tpu.memref_slice %arg7[%add3A_11, %dma_wait3A_16] : memref<320000x128xf32, #tpu.memory_space<hbm>> -> memref<80x128xf32, #tpu.memory_space<hbm>>
        tpu.wait_dma2 semaphore(%run_scoped3A : memref<!tpu.dma_semaphore, #tpu.memory_space<semaphore_mem>>) src(%arg12 : memref<80x128xf32, #tpu.memory_space<vmem>>) dst(%dma_wait3A_17 : memref<80x128xf32, #tpu.memory_space<hbm>>)
        tpu.yield
      }) : () -> ()
      "tpu.region"() ({
        %run_scoped3A = tpu.sem_alloc : memref<!tpu.dma_semaphore, #tpu.memory_space<semaphore_mem>>
        %dma_start3A = arith.constant 0 : i32
        %dma_start3A_12 = tpu.memref_slice %arg8[%add3A_11, %dma_start3A] : memref<320000x256xf32, #tpu.memory_space<hbm>> -> memref<80x256xf32, #tpu.memory_space<hbm>>
        %dma_start3A_13 = arith.constant 0 : i32
        %dma_start3A_14 = tpu.memref_slice %arg8[%add3A_11, %dma_start3A_13] : memref<320000x256xf32, #tpu.memory_space<hbm>> -> memref<80x256xf32, #tpu.memory_space<hbm>>
        tpu.enqueue_dma source(%arg13 : memref<80x256xf32, #tpu.memory_space<vmem>>) target(%dma_start3A_14 : memref<80x256xf32, #tpu.memory_space<hbm>>) target_semaphore(%run_scoped3A : memref<!tpu.dma_semaphore, #tpu.memory_space<semaphore_mem>>)
        %dma_wait3A = arith.constant 0 : i32
        %dma_wait3A_15 = tpu.memref_slice %arg8[%add3A_11, %dma_wait3A] : memref<320000x256xf32, #tpu.memory_space<hbm>> -> memref<80x256xf32, #tpu.memory_space<hbm>>
        %dma_wait3A_16 = arith.constant 0 : i32
        %dma_wait3A_17 = tpu.memref_slice %arg8[%add3A_11, %dma_wait3A_16] : memref<320000x256xf32, #tpu.memory_space<hbm>> -> memref<80x256xf32, #tpu.memory_space<hbm>>
        tpu.wait_dma2 semaphore(%run_scoped3A : memref<!tpu.dma_semaphore, #tpu.memory_space<semaphore_mem>>) src(%arg13 : memref<80x256xf32, #tpu.memory_space<vmem>>) dst(%dma_wait3A_17 : memref<80x256xf32, #tpu.memory_space<hbm>>)
        tpu.yield
      }) : () -> ()
      "tpu.region"() ({
        %run_scoped3A = tpu.sem_alloc : memref<!tpu.dma_semaphore, #tpu.memory_space<semaphore_mem>>
        %dma_start3A = arith.constant 0 : i32
        %dma_start3A_12 = tpu.memref_slice %arg4[%dma_start3A] : memref<10000xf32, #tpu.memory_space<hbm>> -> memref<10000xf32, #tpu.memory_space<hbm>>
        tpu.enqueue_indirect_dma source(%dma_start3A_12 : memref<10000xf32, #tpu.memory_space<hbm>>) target(%arg14 : memref<80xf32, #tpu.memory_space<vmem>>) offsets(%arg11 : memref<80xi32, #tpu.memory_space<vmem>>) semaphore(%run_scoped3A : memref<!tpu.dma_semaphore, #tpu.memory_space<semaphore_mem>>)
        %dma_wait3A = arith.constant 0 : i32
        %dma_wait3A_13 = tpu.memref_slice %arg4[%dma_wait3A] : memref<10000xf32, #tpu.memory_space<hbm>> -> memref<10000xf32, #tpu.memory_space<hbm>>
        tpu.wait_indirect_dma semaphore(%run_scoped3A : memref<!tpu.dma_semaphore, #tpu.memory_space<semaphore_mem>>) src(%dma_wait3A_13 : memref<10000xf32, #tpu.memory_space<hbm>>) dst(%arg14 : memref<80xf32, #tpu.memory_space<vmem>>)
        tpu.yield
      }) : () -> ()
      "tpu.region"() ({
        %run_scoped3A = tpu.sem_alloc : memref<!tpu.dma_semaphore, #tpu.memory_space<semaphore_mem>>
        %dma_start3A = tpu.memref_slice %arg9[%add3A_11] : memref<320000xf32, #tpu.memory_space<hbm>> -> memref<80xf32, #tpu.memory_space<hbm>>
        %dma_start3A_12 = tpu.memref_slice %arg9[%add3A_11] : memref<320000xf32, #tpu.memory_space<hbm>> -> memref<80xf32, #tpu.memory_space<hbm>>
        tpu.enqueue_dma source(%arg14 : memref<80xf32, #tpu.memory_space<vmem>>) target(%dma_start3A_12 : memref<80xf32, #tpu.memory_space<hbm>>) target_semaphore(%run_scoped3A : memref<!tpu.dma_semaphore, #tpu.memory_space<semaphore_mem>>)
        %dma_wait3A = tpu.memref_slice %arg9[%add3A_11] : memref<320000xf32, #tpu.memory_space<hbm>> -> memref<80xf32, #tpu.memory_space<hbm>>
        %dma_wait3A_13 = tpu.memref_slice %arg9[%add3A_11] : memref<320000xf32, #tpu.memory_space<hbm>> -> memref<80xf32, #tpu.memory_space<hbm>>
        tpu.wait_dma2 semaphore(%run_scoped3A : memref<!tpu.dma_semaphore, #tpu.memory_space<semaphore_mem>>) src(%arg14 : memref<80xf32, #tpu.memory_space<vmem>>) dst(%dma_wait3A_13 : memref<80xf32, #tpu.memory_space<hbm>>)
        tpu.yield
      }) : () -> ()
    }
    %scan3A_7 = arith.constant 125 : i32
    return
  }
}

#map = affine_map<(d0, d1) -> (0, 0)>
#map1 = affine_map<(d0, d1) -> (0)>
module attributes {stable_mosaic.version = 14 : i64} {
  func.func @_scatter_body(%arg0: i32, %arg1: i32, %arg2: memref<320000x128xf32, #tpu.memory_space<hbm>>, %arg3: memref<320000xi32, #tpu.memory_space<hbm>>, %arg4: memref<80x128xf32, #tpu.memory_space<hbm>>, %arg5: memref<25600x128xf32, #tpu.memory_space<hbm>>, %arg6: memref<12800x128xf32, #tpu.memory_space<vmem_shared>>, %arg7: memref<80x128xf32, #tpu.memory_space<vmem>>, %arg8: memref<80xi32, #tpu.memory_space<vmem>>) attributes {dimension_semantics = [#tpu.dimension_semantics<core_parallel>, #tpu.dimension_semantics<subcore_parallel>], iteration_bounds = array<i64: 2, 16>, scalar_prefetch = 0 : i64, scratch_operands = 3 : i64, tpu.core_type = #tpu.core_type<sc_vector_subcore>, window_params = [{transform_indices = #map}, {transform_indices = #map1}, {transform_indices = #map}, {transform_indices = #map}]} {
    "tpu.region"() ({
      %run_scoped3A = tpu.sem_alloc : memref<!tpu.dma_semaphore, #tpu.memory_space<semaphore_mem>>
      tpu.enqueue_dma source(%arg4 : memref<80x128xf32, #tpu.memory_space<hbm>>) target(%arg7 : memref<80x128xf32, #tpu.memory_space<vmem>>) target_semaphore(%run_scoped3A : memref<!tpu.dma_semaphore, #tpu.memory_space<semaphore_mem>>)
      tpu.wait_dma2 semaphore(%run_scoped3A : memref<!tpu.dma_semaphore, #tpu.memory_space<semaphore_mem>>) src(%arg4 : memref<80x128xf32, #tpu.memory_space<hbm>>) dst(%arg7 : memref<80x128xf32, #tpu.memory_space<vmem>>)
      tpu.yield
    }) : () -> ()
    %scan3A = arith.constant 0 : i32
    %scan3A_0 = arith.constant 0 : i32
    %scan3A_1 = arith.constant 10 : i32
    %scan3A_2 = arith.addi %scan3A_0, %scan3A_1 : i32
    %scan3A_3 = arith.constant 1 : i32
    scf.for %scan3A_26 = %scan3A_0 to %scan3A_2 step %scan3A_3  : i32 {
      %mul3A_27 = arith.constant 800 : i32
      %mul3A_28 = arith.muli %arg1, %mul3A_27 : i32
      %mul3A_29 = arith.constant 80 : i32
      %mul3A_30 = arith.muli %scan3A_26, %mul3A_29 : i32
      %add3A_31 = arith.addi %mul3A_28, %mul3A_30 : i32
      "tpu.region"() ({
        %run_scoped3A = tpu.sem_alloc : memref<!tpu.dma_semaphore, #tpu.memory_space<semaphore_mem>>
        %dma_start3A = arith.constant 0 : i32
        %dma_start3A_32 = tpu.memref_slice %arg6[%add3A_31, %dma_start3A] : memref<12800x128xf32, #tpu.memory_space<vmem_shared>> -> memref<80x128xf32, #tpu.memory_space<vmem_shared>>
        %dma_start3A_33 = arith.constant 0 : i32
        %dma_start3A_34 = tpu.memref_slice %arg6[%add3A_31, %dma_start3A_33] : memref<12800x128xf32, #tpu.memory_space<vmem_shared>> -> memref<80x128xf32, #tpu.memory_space<vmem_shared>>
        tpu.enqueue_dma source(%arg7 : memref<80x128xf32, #tpu.memory_space<vmem>>) target(%dma_start3A_34 : memref<80x128xf32, #tpu.memory_space<vmem_shared>>) target_semaphore(%run_scoped3A : memref<!tpu.dma_semaphore, #tpu.memory_space<semaphore_mem>>)
        %dma_wait3A = arith.constant 0 : i32
        %dma_wait3A_35 = tpu.memref_slice %arg6[%add3A_31, %dma_wait3A] : memref<12800x128xf32, #tpu.memory_space<vmem_shared>> -> memref<80x128xf32, #tpu.memory_space<vmem_shared>>
        %dma_wait3A_36 = arith.constant 0 : i32
        %dma_wait3A_37 = tpu.memref_slice %arg6[%add3A_31, %dma_wait3A_36] : memref<12800x128xf32, #tpu.memory_space<vmem_shared>> -> memref<80x128xf32, #tpu.memory_space<vmem_shared>>
        tpu.wait_dma2 semaphore(%run_scoped3A : memref<!tpu.dma_semaphore, #tpu.memory_space<semaphore_mem>>) src(%arg7 : memref<80x128xf32, #tpu.memory_space<vmem>>) dst(%dma_wait3A_37 : memref<80x128xf32, #tpu.memory_space<vmem_shared>>)
        tpu.yield
      }) : () -> ()
    }
    %scan3A_4 = arith.constant 10 : i32
    %barrier3A = arith.constant 0 : index
    tpu.barrier barrier_id(%barrier3A)
    %mul3A = arith.constant 160000 : i32
    %mul3A_5 = arith.muli %arg0, %mul3A : i32
    %mul3A_6 = arith.constant 10000 : i32
    %mul3A_7 = arith.muli %arg1, %mul3A_6 : i32
    %add3A = arith.addi %mul3A_5, %mul3A_7 : i32
    %scan3A_8 = arith.constant 0 : i32
    %scan3A_9 = arith.constant 0 : i32
    %scan3A_10 = arith.constant 125 : i32
    %scan3A_11 = arith.addi %scan3A_9, %scan3A_10 : i32
    %scan3A_12 = arith.constant 1 : i32
    scf.for %scan3A_26 = %scan3A_9 to %scan3A_11 step %scan3A_12  : i32 {
      %mul3A_27 = arith.constant 80 : i32
      %mul3A_28 = arith.muli %scan3A_26, %mul3A_27 : i32
      %add3A_29 = arith.addi %add3A, %mul3A_28 : i32
      "tpu.region"() ({
        %run_scoped3A = tpu.sem_alloc : memref<!tpu.dma_semaphore, #tpu.memory_space<semaphore_mem>>
        %dma_start3A = tpu.memref_slice %arg3[%add3A_29] : memref<320000xi32, #tpu.memory_space<hbm>> -> memref<80xi32, #tpu.memory_space<hbm>>
        %dma_start3A_30 = tpu.memref_slice %arg3[%add3A_29] : memref<320000xi32, #tpu.memory_space<hbm>> -> memref<80xi32, #tpu.memory_space<hbm>>
        tpu.enqueue_dma source(%dma_start3A_30 : memref<80xi32, #tpu.memory_space<hbm>>) target(%arg8 : memref<80xi32, #tpu.memory_space<vmem>>) target_semaphore(%run_scoped3A : memref<!tpu.dma_semaphore, #tpu.memory_space<semaphore_mem>>)
        %dma_wait3A = tpu.memref_slice %arg3[%add3A_29] : memref<320000xi32, #tpu.memory_space<hbm>> -> memref<80xi32, #tpu.memory_space<hbm>>
        %dma_wait3A_31 = tpu.memref_slice %arg3[%add3A_29] : memref<320000xi32, #tpu.memory_space<hbm>> -> memref<80xi32, #tpu.memory_space<hbm>>
        tpu.wait_dma2 semaphore(%run_scoped3A : memref<!tpu.dma_semaphore, #tpu.memory_space<semaphore_mem>>) src(%dma_wait3A_31 : memref<80xi32, #tpu.memory_space<hbm>>) dst(%arg8 : memref<80xi32, #tpu.memory_space<vmem>>)
        tpu.yield
      }) : () -> ()
      "tpu.region"() ({
        %run_scoped3A = tpu.sem_alloc : memref<!tpu.dma_semaphore, #tpu.memory_space<semaphore_mem>>
        %dma_start3A = arith.constant 0 : i32
        %dma_start3A_30 = tpu.memref_slice %arg2[%add3A_29, %dma_start3A] : memref<320000x128xf32, #tpu.memory_space<hbm>> -> memref<80x128xf32, #tpu.memory_space<hbm>>
        %dma_start3A_31 = arith.constant 0 : i32
        %dma_start3A_32 = tpu.memref_slice %arg2[%add3A_29, %dma_start3A_31] : memref<320000x128xf32, #tpu.memory_space<hbm>> -> memref<80x128xf32, #tpu.memory_space<hbm>>
        tpu.enqueue_dma source(%dma_start3A_32 : memref<80x128xf32, #tpu.memory_space<hbm>>) target(%arg7 : memref<80x128xf32, #tpu.memory_space<vmem>>) target_semaphore(%run_scoped3A : memref<!tpu.dma_semaphore, #tpu.memory_space<semaphore_mem>>)
        %dma_wait3A = arith.constant 0 : i32
        %dma_wait3A_33 = tpu.memref_slice %arg2[%add3A_29, %dma_wait3A] : memref<320000x128xf32, #tpu.memory_space<hbm>> -> memref<80x128xf32, #tpu.memory_space<hbm>>
        %dma_wait3A_34 = arith.constant 0 : i32
        %dma_wait3A_35 = tpu.memref_slice %arg2[%add3A_29, %dma_wait3A_34] : memref<320000x128xf32, #tpu.memory_space<hbm>> -> memref<80x128xf32, #tpu.memory_space<hbm>>
        tpu.wait_dma2 semaphore(%run_scoped3A : memref<!tpu.dma_semaphore, #tpu.memory_space<semaphore_mem>>) src(%dma_wait3A_35 : memref<80x128xf32, #tpu.memory_space<hbm>>) dst(%arg7 : memref<80x128xf32, #tpu.memory_space<vmem>>)
        tpu.yield
      }) : () -> ()
      "tpu.region"() ({
        %run_scoped3A = tpu.sem_alloc : memref<!tpu.dma_semaphore, #tpu.memory_space<semaphore_mem>>
        %dma_start3A = arith.constant 0 : i32
        %dma_start3A_30 = arith.constant 0 : i32
        %dma_start3A_31 = tpu.memref_slice %arg6[%dma_start3A, %dma_start3A_30] : memref<12800x128xf32, #tpu.memory_space<vmem_shared>> -> memref<12800x128xf32, #tpu.memory_space<vmem_shared>>
        tpu.enqueue_indirect_dma source(%arg7 : memref<80x128xf32, #tpu.memory_space<vmem>>) target(%dma_start3A_31 : memref<12800x128xf32, #tpu.memory_space<vmem_shared>>) offsets(%arg8 : memref<80xi32, #tpu.memory_space<vmem>>) semaphore(%run_scoped3A : memref<!tpu.dma_semaphore, #tpu.memory_space<semaphore_mem>>) {add = true}
        %dma_wait3A = arith.constant 0 : i32
        %dma_wait3A_32 = arith.constant 0 : i32
        %dma_wait3A_33 = tpu.memref_slice %arg6[%dma_wait3A, %dma_wait3A_32] : memref<12800x128xf32, #tpu.memory_space<vmem_shared>> -> memref<12800x128xf32, #tpu.memory_space<vmem_shared>>
        tpu.wait_indirect_dma semaphore(%run_scoped3A : memref<!tpu.dma_semaphore, #tpu.memory_space<semaphore_mem>>) src(%arg7 : memref<80x128xf32, #tpu.memory_space<vmem>>) dst(%dma_wait3A_33 : memref<12800x128xf32, #tpu.memory_space<vmem_shared>>)
        tpu.yield
      }) : () -> ()
    }
    %scan3A_13 = arith.constant 125 : i32
    %barrier3A_14 = arith.constant 0 : index
    tpu.barrier barrier_id(%barrier3A_14)
    %mul3A_15 = arith.constant 12800 : i32
    %mul3A_16 = arith.muli %arg0, %mul3A_15 : i32
    %mul3A_17 = arith.constant 800 : i32
    %mul3A_18 = arith.muli %arg1, %mul3A_17 : i32
    %add3A_19 = arith.addi %mul3A_16, %mul3A_18 : i32
    %scan3A_20 = arith.constant 0 : i32
    %scan3A_21 = arith.constant 0 : i32
    %scan3A_22 = arith.constant 10 : i32
    %scan3A_23 = arith.addi %scan3A_21, %scan3A_22 : i32
    %scan3A_24 = arith.constant 1 : i32
    scf.for %scan3A_26 = %scan3A_21 to %scan3A_23 step %scan3A_24  : i32 {
      %mul3A_27 = arith.constant 800 : i32
      %mul3A_28 = arith.muli %arg1, %mul3A_27 : i32
      %mul3A_29 = arith.constant 80 : i32
      %mul3A_30 = arith.muli %scan3A_26, %mul3A_29 : i32
      %add3A_31 = arith.addi %mul3A_28, %mul3A_30 : i32
      "tpu.region"() ({
        %run_scoped3A = tpu.sem_alloc : memref<!tpu.dma_semaphore, #tpu.memory_space<semaphore_mem>>
        %dma_start3A = arith.constant 0 : i32
        %dma_start3A_35 = tpu.memref_slice %arg6[%add3A_31, %dma_start3A] : memref<12800x128xf32, #tpu.memory_space<vmem_shared>> -> memref<80x128xf32, #tpu.memory_space<vmem_shared>>
        %dma_start3A_36 = arith.constant 0 : i32
        %dma_start3A_37 = tpu.memref_slice %arg6[%add3A_31, %dma_start3A_36] : memref<12800x128xf32, #tpu.memory_space<vmem_shared>> -> memref<80x128xf32, #tpu.memory_space<vmem_shared>>
        tpu.enqueue_dma source(%dma_start3A_37 : memref<80x128xf32, #tpu.memory_space<vmem_shared>>) target(%arg7 : memref<80x128xf32, #tpu.memory_space<vmem>>) target_semaphore(%run_scoped3A : memref<!tpu.dma_semaphore, #tpu.memory_space<semaphore_mem>>)
        %dma_wait3A = arith.constant 0 : i32
        %dma_wait3A_38 = tpu.memref_slice %arg6[%add3A_31, %dma_wait3A] : memref<12800x128xf32, #tpu.memory_space<vmem_shared>> -> memref<80x128xf32, #tpu.memory_space<vmem_shared>>
        %dma_wait3A_39 = arith.constant 0 : i32
        %dma_wait3A_40 = tpu.memref_slice %arg6[%add3A_31, %dma_wait3A_39] : memref<12800x128xf32, #tpu.memory_space<vmem_shared>> -> memref<80x128xf32, #tpu.memory_space<vmem_shared>>
        tpu.wait_dma2 semaphore(%run_scoped3A : memref<!tpu.dma_semaphore, #tpu.memory_space<semaphore_mem>>) src(%dma_wait3A_40 : memref<80x128xf32, #tpu.memory_space<vmem_shared>>) dst(%arg7 : memref<80x128xf32, #tpu.memory_space<vmem>>)
        tpu.yield
      }) : () -> ()
      %mul3A_32 = arith.constant 80 : i32
      %mul3A_33 = arith.muli %scan3A_26, %mul3A_32 : i32
      %add3A_34 = arith.addi %add3A_19, %mul3A_33 : i32
      "tpu.region"() ({
        %run_scoped3A = tpu.sem_alloc : memref<!tpu.dma_semaphore, #tpu.memory_space<semaphore_mem>>
        %dma_start3A = arith.constant 0 : i32
        %dma_start3A_35 = tpu.memref_slice %arg5[%add3A_34, %dma_start3A] : memref<25600x128xf32, #tpu.memory_space<hbm>> -> memref<80x128xf32, #tpu.memory_space<hbm>>
        %dma_start3A_36 = arith.constant 0 : i32
        %dma_start3A_37 = tpu.memref_slice %arg5[%add3A_34, %dma_start3A_36] : memref<25600x128xf32, #tpu.memory_space<hbm>> -> memref<80x128xf32, #tpu.memory_space<hbm>>
        tpu.enqueue_dma source(%arg7 : memref<80x128xf32, #tpu.memory_space<vmem>>) target(%dma_start3A_37 : memref<80x128xf32, #tpu.memory_space<hbm>>) target_semaphore(%run_scoped3A : memref<!tpu.dma_semaphore, #tpu.memory_space<semaphore_mem>>)
        %dma_wait3A = arith.constant 0 : i32
        %dma_wait3A_38 = tpu.memref_slice %arg5[%add3A_34, %dma_wait3A] : memref<25600x128xf32, #tpu.memory_space<hbm>> -> memref<80x128xf32, #tpu.memory_space<hbm>>
        %dma_wait3A_39 = arith.constant 0 : i32
        %dma_wait3A_40 = tpu.memref_slice %arg5[%add3A_34, %dma_wait3A_39] : memref<25600x128xf32, #tpu.memory_space<hbm>> -> memref<80x128xf32, #tpu.memory_space<hbm>>
        tpu.wait_dma2 semaphore(%run_scoped3A : memref<!tpu.dma_semaphore, #tpu.memory_space<semaphore_mem>>) src(%arg7 : memref<80x128xf32, #tpu.memory_space<vmem>>) dst(%dma_wait3A_40 : memref<80x128xf32, #tpu.memory_space<hbm>>)
        tpu.yield
      }) : () -> ()
    }
    %scan3A_25 = arith.constant 10 : i32
    return
  }
}

#map = affine_map<(d0, d1) -> (0, 0)>
#map1 = affine_map<(d0, d1) -> (0)>
module attributes {stable_mosaic.version = 14 : i64} {
  func.func @_scatter_body(%arg0: i32, %arg1: i32, %arg2: memref<320000x128xf32, #tpu.memory_space<hbm>>, %arg3: memref<320000xi32, #tpu.memory_space<hbm>>, %arg4: memref<80x128xf32, #tpu.memory_space<hbm>>, %arg5: memref<25600x128xf32, #tpu.memory_space<hbm>>, %arg6: memref<12800x128xf32, #tpu.memory_space<vmem_shared>>, %arg7: memref<80x128xf32, #tpu.memory_space<vmem>>, %arg8: memref<80xi32, #tpu.memory_space<vmem>>) attributes {dimension_semantics = [#tpu.dimension_semantics<core_parallel>, #tpu.dimension_semantics<subcore_parallel>], iteration_bounds = array<i64: 2, 16>, scalar_prefetch = 0 : i64, scratch_operands = 3 : i64, tpu.core_type = #tpu.core_type<sc_vector_subcore>, window_params = [{transform_indices = #map}, {transform_indices = #map1}, {transform_indices = #map}, {transform_indices = #map}]} {
    "tpu.region"() ({
      %run_scoped3A = tpu.sem_alloc : memref<!tpu.dma_semaphore, #tpu.memory_space<semaphore_mem>>
      tpu.enqueue_dma source(%arg4 : memref<80x128xf32, #tpu.memory_space<hbm>>) target(%arg7 : memref<80x128xf32, #tpu.memory_space<vmem>>) target_semaphore(%run_scoped3A : memref<!tpu.dma_semaphore, #tpu.memory_space<semaphore_mem>>)
      tpu.wait_dma2 semaphore(%run_scoped3A : memref<!tpu.dma_semaphore, #tpu.memory_space<semaphore_mem>>) src(%arg4 : memref<80x128xf32, #tpu.memory_space<hbm>>) dst(%arg7 : memref<80x128xf32, #tpu.memory_space<vmem>>)
      tpu.yield
    }) : () -> ()
    %scan3A = arith.constant 0 : i32
    %scan3A_0 = arith.constant 0 : i32
    %scan3A_1 = arith.constant 10 : i32
    %scan3A_2 = arith.addi %scan3A_0, %scan3A_1 : i32
    %scan3A_3 = arith.constant 1 : i32
    scf.for %scan3A_26 = %scan3A_0 to %scan3A_2 step %scan3A_3  : i32 {
      %mul3A_27 = arith.constant 800 : i32
      %mul3A_28 = arith.muli %arg1, %mul3A_27 : i32
      %mul3A_29 = arith.constant 80 : i32
      %mul3A_30 = arith.muli %scan3A_26, %mul3A_29 : i32
      %add3A_31 = arith.addi %mul3A_28, %mul3A_30 : i32
      "tpu.region"() ({
        %run_scoped3A = tpu.sem_alloc : memref<!tpu.dma_semaphore, #tpu.memory_space<semaphore_mem>>
        %dma_start3A = arith.constant 0 : i32
        %dma_start3A_32 = tpu.memref_slice %arg6[%add3A_31, %dma_start3A] : memref<12800x128xf32, #tpu.memory_space<vmem_shared>> -> memref<80x128xf32, #tpu.memory_space<vmem_shared>>
        %dma_start3A_33 = arith.constant 0 : i32
        %dma_start3A_34 = tpu.memref_slice %arg6[%add3A_31, %dma_start3A_33] : memref<12800x128xf32, #tpu.memory_space<vmem_shared>> -> memref<80x128xf32, #tpu.memory_space<vmem_shared>>
        tpu.enqueue_dma source(%arg7 : memref<80x128xf32, #tpu.memory_space<vmem>>) target(%dma_start3A_34 : memref<80x128xf32, #tpu.memory_space<vmem_shared>>) target_semaphore(%run_scoped3A : memref<!tpu.dma_semaphore, #tpu.memory_space<semaphore_mem>>)
        %dma_wait3A = arith.constant 0 : i32
        %dma_wait3A_35 = tpu.memref_slice %arg6[%add3A_31, %dma_wait3A] : memref<12800x128xf32, #tpu.memory_space<vmem_shared>> -> memref<80x128xf32, #tpu.memory_space<vmem_shared>>
        %dma_wait3A_36 = arith.constant 0 : i32
        %dma_wait3A_37 = tpu.memref_slice %arg6[%add3A_31, %dma_wait3A_36] : memref<12800x128xf32, #tpu.memory_space<vmem_shared>> -> memref<80x128xf32, #tpu.memory_space<vmem_shared>>
        tpu.wait_dma2 semaphore(%run_scoped3A : memref<!tpu.dma_semaphore, #tpu.memory_space<semaphore_mem>>) src(%arg7 : memref<80x128xf32, #tpu.memory_space<vmem>>) dst(%dma_wait3A_37 : memref<80x128xf32, #tpu.memory_space<vmem_shared>>)
        tpu.yield
      }) : () -> ()
    }
    %scan3A_4 = arith.constant 10 : i32
    %barrier3A = arith.constant 0 : index
    tpu.barrier barrier_id(%barrier3A)
    %mul3A = arith.constant 160000 : i32
    %mul3A_5 = arith.muli %arg0, %mul3A : i32
    %mul3A_6 = arith.constant 10000 : i32
    %mul3A_7 = arith.muli %arg1, %mul3A_6 : i32
    %add3A = arith.addi %mul3A_5, %mul3A_7 : i32
    %scan3A_8 = arith.constant 0 : i32
    %scan3A_9 = arith.constant 0 : i32
    %scan3A_10 = arith.constant 125 : i32
    %scan3A_11 = arith.addi %scan3A_9, %scan3A_10 : i32
    %scan3A_12 = arith.constant 1 : i32
    scf.for %scan3A_26 = %scan3A_9 to %scan3A_11 step %scan3A_12  : i32 {
      %mul3A_27 = arith.constant 80 : i32
      %mul3A_28 = arith.muli %scan3A_26, %mul3A_27 : i32
      %add3A_29 = arith.addi %add3A, %mul3A_28 : i32
      "tpu.region"() ({
        %run_scoped3A = tpu.sem_alloc : memref<!tpu.dma_semaphore, #tpu.memory_space<semaphore_mem>>
        %dma_start3A = tpu.memref_slice %arg3[%add3A_29] : memref<320000xi32, #tpu.memory_space<hbm>> -> memref<80xi32, #tpu.memory_space<hbm>>
        %dma_start3A_30 = tpu.memref_slice %arg3[%add3A_29] : memref<320000xi32, #tpu.memory_space<hbm>> -> memref<80xi32, #tpu.memory_space<hbm>>
        tpu.enqueue_dma source(%dma_start3A_30 : memref<80xi32, #tpu.memory_space<hbm>>) target(%arg8 : memref<80xi32, #tpu.memory_space<vmem>>) target_semaphore(%run_scoped3A : memref<!tpu.dma_semaphore, #tpu.memory_space<semaphore_mem>>)
        %dma_wait3A = tpu.memref_slice %arg3[%add3A_29] : memref<320000xi32, #tpu.memory_space<hbm>> -> memref<80xi32, #tpu.memory_space<hbm>>
        %dma_wait3A_31 = tpu.memref_slice %arg3[%add3A_29] : memref<320000xi32, #tpu.memory_space<hbm>> -> memref<80xi32, #tpu.memory_space<hbm>>
        tpu.wait_dma2 semaphore(%run_scoped3A : memref<!tpu.dma_semaphore, #tpu.memory_space<semaphore_mem>>) src(%dma_wait3A_31 : memref<80xi32, #tpu.memory_space<hbm>>) dst(%arg8 : memref<80xi32, #tpu.memory_space<vmem>>)
        tpu.yield
      }) : () -> ()
      "tpu.region"() ({
        %run_scoped3A = tpu.sem_alloc : memref<!tpu.dma_semaphore, #tpu.memory_space<semaphore_mem>>
        %dma_start3A = arith.constant 0 : i32
        %dma_start3A_30 = tpu.memref_slice %arg2[%add3A_29, %dma_start3A] : memref<320000x128xf32, #tpu.memory_space<hbm>> -> memref<80x128xf32, #tpu.memory_space<hbm>>
        %dma_start3A_31 = arith.constant 0 : i32
        %dma_start3A_32 = tpu.memref_slice %arg2[%add3A_29, %dma_start3A_31] : memref<320000x128xf32, #tpu.memory_space<hbm>> -> memref<80x128xf32, #tpu.memory_space<hbm>>
        tpu.enqueue_dma source(%dma_start3A_32 : memref<80x128xf32, #tpu.memory_space<hbm>>) target(%arg7 : memref<80x128xf32, #tpu.memory_space<vmem>>) target_semaphore(%run_scoped3A : memref<!tpu.dma_semaphore, #tpu.memory_space<semaphore_mem>>)
        %dma_wait3A = arith.constant 0 : i32
        %dma_wait3A_33 = tpu.memref_slice %arg2[%add3A_29, %dma_wait3A] : memref<320000x128xf32, #tpu.memory_space<hbm>> -> memref<80x128xf32, #tpu.memory_space<hbm>>
        %dma_wait3A_34 = arith.constant 0 : i32
        %dma_wait3A_35 = tpu.memref_slice %arg2[%add3A_29, %dma_wait3A_34] : memref<320000x128xf32, #tpu.memory_space<hbm>> -> memref<80x128xf32, #tpu.memory_space<hbm>>
        tpu.wait_dma2 semaphore(%run_scoped3A : memref<!tpu.dma_semaphore, #tpu.memory_space<semaphore_mem>>) src(%dma_wait3A_35 : memref<80x128xf32, #tpu.memory_space<hbm>>) dst(%arg7 : memref<80x128xf32, #tpu.memory_space<vmem>>)
        tpu.yield
      }) : () -> ()
      "tpu.region"() ({
        %run_scoped3A = tpu.sem_alloc : memref<!tpu.dma_semaphore, #tpu.memory_space<semaphore_mem>>
        %dma_start3A = arith.constant 0 : i32
        %dma_start3A_30 = arith.constant 0 : i32
        %dma_start3A_31 = tpu.memref_slice %arg6[%dma_start3A, %dma_start3A_30] : memref<12800x128xf32, #tpu.memory_space<vmem_shared>> -> memref<12800x128xf32, #tpu.memory_space<vmem_shared>>
        tpu.enqueue_indirect_dma source(%arg7 : memref<80x128xf32, #tpu.memory_space<vmem>>) target(%dma_start3A_31 : memref<12800x128xf32, #tpu.memory_space<vmem_shared>>) offsets(%arg8 : memref<80xi32, #tpu.memory_space<vmem>>) semaphore(%run_scoped3A : memref<!tpu.dma_semaphore, #tpu.memory_space<semaphore_mem>>) {add = true}
        %dma_wait3A = arith.constant 0 : i32
        %dma_wait3A_32 = arith.constant 0 : i32
        %dma_wait3A_33 = tpu.memref_slice %arg6[%dma_wait3A, %dma_wait3A_32] : memref<12800x128xf32, #tpu.memory_space<vmem_shared>> -> memref<12800x128xf32, #tpu.memory_space<vmem_shared>>
        tpu.wait_indirect_dma semaphore(%run_scoped3A : memref<!tpu.dma_semaphore, #tpu.memory_space<semaphore_mem>>) src(%arg7 : memref<80x128xf32, #tpu.memory_space<vmem>>) dst(%dma_wait3A_33 : memref<12800x128xf32, #tpu.memory_space<vmem_shared>>)
        tpu.yield
      }) : () -> ()
    }
    %scan3A_13 = arith.constant 125 : i32
    %barrier3A_14 = arith.constant 0 : index
    tpu.barrier barrier_id(%barrier3A_14)
    %mul3A_15 = arith.constant 12800 : i32
    %mul3A_16 = arith.muli %arg0, %mul3A_15 : i32
    %mul3A_17 = arith.constant 800 : i32
    %mul3A_18 = arith.muli %arg1, %mul3A_17 : i32
    %add3A_19 = arith.addi %mul3A_16, %mul3A_18 : i32
    %scan3A_20 = arith.constant 0 : i32
    %scan3A_21 = arith.constant 0 : i32
    %scan3A_22 = arith.constant 10 : i32
    %scan3A_23 = arith.addi %scan3A_21, %scan3A_22 : i32
    %scan3A_24 = arith.constant 1 : i32
    scf.for %scan3A_26 = %scan3A_21 to %scan3A_23 step %scan3A_24  : i32 {
      %mul3A_27 = arith.constant 800 : i32
      %mul3A_28 = arith.muli %arg1, %mul3A_27 : i32
      %mul3A_29 = arith.constant 80 : i32
      %mul3A_30 = arith.muli %scan3A_26, %mul3A_29 : i32
      %add3A_31 = arith.addi %mul3A_28, %mul3A_30 : i32
      "tpu.region"() ({
        %run_scoped3A = tpu.sem_alloc : memref<!tpu.dma_semaphore, #tpu.memory_space<semaphore_mem>>
        %dma_start3A = arith.constant 0 : i32
        %dma_start3A_35 = tpu.memref_slice %arg6[%add3A_31, %dma_start3A] : memref<12800x128xf32, #tpu.memory_space<vmem_shared>> -> memref<80x128xf32, #tpu.memory_space<vmem_shared>>
        %dma_start3A_36 = arith.constant 0 : i32
        %dma_start3A_37 = tpu.memref_slice %arg6[%add3A_31, %dma_start3A_36] : memref<12800x128xf32, #tpu.memory_space<vmem_shared>> -> memref<80x128xf32, #tpu.memory_space<vmem_shared>>
        tpu.enqueue_dma source(%dma_start3A_37 : memref<80x128xf32, #tpu.memory_space<vmem_shared>>) target(%arg7 : memref<80x128xf32, #tpu.memory_space<vmem>>) target_semaphore(%run_scoped3A : memref<!tpu.dma_semaphore, #tpu.memory_space<semaphore_mem>>)
        %dma_wait3A = arith.constant 0 : i32
        %dma_wait3A_38 = tpu.memref_slice %arg6[%add3A_31, %dma_wait3A] : memref<12800x128xf32, #tpu.memory_space<vmem_shared>> -> memref<80x128xf32, #tpu.memory_space<vmem_shared>>
        %dma_wait3A_39 = arith.constant 0 : i32
        %dma_wait3A_40 = tpu.memref_slice %arg6[%add3A_31, %dma_wait3A_39] : memref<12800x128xf32, #tpu.memory_space<vmem_shared>> -> memref<80x128xf32, #tpu.memory_space<vmem_shared>>
        tpu.wait_dma2 semaphore(%run_scoped3A : memref<!tpu.dma_semaphore, #tpu.memory_space<semaphore_mem>>) src(%dma_wait3A_40 : memref<80x128xf32, #tpu.memory_space<vmem_shared>>) dst(%arg7 : memref<80x128xf32, #tpu.memory_space<vmem>>)
        tpu.yield
      }) : () -> ()
      %mul3A_32 = arith.constant 80 : i32
      %mul3A_33 = arith.muli %scan3A_26, %mul3A_32 : i32
      %add3A_34 = arith.addi %add3A_19, %mul3A_33 : i32
      "tpu.region"() ({
        %run_scoped3A = tpu.sem_alloc : memref<!tpu.dma_semaphore, #tpu.memory_space<semaphore_mem>>
        %dma_start3A = arith.constant 0 : i32
        %dma_start3A_35 = tpu.memref_slice %arg5[%add3A_34, %dma_start3A] : memref<25600x128xf32, #tpu.memory_space<hbm>> -> memref<80x128xf32, #tpu.memory_space<hbm>>
        %dma_start3A_36 = arith.constant 0 : i32
        %dma_start3A_37 = tpu.memref_slice %arg5[%add3A_34, %dma_start3A_36] : memref<25600x128xf32, #tpu.memory_space<hbm>> -> memref<80x128xf32, #tpu.memory_space<hbm>>
        tpu.enqueue_dma source(%arg7 : memref<80x128xf32, #tpu.memory_space<vmem>>) target(%dma_start3A_37 : memref<80x128xf32, #tpu.memory_space<hbm>>) target_semaphore(%run_scoped3A : memref<!tpu.dma_semaphore, #tpu.memory_space<semaphore_mem>>)
        %dma_wait3A = arith.constant 0 : i32
        %dma_wait3A_38 = tpu.memref_slice %arg5[%add3A_34, %dma_wait3A] : memref<25600x128xf32, #tpu.memory_space<hbm>> -> memref<80x128xf32, #tpu.memory_space<hbm>>
        %dma_wait3A_39 = arith.constant 0 : i32
        %dma_wait3A_40 = tpu.memref_slice %arg5[%add3A_34, %dma_wait3A_39] : memref<25600x128xf32, #tpu.memory_space<hbm>> -> memref<80x128xf32, #tpu.memory_space<hbm>>
        tpu.wait_dma2 semaphore(%run_scoped3A : memref<!tpu.dma_semaphore, #tpu.memory_space<semaphore_mem>>) src(%arg7 : memref<80x128xf32, #tpu.memory_space<vmem>>) dst(%dma_wait3A_40 : memref<80x128xf32, #tpu.memory_space<hbm>>)
        tpu.yield
      }) : () -> ()
    }
    %scan3A_25 = arith.constant 10 : i32
    return
  }
}

#map = affine_map<(d0, d1) -> (0, 0)>
#map1 = affine_map<(d0, d1) -> (0)>
module attributes {stable_mosaic.version = 14 : i64} {
  func.func @_scatter_body(%arg0: i32, %arg1: i32, %arg2: memref<320000x128xf32, #tpu.memory_space<hbm>>, %arg3: memref<320000xi32, #tpu.memory_space<hbm>>, %arg4: memref<80x128xf32, #tpu.memory_space<hbm>>, %arg5: memref<25600x128xf32, #tpu.memory_space<hbm>>, %arg6: memref<12800x128xf32, #tpu.memory_space<vmem_shared>>, %arg7: memref<80x128xf32, #tpu.memory_space<vmem>>, %arg8: memref<80xi32, #tpu.memory_space<vmem>>) attributes {dimension_semantics = [#tpu.dimension_semantics<core_parallel>, #tpu.dimension_semantics<subcore_parallel>], iteration_bounds = array<i64: 2, 16>, scalar_prefetch = 0 : i64, scratch_operands = 3 : i64, tpu.core_type = #tpu.core_type<sc_vector_subcore>, window_params = [{transform_indices = #map}, {transform_indices = #map1}, {transform_indices = #map}, {transform_indices = #map}]} {
    "tpu.region"() ({
      %run_scoped3A = tpu.sem_alloc : memref<!tpu.dma_semaphore, #tpu.memory_space<semaphore_mem>>
      tpu.enqueue_dma source(%arg4 : memref<80x128xf32, #tpu.memory_space<hbm>>) target(%arg7 : memref<80x128xf32, #tpu.memory_space<vmem>>) target_semaphore(%run_scoped3A : memref<!tpu.dma_semaphore, #tpu.memory_space<semaphore_mem>>)
      tpu.wait_dma2 semaphore(%run_scoped3A : memref<!tpu.dma_semaphore, #tpu.memory_space<semaphore_mem>>) src(%arg4 : memref<80x128xf32, #tpu.memory_space<hbm>>) dst(%arg7 : memref<80x128xf32, #tpu.memory_space<vmem>>)
      tpu.yield
    }) : () -> ()
    %scan3A = arith.constant 0 : i32
    %scan3A_0 = arith.constant 0 : i32
    %scan3A_1 = arith.constant 10 : i32
    %scan3A_2 = arith.addi %scan3A_0, %scan3A_1 : i32
    %scan3A_3 = arith.constant 1 : i32
    scf.for %scan3A_26 = %scan3A_0 to %scan3A_2 step %scan3A_3  : i32 {
      %mul3A_27 = arith.constant 800 : i32
      %mul3A_28 = arith.muli %arg1, %mul3A_27 : i32
      %mul3A_29 = arith.constant 80 : i32
      %mul3A_30 = arith.muli %scan3A_26, %mul3A_29 : i32
      %add3A_31 = arith.addi %mul3A_28, %mul3A_30 : i32
      "tpu.region"() ({
        %run_scoped3A = tpu.sem_alloc : memref<!tpu.dma_semaphore, #tpu.memory_space<semaphore_mem>>
        %dma_start3A = arith.constant 0 : i32
        %dma_start3A_32 = tpu.memref_slice %arg6[%add3A_31, %dma_start3A] : memref<12800x128xf32, #tpu.memory_space<vmem_shared>> -> memref<80x128xf32, #tpu.memory_space<vmem_shared>>
        %dma_start3A_33 = arith.constant 0 : i32
        %dma_start3A_34 = tpu.memref_slice %arg6[%add3A_31, %dma_start3A_33] : memref<12800x128xf32, #tpu.memory_space<vmem_shared>> -> memref<80x128xf32, #tpu.memory_space<vmem_shared>>
        tpu.enqueue_dma source(%arg7 : memref<80x128xf32, #tpu.memory_space<vmem>>) target(%dma_start3A_34 : memref<80x128xf32, #tpu.memory_space<vmem_shared>>) target_semaphore(%run_scoped3A : memref<!tpu.dma_semaphore, #tpu.memory_space<semaphore_mem>>)
        %dma_wait3A = arith.constant 0 : i32
        %dma_wait3A_35 = tpu.memref_slice %arg6[%add3A_31, %dma_wait3A] : memref<12800x128xf32, #tpu.memory_space<vmem_shared>> -> memref<80x128xf32, #tpu.memory_space<vmem_shared>>
        %dma_wait3A_36 = arith.constant 0 : i32
        %dma_wait3A_37 = tpu.memref_slice %arg6[%add3A_31, %dma_wait3A_36] : memref<12800x128xf32, #tpu.memory_space<vmem_shared>> -> memref<80x128xf32, #tpu.memory_space<vmem_shared>>
        tpu.wait_dma2 semaphore(%run_scoped3A : memref<!tpu.dma_semaphore, #tpu.memory_space<semaphore_mem>>) src(%arg7 : memref<80x128xf32, #tpu.memory_space<vmem>>) dst(%dma_wait3A_37 : memref<80x128xf32, #tpu.memory_space<vmem_shared>>)
        tpu.yield
      }) : () -> ()
    }
    %scan3A_4 = arith.constant 10 : i32
    %barrier3A = arith.constant 0 : index
    tpu.barrier barrier_id(%barrier3A)
    %mul3A = arith.constant 160000 : i32
    %mul3A_5 = arith.muli %arg0, %mul3A : i32
    %mul3A_6 = arith.constant 10000 : i32
    %mul3A_7 = arith.muli %arg1, %mul3A_6 : i32
    %add3A = arith.addi %mul3A_5, %mul3A_7 : i32
    %scan3A_8 = arith.constant 0 : i32
    %scan3A_9 = arith.constant 0 : i32
    %scan3A_10 = arith.constant 125 : i32
    %scan3A_11 = arith.addi %scan3A_9, %scan3A_10 : i32
    %scan3A_12 = arith.constant 1 : i32
    scf.for %scan3A_26 = %scan3A_9 to %scan3A_11 step %scan3A_12  : i32 {
      %mul3A_27 = arith.constant 80 : i32
      %mul3A_28 = arith.muli %scan3A_26, %mul3A_27 : i32
      %add3A_29 = arith.addi %add3A, %mul3A_28 : i32
      "tpu.region"() ({
        %run_scoped3A = tpu.sem_alloc : memref<!tpu.dma_semaphore, #tpu.memory_space<semaphore_mem>>
        %dma_start3A = tpu.memref_slice %arg3[%add3A_29] : memref<320000xi32, #tpu.memory_space<hbm>> -> memref<80xi32, #tpu.memory_space<hbm>>
        %dma_start3A_30 = tpu.memref_slice %arg3[%add3A_29] : memref<320000xi32, #tpu.memory_space<hbm>> -> memref<80xi32, #tpu.memory_space<hbm>>
        tpu.enqueue_dma source(%dma_start3A_30 : memref<80xi32, #tpu.memory_space<hbm>>) target(%arg8 : memref<80xi32, #tpu.memory_space<vmem>>) target_semaphore(%run_scoped3A : memref<!tpu.dma_semaphore, #tpu.memory_space<semaphore_mem>>)
        %dma_wait3A = tpu.memref_slice %arg3[%add3A_29] : memref<320000xi32, #tpu.memory_space<hbm>> -> memref<80xi32, #tpu.memory_space<hbm>>
        %dma_wait3A_31 = tpu.memref_slice %arg3[%add3A_29] : memref<320000xi32, #tpu.memory_space<hbm>> -> memref<80xi32, #tpu.memory_space<hbm>>
        tpu.wait_dma2 semaphore(%run_scoped3A : memref<!tpu.dma_semaphore, #tpu.memory_space<semaphore_mem>>) src(%dma_wait3A_31 : memref<80xi32, #tpu.memory_space<hbm>>) dst(%arg8 : memref<80xi32, #tpu.memory_space<vmem>>)
        tpu.yield
      }) : () -> ()
      "tpu.region"() ({
        %run_scoped3A = tpu.sem_alloc : memref<!tpu.dma_semaphore, #tpu.memory_space<semaphore_mem>>
        %dma_start3A = arith.constant 0 : i32
        %dma_start3A_30 = tpu.memref_slice %arg2[%add3A_29, %dma_start3A] : memref<320000x128xf32, #tpu.memory_space<hbm>> -> memref<80x128xf32, #tpu.memory_space<hbm>>
        %dma_start3A_31 = arith.constant 0 : i32
        %dma_start3A_32 = tpu.memref_slice %arg2[%add3A_29, %dma_start3A_31] : memref<320000x128xf32, #tpu.memory_space<hbm>> -> memref<80x128xf32, #tpu.memory_space<hbm>>
        tpu.enqueue_dma source(%dma_start3A_32 : memref<80x128xf32, #tpu.memory_space<hbm>>) target(%arg7 : memref<80x128xf32, #tpu.memory_space<vmem>>) target_semaphore(%run_scoped3A : memref<!tpu.dma_semaphore, #tpu.memory_space<semaphore_mem>>)
        %dma_wait3A = arith.constant 0 : i32
        %dma_wait3A_33 = tpu.memref_slice %arg2[%add3A_29, %dma_wait3A] : memref<320000x128xf32, #tpu.memory_space<hbm>> -> memref<80x128xf32, #tpu.memory_space<hbm>>
        %dma_wait3A_34 = arith.constant 0 : i32
        %dma_wait3A_35 = tpu.memref_slice %arg2[%add3A_29, %dma_wait3A_34] : memref<320000x128xf32, #tpu.memory_space<hbm>> -> memref<80x128xf32, #tpu.memory_space<hbm>>
        tpu.wait_dma2 semaphore(%run_scoped3A : memref<!tpu.dma_semaphore, #tpu.memory_space<semaphore_mem>>) src(%dma_wait3A_35 : memref<80x128xf32, #tpu.memory_space<hbm>>) dst(%arg7 : memref<80x128xf32, #tpu.memory_space<vmem>>)
        tpu.yield
      }) : () -> ()
      "tpu.region"() ({
        %run_scoped3A = tpu.sem_alloc : memref<!tpu.dma_semaphore, #tpu.memory_space<semaphore_mem>>
        %dma_start3A = arith.constant 0 : i32
        %dma_start3A_30 = arith.constant 0 : i32
        %dma_start3A_31 = tpu.memref_slice %arg6[%dma_start3A, %dma_start3A_30] : memref<12800x128xf32, #tpu.memory_space<vmem_shared>> -> memref<12800x128xf32, #tpu.memory_space<vmem_shared>>
        tpu.enqueue_indirect_dma source(%arg7 : memref<80x128xf32, #tpu.memory_space<vmem>>) target(%dma_start3A_31 : memref<12800x128xf32, #tpu.memory_space<vmem_shared>>) offsets(%arg8 : memref<80xi32, #tpu.memory_space<vmem>>) semaphore(%run_scoped3A : memref<!tpu.dma_semaphore, #tpu.memory_space<semaphore_mem>>) {add = true}
        %dma_wait3A = arith.constant 0 : i32
        %dma_wait3A_32 = arith.constant 0 : i32
        %dma_wait3A_33 = tpu.memref_slice %arg6[%dma_wait3A, %dma_wait3A_32] : memref<12800x128xf32, #tpu.memory_space<vmem_shared>> -> memref<12800x128xf32, #tpu.memory_space<vmem_shared>>
        tpu.wait_indirect_dma semaphore(%run_scoped3A : memref<!tpu.dma_semaphore, #tpu.memory_space<semaphore_mem>>) src(%arg7 : memref<80x128xf32, #tpu.memory_space<vmem>>) dst(%dma_wait3A_33 : memref<12800x128xf32, #tpu.memory_space<vmem_shared>>)
        tpu.yield
      }) : () -> ()
    }
    %scan3A_13 = arith.constant 125 : i32
    %barrier3A_14 = arith.constant 0 : index
    tpu.barrier barrier_id(%barrier3A_14)
    %mul3A_15 = arith.constant 12800 : i32
    %mul3A_16 = arith.muli %arg0, %mul3A_15 : i32
    %mul3A_17 = arith.constant 800 : i32
    %mul3A_18 = arith.muli %arg1, %mul3A_17 : i32
    %add3A_19 = arith.addi %mul3A_16, %mul3A_18 : i32
    %scan3A_20 = arith.constant 0 : i32
    %scan3A_21 = arith.constant 0 : i32
    %scan3A_22 = arith.constant 10 : i32
    %scan3A_23 = arith.addi %scan3A_21, %scan3A_22 : i32
    %scan3A_24 = arith.constant 1 : i32
    scf.for %scan3A_26 = %scan3A_21 to %scan3A_23 step %scan3A_24  : i32 {
      %mul3A_27 = arith.constant 800 : i32
      %mul3A_28 = arith.muli %arg1, %mul3A_27 : i32
      %mul3A_29 = arith.constant 80 : i32
      %mul3A_30 = arith.muli %scan3A_26, %mul3A_29 : i32
      %add3A_31 = arith.addi %mul3A_28, %mul3A_30 : i32
      "tpu.region"() ({
        %run_scoped3A = tpu.sem_alloc : memref<!tpu.dma_semaphore, #tpu.memory_space<semaphore_mem>>
        %dma_start3A = arith.constant 0 : i32
        %dma_start3A_35 = tpu.memref_slice %arg6[%add3A_31, %dma_start3A] : memref<12800x128xf32, #tpu.memory_space<vmem_shared>> -> memref<80x128xf32, #tpu.memory_space<vmem_shared>>
        %dma_start3A_36 = arith.constant 0 : i32
        %dma_start3A_37 = tpu.memref_slice %arg6[%add3A_31, %dma_start3A_36] : memref<12800x128xf32, #tpu.memory_space<vmem_shared>> -> memref<80x128xf32, #tpu.memory_space<vmem_shared>>
        tpu.enqueue_dma source(%dma_start3A_37 : memref<80x128xf32, #tpu.memory_space<vmem_shared>>) target(%arg7 : memref<80x128xf32, #tpu.memory_space<vmem>>) target_semaphore(%run_scoped3A : memref<!tpu.dma_semaphore, #tpu.memory_space<semaphore_mem>>)
        %dma_wait3A = arith.constant 0 : i32
        %dma_wait3A_38 = tpu.memref_slice %arg6[%add3A_31, %dma_wait3A] : memref<12800x128xf32, #tpu.memory_space<vmem_shared>> -> memref<80x128xf32, #tpu.memory_space<vmem_shared>>
        %dma_wait3A_39 = arith.constant 0 : i32
        %dma_wait3A_40 = tpu.memref_slice %arg6[%add3A_31, %dma_wait3A_39] : memref<12800x128xf32, #tpu.memory_space<vmem_shared>> -> memref<80x128xf32, #tpu.memory_space<vmem_shared>>
        tpu.wait_dma2 semaphore(%run_scoped3A : memref<!tpu.dma_semaphore, #tpu.memory_space<semaphore_mem>>) src(%dma_wait3A_40 : memref<80x128xf32, #tpu.memory_space<vmem_shared>>) dst(%arg7 : memref<80x128xf32, #tpu.memory_space<vmem>>)
        tpu.yield
      }) : () -> ()
      %mul3A_32 = arith.constant 80 : i32
      %mul3A_33 = arith.muli %scan3A_26, %mul3A_32 : i32
      %add3A_34 = arith.addi %add3A_19, %mul3A_33 : i32
      "tpu.region"() ({
        %run_scoped3A = tpu.sem_alloc : memref<!tpu.dma_semaphore, #tpu.memory_space<semaphore_mem>>
        %dma_start3A = arith.constant 0 : i32
        %dma_start3A_35 = tpu.memref_slice %arg5[%add3A_34, %dma_start3A] : memref<25600x128xf32, #tpu.memory_space<hbm>> -> memref<80x128xf32, #tpu.memory_space<hbm>>
        %dma_start3A_36 = arith.constant 0 : i32
        %dma_start3A_37 = tpu.memref_slice %arg5[%add3A_34, %dma_start3A_36] : memref<25600x128xf32, #tpu.memory_space<hbm>> -> memref<80x128xf32, #tpu.memory_space<hbm>>
        tpu.enqueue_dma source(%arg7 : memref<80x128xf32, #tpu.memory_space<vmem>>) target(%dma_start3A_37 : memref<80x128xf32, #tpu.memory_space<hbm>>) target_semaphore(%run_scoped3A : memref<!tpu.dma_semaphore, #tpu.memory_space<semaphore_mem>>)
        %dma_wait3A = arith.constant 0 : i32
        %dma_wait3A_38 = tpu.memref_slice %arg5[%add3A_34, %dma_wait3A] : memref<25600x128xf32, #tpu.memory_space<hbm>> -> memref<80x128xf32, #tpu.memory_space<hbm>>
        %dma_wait3A_39 = arith.constant 0 : i32
        %dma_wait3A_40 = tpu.memref_slice %arg5[%add3A_34, %dma_wait3A_39] : memref<25600x128xf32, #tpu.memory_space<hbm>> -> memref<80x128xf32, #tpu.memory_space<hbm>>
        tpu.wait_dma2 semaphore(%run_scoped3A : memref<!tpu.dma_semaphore, #tpu.memory_space<semaphore_mem>>) src(%arg7 : memref<80x128xf32, #tpu.memory_space<vmem>>) dst(%dma_wait3A_40 : memref<80x128xf32, #tpu.memory_space<hbm>>)
        tpu.yield
      }) : () -> ()
    }
    %scan3A_25 = arith.constant 10 : i32
    return
  }
}

#map = affine_map<(d0, d1) -> (0, 0)>
#map1 = affine_map<(d0, d1) -> (0)>
module attributes {stable_mosaic.version = 14 : i64} {
  func.func @_gather_body(%arg0: i32, %arg1: i32, %arg2: memref<10000x128xf32, #tpu.memory_space<hbm>>, %arg3: memref<10000x256xf32, #tpu.memory_space<hbm>>, %arg4: memref<10000xf32, #tpu.memory_space<hbm>>, %arg5: memref<320000xi32, #tpu.memory_space<hbm>>, %arg6: memref<320000xi32, #tpu.memory_space<hbm>>, %arg7: memref<320000x128xf32, #tpu.memory_space<hbm>>, %arg8: memref<320000x256xf32, #tpu.memory_space<hbm>>, %arg9: memref<80xi32, #tpu.memory_space<vmem>>, %arg10: memref<80xi32, #tpu.memory_space<vmem>>, %arg11: memref<80x128xf32, #tpu.memory_space<vmem>>, %arg12: memref<80x256xf32, #tpu.memory_space<vmem>>) attributes {dimension_semantics = [#tpu.dimension_semantics<core_parallel>, #tpu.dimension_semantics<subcore_parallel>], iteration_bounds = array<i64: 2, 16>, scalar_prefetch = 0 : i64, scratch_operands = 4 : i64, tpu.core_type = #tpu.core_type<sc_vector_subcore>, window_params = [{transform_indices = #map}, {transform_indices = #map}, {transform_indices = #map1}, {transform_indices = #map1}, {transform_indices = #map1}, {transform_indices = #map}, {transform_indices = #map}]} {
    %mul3A = arith.constant 2 : i32
    %mul3A_0 = arith.muli %arg1, %mul3A : i32
    %add3A = arith.addi %mul3A_0, %arg0 : i32
    %mul3A_1 = arith.constant 10000 : i32
    %mul3A_2 = arith.muli %add3A, %mul3A_1 : i32
    %scan3A = arith.constant 0 : i32
    %scan3A_3 = arith.constant 0 : i32
    %scan3A_4 = arith.constant 125 : i32
    %scan3A_5 = arith.addi %scan3A_3, %scan3A_4 : i32
    %scan3A_6 = arith.constant 1 : i32
    scf.for %scan3A_8 = %scan3A_3 to %scan3A_5 step %scan3A_6  : i32 {
      %mul3A_9 = arith.constant 80 : i32
      %mul3A_10 = arith.muli %scan3A_8, %mul3A_9 : i32
      %add3A_11 = arith.addi %mul3A_2, %mul3A_10 : i32
      "tpu.region"() ({
        %run_scoped3A = tpu.sem_alloc : memref<!tpu.dma_semaphore, #tpu.memory_space<semaphore_mem>>
        %dma_start3A = tpu.memref_slice %arg5[%add3A_11] : memref<320000xi32, #tpu.memory_space<hbm>> -> memref<80xi32, #tpu.memory_space<hbm>>
        %dma_start3A_12 = tpu.memref_slice %arg5[%add3A_11] : memref<320000xi32, #tpu.memory_space<hbm>> -> memref<80xi32, #tpu.memory_space<hbm>>
        tpu.enqueue_dma source(%dma_start3A_12 : memref<80xi32, #tpu.memory_space<hbm>>) target(%arg9 : memref<80xi32, #tpu.memory_space<vmem>>) target_semaphore(%run_scoped3A : memref<!tpu.dma_semaphore, #tpu.memory_space<semaphore_mem>>)
        %dma_wait3A = tpu.memref_slice %arg5[%add3A_11] : memref<320000xi32, #tpu.memory_space<hbm>> -> memref<80xi32, #tpu.memory_space<hbm>>
        %dma_wait3A_13 = tpu.memref_slice %arg5[%add3A_11] : memref<320000xi32, #tpu.memory_space<hbm>> -> memref<80xi32, #tpu.memory_space<hbm>>
        tpu.wait_dma2 semaphore(%run_scoped3A : memref<!tpu.dma_semaphore, #tpu.memory_space<semaphore_mem>>) src(%dma_wait3A_13 : memref<80xi32, #tpu.memory_space<hbm>>) dst(%arg9 : memref<80xi32, #tpu.memory_space<vmem>>)
        tpu.yield
      }) : () -> ()
      "tpu.region"() ({
        %run_scoped3A = tpu.sem_alloc : memref<!tpu.dma_semaphore, #tpu.memory_space<semaphore_mem>>
        %dma_start3A = tpu.memref_slice %arg6[%add3A_11] : memref<320000xi32, #tpu.memory_space<hbm>> -> memref<80xi32, #tpu.memory_space<hbm>>
        %dma_start3A_12 = tpu.memref_slice %arg6[%add3A_11] : memref<320000xi32, #tpu.memory_space<hbm>> -> memref<80xi32, #tpu.memory_space<hbm>>
        tpu.enqueue_dma source(%dma_start3A_12 : memref<80xi32, #tpu.memory_space<hbm>>) target(%arg10 : memref<80xi32, #tpu.memory_space<vmem>>) target_semaphore(%run_scoped3A : memref<!tpu.dma_semaphore, #tpu.memory_space<semaphore_mem>>)
        %dma_wait3A = tpu.memref_slice %arg6[%add3A_11] : memref<320000xi32, #tpu.memory_space<hbm>> -> memref<80xi32, #tpu.memory_space<hbm>>
        %dma_wait3A_13 = tpu.memref_slice %arg6[%add3A_11] : memref<320000xi32, #tpu.memory_space<hbm>> -> memref<80xi32, #tpu.memory_space<hbm>>
        tpu.wait_dma2 semaphore(%run_scoped3A : memref<!tpu.dma_semaphore, #tpu.memory_space<semaphore_mem>>) src(%dma_wait3A_13 : memref<80xi32, #tpu.memory_space<hbm>>) dst(%arg10 : memref<80xi32, #tpu.memory_space<vmem>>)
        tpu.yield
      }) : () -> ()
      "tpu.region"() ({
        %run_scoped3A = tpu.sem_alloc : memref<!tpu.dma_semaphore, #tpu.memory_space<semaphore_mem>>
        %dma_start3A = arith.constant 0 : i32
        %dma_start3A_12 = arith.constant 0 : i32
        %dma_start3A_13 = tpu.memref_slice %arg2[%dma_start3A, %dma_start3A_12] : memref<10000x128xf32, #tpu.memory_space<hbm>> -> memref<10000x128xf32, #tpu.memory_space<hbm>>
        tpu.enqueue_indirect_dma source(%dma_start3A_13 : memref<10000x128xf32, #tpu.memory_space<hbm>>) target(%arg11 : memref<80x128xf32, #tpu.memory_space<vmem>>) offsets(%arg9 : memref<80xi32, #tpu.memory_space<vmem>>) semaphore(%run_scoped3A : memref<!tpu.dma_semaphore, #tpu.memory_space<semaphore_mem>>)
        %dma_wait3A = arith.constant 0 : i32
        %dma_wait3A_14 = arith.constant 0 : i32
        %dma_wait3A_15 = tpu.memref_slice %arg2[%dma_wait3A, %dma_wait3A_14] : memref<10000x128xf32, #tpu.memory_space<hbm>> -> memref<10000x128xf32, #tpu.memory_space<hbm>>
        tpu.wait_indirect_dma semaphore(%run_scoped3A : memref<!tpu.dma_semaphore, #tpu.memory_space<semaphore_mem>>) src(%dma_wait3A_15 : memref<10000x128xf32, #tpu.memory_space<hbm>>) dst(%arg11 : memref<80x128xf32, #tpu.memory_space<vmem>>)
        tpu.yield
      }) : () -> ()
      "tpu.region"() ({
        %run_scoped3A = tpu.sem_alloc : memref<!tpu.dma_semaphore, #tpu.memory_space<semaphore_mem>>
        %dma_start3A = arith.constant 0 : i32
        %dma_start3A_12 = arith.constant 0 : i32
        %dma_start3A_13 = tpu.memref_slice %arg3[%dma_start3A, %dma_start3A_12] : memref<10000x256xf32, #tpu.memory_space<hbm>> -> memref<10000x256xf32, #tpu.memory_space<hbm>>
        tpu.enqueue_indirect_dma source(%dma_start3A_13 : memref<10000x256xf32, #tpu.memory_space<hbm>>) target(%arg12 : memref<80x256xf32, #tpu.memory_space<vmem>>) offsets(%arg10 : memref<80xi32, #tpu.memory_space<vmem>>) semaphore(%run_scoped3A : memref<!tpu.dma_semaphore, #tpu.memory_space<semaphore_mem>>)
        %dma_wait3A = arith.constant 0 : i32
        %dma_wait3A_14 = arith.constant 0 : i32
        %dma_wait3A_15 = tpu.memref_slice %arg3[%dma_wait3A, %dma_wait3A_14] : memref<10000x256xf32, #tpu.memory_space<hbm>> -> memref<10000x256xf32, #tpu.memory_space<hbm>>
        tpu.wait_indirect_dma semaphore(%run_scoped3A : memref<!tpu.dma_semaphore, #tpu.memory_space<semaphore_mem>>) src(%dma_wait3A_15 : memref<10000x256xf32, #tpu.memory_space<hbm>>) dst(%arg12 : memref<80x256xf32, #tpu.memory_space<vmem>>)
        tpu.yield
      }) : () -> ()
      "tpu.region"() ({
        %run_scoped3A = tpu.sem_alloc : memref<!tpu.dma_semaphore, #tpu.memory_space<semaphore_mem>>
        %dma_start3A = arith.constant 0 : i32
        %dma_start3A_12 = tpu.memref_slice %arg7[%add3A_11, %dma_start3A] : memref<320000x128xf32, #tpu.memory_space<hbm>> -> memref<80x128xf32, #tpu.memory_space<hbm>>
        %dma_start3A_13 = arith.constant 0 : i32
        %dma_start3A_14 = tpu.memref_slice %arg7[%add3A_11, %dma_start3A_13] : memref<320000x128xf32, #tpu.memory_space<hbm>> -> memref<80x128xf32, #tpu.memory_space<hbm>>
        tpu.enqueue_dma source(%arg11 : memref<80x128xf32, #tpu.memory_space<vmem>>) target(%dma_start3A_14 : memref<80x128xf32, #tpu.memory_space<hbm>>) target_semaphore(%run_scoped3A : memref<!tpu.dma_semaphore, #tpu.memory_space<semaphore_mem>>)
        %dma_wait3A = arith.constant 0 : i32
        %dma_wait3A_15 = tpu.memref_slice %arg7[%add3A_11, %dma_wait3A] : memref<320000x128xf32, #tpu.memory_space<hbm>> -> memref<80x128xf32, #tpu.memory_space<hbm>>
        %dma_wait3A_16 = arith.constant 0 : i32
        %dma_wait3A_17 = tpu.memref_slice %arg7[%add3A_11, %dma_wait3A_16] : memref<320000x128xf32, #tpu.memory_space<hbm>> -> memref<80x128xf32, #tpu.memory_space<hbm>>
        tpu.wait_dma2 semaphore(%run_scoped3A : memref<!tpu.dma_semaphore, #tpu.memory_space<semaphore_mem>>) src(%arg11 : memref<80x128xf32, #tpu.memory_space<vmem>>) dst(%dma_wait3A_17 : memref<80x128xf32, #tpu.memory_space<hbm>>)
        tpu.yield
      }) : () -> ()
      "tpu.region"() ({
        %run_scoped3A = tpu.sem_alloc : memref<!tpu.dma_semaphore, #tpu.memory_space<semaphore_mem>>
        %dma_start3A = arith.constant 0 : i32
        %dma_start3A_12 = tpu.memref_slice %arg8[%add3A_11, %dma_start3A] : memref<320000x256xf32, #tpu.memory_space<hbm>> -> memref<80x256xf32, #tpu.memory_space<hbm>>
        %dma_start3A_13 = arith.constant 0 : i32
        %dma_start3A_14 = tpu.memref_slice %arg8[%add3A_11, %dma_start3A_13] : memref<320000x256xf32, #tpu.memory_space<hbm>> -> memref<80x256xf32, #tpu.memory_space<hbm>>
        tpu.enqueue_dma source(%arg12 : memref<80x256xf32, #tpu.memory_space<vmem>>) target(%dma_start3A_14 : memref<80x256xf32, #tpu.memory_space<hbm>>) target_semaphore(%run_scoped3A : memref<!tpu.dma_semaphore, #tpu.memory_space<semaphore_mem>>)
        %dma_wait3A = arith.constant 0 : i32
        %dma_wait3A_15 = tpu.memref_slice %arg8[%add3A_11, %dma_wait3A] : memref<320000x256xf32, #tpu.memory_space<hbm>> -> memref<80x256xf32, #tpu.memory_space<hbm>>
        %dma_wait3A_16 = arith.constant 0 : i32
        %dma_wait3A_17 = tpu.memref_slice %arg8[%add3A_11, %dma_wait3A_16] : memref<320000x256xf32, #tpu.memory_space<hbm>> -> memref<80x256xf32, #tpu.memory_space<hbm>>
        tpu.wait_dma2 semaphore(%run_scoped3A : memref<!tpu.dma_semaphore, #tpu.memory_space<semaphore_mem>>) src(%arg12 : memref<80x256xf32, #tpu.memory_space<vmem>>) dst(%dma_wait3A_17 : memref<80x256xf32, #tpu.memory_space<hbm>>)
        tpu.yield
      }) : () -> ()
    }
    %scan3A_7 = arith.constant 125 : i32
    return
  }
}

#map = affine_map<(d0, d1) -> (0, 0)>
#map1 = affine_map<(d0, d1) -> (0)>
module attributes {stable_mosaic.version = 14 : i64} {
  func.func @_scatter_body(%arg0: i32, %arg1: i32, %arg2: memref<320000x128xf32, #tpu.memory_space<hbm>>, %arg3: memref<320000xi32, #tpu.memory_space<hbm>>, %arg4: memref<80x128xf32, #tpu.memory_space<hbm>>, %arg5: memref<25600x128xf32, #tpu.memory_space<hbm>>, %arg6: memref<12800x128xf32, #tpu.memory_space<vmem_shared>>, %arg7: memref<80x128xf32, #tpu.memory_space<vmem>>, %arg8: memref<80xi32, #tpu.memory_space<vmem>>) attributes {dimension_semantics = [#tpu.dimension_semantics<core_parallel>, #tpu.dimension_semantics<subcore_parallel>], iteration_bounds = array<i64: 2, 16>, scalar_prefetch = 0 : i64, scratch_operands = 3 : i64, tpu.core_type = #tpu.core_type<sc_vector_subcore>, window_params = [{transform_indices = #map}, {transform_indices = #map1}, {transform_indices = #map}, {transform_indices = #map}]} {
    "tpu.region"() ({
      %run_scoped3A = tpu.sem_alloc : memref<!tpu.dma_semaphore, #tpu.memory_space<semaphore_mem>>
      tpu.enqueue_dma source(%arg4 : memref<80x128xf32, #tpu.memory_space<hbm>>) target(%arg7 : memref<80x128xf32, #tpu.memory_space<vmem>>) target_semaphore(%run_scoped3A : memref<!tpu.dma_semaphore, #tpu.memory_space<semaphore_mem>>)
      tpu.wait_dma2 semaphore(%run_scoped3A : memref<!tpu.dma_semaphore, #tpu.memory_space<semaphore_mem>>) src(%arg4 : memref<80x128xf32, #tpu.memory_space<hbm>>) dst(%arg7 : memref<80x128xf32, #tpu.memory_space<vmem>>)
      tpu.yield
    }) : () -> ()
    %scan3A = arith.constant 0 : i32
    %scan3A_0 = arith.constant 0 : i32
    %scan3A_1 = arith.constant 10 : i32
    %scan3A_2 = arith.addi %scan3A_0, %scan3A_1 : i32
    %scan3A_3 = arith.constant 1 : i32
    scf.for %scan3A_26 = %scan3A_0 to %scan3A_2 step %scan3A_3  : i32 {
      %mul3A_27 = arith.constant 800 : i32
      %mul3A_28 = arith.muli %arg1, %mul3A_27 : i32
      %mul3A_29 = arith.constant 80 : i32
      %mul3A_30 = arith.muli %scan3A_26, %mul3A_29 : i32
      %add3A_31 = arith.addi %mul3A_28, %mul3A_30 : i32
      "tpu.region"() ({
        %run_scoped3A = tpu.sem_alloc : memref<!tpu.dma_semaphore, #tpu.memory_space<semaphore_mem>>
        %dma_start3A = arith.constant 0 : i32
        %dma_start3A_32 = tpu.memref_slice %arg6[%add3A_31, %dma_start3A] : memref<12800x128xf32, #tpu.memory_space<vmem_shared>> -> memref<80x128xf32, #tpu.memory_space<vmem_shared>>
        %dma_start3A_33 = arith.constant 0 : i32
        %dma_start3A_34 = tpu.memref_slice %arg6[%add3A_31, %dma_start3A_33] : memref<12800x128xf32, #tpu.memory_space<vmem_shared>> -> memref<80x128xf32, #tpu.memory_space<vmem_shared>>
        tpu.enqueue_dma source(%arg7 : memref<80x128xf32, #tpu.memory_space<vmem>>) target(%dma_start3A_34 : memref<80x128xf32, #tpu.memory_space<vmem_shared>>) target_semaphore(%run_scoped3A : memref<!tpu.dma_semaphore, #tpu.memory_space<semaphore_mem>>)
        %dma_wait3A = arith.constant 0 : i32
        %dma_wait3A_35 = tpu.memref_slice %arg6[%add3A_31, %dma_wait3A] : memref<12800x128xf32, #tpu.memory_space<vmem_shared>> -> memref<80x128xf32, #tpu.memory_space<vmem_shared>>
        %dma_wait3A_36 = arith.constant 0 : i32
        %dma_wait3A_37 = tpu.memref_slice %arg6[%add3A_31, %dma_wait3A_36] : memref<12800x128xf32, #tpu.memory_space<vmem_shared>> -> memref<80x128xf32, #tpu.memory_space<vmem_shared>>
        tpu.wait_dma2 semaphore(%run_scoped3A : memref<!tpu.dma_semaphore, #tpu.memory_space<semaphore_mem>>) src(%arg7 : memref<80x128xf32, #tpu.memory_space<vmem>>) dst(%dma_wait3A_37 : memref<80x128xf32, #tpu.memory_space<vmem_shared>>)
        tpu.yield
      }) : () -> ()
    }
    %scan3A_4 = arith.constant 10 : i32
    %barrier3A = arith.constant 0 : index
    tpu.barrier barrier_id(%barrier3A)
    %mul3A = arith.constant 160000 : i32
    %mul3A_5 = arith.muli %arg0, %mul3A : i32
    %mul3A_6 = arith.constant 10000 : i32
    %mul3A_7 = arith.muli %arg1, %mul3A_6 : i32
    %add3A = arith.addi %mul3A_5, %mul3A_7 : i32
    %scan3A_8 = arith.constant 0 : i32
    %scan3A_9 = arith.constant 0 : i32
    %scan3A_10 = arith.constant 125 : i32
    %scan3A_11 = arith.addi %scan3A_9, %scan3A_10 : i32
    %scan3A_12 = arith.constant 1 : i32
    scf.for %scan3A_26 = %scan3A_9 to %scan3A_11 step %scan3A_12  : i32 {
      %mul3A_27 = arith.constant 80 : i32
      %mul3A_28 = arith.muli %scan3A_26, %mul3A_27 : i32
      %add3A_29 = arith.addi %add3A, %mul3A_28 : i32
      "tpu.region"() ({
        %run_scoped3A = tpu.sem_alloc : memref<!tpu.dma_semaphore, #tpu.memory_space<semaphore_mem>>
        %dma_start3A = tpu.memref_slice %arg3[%add3A_29] : memref<320000xi32, #tpu.memory_space<hbm>> -> memref<80xi32, #tpu.memory_space<hbm>>
        %dma_start3A_30 = tpu.memref_slice %arg3[%add3A_29] : memref<320000xi32, #tpu.memory_space<hbm>> -> memref<80xi32, #tpu.memory_space<hbm>>
        tpu.enqueue_dma source(%dma_start3A_30 : memref<80xi32, #tpu.memory_space<hbm>>) target(%arg8 : memref<80xi32, #tpu.memory_space<vmem>>) target_semaphore(%run_scoped3A : memref<!tpu.dma_semaphore, #tpu.memory_space<semaphore_mem>>)
        %dma_wait3A = tpu.memref_slice %arg3[%add3A_29] : memref<320000xi32, #tpu.memory_space<hbm>> -> memref<80xi32, #tpu.memory_space<hbm>>
        %dma_wait3A_31 = tpu.memref_slice %arg3[%add3A_29] : memref<320000xi32, #tpu.memory_space<hbm>> -> memref<80xi32, #tpu.memory_space<hbm>>
        tpu.wait_dma2 semaphore(%run_scoped3A : memref<!tpu.dma_semaphore, #tpu.memory_space<semaphore_mem>>) src(%dma_wait3A_31 : memref<80xi32, #tpu.memory_space<hbm>>) dst(%arg8 : memref<80xi32, #tpu.memory_space<vmem>>)
        tpu.yield
      }) : () -> ()
      "tpu.region"() ({
        %run_scoped3A = tpu.sem_alloc : memref<!tpu.dma_semaphore, #tpu.memory_space<semaphore_mem>>
        %dma_start3A = arith.constant 0 : i32
        %dma_start3A_30 = tpu.memref_slice %arg2[%add3A_29, %dma_start3A] : memref<320000x128xf32, #tpu.memory_space<hbm>> -> memref<80x128xf32, #tpu.memory_space<hbm>>
        %dma_start3A_31 = arith.constant 0 : i32
        %dma_start3A_32 = tpu.memref_slice %arg2[%add3A_29, %dma_start3A_31] : memref<320000x128xf32, #tpu.memory_space<hbm>> -> memref<80x128xf32, #tpu.memory_space<hbm>>
        tpu.enqueue_dma source(%dma_start3A_32 : memref<80x128xf32, #tpu.memory_space<hbm>>) target(%arg7 : memref<80x128xf32, #tpu.memory_space<vmem>>) target_semaphore(%run_scoped3A : memref<!tpu.dma_semaphore, #tpu.memory_space<semaphore_mem>>)
        %dma_wait3A = arith.constant 0 : i32
        %dma_wait3A_33 = tpu.memref_slice %arg2[%add3A_29, %dma_wait3A] : memref<320000x128xf32, #tpu.memory_space<hbm>> -> memref<80x128xf32, #tpu.memory_space<hbm>>
        %dma_wait3A_34 = arith.constant 0 : i32
        %dma_wait3A_35 = tpu.memref_slice %arg2[%add3A_29, %dma_wait3A_34] : memref<320000x128xf32, #tpu.memory_space<hbm>> -> memref<80x128xf32, #tpu.memory_space<hbm>>
        tpu.wait_dma2 semaphore(%run_scoped3A : memref<!tpu.dma_semaphore, #tpu.memory_space<semaphore_mem>>) src(%dma_wait3A_35 : memref<80x128xf32, #tpu.memory_space<hbm>>) dst(%arg7 : memref<80x128xf32, #tpu.memory_space<vmem>>)
        tpu.yield
      }) : () -> ()
      "tpu.region"() ({
        %run_scoped3A = tpu.sem_alloc : memref<!tpu.dma_semaphore, #tpu.memory_space<semaphore_mem>>
        %dma_start3A = arith.constant 0 : i32
        %dma_start3A_30 = arith.constant 0 : i32
        %dma_start3A_31 = tpu.memref_slice %arg6[%dma_start3A, %dma_start3A_30] : memref<12800x128xf32, #tpu.memory_space<vmem_shared>> -> memref<12800x128xf32, #tpu.memory_space<vmem_shared>>
        tpu.enqueue_indirect_dma source(%arg7 : memref<80x128xf32, #tpu.memory_space<vmem>>) target(%dma_start3A_31 : memref<12800x128xf32, #tpu.memory_space<vmem_shared>>) offsets(%arg8 : memref<80xi32, #tpu.memory_space<vmem>>) semaphore(%run_scoped3A : memref<!tpu.dma_semaphore, #tpu.memory_space<semaphore_mem>>) {add = true}
        %dma_wait3A = arith.constant 0 : i32
        %dma_wait3A_32 = arith.constant 0 : i32
        %dma_wait3A_33 = tpu.memref_slice %arg6[%dma_wait3A, %dma_wait3A_32] : memref<12800x128xf32, #tpu.memory_space<vmem_shared>> -> memref<12800x128xf32, #tpu.memory_space<vmem_shared>>
        tpu.wait_indirect_dma semaphore(%run_scoped3A : memref<!tpu.dma_semaphore, #tpu.memory_space<semaphore_mem>>) src(%arg7 : memref<80x128xf32, #tpu.memory_space<vmem>>) dst(%dma_wait3A_33 : memref<12800x128xf32, #tpu.memory_space<vmem_shared>>)
        tpu.yield
      }) : () -> ()
    }
    %scan3A_13 = arith.constant 125 : i32
    %barrier3A_14 = arith.constant 0 : index
    tpu.barrier barrier_id(%barrier3A_14)
    %mul3A_15 = arith.constant 12800 : i32
    %mul3A_16 = arith.muli %arg0, %mul3A_15 : i32
    %mul3A_17 = arith.constant 800 : i32
    %mul3A_18 = arith.muli %arg1, %mul3A_17 : i32
    %add3A_19 = arith.addi %mul3A_16, %mul3A_18 : i32
    %scan3A_20 = arith.constant 0 : i32
    %scan3A_21 = arith.constant 0 : i32
    %scan3A_22 = arith.constant 10 : i32
    %scan3A_23 = arith.addi %scan3A_21, %scan3A_22 : i32
    %scan3A_24 = arith.constant 1 : i32
    scf.for %scan3A_26 = %scan3A_21 to %scan3A_23 step %scan3A_24  : i32 {
      %mul3A_27 = arith.constant 800 : i32
      %mul3A_28 = arith.muli %arg1, %mul3A_27 : i32
      %mul3A_29 = arith.constant 80 : i32
      %mul3A_30 = arith.muli %scan3A_26, %mul3A_29 : i32
      %add3A_31 = arith.addi %mul3A_28, %mul3A_30 : i32
      "tpu.region"() ({
        %run_scoped3A = tpu.sem_alloc : memref<!tpu.dma_semaphore, #tpu.memory_space<semaphore_mem>>
        %dma_start3A = arith.constant 0 : i32
        %dma_start3A_35 = tpu.memref_slice %arg6[%add3A_31, %dma_start3A] : memref<12800x128xf32, #tpu.memory_space<vmem_shared>> -> memref<80x128xf32, #tpu.memory_space<vmem_shared>>
        %dma_start3A_36 = arith.constant 0 : i32
        %dma_start3A_37 = tpu.memref_slice %arg6[%add3A_31, %dma_start3A_36] : memref<12800x128xf32, #tpu.memory_space<vmem_shared>> -> memref<80x128xf32, #tpu.memory_space<vmem_shared>>
        tpu.enqueue_dma source(%dma_start3A_37 : memref<80x128xf32, #tpu.memory_space<vmem_shared>>) target(%arg7 : memref<80x128xf32, #tpu.memory_space<vmem>>) target_semaphore(%run_scoped3A : memref<!tpu.dma_semaphore, #tpu.memory_space<semaphore_mem>>)
        %dma_wait3A = arith.constant 0 : i32
        %dma_wait3A_38 = tpu.memref_slice %arg6[%add3A_31, %dma_wait3A] : memref<12800x128xf32, #tpu.memory_space<vmem_shared>> -> memref<80x128xf32, #tpu.memory_space<vmem_shared>>
        %dma_wait3A_39 = arith.constant 0 : i32
        %dma_wait3A_40 = tpu.memref_slice %arg6[%add3A_31, %dma_wait3A_39] : memref<12800x128xf32, #tpu.memory_space<vmem_shared>> -> memref<80x128xf32, #tpu.memory_space<vmem_shared>>
        tpu.wait_dma2 semaphore(%run_scoped3A : memref<!tpu.dma_semaphore, #tpu.memory_space<semaphore_mem>>) src(%dma_wait3A_40 : memref<80x128xf32, #tpu.memory_space<vmem_shared>>) dst(%arg7 : memref<80x128xf32, #tpu.memory_space<vmem>>)
        tpu.yield
      }) : () -> ()
      %mul3A_32 = arith.constant 80 : i32
      %mul3A_33 = arith.muli %scan3A_26, %mul3A_32 : i32
      %add3A_34 = arith.addi %add3A_19, %mul3A_33 : i32
      "tpu.region"() ({
        %run_scoped3A = tpu.sem_alloc : memref<!tpu.dma_semaphore, #tpu.memory_space<semaphore_mem>>
        %dma_start3A = arith.constant 0 : i32
        %dma_start3A_35 = tpu.memref_slice %arg5[%add3A_34, %dma_start3A] : memref<25600x128xf32, #tpu.memory_space<hbm>> -> memref<80x128xf32, #tpu.memory_space<hbm>>
        %dma_start3A_36 = arith.constant 0 : i32
        %dma_start3A_37 = tpu.memref_slice %arg5[%add3A_34, %dma_start3A_36] : memref<25600x128xf32, #tpu.memory_space<hbm>> -> memref<80x128xf32, #tpu.memory_space<hbm>>
        tpu.enqueue_dma source(%arg7 : memref<80x128xf32, #tpu.memory_space<vmem>>) target(%dma_start3A_37 : memref<80x128xf32, #tpu.memory_space<hbm>>) target_semaphore(%run_scoped3A : memref<!tpu.dma_semaphore, #tpu.memory_space<semaphore_mem>>)
        %dma_wait3A = arith.constant 0 : i32
        %dma_wait3A_38 = tpu.memref_slice %arg5[%add3A_34, %dma_wait3A] : memref<25600x128xf32, #tpu.memory_space<hbm>> -> memref<80x128xf32, #tpu.memory_space<hbm>>
        %dma_wait3A_39 = arith.constant 0 : i32
        %dma_wait3A_40 = tpu.memref_slice %arg5[%add3A_34, %dma_wait3A_39] : memref<25600x128xf32, #tpu.memory_space<hbm>> -> memref<80x128xf32, #tpu.memory_space<hbm>>
        tpu.wait_dma2 semaphore(%run_scoped3A : memref<!tpu.dma_semaphore, #tpu.memory_space<semaphore_mem>>) src(%arg7 : memref<80x128xf32, #tpu.memory_space<vmem>>) dst(%dma_wait3A_40 : memref<80x128xf32, #tpu.memory_space<hbm>>)
        tpu.yield
      }) : () -> ()
    }
    %scan3A_25 = arith.constant 10 : i32
    return
  }
}

#map = affine_map<(d0, d1) -> (0, 0)>
#map1 = affine_map<(d0, d1) -> (0)>
module attributes {stable_mosaic.version = 14 : i64} {
  func.func @_scatter_body(%arg0: i32, %arg1: i32, %arg2: memref<320000x128xf32, #tpu.memory_space<hbm>>, %arg3: memref<320000xi32, #tpu.memory_space<hbm>>, %arg4: memref<80x128xf32, #tpu.memory_space<hbm>>, %arg5: memref<25600x128xf32, #tpu.memory_space<hbm>>, %arg6: memref<12800x128xf32, #tpu.memory_space<vmem_shared>>, %arg7: memref<80x128xf32, #tpu.memory_space<vmem>>, %arg8: memref<80xi32, #tpu.memory_space<vmem>>) attributes {dimension_semantics = [#tpu.dimension_semantics<core_parallel>, #tpu.dimension_semantics<subcore_parallel>], iteration_bounds = array<i64: 2, 16>, scalar_prefetch = 0 : i64, scratch_operands = 3 : i64, tpu.core_type = #tpu.core_type<sc_vector_subcore>, window_params = [{transform_indices = #map}, {transform_indices = #map1}, {transform_indices = #map}, {transform_indices = #map}]} {
    "tpu.region"() ({
      %run_scoped3A = tpu.sem_alloc : memref<!tpu.dma_semaphore, #tpu.memory_space<semaphore_mem>>
      tpu.enqueue_dma source(%arg4 : memref<80x128xf32, #tpu.memory_space<hbm>>) target(%arg7 : memref<80x128xf32, #tpu.memory_space<vmem>>) target_semaphore(%run_scoped3A : memref<!tpu.dma_semaphore, #tpu.memory_space<semaphore_mem>>)
      tpu.wait_dma2 semaphore(%run_scoped3A : memref<!tpu.dma_semaphore, #tpu.memory_space<semaphore_mem>>) src(%arg4 : memref<80x128xf32, #tpu.memory_space<hbm>>) dst(%arg7 : memref<80x128xf32, #tpu.memory_space<vmem>>)
      tpu.yield
    }) : () -> ()
    %scan3A = arith.constant 0 : i32
    %scan3A_0 = arith.constant 0 : i32
    %scan3A_1 = arith.constant 10 : i32
    %scan3A_2 = arith.addi %scan3A_0, %scan3A_1 : i32
    %scan3A_3 = arith.constant 1 : i32
    scf.for %scan3A_26 = %scan3A_0 to %scan3A_2 step %scan3A_3  : i32 {
      %mul3A_27 = arith.constant 800 : i32
      %mul3A_28 = arith.muli %arg1, %mul3A_27 : i32
      %mul3A_29 = arith.constant 80 : i32
      %mul3A_30 = arith.muli %scan3A_26, %mul3A_29 : i32
      %add3A_31 = arith.addi %mul3A_28, %mul3A_30 : i32
      "tpu.region"() ({
        %run_scoped3A = tpu.sem_alloc : memref<!tpu.dma_semaphore, #tpu.memory_space<semaphore_mem>>
        %dma_start3A = arith.constant 0 : i32
        %dma_start3A_32 = tpu.memref_slice %arg6[%add3A_31, %dma_start3A] : memref<12800x128xf32, #tpu.memory_space<vmem_shared>> -> memref<80x128xf32, #tpu.memory_space<vmem_shared>>
        %dma_start3A_33 = arith.constant 0 : i32
        %dma_start3A_34 = tpu.memref_slice %arg6[%add3A_31, %dma_start3A_33] : memref<12800x128xf32, #tpu.memory_space<vmem_shared>> -> memref<80x128xf32, #tpu.memory_space<vmem_shared>>
        tpu.enqueue_dma source(%arg7 : memref<80x128xf32, #tpu.memory_space<vmem>>) target(%dma_start3A_34 : memref<80x128xf32, #tpu.memory_space<vmem_shared>>) target_semaphore(%run_scoped3A : memref<!tpu.dma_semaphore, #tpu.memory_space<semaphore_mem>>)
        %dma_wait3A = arith.constant 0 : i32
        %dma_wait3A_35 = tpu.memref_slice %arg6[%add3A_31, %dma_wait3A] : memref<12800x128xf32, #tpu.memory_space<vmem_shared>> -> memref<80x128xf32, #tpu.memory_space<vmem_shared>>
        %dma_wait3A_36 = arith.constant 0 : i32
        %dma_wait3A_37 = tpu.memref_slice %arg6[%add3A_31, %dma_wait3A_36] : memref<12800x128xf32, #tpu.memory_space<vmem_shared>> -> memref<80x128xf32, #tpu.memory_space<vmem_shared>>
        tpu.wait_dma2 semaphore(%run_scoped3A : memref<!tpu.dma_semaphore, #tpu.memory_space<semaphore_mem>>) src(%arg7 : memref<80x128xf32, #tpu.memory_space<vmem>>) dst(%dma_wait3A_37 : memref<80x128xf32, #tpu.memory_space<vmem_shared>>)
        tpu.yield
      }) : () -> ()
    }
    %scan3A_4 = arith.constant 10 : i32
    %barrier3A = arith.constant 0 : index
    tpu.barrier barrier_id(%barrier3A)
    %mul3A = arith.constant 160000 : i32
    %mul3A_5 = arith.muli %arg0, %mul3A : i32
    %mul3A_6 = arith.constant 10000 : i32
    %mul3A_7 = arith.muli %arg1, %mul3A_6 : i32
    %add3A = arith.addi %mul3A_5, %mul3A_7 : i32
    %scan3A_8 = arith.constant 0 : i32
    %scan3A_9 = arith.constant 0 : i32
    %scan3A_10 = arith.constant 125 : i32
    %scan3A_11 = arith.addi %scan3A_9, %scan3A_10 : i32
    %scan3A_12 = arith.constant 1 : i32
    scf.for %scan3A_26 = %scan3A_9 to %scan3A_11 step %scan3A_12  : i32 {
      %mul3A_27 = arith.constant 80 : i32
      %mul3A_28 = arith.muli %scan3A_26, %mul3A_27 : i32
      %add3A_29 = arith.addi %add3A, %mul3A_28 : i32
      "tpu.region"() ({
        %run_scoped3A = tpu.sem_alloc : memref<!tpu.dma_semaphore, #tpu.memory_space<semaphore_mem>>
        %dma_start3A = tpu.memref_slice %arg3[%add3A_29] : memref<320000xi32, #tpu.memory_space<hbm>> -> memref<80xi32, #tpu.memory_space<hbm>>
        %dma_start3A_30 = tpu.memref_slice %arg3[%add3A_29] : memref<320000xi32, #tpu.memory_space<hbm>> -> memref<80xi32, #tpu.memory_space<hbm>>
        tpu.enqueue_dma source(%dma_start3A_30 : memref<80xi32, #tpu.memory_space<hbm>>) target(%arg8 : memref<80xi32, #tpu.memory_space<vmem>>) target_semaphore(%run_scoped3A : memref<!tpu.dma_semaphore, #tpu.memory_space<semaphore_mem>>)
        %dma_wait3A = tpu.memref_slice %arg3[%add3A_29] : memref<320000xi32, #tpu.memory_space<hbm>> -> memref<80xi32, #tpu.memory_space<hbm>>
        %dma_wait3A_31 = tpu.memref_slice %arg3[%add3A_29] : memref<320000xi32, #tpu.memory_space<hbm>> -> memref<80xi32, #tpu.memory_space<hbm>>
        tpu.wait_dma2 semaphore(%run_scoped3A : memref<!tpu.dma_semaphore, #tpu.memory_space<semaphore_mem>>) src(%dma_wait3A_31 : memref<80xi32, #tpu.memory_space<hbm>>) dst(%arg8 : memref<80xi32, #tpu.memory_space<vmem>>)
        tpu.yield
      }) : () -> ()
      "tpu.region"() ({
        %run_scoped3A = tpu.sem_alloc : memref<!tpu.dma_semaphore, #tpu.memory_space<semaphore_mem>>
        %dma_start3A = arith.constant 0 : i32
        %dma_start3A_30 = tpu.memref_slice %arg2[%add3A_29, %dma_start3A] : memref<320000x128xf32, #tpu.memory_space<hbm>> -> memref<80x128xf32, #tpu.memory_space<hbm>>
        %dma_start3A_31 = arith.constant 0 : i32
        %dma_start3A_32 = tpu.memref_slice %arg2[%add3A_29, %dma_start3A_31] : memref<320000x128xf32, #tpu.memory_space<hbm>> -> memref<80x128xf32, #tpu.memory_space<hbm>>
        tpu.enqueue_dma source(%dma_start3A_32 : memref<80x128xf32, #tpu.memory_space<hbm>>) target(%arg7 : memref<80x128xf32, #tpu.memory_space<vmem>>) target_semaphore(%run_scoped3A : memref<!tpu.dma_semaphore, #tpu.memory_space<semaphore_mem>>)
        %dma_wait3A = arith.constant 0 : i32
        %dma_wait3A_33 = tpu.memref_slice %arg2[%add3A_29, %dma_wait3A] : memref<320000x128xf32, #tpu.memory_space<hbm>> -> memref<80x128xf32, #tpu.memory_space<hbm>>
        %dma_wait3A_34 = arith.constant 0 : i32
        %dma_wait3A_35 = tpu.memref_slice %arg2[%add3A_29, %dma_wait3A_34] : memref<320000x128xf32, #tpu.memory_space<hbm>> -> memref<80x128xf32, #tpu.memory_space<hbm>>
        tpu.wait_dma2 semaphore(%run_scoped3A : memref<!tpu.dma_semaphore, #tpu.memory_space<semaphore_mem>>) src(%dma_wait3A_35 : memref<80x128xf32, #tpu.memory_space<hbm>>) dst(%arg7 : memref<80x128xf32, #tpu.memory_space<vmem>>)
        tpu.yield
      }) : () -> ()
      "tpu.region"() ({
        %run_scoped3A = tpu.sem_alloc : memref<!tpu.dma_semaphore, #tpu.memory_space<semaphore_mem>>
        %dma_start3A = arith.constant 0 : i32
        %dma_start3A_30 = arith.constant 0 : i32
        %dma_start3A_31 = tpu.memref_slice %arg6[%dma_start3A, %dma_start3A_30] : memref<12800x128xf32, #tpu.memory_space<vmem_shared>> -> memref<12800x128xf32, #tpu.memory_space<vmem_shared>>
        tpu.enqueue_indirect_dma source(%arg7 : memref<80x128xf32, #tpu.memory_space<vmem>>) target(%dma_start3A_31 : memref<12800x128xf32, #tpu.memory_space<vmem_shared>>) offsets(%arg8 : memref<80xi32, #tpu.memory_space<vmem>>) semaphore(%run_scoped3A : memref<!tpu.dma_semaphore, #tpu.memory_space<semaphore_mem>>) {add = true}
        %dma_wait3A = arith.constant 0 : i32
        %dma_wait3A_32 = arith.constant 0 : i32
        %dma_wait3A_33 = tpu.memref_slice %arg6[%dma_wait3A, %dma_wait3A_32] : memref<12800x128xf32, #tpu.memory_space<vmem_shared>> -> memref<12800x128xf32, #tpu.memory_space<vmem_shared>>
        tpu.wait_indirect_dma semaphore(%run_scoped3A : memref<!tpu.dma_semaphore, #tpu.memory_space<semaphore_mem>>) src(%arg7 : memref<80x128xf32, #tpu.memory_space<vmem>>) dst(%dma_wait3A_33 : memref<12800x128xf32, #tpu.memory_space<vmem_shared>>)
        tpu.yield
      }) : () -> ()
    }
    %scan3A_13 = arith.constant 125 : i32
    %barrier3A_14 = arith.constant 0 : index
    tpu.barrier barrier_id(%barrier3A_14)
    %mul3A_15 = arith.constant 12800 : i32
    %mul3A_16 = arith.muli %arg0, %mul3A_15 : i32
    %mul3A_17 = arith.constant 800 : i32
    %mul3A_18 = arith.muli %arg1, %mul3A_17 : i32
    %add3A_19 = arith.addi %mul3A_16, %mul3A_18 : i32
    %scan3A_20 = arith.constant 0 : i32
    %scan3A_21 = arith.constant 0 : i32
    %scan3A_22 = arith.constant 10 : i32
    %scan3A_23 = arith.addi %scan3A_21, %scan3A_22 : i32
    %scan3A_24 = arith.constant 1 : i32
    scf.for %scan3A_26 = %scan3A_21 to %scan3A_23 step %scan3A_24  : i32 {
      %mul3A_27 = arith.constant 800 : i32
      %mul3A_28 = arith.muli %arg1, %mul3A_27 : i32
      %mul3A_29 = arith.constant 80 : i32
      %mul3A_30 = arith.muli %scan3A_26, %mul3A_29 : i32
      %add3A_31 = arith.addi %mul3A_28, %mul3A_30 : i32
      "tpu.region"() ({
        %run_scoped3A = tpu.sem_alloc : memref<!tpu.dma_semaphore, #tpu.memory_space<semaphore_mem>>
        %dma_start3A = arith.constant 0 : i32
        %dma_start3A_35 = tpu.memref_slice %arg6[%add3A_31, %dma_start3A] : memref<12800x128xf32, #tpu.memory_space<vmem_shared>> -> memref<80x128xf32, #tpu.memory_space<vmem_shared>>
        %dma_start3A_36 = arith.constant 0 : i32
        %dma_start3A_37 = tpu.memref_slice %arg6[%add3A_31, %dma_start3A_36] : memref<12800x128xf32, #tpu.memory_space<vmem_shared>> -> memref<80x128xf32, #tpu.memory_space<vmem_shared>>
        tpu.enqueue_dma source(%dma_start3A_37 : memref<80x128xf32, #tpu.memory_space<vmem_shared>>) target(%arg7 : memref<80x128xf32, #tpu.memory_space<vmem>>) target_semaphore(%run_scoped3A : memref<!tpu.dma_semaphore, #tpu.memory_space<semaphore_mem>>)
        %dma_wait3A = arith.constant 0 : i32
        %dma_wait3A_38 = tpu.memref_slice %arg6[%add3A_31, %dma_wait3A] : memref<12800x128xf32, #tpu.memory_space<vmem_shared>> -> memref<80x128xf32, #tpu.memory_space<vmem_shared>>
        %dma_wait3A_39 = arith.constant 0 : i32
        %dma_wait3A_40 = tpu.memref_slice %arg6[%add3A_31, %dma_wait3A_39] : memref<12800x128xf32, #tpu.memory_space<vmem_shared>> -> memref<80x128xf32, #tpu.memory_space<vmem_shared>>
        tpu.wait_dma2 semaphore(%run_scoped3A : memref<!tpu.dma_semaphore, #tpu.memory_space<semaphore_mem>>) src(%dma_wait3A_40 : memref<80x128xf32, #tpu.memory_space<vmem_shared>>) dst(%arg7 : memref<80x128xf32, #tpu.memory_space<vmem>>)
        tpu.yield
      }) : () -> ()
      %mul3A_32 = arith.constant 80 : i32
      %mul3A_33 = arith.muli %scan3A_26, %mul3A_32 : i32
      %add3A_34 = arith.addi %add3A_19, %mul3A_33 : i32
      "tpu.region"() ({
        %run_scoped3A = tpu.sem_alloc : memref<!tpu.dma_semaphore, #tpu.memory_space<semaphore_mem>>
        %dma_start3A = arith.constant 0 : i32
        %dma_start3A_35 = tpu.memref_slice %arg5[%add3A_34, %dma_start3A] : memref<25600x128xf32, #tpu.memory_space<hbm>> -> memref<80x128xf32, #tpu.memory_space<hbm>>
        %dma_start3A_36 = arith.constant 0 : i32
        %dma_start3A_37 = tpu.memref_slice %arg5[%add3A_34, %dma_start3A_36] : memref<25600x128xf32, #tpu.memory_space<hbm>> -> memref<80x128xf32, #tpu.memory_space<hbm>>
        tpu.enqueue_dma source(%arg7 : memref<80x128xf32, #tpu.memory_space<vmem>>) target(%dma_start3A_37 : memref<80x128xf32, #tpu.memory_space<hbm>>) target_semaphore(%run_scoped3A : memref<!tpu.dma_semaphore, #tpu.memory_space<semaphore_mem>>)
        %dma_wait3A = arith.constant 0 : i32
        %dma_wait3A_38 = tpu.memref_slice %arg5[%add3A_34, %dma_wait3A] : memref<25600x128xf32, #tpu.memory_space<hbm>> -> memref<80x128xf32, #tpu.memory_space<hbm>>
        %dma_wait3A_39 = arith.constant 0 : i32
        %dma_wait3A_40 = tpu.memref_slice %arg5[%add3A_34, %dma_wait3A_39] : memref<25600x128xf32, #tpu.memory_space<hbm>> -> memref<80x128xf32, #tpu.memory_space<hbm>>
        tpu.wait_dma2 semaphore(%run_scoped3A : memref<!tpu.dma_semaphore, #tpu.memory_space<semaphore_mem>>) src(%arg7 : memref<80x128xf32, #tpu.memory_space<vmem>>) dst(%dma_wait3A_40 : memref<80x128xf32, #tpu.memory_space<hbm>>)
        tpu.yield
      }) : () -> ()
    }
    %scan3A_25 = arith.constant 10 : i32
    return
  }
}

module attributes {stable_mosaic.version = 14 : i64} {
  func.func @_project_kernel(%arg0: i32, %arg1: memref<400x128xf32, #tpu.memory_space<vmem>>, %arg2: memref<128x512xf32, #tpu.memory_space<vmem>>, %arg3: memref<1x512xf32, #tpu.memory_space<vmem>>, %arg4: memref<400x128xf32, #tpu.memory_space<vmem>>, %arg5: memref<400x256xf32, #tpu.memory_space<vmem>>, %arg6: memref<400x128xf32, #tpu.memory_space<vmem>>) attributes {dimension_semantics = [#tpu.dimension_semantics<arbitrary>], iteration_bounds = array<i64: 25>, scalar_prefetch = 0 : i64, scratch_operands = 0 : i64, tpu.core_type = #tpu.core_type<tc>, window_params = [{transform_indices = @transform_0, window_bounds = array<i64: 400, 128>}, {pipeline_mode = #tpu.pipeline_mode<synchronous>, transform_indices = @transform_1, window_bounds = array<i64: 128, 512>}, {pipeline_mode = #tpu.pipeline_mode<synchronous>, transform_indices = @transform_2, window_bounds = array<i64: 1, 512>}, {transform_indices = @transform_3, window_bounds = array<i64: 400, 128>}, {transform_indices = @transform_4, window_bounds = array<i64: 400, 256>}, {transform_indices = @transform_5, window_bounds = array<i64: 400, 128>}]} {
    %get3A = arith.constant 0 : index
    %get3A_0 = arith.constant 0 : index
    %get3A_1 = vector.load %arg1[%get3A, %get3A_0] : memref<400x128xf32, #tpu.memory_space<vmem>>, vector<400x128xf32>
    %get3A_2 = arith.constant 0 : index
    %get3A_3 = arith.constant 0 : index
    %get3A_4 = vector.load %arg2[%get3A_2, %get3A_3] : memref<128x512xf32, #tpu.memory_space<vmem>>, vector<128x512xf32>
    %dot_general3A = arith.constant dense<0.000000e+00> : vector<400x512xf32>
    %dot_general3A_5 = tpu.matmul %get3A_1, %get3A_4, %dot_general3A {dimension_numbers = #tpu.dot_dimension_numbers<[1], [0], [0], [1], [0, 0, 1, 1], [], []>, transpose_lhs_hint = false} : vector<400x128xf32>, vector<128x512xf32>, vector<400x512xf32> -> vector<400x512xf32>
    %get3A_6 = arith.constant 0 : index
    %get3A_7 = arith.constant 0 : index
    %get3A_8 = vector.load %arg3[%get3A_6, %get3A_7] : memref<1x512xf32, #tpu.memory_space<vmem>>, vector<1x512xf32>
    %add3A = vector.broadcast %get3A_8 : vector<1x512xf32> to vector<400x512xf32>
    %add3A_9 = arith.addf %dot_general3A_5, %add3A : vector<400x512xf32>
    %slice3A = vector.extract_strided_slice %add3A_9 {offsets = [0, 0], sizes = [400, 128], strides = [1, 1]} : vector<400x512xf32> to vector<400x128xf32>
    %swap3A = arith.constant 0 : index
    %swap3A_10 = arith.constant 0 : index
    %swap3A_11 = vector.load %arg4[%swap3A, %swap3A_10] : memref<400x128xf32, #tpu.memory_space<vmem>>, vector<400x128xf32>
    tpu.vector_store %arg4[%swap3A, %swap3A_10], %slice3A {strides = array<i32>} : memref<400x128xf32, #tpu.memory_space<vmem>>, vector<400x128xf32>,
    %slice3A_12 = vector.extract_strided_slice %add3A_9 {offsets = [0, 128], sizes = [400, 256], strides = [1, 1]} : vector<400x512xf32> to vector<400x256xf32>
    %swap3A_13 = arith.constant 0 : index
    %swap3A_14 = arith.constant 0 : index
    %swap3A_15 = vector.load %arg5[%swap3A_13, %swap3A_14] : memref<400x256xf32, #tpu.memory_space<vmem>>, vector<400x256xf32>
    tpu.vector_store %arg5[%swap3A_13, %swap3A_14], %slice3A_12 {strides = array<i32>} : memref<400x256xf32, #tpu.memory_space<vmem>>, vector<400x256xf32>,
    %slice3A_16 = vector.extract_strided_slice %add3A_9 {offsets = [0, 384], sizes = [400, 128], strides = [1, 1]} : vector<400x512xf32> to vector<400x128xf32>
    %swap3A_17 = arith.constant 0 : index
    %swap3A_18 = arith.constant 0 : index
    %swap3A_19 = vector.load %arg6[%swap3A_17, %swap3A_18] : memref<400x128xf32, #tpu.memory_space<vmem>>, vector<400x128xf32>
    tpu.vector_store %arg6[%swap3A_17, %swap3A_18], %slice3A_16 {strides = array<i32>} : memref<400x128xf32, #tpu.memory_space<vmem>>, vector<400x128xf32>,
    return
  }
  func.func @transform_0(%arg0: i32) -> (i32, i32) {
    %c0_i32 = arith.constant 0 : i32
    %c0_i32_0 = arith.constant 0 : i32
    return %arg0, %c0_i32 : i32, i32
  }
  func.func @transform_1(%arg0: i32) -> (i32, i32) {
    %c0_i32 = arith.constant 0 : i32
    %c0_i32_0 = arith.constant 0 : i32
    %c0_i32_1 = arith.constant 0 : i32
    return %c0_i32, %c0_i32_0 : i32, i32
  }
  func.func @transform_2(%arg0: i32) -> (i32, i32) {
    %c0_i32 = arith.constant 0 : i32
    %c0_i32_0 = arith.constant 0 : i32
    %c0_i32_1 = arith.constant 0 : i32
    return %c0_i32, %c0_i32_0 : i32, i32
  }
  func.func @transform_3(%arg0: i32) -> (i32, i32) {
    %c0_i32 = arith.constant 0 : i32
    %c0_i32_0 = arith.constant 0 : i32
    return %arg0, %c0_i32 : i32, i32
  }
  func.func @transform_4(%arg0: i32) -> (i32, i32) {
    %c0_i32 = arith.constant 0 : i32
    %c0_i32_0 = arith.constant 0 : i32
    return %arg0, %c0_i32 : i32, i32
  }
  func.func @transform_5(%arg0: i32) -> (i32, i32) {
    %c0_i32 = arith.constant 0 : i32
    %c0_i32_0 = arith.constant 0 : i32
    return %arg0, %c0_i32 : i32, i32
  }
}

module attributes {stable_mosaic.version = 14 : i64} {
  func.func @_edge_kernel(%arg0: i32, %arg1: memref<1000x128xf32, #tpu.memory_space<vmem>>, %arg2: memref<1000x256xf32, #tpu.memory_space<vmem>>, %arg3: memref<1000x1xf32, #tpu.memory_space<vmem>>, %arg4: memref<1000x1xf32, #tpu.memory_space<vmem>>, %arg5: memref<1000x16xf32, #tpu.memory_space<vmem>>, %arg6: memref<1x64xf32, #tpu.memory_space<vmem>>, %arg7: memref<1x64xf32, #tpu.memory_space<vmem>>, %arg8: memref<16x64xf32, #tpu.memory_space<vmem>>, %arg9: memref<1x64xf32, #tpu.memory_space<vmem>>, %arg10: memref<128x128xf32, #tpu.memory_space<vmem>>, %arg11: memref<1x128xf32, #tpu.memory_space<vmem>>, %arg12: memref<1000x128xf32, #tpu.memory_space<vmem>>, %arg13: memref<1000x128xf32, #tpu.memory_space<vmem>>) attributes {dimension_semantics = [#tpu.dimension_semantics<arbitrary>], iteration_bounds = array<i64: 320>, scalar_prefetch = 0 : i64, scratch_operands = 0 : i64, tpu.core_type = #tpu.core_type<tc>, window_params = [{transform_indices = @transform_0, window_bounds = array<i64: 1000, 128>}, {transform_indices = @transform_1, window_bounds = array<i64: 1000, 256>}, {transform_indices = @transform_2, window_bounds = array<i64: 1000, 1>}, {transform_indices = @transform_3, window_bounds = array<i64: 1000, 1>}, {transform_indices = @transform_4, window_bounds = array<i64: 1000, 16>}, {pipeline_mode = #tpu.pipeline_mode<synchronous>, transform_indices = @transform_5, window_bounds = array<i64: 1, 64>}, {pipeline_mode = #tpu.pipeline_mode<synchronous>, transform_indices = @transform_6, window_bounds = array<i64: 1, 64>}, {pipeline_mode = #tpu.pipeline_mode<synchronous>, transform_indices = @transform_7, window_bounds = array<i64: 16, 64>}, {pipeline_mode = #tpu.pipeline_mode<synchronous>, transform_indices = @transform_8, window_bounds = array<i64: 1, 64>}, {pipeline_mode = #tpu.pipeline_mode<synchronous>, transform_indices = @transform_9, window_bounds = array<i64: 128, 128>}, {pipeline_mode = #tpu.pipeline_mode<synchronous>, transform_indices = @transform_10, window_bounds = array<i64: 1, 128>}, {transform_indices = @transform_11, window_bounds = array<i64: 1000, 128>}, {transform_indices = @transform_12, window_bounds = array<i64: 1000, 128>}]} {
    %get3A = arith.constant 0 : index
    %get3A_0 = arith.constant 0 : index
    %get3A_1 = vector.load %arg3[%get3A, %get3A_0] : memref<1000x1xf32, #tpu.memory_space<vmem>>, vector<1000x1xf32>
    %get3A_2 = arith.constant 0 : index
    %get3A_3 = arith.constant 0 : index
    %get3A_4 = vector.load %arg4[%get3A_2, %get3A_3] : memref<1000x1xf32, #tpu.memory_space<vmem>>, vector<1000x1xf32>
    %sub3A = arith.subf %get3A_1, %get3A_4 : vector<1000x1xf32>
    %get3A_5 = arith.constant 0 : index
    %get3A_6 = arith.constant 0 : index
    %get3A_7 = vector.load %arg6[%get3A_5, %get3A_6] : memref<1x64xf32, #tpu.memory_space<vmem>>, vector<1x64xf32>
    %mul3A = vector.broadcast %sub3A : vector<1000x1xf32> to vector<1000x64xf32>
    %mul3A_8 = vector.broadcast %get3A_7 : vector<1x64xf32> to vector<1000x64xf32>
    %mul3A_9 = arith.mulf %mul3A, %mul3A_8 : vector<1000x64xf32>
    %get3A_10 = arith.constant 0 : index
    %get3A_11 = arith.constant 0 : index
    %get3A_12 = vector.load %arg7[%get3A_10, %get3A_11] : memref<1x64xf32, #tpu.memory_space<vmem>>, vector<1x64xf32>
    %add3A = vector.broadcast %get3A_12 : vector<1x64xf32> to vector<1000x64xf32>
    %add3A_13 = arith.addf %mul3A_9, %add3A : vector<1000x64xf32>
    %cos3A = math.cos %add3A_13 : vector<1000x64xf32>
    %get3A_14 = arith.constant 0 : index
    %get3A_15 = arith.constant 0 : index
    %get3A_16 = vector.load %arg5[%get3A_14, %get3A_15] : memref<1000x16xf32, #tpu.memory_space<vmem>>, vector<1000x16xf32>
    %get3A_17 = arith.constant 0 : index
    %get3A_18 = arith.constant 0 : index
    %get3A_19 = vector.load %arg8[%get3A_17, %get3A_18] : memref<16x64xf32, #tpu.memory_space<vmem>>, vector<16x64xf32>
    %dot_general3A = arith.constant dense<0.000000e+00> : vector<1000x64xf32>
    %dot_general3A_20 = tpu.matmul %get3A_16, %get3A_19, %dot_general3A {dimension_numbers = #tpu.dot_dimension_numbers<[1], [0], [0], [1], [0, 0, 1, 1], [], []>, transpose_lhs_hint = false} : vector<1000x16xf32>, vector<16x64xf32>, vector<1000x64xf32> -> vector<1000x64xf32>
    %get3A_21 = arith.constant 0 : index
    %get3A_22 = arith.constant 0 : index
    %get3A_23 = vector.load %arg9[%get3A_21, %get3A_22] : memref<1x64xf32, #tpu.memory_space<vmem>>, vector<1x64xf32>
    %add3A_24 = vector.broadcast %get3A_23 : vector<1x64xf32> to vector<1000x64xf32>
    %add3A_25 = arith.addf %dot_general3A_20, %add3A_24 : vector<1000x64xf32>
    %concatenate3A = tpu.concatenate %cos3A, %add3A_25 in 1 : vector<1000x64xf32>, vector<1000x64xf32> -> vector<1000x128xf32>
    %get3A_26 = arith.constant 0 : index
    %get3A_27 = arith.constant 0 : index
    %get3A_28 = vector.load %arg10[%get3A_26, %get3A_27] : memref<128x128xf32, #tpu.memory_space<vmem>>, vector<128x128xf32>
    %dot_general3A_29 = arith.constant dense<0.000000e+00> : vector<1000x128xf32>
    %dot_general3A_30 = tpu.matmul %concatenate3A, %get3A_28, %dot_general3A_29 {dimension_numbers = #tpu.dot_dimension_numbers<[1], [0], [0], [1], [0, 0, 1, 1], [], []>, transpose_lhs_hint = false} : vector<1000x128xf32>, vector<128x128xf32>, vector<1000x128xf32> -> vector<1000x128xf32>
    %get3A_31 = arith.constant 0 : index
    %get3A_32 = arith.constant 0 : index
    %get3A_33 = vector.load %arg11[%get3A_31, %get3A_32] : memref<1x128xf32, #tpu.memory_space<vmem>>, vector<1x128xf32>
    %add3A_34 = vector.broadcast %get3A_33 : vector<1x128xf32> to vector<1000x128xf32>
    %add3A_35 = arith.addf %dot_general3A_30, %add3A_34 : vector<1000x128xf32>
    %get3A_36 = arith.constant 0 : index
    %get3A_37 = arith.constant 0 : index
    %get3A_38 = vector.load %arg1[%get3A_36, %get3A_37] : memref<1000x128xf32, #tpu.memory_space<vmem>>, vector<1000x128xf32>
    %get3A_39 = arith.constant 0 : index
    %get3A_40 = arith.constant 0 : index
    %get3A_41 = vector.load %arg2[%get3A_39, %get3A_40] : memref<1000x256xf32, #tpu.memory_space<vmem>>, vector<1000x128xf32>
    %add3A_42 = arith.addf %get3A_41, %add3A_35 : vector<1000x128xf32>
    %get3A_43 = arith.constant 0 : index
    %get3A_44 = arith.constant 128 : index
    %get3A_45 = vector.load %arg2[%get3A_43, %get3A_44] : memref<1000x256xf32, #tpu.memory_space<vmem>>, vector<1000x128xf32>
    %add3A_46 = arith.addf %get3A_45, %add3A_35 : vector<1000x128xf32>
    %slice3A = vector.extract_strided_slice %get3A_38 {offsets = [0, 0], sizes = [1000, 64], strides = [1, 1]} : vector<1000x128xf32> to vector<1000x64xf32>
    %slice3A_47 = vector.extract_strided_slice %add3A_42 {offsets = [0, 0], sizes = [1000, 64], strides = [1, 1]} : vector<1000x128xf32> to vector<1000x64xf32>
    %mul3A_48 = arith.mulf %slice3A, %slice3A_47 : vector<1000x64xf32>
    %reduce_sum3A = arith.constant dense<0.000000e+00> : vector<1000xf32>
    %reduce_sum3A_49 = vector.multi_reduction <add>, %mul3A_48, %reduce_sum3A [1] : vector<1000x64xf32> to vector<1000xf32>
    %broadcast_in_dim3A = vector.shape_cast %reduce_sum3A_49 : vector<1000xf32> to vector<1000x1xf32>
    %mul3A_50 = arith.constant 1.250000e-01 : f32
    %mul3A_51 = vector.broadcast %mul3A_50 : f32 to vector<1000x1xf32>
    %mul3A_52 = arith.mulf %broadcast_in_dim3A, %mul3A_51 : vector<1000x1xf32>
    %slice3A_53 = vector.extract_strided_slice %get3A_38 {offsets = [0, 64], sizes = [1000, 64], strides = [1, 1]} : vector<1000x128xf32> to vector<1000x64xf32>
    %slice3A_54 = vector.extract_strided_slice %add3A_42 {offsets = [0, 64], sizes = [1000, 64], strides = [1, 1]} : vector<1000x128xf32> to vector<1000x64xf32>
    %mul3A_55 = arith.mulf %slice3A_53, %slice3A_54 : vector<1000x64xf32>
    %reduce_sum3A_56 = arith.constant dense<0.000000e+00> : vector<1000xf32>
    %reduce_sum3A_57 = vector.multi_reduction <add>, %mul3A_55, %reduce_sum3A_56 [1] : vector<1000x64xf32> to vector<1000xf32>
    %broadcast_in_dim3A_58 = vector.shape_cast %reduce_sum3A_57 : vector<1000xf32> to vector<1000x1xf32>
    %mul3A_59 = arith.constant 1.250000e-01 : f32
    %mul3A_60 = vector.broadcast %mul3A_59 : f32 to vector<1000x1xf32>
    %mul3A_61 = arith.mulf %broadcast_in_dim3A_58, %mul3A_60 : vector<1000x1xf32>
    %exp3A = math.exp %mul3A_52 : vector<1000x1xf32>
    %exp3A_62 = math.exp %mul3A_61 : vector<1000x1xf32>
    %broadcast_in_dim3A_63 = arith.constant 0.000000e+00 : f32
    %broadcast_in_dim3A_64 = vector.broadcast %broadcast_in_dim3A_63 : f32 to vector<1000x63xf32>
    %slice3A_65 = vector.extract_strided_slice %add3A_46 {offsets = [0, 0], sizes = [1000, 64], strides = [1, 1]} : vector<1000x128xf32> to vector<1000x64xf32>
    %mul3A_66 = vector.broadcast %exp3A : vector<1000x1xf32> to vector<1000x64xf32>
    %mul3A_67 = arith.mulf %slice3A_65, %mul3A_66 : vector<1000x64xf32>
    %concatenate3A_68 = tpu.concatenate %mul3A_67, %exp3A, %broadcast_in_dim3A_64 in 1 : vector<1000x64xf32>, vector<1000x1xf32>, vector<1000x63xf32> -> vector<1000x128xf32>
    %swap3A = arith.constant 0 : index
    %swap3A_69 = arith.constant 0 : index
    %swap3A_70 = vector.load %arg12[%swap3A, %swap3A_69] : memref<1000x128xf32, #tpu.memory_space<vmem>>, vector<1000x128xf32>
    tpu.vector_store %arg12[%swap3A, %swap3A_69], %concatenate3A_68 {strides = array<i32>} : memref<1000x128xf32, #tpu.memory_space<vmem>>, vector<1000x128xf32>,
    %slice3A_71 = vector.extract_strided_slice %add3A_46 {offsets = [0, 64], sizes = [1000, 64], strides = [1, 1]} : vector<1000x128xf32> to vector<1000x64xf32>
    %mul3A_72 = vector.broadcast %exp3A_62 : vector<1000x1xf32> to vector<1000x64xf32>
    %mul3A_73 = arith.mulf %slice3A_71, %mul3A_72 : vector<1000x64xf32>
    %concatenate3A_74 = tpu.concatenate %mul3A_73, %exp3A_62, %broadcast_in_dim3A_64 in 1 : vector<1000x64xf32>, vector<1000x1xf32>, vector<1000x63xf32> -> vector<1000x128xf32>
    %swap3A_75 = arith.constant 0 : index
    %swap3A_76 = arith.constant 0 : index
    %swap3A_77 = vector.load %arg13[%swap3A_75, %swap3A_76] : memref<1000x128xf32, #tpu.memory_space<vmem>>, vector<1000x128xf32>
    tpu.vector_store %arg13[%swap3A_75, %swap3A_76], %concatenate3A_74 {strides = array<i32>} : memref<1000x128xf32, #tpu.memory_space<vmem>>, vector<1000x128xf32>,
    return
  }
  func.func @transform_0(%arg0: i32) -> (i32, i32) {
    %c0_i32 = arith.constant 0 : i32
    %c0_i32_0 = arith.constant 0 : i32
    return %arg0, %c0_i32 : i32, i32
  }
  func.func @transform_1(%arg0: i32) -> (i32, i32) {
    %c0_i32 = arith.constant 0 : i32
    %c0_i32_0 = arith.constant 0 : i32
    return %arg0, %c0_i32 : i32, i32
  }
  func.func @transform_2(%arg0: i32) -> (i32, i32) {
    %c0_i32 = arith.constant 0 : i32
    %c0_i32_0 = arith.constant 0 : i32
    return %arg0, %c0_i32 : i32, i32
  }
  func.func @transform_3(%arg0: i32) -> (i32, i32) {
    %c0_i32 = arith.constant 0 : i32
    %c0_i32_0 = arith.constant 0 : i32
    return %arg0, %c0_i32 : i32, i32
  }
  func.func @transform_4(%arg0: i32) -> (i32, i32) {
    %c0_i32 = arith.constant 0 : i32
    %c0_i32_0 = arith.constant 0 : i32
    return %arg0, %c0_i32 : i32, i32
  }
  func.func @transform_5(%arg0: i32) -> (i32, i32) {
    %c0_i32 = arith.constant 0 : i32
    %c0_i32_0 = arith.constant 0 : i32
    %c0_i32_1 = arith.constant 0 : i32
    return %c0_i32, %c0_i32_0 : i32, i32
  }
  func.func @transform_6(%arg0: i32) -> (i32, i32) {
    %c0_i32 = arith.constant 0 : i32
    %c0_i32_0 = arith.constant 0 : i32
    %c0_i32_1 = arith.constant 0 : i32
    return %c0_i32, %c0_i32_0 : i32, i32
  }
  func.func @transform_7(%arg0: i32) -> (i32, i32) {
    %c0_i32 = arith.constant 0 : i32
    %c0_i32_0 = arith.constant 0 : i32
    %c0_i32_1 = arith.constant 0 : i32
    return %c0_i32, %c0_i32_0 : i32, i32
  }
  func.func @transform_8(%arg0: i32) -> (i32, i32) {
    %c0_i32 = arith.constant 0 : i32
    %c0_i32_0 = arith.constant 0 : i32
    %c0_i32_1 = arith.constant 0 : i32
    return %c0_i32, %c0_i32_0 : i32, i32
  }
  func.func @transform_9(%arg0: i32) -> (i32, i32) {
    %c0_i32 = arith.constant 0 : i32
    %c0_i32_0 = arith.constant 0 : i32
    %c0_i32_1 = arith.constant 0 : i32
    return %c0_i32, %c0_i32_0 : i32, i32
  }
  func.func @transform_10(%arg0: i32) -> (i32, i32) {
    %c0_i32 = arith.constant 0 : i32
    %c0_i32_0 = arith.constant 0 : i32
    %c0_i32_1 = arith.constant 0 : i32
    return %c0_i32, %c0_i32_0 : i32, i32
  }
  func.func @transform_11(%arg0: i32) -> (i32, i32) {
    %c0_i32 = arith.constant 0 : i32
    %c0_i32_0 = arith.constant 0 : i32
    return %arg0, %c0_i32 : i32, i32
  }
  func.func @transform_12(%arg0: i32) -> (i32, i32) {
    %c0_i32 = arith.constant 0 : i32
    %c0_i32_0 = arith.constant 0 : i32
    return %arg0, %c0_i32 : i32, i32
  }
}

module attributes {stable_mosaic.version = 14 : i64} {
  func.func @_mid_kernel(%arg0: i32, %arg1: memref<400x128xf32, #tpu.memory_space<vmem>>, %arg2: memref<400x128xf32, #tpu.memory_space<vmem>>, %arg3: memref<400x128xf32, #tpu.memory_space<vmem>>, %arg4: memref<400x128xf32, #tpu.memory_space<vmem>>, %arg5: memref<400x128xf32, #tpu.memory_space<vmem>>, %arg6: memref<1x128xf32, #tpu.memory_space<vmem>>, %arg7: memref<1x128xf32, #tpu.memory_space<vmem>>, %arg8: memref<128x512xf32, #tpu.memory_space<vmem>>, %arg9: memref<1x512xf32, #tpu.memory_space<vmem>>, %arg10: memref<400x128xf32, #tpu.memory_space<vmem>>, %arg11: memref<400x256xf32, #tpu.memory_space<vmem>>, %arg12: memref<400x128xf32, #tpu.memory_space<vmem>>) attributes {dimension_semantics = [#tpu.dimension_semantics<arbitrary>], iteration_bounds = array<i64: 25>, scalar_prefetch = 0 : i64, scratch_operands = 0 : i64, tpu.core_type = #tpu.core_type<tc>, window_params = [{transform_indices = @transform_0, window_bounds = array<i64: 400, 128>}, {transform_indices = @transform_1, window_bounds = array<i64: 400, 128>}, {transform_indices = @transform_2, window_bounds = array<i64: 400, 128>}, {transform_indices = @transform_3, window_bounds = array<i64: 400, 128>}, {transform_indices = @transform_4, window_bounds = array<i64: 400, 128>}, {pipeline_mode = #tpu.pipeline_mode<synchronous>, transform_indices = @transform_5, window_bounds = array<i64: 1, 128>}, {pipeline_mode = #tpu.pipeline_mode<synchronous>, transform_indices = @transform_6, window_bounds = array<i64: 1, 128>}, {pipeline_mode = #tpu.pipeline_mode<synchronous>, transform_indices = @transform_7, window_bounds = array<i64: 128, 512>}, {pipeline_mode = #tpu.pipeline_mode<synchronous>, transform_indices = @transform_8, window_bounds = array<i64: 1, 512>}, {transform_indices = @transform_9, window_bounds = array<i64: 400, 128>}, {transform_indices = @transform_10, window_bounds = array<i64: 400, 256>}, {transform_indices = @transform_11, window_bounds = array<i64: 400, 128>}]} {
    %get3A = arith.constant 0 : index
    %get3A_0 = arith.constant 0 : index
    %get3A_1 = vector.load %arg1[%get3A, %get3A_0] : memref<400x128xf32, #tpu.memory_space<vmem>>, vector<400x128xf32>
    %get3A_2 = arith.constant 0 : index
    %get3A_3 = arith.constant 0 : index
    %get3A_4 = vector.load %arg2[%get3A_2, %get3A_3] : memref<400x128xf32, #tpu.memory_space<vmem>>, vector<400x128xf32>
    %get3A_5 = arith.constant 0 : index
    %get3A_6 = arith.constant 0 : index
    %get3A_7 = vector.load %arg3[%get3A_5, %get3A_6] : memref<400x128xf32, #tpu.memory_space<vmem>>, vector<400x128xf32>
    %get3A_8 = arith.constant 0 : index
    %get3A_9 = arith.constant 0 : index
    %get3A_10 = vector.load %arg4[%get3A_8, %get3A_9] : memref<400x128xf32, #tpu.memory_space<vmem>>, vector<400x128xf32>
    %get3A_11 = arith.constant 0 : index
    %get3A_12 = arith.constant 0 : index
    %get3A_13 = vector.load %arg5[%get3A_11, %get3A_12] : memref<400x128xf32, #tpu.memory_space<vmem>>, vector<400x128xf32>
    %get3A_14 = arith.constant 0 : index
    %get3A_15 = arith.constant 0 : index
    %get3A_16 = vector.load %arg6[%get3A_14, %get3A_15] : memref<1x128xf32, #tpu.memory_space<vmem>>, vector<1x128xf32>
    %get3A_17 = arith.constant 0 : index
    %get3A_18 = arith.constant 0 : index
    %get3A_19 = vector.load %arg7[%get3A_17, %get3A_18] : memref<1x128xf32, #tpu.memory_space<vmem>>, vector<1x128xf32>
    %add3A = arith.addf %get3A_1, %get3A_4 : vector<400x128xf32>
    %add3A_20 = arith.addf %get3A_7, %get3A_10 : vector<400x128xf32>
    %slice3A = vector.extract_strided_slice %add3A {offsets = [0, 64], sizes = [400, 1], strides = [1, 1]} : vector<400x128xf32> to vector<400x1xf32>
    %add3A_21 = arith.constant 1.000000e-16 : f32
    %add3A_22 = vector.broadcast %add3A_21 : f32 to vector<400x1xf32>
    %add3A_23 = arith.addf %slice3A, %add3A_22 : vector<400x1xf32>
    %slice3A_24 = vector.extract_strided_slice %add3A_20 {offsets = [0, 64], sizes = [400, 1], strides = [1, 1]} : vector<400x128xf32> to vector<400x1xf32>
    %add3A_25 = arith.constant 1.000000e-16 : f32
    %add3A_26 = vector.broadcast %add3A_25 : f32 to vector<400x1xf32>
    %add3A_27 = arith.addf %slice3A_24, %add3A_26 : vector<400x1xf32>
    %slice3A_28 = vector.extract_strided_slice %add3A {offsets = [0, 0], sizes = [400, 64], strides = [1, 1]} : vector<400x128xf32> to vector<400x64xf32>
    %div3A = vector.broadcast %add3A_23 : vector<400x1xf32> to vector<400x64xf32>
    %div3A_29 = arith.divf %slice3A_28, %div3A : vector<400x64xf32>
    %slice3A_30 = vector.extract_strided_slice %add3A_20 {offsets = [0, 0], sizes = [400, 64], strides = [1, 1]} : vector<400x128xf32> to vector<400x64xf32>
    %div3A_31 = vector.broadcast %add3A_27 : vector<400x1xf32> to vector<400x64xf32>
    %div3A_32 = arith.divf %slice3A_30, %div3A_31 : vector<400x64xf32>
    %concatenate3A = tpu.concatenate %div3A_29, %div3A_32 in 1 : vector<400x64xf32>, vector<400x64xf32> -> vector<400x128xf32>
    %add3A_33 = arith.addf %concatenate3A, %get3A_13 : vector<400x128xf32>
    %reduce_sum3A = arith.constant dense<0.000000e+00> : vector<400xf32>
    %reduce_sum3A_34 = vector.multi_reduction <add>, %add3A_33, %reduce_sum3A [1] : vector<400x128xf32> to vector<400xf32>
    %broadcast_in_dim3A = vector.shape_cast %reduce_sum3A_34 : vector<400xf32> to vector<400x1xf32>
    %div3A_35 = arith.constant 1.280000e+02 : f32
    %div3A_36 = vector.broadcast %div3A_35 : f32 to vector<400x1xf32>
    %div3A_37 = arith.divf %broadcast_in_dim3A, %div3A_36 : vector<400x1xf32>
    %sub3A = vector.broadcast %div3A_37 : vector<400x1xf32> to vector<400x128xf32>
    %sub3A_38 = arith.subf %add3A_33, %sub3A : vector<400x128xf32>
    %integer_pow3A = arith.mulf %sub3A_38, %sub3A_38 : vector<400x128xf32>
    %reduce_sum3A_39 = arith.constant dense<0.000000e+00> : vector<400xf32>
    %reduce_sum3A_40 = vector.multi_reduction <add>, %integer_pow3A, %reduce_sum3A_39 [1] : vector<400x128xf32> to vector<400xf32>
    %broadcast_in_dim3A_41 = vector.shape_cast %reduce_sum3A_40 : vector<400xf32> to vector<400x1xf32>
    %div3A_42 = arith.constant 1.280000e+02 : f32
    %div3A_43 = vector.broadcast %div3A_42 : f32 to vector<400x1xf32>
    %div3A_44 = arith.divf %broadcast_in_dim3A_41, %div3A_43 : vector<400x1xf32>
    %sub3A_45 = vector.broadcast %div3A_37 : vector<400x1xf32> to vector<400x128xf32>
    %sub3A_46 = arith.subf %add3A_33, %sub3A_45 : vector<400x128xf32>
    %add3A_47 = arith.constant 9.99999974E-6 : f32
    %add3A_48 = vector.broadcast %add3A_47 : f32 to vector<400x1xf32>
    %add3A_49 = arith.addf %div3A_44, %add3A_48 : vector<400x1xf32>
    %sqrt3A = math.sqrt %add3A_49 : vector<400x1xf32>
    %div3A_50 = vector.broadcast %sqrt3A : vector<400x1xf32> to vector<400x128xf32>
    %div3A_51 = arith.divf %sub3A_46, %div3A_50 : vector<400x128xf32>
    %mul3A = vector.broadcast %get3A_16 : vector<1x128xf32> to vector<400x128xf32>
    %mul3A_52 = arith.mulf %div3A_51, %mul3A : vector<400x128xf32>
    %add3A_53 = vector.broadcast %get3A_19 : vector<1x128xf32> to vector<400x128xf32>
    %add3A_54 = arith.addf %mul3A_52, %add3A_53 : vector<400x128xf32>
    %max3A = arith.constant 0.000000e+00 : f32
    %max3A_55 = vector.broadcast %max3A : f32 to vector<400x128xf32>
    %max3A_56 = arith.maximumf %add3A_54, %max3A_55 : vector<400x128xf32>
    %get3A_57 = arith.constant 0 : index
    %get3A_58 = arith.constant 0 : index
    %get3A_59 = vector.load %arg8[%get3A_57, %get3A_58] : memref<128x512xf32, #tpu.memory_space<vmem>>, vector<128x512xf32>
    %dot_general3A = arith.constant dense<0.000000e+00> : vector<400x512xf32>
    %dot_general3A_60 = tpu.matmul %max3A_56, %get3A_59, %dot_general3A {dimension_numbers = #tpu.dot_dimension_numbers<[1], [0], [0], [1], [0, 0, 1, 1], [], []>, transpose_lhs_hint = false} : vector<400x128xf32>, vector<128x512xf32>, vector<400x512xf32> -> vector<400x512xf32>
    %get3A_61 = arith.constant 0 : index
    %get3A_62 = arith.constant 0 : index
    %get3A_63 = vector.load %arg9[%get3A_61, %get3A_62] : memref<1x512xf32, #tpu.memory_space<vmem>>, vector<1x512xf32>
    %add3A_64 = vector.broadcast %get3A_63 : vector<1x512xf32> to vector<400x512xf32>
    %add3A_65 = arith.addf %dot_general3A_60, %add3A_64 : vector<400x512xf32>
    %slice3A_66 = vector.extract_strided_slice %add3A_65 {offsets = [0, 0], sizes = [400, 128], strides = [1, 1]} : vector<400x512xf32> to vector<400x128xf32>
    %swap3A = arith.constant 0 : index
    %swap3A_67 = arith.constant 0 : index
    %swap3A_68 = vector.load %arg10[%swap3A, %swap3A_67] : memref<400x128xf32, #tpu.memory_space<vmem>>, vector<400x128xf32>
    tpu.vector_store %arg10[%swap3A, %swap3A_67], %slice3A_66 {strides = array<i32>} : memref<400x128xf32, #tpu.memory_space<vmem>>, vector<400x128xf32>,
    %slice3A_69 = vector.extract_strided_slice %add3A_65 {offsets = [0, 128], sizes = [400, 256], strides = [1, 1]} : vector<400x512xf32> to vector<400x256xf32>
    %swap3A_70 = arith.constant 0 : index
    %swap3A_71 = arith.constant 0 : index
    %swap3A_72 = vector.load %arg11[%swap3A_70, %swap3A_71] : memref<400x256xf32, #tpu.memory_space<vmem>>, vector<400x256xf32>
    tpu.vector_store %arg11[%swap3A_70, %swap3A_71], %slice3A_69 {strides = array<i32>} : memref<400x256xf32, #tpu.memory_space<vmem>>, vector<400x256xf32>,
    %slice3A_73 = vector.extract_strided_slice %add3A_65 {offsets = [0, 384], sizes = [400, 128], strides = [1, 1]} : vector<400x512xf32> to vector<400x128xf32>
    %swap3A_74 = arith.constant 0 : index
    %swap3A_75 = arith.constant 0 : index
    %swap3A_76 = vector.load %arg12[%swap3A_74, %swap3A_75] : memref<400x128xf32, #tpu.memory_space<vmem>>, vector<400x128xf32>
    tpu.vector_store %arg12[%swap3A_74, %swap3A_75], %slice3A_73 {strides = array<i32>} : memref<400x128xf32, #tpu.memory_space<vmem>>, vector<400x128xf32>,
    return
  }
  func.func @transform_0(%arg0: i32) -> (i32, i32) {
    %c0_i32 = arith.constant 0 : i32
    %c0_i32_0 = arith.constant 0 : i32
    return %arg0, %c0_i32 : i32, i32
  }
  func.func @transform_1(%arg0: i32) -> (i32, i32) {
    %add3A = arith.constant 32 : i32
    %add3A_0 = arith.addi %arg0, %add3A : i32
    %c0_i32 = arith.constant 0 : i32
    %c0_i32_1 = arith.constant 0 : i32
    return %add3A_0, %c0_i32 : i32, i32
  }
  func.func @transform_2(%arg0: i32) -> (i32, i32) {
    %c0_i32 = arith.constant 0 : i32
    %c0_i32_0 = arith.constant 0 : i32
    return %arg0, %c0_i32 : i32, i32
  }
  func.func @transform_3(%arg0: i32) -> (i32, i32) {
    %add3A = arith.constant 32 : i32
    %add3A_0 = arith.addi %arg0, %add3A : i32
    %c0_i32 = arith.constant 0 : i32
    %c0_i32_1 = arith.constant 0 : i32
    return %add3A_0, %c0_i32 : i32, i32
  }
  func.func @transform_4(%arg0: i32) -> (i32, i32) {
    %c0_i32 = arith.constant 0 : i32
    %c0_i32_0 = arith.constant 0 : i32
    return %arg0, %c0_i32 : i32, i32
  }
  func.func @transform_5(%arg0: i32) -> (i32, i32) {
    %c0_i32 = arith.constant 0 : i32
    %c0_i32_0 = arith.constant 0 : i32
    %c0_i32_1 = arith.constant 0 : i32
    return %c0_i32, %c0_i32_0 : i32, i32
  }
  func.func @transform_6(%arg0: i32) -> (i32, i32) {
    %c0_i32 = arith.constant 0 : i32
    %c0_i32_0 = arith.constant 0 : i32
    %c0_i32_1 = arith.constant 0 : i32
    return %c0_i32, %c0_i32_0 : i32, i32
  }
  func.func @transform_7(%arg0: i32) -> (i32, i32) {
    %c0_i32 = arith.constant 0 : i32
    %c0_i32_0 = arith.constant 0 : i32
    %c0_i32_1 = arith.constant 0 : i32
    return %c0_i32, %c0_i32_0 : i32, i32
  }
  func.func @transform_8(%arg0: i32) -> (i32, i32) {
    %c0_i32 = arith.constant 0 : i32
    %c0_i32_0 = arith.constant 0 : i32
    %c0_i32_1 = arith.constant 0 : i32
    return %c0_i32, %c0_i32_0 : i32, i32
  }
  func.func @transform_9(%arg0: i32) -> (i32, i32) {
    %c0_i32 = arith.constant 0 : i32
    %c0_i32_0 = arith.constant 0 : i32
    return %arg0, %c0_i32 : i32, i32
  }
  func.func @transform_10(%arg0: i32) -> (i32, i32) {
    %c0_i32 = arith.constant 0 : i32
    %c0_i32_0 = arith.constant 0 : i32
    return %arg0, %c0_i32 : i32, i32
  }
  func.func @transform_11(%arg0: i32) -> (i32, i32) {
    %c0_i32 = arith.constant 0 : i32
    %c0_i32_0 = arith.constant 0 : i32
    return %arg0, %c0_i32 : i32, i32
  }
}

module attributes {stable_mosaic.version = 14 : i64} {
  func.func @_post_kernel(%arg0: i32, %arg1: memref<400x128xf32, #tpu.memory_space<vmem>>, %arg2: memref<400x128xf32, #tpu.memory_space<vmem>>, %arg3: memref<400x128xf32, #tpu.memory_space<vmem>>, %arg4: memref<400x128xf32, #tpu.memory_space<vmem>>, %arg5: memref<400x128xf32, #tpu.memory_space<vmem>>, %arg6: memref<1x128xf32, #tpu.memory_space<vmem>>, %arg7: memref<1x128xf32, #tpu.memory_space<vmem>>, %arg8: memref<400x128xf32, #tpu.memory_space<vmem>>) attributes {dimension_semantics = [#tpu.dimension_semantics<arbitrary>], iteration_bounds = array<i64: 25>, scalar_prefetch = 0 : i64, scratch_operands = 0 : i64, tpu.core_type = #tpu.core_type<tc>, window_params = [{transform_indices = @transform_0, window_bounds = array<i64: 400, 128>}, {transform_indices = @transform_1, window_bounds = array<i64: 400, 128>}, {transform_indices = @transform_2, window_bounds = array<i64: 400, 128>}, {transform_indices = @transform_3, window_bounds = array<i64: 400, 128>}, {transform_indices = @transform_4, window_bounds = array<i64: 400, 128>}, {pipeline_mode = #tpu.pipeline_mode<synchronous>, transform_indices = @transform_5, window_bounds = array<i64: 1, 128>}, {pipeline_mode = #tpu.pipeline_mode<synchronous>, transform_indices = @transform_6, window_bounds = array<i64: 1, 128>}, {transform_indices = @transform_7, window_bounds = array<i64: 400, 128>}]} {
    %get3A = arith.constant 0 : index
    %get3A_0 = arith.constant 0 : index
    %get3A_1 = vector.load %arg1[%get3A, %get3A_0] : memref<400x128xf32, #tpu.memory_space<vmem>>, vector<400x128xf32>
    %get3A_2 = arith.constant 0 : index
    %get3A_3 = arith.constant 0 : index
    %get3A_4 = vector.load %arg2[%get3A_2, %get3A_3] : memref<400x128xf32, #tpu.memory_space<vmem>>, vector<400x128xf32>
    %get3A_5 = arith.constant 0 : index
    %get3A_6 = arith.constant 0 : index
    %get3A_7 = vector.load %arg3[%get3A_5, %get3A_6] : memref<400x128xf32, #tpu.memory_space<vmem>>, vector<400x128xf32>
    %get3A_8 = arith.constant 0 : index
    %get3A_9 = arith.constant 0 : index
    %get3A_10 = vector.load %arg4[%get3A_8, %get3A_9] : memref<400x128xf32, #tpu.memory_space<vmem>>, vector<400x128xf32>
    %get3A_11 = arith.constant 0 : index
    %get3A_12 = arith.constant 0 : index
    %get3A_13 = vector.load %arg5[%get3A_11, %get3A_12] : memref<400x128xf32, #tpu.memory_space<vmem>>, vector<400x128xf32>
    %get3A_14 = arith.constant 0 : index
    %get3A_15 = arith.constant 0 : index
    %get3A_16 = vector.load %arg6[%get3A_14, %get3A_15] : memref<1x128xf32, #tpu.memory_space<vmem>>, vector<1x128xf32>
    %get3A_17 = arith.constant 0 : index
    %get3A_18 = arith.constant 0 : index
    %get3A_19 = vector.load %arg7[%get3A_17, %get3A_18] : memref<1x128xf32, #tpu.memory_space<vmem>>, vector<1x128xf32>
    %add3A = arith.addf %get3A_1, %get3A_4 : vector<400x128xf32>
    %add3A_20 = arith.addf %get3A_7, %get3A_10 : vector<400x128xf32>
    %slice3A = vector.extract_strided_slice %add3A {offsets = [0, 64], sizes = [400, 1], strides = [1, 1]} : vector<400x128xf32> to vector<400x1xf32>
    %add3A_21 = arith.constant 1.000000e-16 : f32
    %add3A_22 = vector.broadcast %add3A_21 : f32 to vector<400x1xf32>
    %add3A_23 = arith.addf %slice3A, %add3A_22 : vector<400x1xf32>
    %slice3A_24 = vector.extract_strided_slice %add3A_20 {offsets = [0, 64], sizes = [400, 1], strides = [1, 1]} : vector<400x128xf32> to vector<400x1xf32>
    %add3A_25 = arith.constant 1.000000e-16 : f32
    %add3A_26 = vector.broadcast %add3A_25 : f32 to vector<400x1xf32>
    %add3A_27 = arith.addf %slice3A_24, %add3A_26 : vector<400x1xf32>
    %slice3A_28 = vector.extract_strided_slice %add3A {offsets = [0, 0], sizes = [400, 64], strides = [1, 1]} : vector<400x128xf32> to vector<400x64xf32>
    %div3A = vector.broadcast %add3A_23 : vector<400x1xf32> to vector<400x64xf32>
    %div3A_29 = arith.divf %slice3A_28, %div3A : vector<400x64xf32>
    %slice3A_30 = vector.extract_strided_slice %add3A_20 {offsets = [0, 0], sizes = [400, 64], strides = [1, 1]} : vector<400x128xf32> to vector<400x64xf32>
    %div3A_31 = vector.broadcast %add3A_27 : vector<400x1xf32> to vector<400x64xf32>
    %div3A_32 = arith.divf %slice3A_30, %div3A_31 : vector<400x64xf32>
    %concatenate3A = tpu.concatenate %div3A_29, %div3A_32 in 1 : vector<400x64xf32>, vector<400x64xf32> -> vector<400x128xf32>
    %add3A_33 = arith.addf %concatenate3A, %get3A_13 : vector<400x128xf32>
    %reduce_sum3A = arith.constant dense<0.000000e+00> : vector<400xf32>
    %reduce_sum3A_34 = vector.multi_reduction <add>, %add3A_33, %reduce_sum3A [1] : vector<400x128xf32> to vector<400xf32>
    %broadcast_in_dim3A = vector.shape_cast %reduce_sum3A_34 : vector<400xf32> to vector<400x1xf32>
    %div3A_35 = arith.constant 1.280000e+02 : f32
    %div3A_36 = vector.broadcast %div3A_35 : f32 to vector<400x1xf32>
    %div3A_37 = arith.divf %broadcast_in_dim3A, %div3A_36 : vector<400x1xf32>
    %sub3A = vector.broadcast %div3A_37 : vector<400x1xf32> to vector<400x128xf32>
    %sub3A_38 = arith.subf %add3A_33, %sub3A : vector<400x128xf32>
    %integer_pow3A = arith.mulf %sub3A_38, %sub3A_38 : vector<400x128xf32>
    %reduce_sum3A_39 = arith.constant dense<0.000000e+00> : vector<400xf32>
    %reduce_sum3A_40 = vector.multi_reduction <add>, %integer_pow3A, %reduce_sum3A_39 [1] : vector<400x128xf32> to vector<400xf32>
    %broadcast_in_dim3A_41 = vector.shape_cast %reduce_sum3A_40 : vector<400xf32> to vector<400x1xf32>
    %div3A_42 = arith.constant 1.280000e+02 : f32
    %div3A_43 = vector.broadcast %div3A_42 : f32 to vector<400x1xf32>
    %div3A_44 = arith.divf %broadcast_in_dim3A_41, %div3A_43 : vector<400x1xf32>
    %sub3A_45 = vector.broadcast %div3A_37 : vector<400x1xf32> to vector<400x128xf32>
    %sub3A_46 = arith.subf %add3A_33, %sub3A_45 : vector<400x128xf32>
    %add3A_47 = arith.constant 9.99999974E-6 : f32
    %add3A_48 = vector.broadcast %add3A_47 : f32 to vector<400x1xf32>
    %add3A_49 = arith.addf %div3A_44, %add3A_48 : vector<400x1xf32>
    %sqrt3A = math.sqrt %add3A_49 : vector<400x1xf32>
    %div3A_50 = vector.broadcast %sqrt3A : vector<400x1xf32> to vector<400x128xf32>
    %div3A_51 = arith.divf %sub3A_46, %div3A_50 : vector<400x128xf32>
    %mul3A = vector.broadcast %get3A_16 : vector<1x128xf32> to vector<400x128xf32>
    %mul3A_52 = arith.mulf %div3A_51, %mul3A : vector<400x128xf32>
    %add3A_53 = vector.broadcast %get3A_19 : vector<1x128xf32> to vector<400x128xf32>
    %add3A_54 = arith.addf %mul3A_52, %add3A_53 : vector<400x128xf32>
    %swap3A = arith.constant 0 : index
    %swap3A_55 = arith.constant 0 : index
    %swap3A_56 = vector.load %arg8[%swap3A, %swap3A_55] : memref<400x128xf32, #tpu.memory_space<vmem>>, vector<400x128xf32>
    tpu.vector_store %arg8[%swap3A, %swap3A_55], %add3A_54 {strides = array<i32>} : memref<400x128xf32, #tpu.memory_space<vmem>>, vector<400x128xf32>,
    return
  }
  func.func @transform_0(%arg0: i32) -> (i32, i32) {
    %c0_i32 = arith.constant 0 : i32
    %c0_i32_0 = arith.constant 0 : i32
    return %arg0, %c0_i32 : i32, i32
  }
  func.func @transform_1(%arg0: i32) -> (i32, i32) {
    %add3A = arith.constant 32 : i32
    %add3A_0 = arith.addi %arg0, %add3A : i32
    %c0_i32 = arith.constant 0 : i32
    %c0_i32_1 = arith.constant 0 : i32
    return %add3A_0, %c0_i32 : i32, i32
  }
  func.func @transform_2(%arg0: i32) -> (i32, i32) {
    %c0_i32 = arith.constant 0 : i32
    %c0_i32_0 = arith.constant 0 : i32
    return %arg0, %c0_i32 : i32, i32
  }
  func.func @transform_3(%arg0: i32) -> (i32, i32) {
    %add3A = arith.constant 32 : i32
    %add3A_0 = arith.addi %arg0, %add3A : i32
    %c0_i32 = arith.constant 0 : i32
    %c0_i32_1 = arith.constant 0 : i32
    return %add3A_0, %c0_i32 : i32, i32
  }
  func.func @transform_4(%arg0: i32) -> (i32, i32) {
    %c0_i32 = arith.constant 0 : i32
    %c0_i32_0 = arith.constant 0 : i32
    return %arg0, %c0_i32 : i32, i32
  }
  func.func @transform_5(%arg0: i32) -> (i32, i32) {
    %c0_i32 = arith.constant 0 : i32
    %c0_i32_0 = arith.constant 0 : i32
    %c0_i32_1 = arith.constant 0 : i32
    return %c0_i32, %c0_i32_0 : i32, i32
  }
  func.func @transform_6(%arg0: i32) -> (i32, i32) {
    %c0_i32 = arith.constant 0 : i32
    %c0_i32_0 = arith.constant 0 : i32
    %c0_i32_1 = arith.constant 0 : i32
    return %c0_i32, %c0_i32_0 : i32, i32
  }
  func.func @transform_7(%arg0: i32) -> (i32, i32) {
    %c0_i32 = arith.constant 0 : i32
    %c0_i32_0 = arith.constant 0 : i32
    return %arg0, %c0_i32 : i32, i32
  }
}

</mosaic_0001>

<sc_bundles>
// kernel: kernel.18.cloned.1.call-start
scs
__scs_entry_jumppad:
0x0: {  	(pc) =	sbr.rel $0x88, $3  }
0x1: {  	(tag) =	ssettag $0x0;
	lr =	simm.s32 $0x1  }
0x2: {  	[smem:$0x3F74] =	sst lr;
	_ =	strace $0xD0000000  }
0x3: {  	_ = 	snop  }
0x4: {  	_ = 	snop  }
0x5: {  	_ = 	snop  }
0x6: {  	_ = 	snop  }
0x7: {  	_ = 	snop  }
__scs_overlays_trampoline_lowered:
0x8: {  	[smem:$0x3F83] =	sst s0  }
0x9: {  	[smem:$0x3F84] =	sst s1  }
0xa: {  	[smem:$0x3F85] =	sst s2  }
0xb: {  	[smem:$0x3F86] =	sst s3  }
0xc: {  	[smem:$0x3F87] =	sst s4  }
0xd: {  	[smem:$0x3F88] =	sst s5  }
0xe: {  	[smem:$0x3F89] =	sst s6  }
0xf: {  	[smem:$0x3F8A] =	sst s7  }
0x10: {  	[smem:$0x3F8B] =	sst s8  }
0x11: {  	[smem:$0x3F8C] =	sst s9;
	s0 =	simm.s32 @!p0 $0x0  }
0x12: {  	s1 =	sld [smem:$0x3F72];
	s0 =	simm.s32 @p0 $0x1  }
0x13: {  	[smem:$0x3F8D] =	sst s0;
	s0 =	simm.s32 @!p1 $0x0  }
0x14: {  	s2 =	sld [smem:$0x3F71];
	s0 =	simm.s32 @p1 $0x1  }
0x15: {  	[smem:$0x3F8E] =	sst s0;
	s0 =	simm.s32 @!p2 $0x0  }
0x16: {  	s3 =	sld [smem:$0x3FDB];
	s0 =	simm.s32 @p2 $0x1  }
0x17: {  	s4 =	simm.s32 $0x1BF5;
	[smem:$0x3F90] =	sst s0  }
0x18: {  	s0 =	sld [smem:$0x3F73];
	_ =	swait.ge [sflag:s4], $0x0  }
0x19: {  	s7 =	sld [smem:$0x3F74]  }
0x1a: {  	s8 =	sadd.s32 $0xFFFFE003, lr  }
0x1b: {  	s9 =	sadd.s32 $0xFFFFFEF7, lr;
	s5 =	simm.s32 $0xFFFFFFFF;
	p2 =	slt.u32 s8, $0xFFFFF086  }
0x1c: {  	p1 =	slt.u32 s9, $0xF7A;
	s5 =	simm.s32 @!p2 $0x0  }
0x1d: {  	s5 =	simm.s32 @p1 $0x1;
	p0 =	seq.s32 s7, s2  }
0x1e: {  	s7 =	smul.u32 @!p0 $0xF7A, s2;
	p2 =	seq.s32 @!p0 s5, $0x0  }
0x1f: {  	s9 =	smul.u32 $0xF7A, s1;
	s8 =	simm.s32 @!p0 $0x1BF5;
	p2 =	por !p2, p0  }
0x20: {  	[sflag:s8] =	ssyncset.s32 @!p0 $0xFFFFF086;
	s6 =	sadd.s32 @!p0 s3, s7;
	s7 =	simm.s32 @!p0 $0x108  }
0x21: {  	s3 =	sadd.s32 s3, s9;
	s6 =	sadd.s32 @!p0 $0x88, s6;
	s7 =	simm.s32 @p2 $0x1082  }
0x22: {  	[simem:s7], [sflag:s8] =	dma.local @!p0 [hbm:s6], $0xF7A  }
0x23: {  	s9 =	sor.u32 $0xD0000000, s2;
	s6 =	simm.s32 $0x108;
	_ =	swait.ge @!p0 [sflag:s8], $0x0  }
0x24: {  	s3 =	sadd.s32 $0x88, s3;
	s6 =	simm.s32 @!p1 $0x1082;
	[sflag:s4] =	ssyncset.s32 $0xFFFFF086  }
0x25: {  	[simem:s6], [sflag:s4] =	dma.local [hbm:s3], $0xF7A  }
0x26: {  	[smem:$0x3F74] =	sst s1;
	(tag) =	ssettag s2;
	_ =	strace s9  }
0x27: {  	s1 =	sld [smem:$0x3F84]  }
0x28: {  	s2 =	sld [smem:$0x3F85]  }
0x29: {  	s4 =	sld [smem:$0x3F87]  }
0x2a: {  	p0 =	seq.s32 s5, $0x0;
	s5 =	sld [smem:$0x3F88]  }
0x2b: {  	s6 =	sld [smem:$0x3F89]  }
0x2c: {  	s7 =	sld [smem:$0x3F8A]  }
0x2d: {  	s3 =	simm.s32 $0x108;
	s8 =	sld [smem:$0x3F8B]  }
0x2e: {  	s3 =	simm.s32 @!p0 $0x1082;
	s9 =	sld [smem:$0x3F8C]  }
0x2f: {  	lr =	sadd.s32 s0, s3;
	s0 =	sld [smem:$0x3F83]  }
0x30: {  	s3 =	sld [smem:$0x3F86]  }
0x31: {  	[smem:$0x3F8F] =	sst s10  }
0x32: {  	s10 =	sld [smem:$0x3F8D];
	_ =	sdelay $0x3  }
0x33: {  	p0 =	seq.s32 s10, $0x1;
	s10 =	sld [smem:$0x3F8F];
	_ =	sdelay $0x3  }
0x34: {  	[smem:$0x3F8F] =	sst s10  }
0x35: {  	s10 =	sld [smem:$0x3F8E];
	_ =	sdelay $0x3  }
0x36: {  	p1 =	seq.s32 s10, $0x1;
	s10 =	sld [smem:$0x3F8F];
	_ =	sdelay $0x3  }
0x37: {  	[smem:$0x3F8F] =	sst s10  }
0x38: {  	s10 =	sld [smem:$0x3F90]  }
0x39: {  	_ = 	snop;
	(pc) =	sbr.ind lr, $3  }
0x3a: {  	_ = 	snop  }
0x3b: {  	_ = 	snop  }
0x3c: {  	p2 =	seq.s32 s10, $0x1;
	s10 =	sld [smem:$0x3F8F]  }
0x3d: {  	_ =	shalt  }
0x3e: {  	_ =	shalt  }
0x3f: {  	_ =	shalt  }
0x40: {  	_ =	shalt  }
0x41: {  	_ =	shalt  }
0x42: {  	_ =	shalt  }
0x43: {  	_ =	shalt  }
0x44: {  	_ =	shalt  }
0x45: {  	_ =	shalt  }
0x46: {  	_ =	shalt  }
0x47: {  	_ =	shalt  }
0x48: {  	_ =	shalt  }
0x49: {  	_ =	shalt  }
0x4a: {  	_ =	shalt  }
0x4b: {  	_ =	shalt  }
0x4c: {  	_ =	shalt  }
0x4d: {  	_ =	shalt  }
0x4e: {  	_ =	shalt  }
0x4f: {  	_ =	shalt  }
0x50: {  	_ =	shalt  }
0x51: {  	_ =	shalt  }
0x52: {  	_ =	shalt  }
0x53: {  	_ =	shalt  }
0x54: {  	_ =	shalt  }
0x55: {  	_ =	shalt  }
0x56: {  	_ =	shalt  }
0x57: {  	_ =	shalt  }
0x58: {  	_ =	shalt  }
0x59: {  	_ =	shalt  }
0x5a: {  	_ =	shalt  }
0x5b: {  	_ =	shalt  }
0x5c: {  	_ =	shalt  }
0x5d: {  	_ =	shalt  }
0x5e: {  	_ =	shalt  }
0x5f: {  	_ =	shalt  }
0x60: {  	_ =	shalt  }
0x61: {  	_ =	shalt  }
0x62: {  	_ =	shalt  }
0x63: {  	_ =	shalt  }
0x64: {  	_ =	shalt  }
0x65: {  	_ =	shalt  }
0x66: {  	_ =	shalt  }
0x67: {  	_ =	shalt  }
0x68: {  	_ =	shalt  }
0x69: {  	_ =	shalt  }
0x6a: {  	_ =	shalt  }
0x6b: {  	_ =	shalt  }
0x6c: {  	_ =	shalt  }
0x6d: {  	_ =	shalt  }
0x6e: {  	_ =	shalt  }
0x6f: {  	_ =	shalt  }
0x70: {  	_ =	shalt  }
0x71: {  	_ =	shalt  }
0x72: {  	_ =	shalt  }
0x73: {  	_ =	shalt  }
0x74: {  	_ =	shalt  }
0x75: {  	_ =	shalt  }
0x76: {  	_ =	shalt  }
0x77: {  	_ =	shalt  }
0x78: {  	_ =	shalt  }
0x79: {  	_ =	shalt  }
0x7a: {  	_ =	shalt  }
0x7b: {  	_ =	shalt  }
0x7c: {  	_ =	shalt  }
0x7d: {  	_ =	shalt  }
0x7e: {  	_ =	shalt  }
0x7f: {  	_ =	shalt  }
0x80: {  	_ =	shalt  }
0x81: {  	_ =	shalt  }
0x82: {  	_ =	shalt  }
0x83: {  	_ =	shalt  }
0x84: {  	_ =	shalt  }
0x85: {  	_ =	shalt  }
0x86: {  	_ =	shalt  }
0x87: {  	_ =	shalt  }
.Lfunc_end0:
.L_simem_size_0:
called_computation_lowered:
.L_overlay_start_0:
0x88: {  	s2 =	sld [smem:$0x3FD9]  }
0x89: {  	s3 =	sld [smem:$0x3FFE];
	_ =	sdelay $0x1  }
0x8a: {  	s1 =	srdreg.scid  }
0x8b: {  	s0 =	sand.u32 $0x1, s1  }
0x8c: {  	s17 =	sshll.u32 s0, $0xA;
	s2 =	sadd.s32 s3, s2  }
0x8d: {  	s2 =	sadd.s32 s2, s17  }
0x8e: {  	[smem:$0x3F9B] =	sst s2  }
0x8f: {  	_ = 	snop  }
0x90: {  	s2 =	sld [smem:$0x3FC8]  }
0x91: {  	s18 =	sld [smem:$0x3FD0];
	(tm) =	ssettm $0x1  }
0x92: {  	s4 =	sld [smem:$0x3FFB];
	_ =	sdelay $0x3  }
0x93: {  	_ =	strace s4  }
0x94: {  	s4 =	sld [smem:$0x3FFC];
	_ =	sdelay $0x3  }
0x95: {  	_ =	strace s4  }
0x96: {  	s4 =	sld [smem:$0x3FFD];
	_ =	sdelay $0x3  }
0x97: {  	_ =	strace s4  }
0x98: {  	_ =	strace $0x8FFFFFFF  }
0x99: {  	s19 =	sld [smem:$0x3FDB];
	_ =	sdelay $0x1  }
0x9a: {  	s5 =	simm.s32 $_scs_section_size  }
0x9b: {  	s6 =	simm.s32 $_size__tile_overlayer_lowered;
	s7 =	simm.s32 $_tile_overlayer_lowered  }
0x9c: {  	s22 =	simm.s32 $0x1BFF;
	s21 =	sshll.u32 s7, $0x1;
	s4 =	sadd.s32 s5, s19  }
0x9d: {  	s8 =	simm.s32 $0x0;
	s20 =	sshll.u32 s6, $0x1;
	s6 =	sadd.s32 s21, s4  }
0x9e: {  	[timem:s8], [sflag:s22] =	dma.local [hbm:s6], s20  }
0x9f: {  	_ =	swait.ge [sflag:s22], s20  }
0xa0: {  	s5 =	ssub.s32 $0x0, s20;
	[sflag:s22] =	ssyncset.done $0x0  }
0xa1: {  	[sflag:s22] =	ssyncadd.s32 s5;
	_ =	sdelay $0x1  }
0xa2: {  	s23 =	simm.s32 $0x1B8B  }
0xa3: {  	_ =	swait.ge [sflag:s23], $0x1  }
0xa4: {  	[sflag:s23] =	ssyncset.done $0x0  }
0xa5: {  	s25 =	simm.s32 $0x1B8E;
	s24 =	sld [smem:$0x3FFE];
	[sflag:s23] =	ssyncadd.s32 $0xFFFFFFFF  }
0xa6: {  	s26 =	simm.s32 $execute0_lowered;
	[smem:$0x3FD2] =	sst s25  }
0xa7: {  	s6 =	sshll.u32 s26, $0x1;
	_ =	strace $0x80000046;
	[dreg:$0x1] =	wrdreg $0xFFFFFFFF  }
0xa8: {  	s28 =	simm.s32 $_size_execute0_lowered;
	s4 =	sadd.s32 s4, s6;
	[dreg:$0x0] =	wrdreg $0x0  }
0xa9: {  	s6 =	sshll.u32 s28, $0x1;
	[dreg:$0x2] =	wrdreg s4  }
0xaa: {  	[dreg:$0x3] =	wrdreg s6  }
0xab: {  	[dreg:$0x4] =	wrdreg $0xC0  }
0xac: {  	_ =	task [dreg:s8], $0x5FFFF  }
0xad: {  	[dreg:$0x1] =	wrdreg $0xFFFFFFFF  }
0xae: {  	[dreg:$0x0] =	wrdreg $0x60  }
0xaf: {  	[dreg:$0x2] =	wrdreg s18  }
0xb0: {  	[dreg:$0x3] =	wrdreg s24  }
0xb1: {  	[dreg:$0x4] =	wrdreg s2  }
0xb2: {  	[dreg:$0x5] =	wrdreg $0x9  }
0xb3: {  	_ =	task.clear_ibuf [dreg:s8], $0x6FFFF;
	_ =	strace $0x90000046  }
0xb4: {  	s29 =	simm.s32 $0x9;
	_ =	strace $0x80000048  }
0xb5: {  	_ =	swait.ge [sflag:s29], $0x1  }
0xb6: {  	[sflag:s29] =	ssyncadd.s32 $0xFFFFFFFF  }
0xb7: {  	_ =	strace $0x90000048  }
0xb8: {  	_ =	sfence  }
0xb9: {  	s30 =	sld [smem:$0x0];
	_ =	sdelay $0x2  }
0xba: {  	s31 =	sshll.u32 s1, $0xD;
	s1 =	sshrl.u32 s1, $0x2  }
0xbb: {  	s3 =	sand.u32 $0x4000, s31;
	s1 =	sadd.s32 s1, s30  }
0xbc: {  	s0 =	sor.u32 s3, s0;
	s1 =	sshll.u32 s1, $0x11  }
0xbd: {  	s0 =	sor.u32 s1, s0  }
0xbe: {  	s0 =	sadd.s32 $0x8F2B, s0  }
0xbf: {  	[sflag:s0] =	ssyncadd.remote.s32 $0x1  }
0xc0: {  	_ =	sfence.sel $0xFFFF  }
0xc1: {  	[dreg:$0x0] =	wrdreg $0xFFFFFFFF;
	(pc) =	sbr.abs _section_cstart, $3  }
0xc2: {  	[dreg:$0x1] =	wrdreg $0xFFFFFFFF  }
0xc3: {  	_ =	task.clear_ibuf [dreg:s8], $0x2FFFF;
	_ =	strace $0x9FFFFFFF  }
0xc4: {  	(tm) =	ssettm $0x7FFFFFFF  }
0xc5: {  	_ =	shalt  }
tec
execute0_lowered:
.L_overlay_start_1:
0x0: {  	(tag) =	ssettag $0x1  }
0x1: {  	s1 =	rddreg [dreg:$0x0]  }
0x2: {  	s6 =	rddreg [dreg:$0x1]  }
0x3: {  	s3 =	rddreg [dreg:$0x2]  }
0x4: {  	s5 =	srdreg.scid;
	s2 =	stileid.u32;
	s4 =	simm.s32 $0x0  }
0x5: {  	s14 =	simm.s32 $0x50;
	s15 =	simm.s32 $0x100;
	s16 =	simm.s32 $0x2900  }
0x6: {  	s17 =	simm.s32 $0x3100;
	s18 =	simm.s32 $0x3900;
	s19 =	simm.s32 $0x4100  }
0x7: {  	s20 =	simm.s32 $0x4900;
	s21 =	simm.s32 $0x5100;
	s8 =	smul.u32 $0x4E20, s2  }
0x8: {  	s22 =	simm.s32 $0x5900;
	s23 =	simm.s32 $0x6100;
	s10 =	smul.u32 $0x4E200, s2  }
0x9: {  	s24 =	simm.s32 $0x6900;
	s7 =	sand.u32 $0x1, s5;
	s25 =	smul.u32 $0x9C400, s2  }
0xa: {  	s28 =	simm.s32 $0x0;
	[smem:$0x7FF] =	sst s4;
	s9 =	smul.u32 $0x2710, s7  }
0xb: {  	s5 =	sadd.s32 $0x1EC00, s6;
	s11 =	ssub.s32 $0x2, s7;
	s12 =	smul.u32 $0x4E200, s7  }
0xc: {  	_ =	strace $0x80000047;
	s7 =	smul.u32 $0x27100, s7;
	s26 =	sshrl.u32 s11, $0x1  }
0xd: {  	s10 =	sadd.s32 s10, s6;
	s8 =	sadd.s32 s9, s8;
	s9 =	sadd.s32 s25, s6  }
0xe: {  	s29 =	ssub.s32 s11, s26;
	s31 =	sadd.s32 s7, s10;
	s25 =	simm.s32 $0x7100  }
0xf: {  	s26 =	simm.s32 $0x7900;
	s8 =	sshrl.u32 s8, $0x3;
	s30 =	sadd.s32 s12, s9  }
0x10: {  	v2 =	vlaneseq.u32;
	s12 =	simm.s32 $0x1;
	s13 =	sadd.s32 s8, s6;
	s6 =	smax.u32 s29, $0x1  }
0x11: {  	vm0 =	vmmov $0xffff;
	v1 =	vshrl.u32 v2, $0x3;
	s7 =	sadd.s32 $0x57FE00, s30;
	s8 =	sadd.s32 $0x9DE00, s31;
	s9 =	sadd.s32 $0x94000, s13  }
0x12: {  	v0 =	vand.u32 $0x7, v2;
	v2 =	vor.u32 $0x8, v2;
	v1 =	vmul.u32 $0x8, v1;
	s10 =	sadd.s32 $0xB000, s13;
	s11 =	sadd.s32 $0x14E00, s13;
	s13 =	simm.s32 $0x80  }
.LBB2_1:
0x13: {  	s29 =	smov.u32 s8;
	s30 =	smov.u32 s7;
	s31 =	simm.s32 $0x0  }
.LBB2_2:
0x14: {  	s0 =	sadd.s32 s31, s11  }
0x15: {  	[tilespmem:s4], [sflag:$0x1] =	stream.linear.gather [hbm4b:s0+s4], $0x50, $0x38;
	[tilespmem:$0x7980] =	vst v63  }
0x16: {  	_ =	swait.ge [sflag:s12], $0x50  }
0x17: {  	[sflag:s12] =	ssyncset.done $0x0  }
0x18: {  	s0 =	sadd.s32 s31, s10;
	[sflag:s12] =	ssyncadd.s32 $0xFFFFFFB0  }
0x19: {  	[tilespmem:s13], [sflag:$0x1] =	stream.linear.gather [hbm4b:s0+s4], $0x50, $0x38;
	[tilespmem:$0x7980] =	vst v63  }
0x1a: {  	_ =	swait.ge [sflag:s12], $0x50  }
0x1b: {  	[sflag:s12] =	ssyncset.done $0x0  }
0x1c: {  	[sflag:s12] =	ssyncadd.s32 $0xFFFFFFB0  }
0x1d: {  	[tilespmem:s15], [sflag:$0x1] =	stream.indirect.gather [hbm4b:s1+s14], $0x80, s4, s14, $0xb8;
	[tilespmem:$0x7980] =	vst v63  }
0x1e: {  	_ =	swait.ge [sflag:s12], $0x2800  }
0x1f: {  	[sflag:s12] =	ssyncset.done $0x0  }
0x20: {  	[sflag:s12] =	ssyncadd.s32 $0xFFFFD800  }
0x21: {  	v3 =	vld [tilespmem:$0x80];
	_ =	sdelay $0x4  }
0x22: {  	v4 =	vshll.u32 v3, $0x1  }
0x23: {  	v3 =	vand.u32 $0x7, v3;
	v4 =	vand.u32 $0xFFFFFFF0, v4  }
0x24: {  	v3 =	vor.u32 v3, v4  }
0x25: {  	v4 =	vperm.xlane v3, v0;
	_ =	sdelay $0x1  }
0x26: {  	v3 =	vperm.xlane v3, v2;
	v4 =	vadd.s32 v1, v4;
	_ =	sdelay $0x1  }
0x27: {  	v3 =	vadd.s32 v1, v3;
	_ =	sdelay $0x2  }
0x28: {  	[tilespmem:s16], [sflag:$0x1] =	stream.indirect_vreg.gather [hbm4b:s5+s4], $0x80, v4, vm0, $0xb8;
	[tilespmem:$0x7980] =	vst v63  }
0x29: {  	_ = 	snop  }
0x2a: {  	[tilespmem:s17], [sflag:$0x1] =	stream.indirect_vreg.gather [hbm4b:s5+s4], $0x80, v3, vm0, $0xb8;
	[tilespmem:$0x7980] =	vst v63  }
0x2b: {  	v3 =	vld [tilespmem:$0x90];
	_ =	sdelay $0x4  }
0x2c: {  	v60 =	vshll.u32 v3, $0x1  }
0x2d: {  	v3 =	vand.u32 $0x7, v3;
	v4 =	vand.u32 $0xFFFFFFF0, v60  }
0x2e: {  	v3 =	vor.u32 v3, v4  }
0x2f: {  	v4 =	vperm.xlane v3, v0;
	_ =	sdelay $0x1  }
0x30: {  	v3 =	vperm.xlane v3, v2;
	v4 =	vadd.s32 v1, v4;
	_ =	sdelay $0x1  }
0x31: {  	v3 =	vadd.s32 v1, v3;
	_ =	sdelay $0x2  }
0x32: {  	[tilespmem:s18], [sflag:$0x1] =	stream.indirect_vreg.gather [hbm4b:s5+s4], $0x80, v4, vm0, $0xb8;
	[tilespmem:$0x7980] =	vst v63  }
0x33: {  	_ = 	snop  }
0x34: {  	[tilespmem:s19], [sflag:$0x1] =	stream.indirect_vreg.gather [hbm4b:s5+s4], $0x80, v3, vm0, $0xb8;
	[tilespmem:$0x7980] =	vst v63  }
0x35: {  	v3 =	vld [tilespmem:$0xA0];
	_ =	sdelay $0x4  }
0x36: {  	v61 =	vshll.u32 v3, $0x1  }
0x37: {  	v3 =	vand.u32 $0x7, v3;
	v4 =	vand.u32 $0xFFFFFFF0, v61  }
0x38: {  	v3 =	vor.u32 v3, v4  }
0x39: {  	v4 =	vperm.xlane v3, v0;
	_ =	sdelay $0x1  }
0x3a: {  	v3 =	vperm.xlane v3, v2;
	v4 =	vadd.s32 v1, v4;
	_ =	sdelay $0x1  }
0x3b: {  	v3 =	vadd.s32 v1, v3;
	_ =	sdelay $0x2  }
0x3c: {  	[tilespmem:s20], [sflag:$0x1] =	stream.indirect_vreg.gather [hbm4b:s5+s4], $0x80, v4, vm0, $0xb8;
	[tilespmem:$0x7980] =	vst v63  }
0x3d: {  	_ = 	snop  }
0x3e: {  	[tilespmem:s21], [sflag:$0x1] =	stream.indirect_vreg.gather [hbm4b:s5+s4], $0x80, v3, vm0, $0xb8;
	[tilespmem:$0x7980] =	vst v63  }
0x3f: {  	v3 =	vld [tilespmem:$0xB0];
	_ =	sdelay $0x4  }
0x40: {  	v62 =	vshll.u32 v3, $0x1  }
0x41: {  	v3 =	vand.u32 $0x7, v3;
	v4 =	vand.u32 $0xFFFFFFF0, v62  }
0x42: {  	v3 =	vor.u32 v3, v4  }
0x43: {  	v4 =	vperm.xlane v3, v0;
	_ =	sdelay $0x1  }
0x44: {  	v3 =	vperm.xlane v3, v2;
	v4 =	vadd.s32 v1, v4;
	_ =	sdelay $0x1  }
0x45: {  	v3 =	vadd.s32 v1, v3;
	_ =	sdelay $0x2  }
0x46: {  	[tilespmem:s22], [sflag:$0x1] =	stream.indirect_vreg.gather [hbm4b:s5+s4], $0x80, v4, vm0, $0xb8;
	[tilespmem:$0x7980] =	vst v63  }
0x47: {  	_ = 	snop  }
0x48: {  	[tilespmem:s23], [sflag:$0x1] =	stream.indirect_vreg.gather [hbm4b:s5+s4], $0x80, v3, vm0, $0xb8;
	[tilespmem:$0x7980] =	vst v63  }
0x49: {  	v3 =	vld [tilespmem:$0xC0];
	_ =	sdelay $0x4  }
0x4a: {  	v63 =	vshll.u32 v3, $0x1  }
0x4b: {  	v3 =	vand.u32 $0x7, v3;
	v4 =	vand.u32 $0xFFFFFFF0, v63  }
0x4c: {  	v3 =	vor.u32 v3, v4  }
0x4d: {  	v4 =	vperm.xlane v3, v0;
	_ =	sdelay $0x1  }
0x4e: {  	v3 =	vperm.xlane v3, v2;
	v4 =	vadd.s32 v1, v4;
	_ =	sdelay $0x1  }
0x4f: {  	v3 =	vadd.s32 v1, v3;
	_ =	sdelay $0x2  }
0x50: {  	[tilespmem:s24], [sflag:$0x1] =	stream.indirect_vreg.gather [hbm4b:s5+s4], $0x80, v4, vm0, $0xb8;
	[tilespmem:$0x7980] =	vst v63  }
0x51: {  	_ = 	snop  }
0x52: {  	[tilespmem:s25], [sflag:$0x1] =	stream.indirect_vreg.gather [hbm4b:s5+s4], $0x80, v3, vm0, $0xb8;
	[tilespmem:$0x7980] =	vst v63  }
0x53: {  	_ =	swait.ge [sflag:s12], $0x5000  }
0x54: {  	[sflag:s12] =	ssyncset.done $0x0  }
0x55: {  	[sflag:s12] =	ssyncadd.s32 $0xFFFFB000  }
0x56: {  	[hbm4b:s29+s4] =	stream.linear.scatter [tilespmem:s15], [sflag:$0x1], $0x2800, $0x38;
	[tilespmem:$0x7980] =	vst v63  }
0x57: {  	_ =	swait.ge [sflag:s12], $0x2800  }
0x58: {  	[sflag:s12] =	ssyncset.done $0x0  }
0x59: {  	[sflag:s12] =	ssyncadd.s32 $0xFFFFD800  }
0x5a: {  	[hbm4b:s30+s4] =	stream.linear.scatter [tilespmem:s16], [sflag:$0x1], $0x5000, $0x38;
	[tilespmem:$0x7980] =	vst v63  }
0x5b: {  	_ =	swait.ge [sflag:s12], $0x5000  }
0x5c: {  	[sflag:s12] =	ssyncset.done $0x0  }
0x5d: {  	[sflag:s12] =	ssyncadd.s32 $0xFFFFB000  }
0x5e: {  	[tilespmem:s26], [sflag:$0x1] =	stream.indirect.gather [hbm4b:s3+s14], $0x1, s13, s14, $0xb8;
	[tilespmem:$0x7980] =	vst v63  }
0x5f: {  	_ =	swait.ge [sflag:s12], $0x50  }
0x60: {  	p0 =	sne.s32 s31, $0x4D8;
	[sflag:s12] =	ssyncset.done $0x0  }
.Ltmp0:
0x61: {  	s0 =	sadd.s32 s31, s9;
	[sflag:s12] =	ssyncadd.s32 $0xFFFFFFB0;
	(pc) =	sbr.rel @p0 .LBB2_2-.Ltmp0, $4  }
0x62: {  	[hbm4b:s0+s4] =	stream.linear.scatter [tilespmem:s26], [sflag:$0x1], $0x50, $0x38;
	[tilespmem:$0x7980] =	vst v63  }
0x63: {  	_ =	swait.ge [sflag:s12], $0x50  }
0x64: {  	s31 =	sadd.s32 $0xA, s31;
	[sflag:s12] =	ssyncset.done $0x0  }
0x65: {  	s29 =	sadd.s32 $0x500, s29;
	s30 =	sadd.s32 $0xA00, s30;
	[sflag:s12] =	ssyncadd.s32 $0xFFFFFFB0  }
0x66: {  	s28 =	sadd.s32 $0x1, s28  }
0x67: {  	p0 =	sne.s32 s28, s6  }
.Ltmp1:
0x68: {  	_ = 	snop;
	(pc) =	sbr.rel @p0 .LBB2_1-.Ltmp1, $1  }
0x69: {  	_ =	sdelay $0x3  }
0x6a: {  	_ =	sfence.sel $0x180000  }
0x6b: {  	[bflag:$0x0] =	sbarrier.arrive $0xFFFF  }
0x6c: {  	_ =	strace $0x90000047  }
0x6d: {  	[bflag:$0x2] =	sbarrier.arrive $0xFFFF  }
0x6e: {  	p0 =	sne.s32 s2, $0x0;
	s0 =	rddreg [dreg:$0x3]  }
0x6f: {  	s0 =	sadd.s32 @!p0 $0x100000, s0  }
0x70: {  	[sflag:s0] =	ssyncadd.tile.s32 @!p0 $0x1;
	_ =	shalt  }
.Lfunc_end2:
_tile_overlayer_lowered:
.L_overlay_start_2:
0x71: {  	(tag) =	ssettag $0x2  }
0x72: {  	s0 =	rddreg [dreg:$0x0];
	s2 =	stileid.u32  }
0x73: {  	s1 =	rddreg [dreg:$0x1];
	p0 =	sne.s32 s2, $0x0  }
0x74: {  	s3 =	rddreg [dreg:$0x2];
	[bflag:$0x3] =	sbarrier.arrive $0xFFFF;
	s2 =	simm.s32 @!p0 $0x1C01  }
0x75: {  	[timem:s3], [sflag:s2] =	dma.local @!p0 [hbm:s0], s1  }
0x76: {  	s0 =	simm.s32 @!p0 $0x1  }
0x77: {  	_ =	swait.ge @!p0 [sflag:s0], s1  }
0x78: {  	s1 =	ssub.s32 @!p0 $0x0, s1;
	[sflag:s0] =	ssyncset.done @!p0 $0x0  }
0x79: {  	[sflag:s0] =	ssyncadd.s32 @!p0 s1  }
0x7a: {  	[bflag:$0x3] =	sbarrier.arrive $0xFFFF  }
0x7b: {  	_ =	shalt  }

// kernel: kernel.21.cloned.1.call-start
scs
__scs_entry_jumppad:
0x0: {  	(pc) =	sbr.rel $0x88, $3  }
0x1: {  	(tag) =	ssettag $0x0;
	lr =	simm.s32 $0x1  }
0x2: {  	[smem:$0x3F74] =	sst lr;
	_ =	strace $0xD0000000  }
0x3: {  	_ = 	snop  }
0x4: {  	_ = 	snop  }
0x5: {  	_ = 	snop  }
0x6: {  	_ = 	snop  }
0x7: {  	_ = 	snop  }
__scs_overlays_trampoline_lowered:
0x8: {  	[smem:$0x3F83] =	sst s0  }
0x9: {  	[smem:$0x3F84] =	sst s1  }
0xa: {  	[smem:$0x3F85] =	sst s2  }
0xb: {  	[smem:$0x3F86] =	sst s3  }
0xc: {  	[smem:$0x3F87] =	sst s4  }
0xd: {  	[smem:$0x3F88] =	sst s5  }
0xe: {  	[smem:$0x3F89] =	sst s6  }
0xf: {  	[smem:$0x3F8A] =	sst s7  }
0x10: {  	[smem:$0x3F8B] =	sst s8  }
0x11: {  	[smem:$0x3F8C] =	sst s9;
	s0 =	simm.s32 @!p0 $0x0  }
0x12: {  	s1 =	sld [smem:$0x3F72];
	s0 =	simm.s32 @p0 $0x1  }
0x13: {  	[smem:$0x3F8D] =	sst s0;
	s0 =	simm.s32 @!p1 $0x0  }
0x14: {  	s2 =	sld [smem:$0x3F71];
	s0 =	simm.s32 @p1 $0x1  }
0x15: {  	[smem:$0x3F8E] =	sst s0;
	s0 =	simm.s32 @!p2 $0x0  }
0x16: {  	s3 =	sld [smem:$0x3FDB];
	s0 =	simm.s32 @p2 $0x1  }
0x17: {  	s4 =	simm.s32 $0x1BF5;
	[smem:$0x3F90] =	sst s0  }
0x18: {  	s0 =	sld [smem:$0x3F73];
	_ =	swait.ge [sflag:s4], $0x0  }
0x19: {  	s7 =	sld [smem:$0x3F74]  }
0x1a: {  	s8 =	sadd.s32 $0xFFFFE003, lr  }
0x1b: {  	s9 =	sadd.s32 $0xFFFFFEF7, lr;
	s5 =	simm.s32 $0xFFFFFFFF;
	p2 =	slt.u32 s8, $0xFFFFF086  }
0x1c: {  	p1 =	slt.u32 s9, $0xF7A;
	s5 =	simm.s32 @!p2 $0x0  }
0x1d: {  	s5 =	simm.s32 @p1 $0x1;
	p0 =	seq.s32 s7, s2  }
0x1e: {  	s7 =	smul.u32 @!p0 $0xF7A, s2;
	p2 =	seq.s32 @!p0 s5, $0x0  }
0x1f: {  	s9 =	smul.u32 $0xF7A, s1;
	s8 =	simm.s32 @!p0 $0x1BF5;
	p2 =	por !p2, p0  }
0x20: {  	[sflag:s8] =	ssyncset.s32 @!p0 $0xFFFFF086;
	s6 =	sadd.s32 @!p0 s3, s7;
	s7 =	simm.s32 @!p0 $0x108  }
0x21: {  	s3 =	sadd.s32 s3, s9;
	s6 =	sadd.s32 @!p0 $0x88, s6;
	s7 =	simm.s32 @p2 $0x1082  }
0x22: {  	[simem:s7], [sflag:s8] =	dma.local @!p0 [hbm:s6], $0xF7A  }
0x23: {  	s9 =	sor.u32 $0xD0000000, s2;
	s6 =	simm.s32 $0x108;
	_ =	swait.ge @!p0 [sflag:s8], $0x0  }
0x24: {  	s3 =	sadd.s32 $0x88, s3;
	s6 =	simm.s32 @!p1 $0x1082;
	[sflag:s4] =	ssyncset.s32 $0xFFFFF086  }
0x25: {  	[simem:s6], [sflag:s4] =	dma.local [hbm:s3], $0xF7A  }
0x26: {  	[smem:$0x3F74] =	sst s1;
	(tag) =	ssettag s2;
	_ =	strace s9  }
0x27: {  	s1 =	sld [smem:$0x3F84]  }
0x28: {  	s2 =	sld [smem:$0x3F85]  }
0x29: {  	s4 =	sld [smem:$0x3F87]  }
0x2a: {  	p0 =	seq.s32 s5, $0x0;
	s5 =	sld [smem:$0x3F88]  }
0x2b: {  	s6 =	sld [smem:$0x3F89]  }
0x2c: {  	s7 =	sld [smem:$0x3F8A]  }
0x2d: {  	s3 =	simm.s32 $0x108;
	s8 =	sld [smem:$0x3F8B]  }
0x2e: {  	s3 =	simm.s32 @!p0 $0x1082;
	s9 =	sld [smem:$0x3F8C]  }
0x2f: {  	lr =	sadd.s32 s0, s3;
	s0 =	sld [smem:$0x3F83]  }
0x30: {  	s3 =	sld [smem:$0x3F86]  }
0x31: {  	[smem:$0x3F8F] =	sst s10  }
0x32: {  	s10 =	sld [smem:$0x3F8D];
	_ =	sdelay $0x3  }
0x33: {  	p0 =	seq.s32 s10, $0x1;
	s10 =	sld [smem:$0x3F8F];
	_ =	sdelay $0x3  }
0x34: {  	[smem:$0x3F8F] =	sst s10  }
0x35: {  	s10 =	sld [smem:$0x3F8E];
	_ =	sdelay $0x3  }
0x36: {  	p1 =	seq.s32 s10, $0x1;
	s10 =	sld [smem:$0x3F8F];
	_ =	sdelay $0x3  }
0x37: {  	[smem:$0x3F8F] =	sst s10  }
0x38: {  	s10 =	sld [smem:$0x3F90]  }
0x39: {  	_ = 	snop;
	(pc) =	sbr.ind lr, $3  }
0x3a: {  	_ = 	snop  }
0x3b: {  	_ = 	snop  }
0x3c: {  	p2 =	seq.s32 s10, $0x1;
	s10 =	sld [smem:$0x3F8F]  }
0x3d: {  	_ =	shalt  }
0x3e: {  	_ =	shalt  }
0x3f: {  	_ =	shalt  }
0x40: {  	_ =	shalt  }
0x41: {  	_ =	shalt  }
0x42: {  	_ =	shalt  }
0x43: {  	_ =	shalt  }
0x44: {  	_ =	shalt  }
0x45: {  	_ =	shalt  }
0x46: {  	_ =	shalt  }
0x47: {  	_ =	shalt  }
0x48: {  	_ =	shalt  }
0x49: {  	_ =	shalt  }
0x4a: {  	_ =	shalt  }
0x4b: {  	_ =	shalt  }
0x4c: {  	_ =	shalt  }
0x4d: {  	_ =	shalt  }
0x4e: {  	_ =	shalt  }
0x4f: {  	_ =	shalt  }
0x50: {  	_ =	shalt  }
0x51: {  	_ =	shalt  }
0x52: {  	_ =	shalt  }
0x53: {  	_ =	shalt  }
0x54: {  	_ =	shalt  }
0x55: {  	_ =	shalt  }
0x56: {  	_ =	shalt  }
0x57: {  	_ =	shalt  }
0x58: {  	_ =	shalt  }
0x59: {  	_ =	shalt  }
0x5a: {  	_ =	shalt  }
0x5b: {  	_ =	shalt  }
0x5c: {  	_ =	shalt  }
0x5d: {  	_ =	shalt  }
0x5e: {  	_ =	shalt  }
0x5f: {  	_ =	shalt  }
0x60: {  	_ =	shalt  }
0x61: {  	_ =	shalt  }
0x62: {  	_ =	shalt  }
0x63: {  	_ =	shalt  }
0x64: {  	_ =	shalt  }
0x65: {  	_ =	shalt  }
0x66: {  	_ =	shalt  }
0x67: {  	_ =	shalt  }
0x68: {  	_ =	shalt  }
0x69: {  	_ =	shalt  }
0x6a: {  	_ =	shalt  }
0x6b: {  	_ =	shalt  }
0x6c: {  	_ =	shalt  }
0x6d: {  	_ =	shalt  }
0x6e: {  	_ =	shalt  }
0x6f: {  	_ =	shalt  }
0x70: {  	_ =	shalt  }
0x71: {  	_ =	shalt  }
0x72: {  	_ =	shalt  }
0x73: {  	_ =	shalt  }
0x74: {  	_ =	shalt  }
0x75: {  	_ =	shalt  }
0x76: {  	_ =	shalt  }
0x77: {  	_ =	shalt  }
0x78: {  	_ =	shalt  }
0x79: {  	_ =	shalt  }
0x7a: {  	_ =	shalt  }
0x7b: {  	_ =	shalt  }
0x7c: {  	_ =	shalt  }
0x7d: {  	_ =	shalt  }
0x7e: {  	_ =	shalt  }
0x7f: {  	_ =	shalt  }
0x80: {  	_ =	shalt  }
0x81: {  	_ =	shalt  }
0x82: {  	_ =	shalt  }
0x83: {  	_ =	shalt  }
0x84: {  	_ =	shalt  }
0x85: {  	_ =	shalt  }
0x86: {  	_ =	shalt  }
0x87: {  	_ =	shalt  }
.Lfunc_end0:
.L_simem_size_0:
called_computation.1_lowered:
.L_overlay_start_0:
0x88: {  	s2 =	sld [smem:$0x3FD9]  }
0x89: {  	s3 =	sld [smem:$0x3FFE];
	_ =	sdelay $0x1  }
0x8a: {  	s1 =	srdreg.scid  }
0x8b: {  	s0 =	sand.u32 $0x1, s1  }
0x8c: {  	s17 =	sshll.u32 s0, $0xA;
	s2 =	sadd.s32 s3, s2  }
0x8d: {  	s2 =	sadd.s32 s2, s17  }
0x8e: {  	[smem:$0x3F9B] =	sst s2  }
0x8f: {  	_ = 	snop  }
0x90: {  	(tm) =	ssettm $0x1  }
0x91: {  	s18 =	sld [smem:$0x3FFB];
	_ =	sdelay $0x3  }
0x92: {  	_ =	strace s18  }
0x93: {  	s2 =	sld [smem:$0x3FFC];
	_ =	sdelay $0x3  }
0x94: {  	_ =	strace s2  }
0x95: {  	s2 =	sld [smem:$0x3FFD];
	_ =	sdelay $0x3  }
0x96: {  	_ =	strace s2  }
0x97: {  	_ =	strace $0x8FFFFFFF  }
0x98: {  	s19 =	sld [smem:$0x3FDB];
	_ =	sdelay $0x1  }
0x99: {  	s20 =	simm.s32 $_scs_section_size  }
0x9a: {  	s4 =	simm.s32 $_size__tile_overlayer_lowered;
	s5 =	simm.s32 $_tile_overlayer_lowered  }
0x9b: {  	s6 =	simm.s32 $0x1BFF;
	s21 =	sshll.u32 s5, $0x1;
	s3 =	sadd.s32 s20, s19  }
0x9c: {  	s22 =	simm.s32 $0x0;
	s4 =	sshll.u32 s4, $0x1;
	s5 =	sadd.s32 s21, s3  }
0x9d: {  	[timem:s22], [sflag:s6] =	dma.local [hbm:s5], s4  }
0x9e: {  	_ =	swait.ge [sflag:s6], s4  }
0x9f: {  	s4 =	ssub.s32 $0x0, s4;
	[sflag:s6] =	ssyncset.done $0x0  }
0xa0: {  	[sflag:s6] =	ssyncadd.s32 s4;
	_ =	sdelay $0x1  }
0xa1: {  	s23 =	simm.s32 $0x1B8B  }
0xa2: {  	_ =	swait.ge [sflag:s23], $0x1  }
0xa3: {  	[sflag:s23] =	ssyncset.done $0x0  }
0xa4: {  	[sflag:s23] =	ssyncadd.s32 $0xFFFFFFFF  }
0xa5: {  	s4 =	sld [smem:$0x0]  }
0xa6: {  	s5 =	sand.u32 $0xFFFFFFFE, s1  }
0xa7: {  	p0 =	sne.s32 s1, s5  }
0xa8: {  	s5 =	sshll.u32 @p0 s5, $0xE  }
0xa9: {  	s5 =	sadd.s32 @p0 $0x11B8D, s5;
	s6 =	sshll.u32 @p0 s4, $0x11  }
0xaa: {  	s5 =	sor.u32 @p0 s6, s5  }
0xab: {  	[sflag:s5] =	ssyncadd.remote.s32 @p0 $0x1;
	_ =	sdelay $0x1  }
0xac: {  	s5 =	simm.s32 @p0 $0x1B8D  }
0xad: {  	_ =	swait.eq @p0 [sflag:s5], $0x1  }
0xae: {  	[sflag:s5] =	ssyncadd.s32 @p0 $0xFFFFFFFF  }
0xaf: {  	s6 =	sshll.u32 @!p0 s1, $0xE  }
0xb0: {  	s6 =	sor.u32 @!p0 $0x4000, s6;
	s5 =	simm.s32 @!p0 $0x1B8D  }
0xb1: {  	s4 =	sshll.u32 @!p0 s4, $0x11;
	s6 =	sadd.s32 @!p0 $0x11B8D, s6;
	_ =	swait.eq @!p0 [sflag:s5], $0x1  }
0xb2: {  	s4 =	sor.u32 @!p0 s4, s6;
	[sflag:s5] =	ssyncadd.s32 @!p0 $0xFFFFFFFF  }
0xb3: {  	s25 =	simm.s32 $0x1B8E;
	s24 =	sld [smem:$0x3FFE];
	[sflag:s4] =	ssyncadd.remote.s32 @!p0 $0x1  }
0xb4: {  	s26 =	simm.s32 $execute0_lowered;
	[smem:$0x3FD2] =	sst s25  }
0xb5: {  	s5 =	sshll.u32 s26, $0x1;
	_ =	strace $0x8000004C;
	[dreg:$0x1] =	wrdreg $0xFFFFFFFF  }
0xb6: {  	s28 =	simm.s32 $_size_execute0_lowered;
	s3 =	sadd.s32 s3, s5;
	[dreg:$0x0] =	wrdreg $0x0  }
0xb7: {  	s5 =	sshll.u32 s28, $0x1;
	[dreg:$0x2] =	wrdreg s3  }
0xb8: {  	[dreg:$0x3] =	wrdreg s5  }
0xb9: {  	[dreg:$0x4] =	wrdreg $0xC0  }
0xba: {  	_ =	task [dreg:s22], $0x5FFFF  }
0xbb: {  	[dreg:$0x1] =	wrdreg $0xFFFFFFFF  }
0xbc: {  	[dreg:$0x0] =	wrdreg $0x60  }
0xbd: {  	[dreg:$0x2] =	wrdreg s24  }
0xbe: {  	[dreg:$0x3] =	wrdreg $0x0  }
0xbf: {  	[dreg:$0x4] =	wrdreg $0x9  }
0xc0: {  	_ =	task.clear_ibuf [dreg:s22], $0x5FFFF;
	_ =	strace $0x9000004C  }
0xc1: {  	s29 =	simm.s32 $0x9;
	_ =	strace $0x8000004E  }
0xc2: {  	_ =	swait.ge [sflag:s29], $0x1  }
0xc3: {  	[sflag:s29] =	ssyncadd.s32 $0xFFFFFFFF  }
0xc4: {  	_ =	strace $0x9000004E  }
0xc5: {  	_ =	sfence  }
0xc6: {  	s30 =	sld [smem:$0x0];
	_ =	sdelay $0x2  }
0xc7: {  	s31 =	sshll.u32 s1, $0xD;
	s1 =	sshrl.u32 s1, $0x2  }
0xc8: {  	s4 =	sand.u32 $0x4000, s31;
	s1 =	sadd.s32 s1, s30  }
0xc9: {  	s0 =	sor.u32 s4, s0;
	s1 =	sshll.u32 s1, $0x11  }
0xca: {  	s0 =	sor.u32 s1, s0  }
0xcb: {  	s0 =	sadd.s32 $0x8F2B, s0  }
0xcc: {  	[sflag:s0] =	ssyncadd.remote.s32 $0x1  }
0xcd: {  	_ =	sfence.sel $0xFFFF  }
0xce: {  	[dreg:$0x0] =	wrdreg $0xFFFFFFFF;
	(pc) =	sbr.abs _section_cstart, $3  }
0xcf: {  	[dreg:$0x1] =	wrdreg $0xFFFFFFFF  }
0xd0: {  	_ =	task.clear_ibuf [dreg:s22], $0x2FFFF;
	_ =	strace $0x9FFFFFFF  }
0xd1: {  	(tm) =	ssettm $0x7FFFFFFF  }
tec
execute0_lowered:
.L_overlay_start_1:
0x0: {  	(tag) =	ssettag $0x1  }
0x1: {  	s15 =	stileid.u32  }
0x2: {  	s0 =	srdreg.scid;
	s6 =	smul.u32 $0x2710, s15  }
0x3: {  	s1 =	rddreg [dreg:$0x0];
	s7 =	smul.u32 $0x320, s15  }
0x4: {  	s2 =	rddreg [dreg:$0x1];
	s8 =	smul.u32 $0x64000, s15  }
0x5: {  	s3 =	simm.s32 $0x0;
	s0 =	sand.u32 $0x1, s0;
	s26 =	smul.u32 $0x27100, s15  }
0x6: {  	s29 =	simm.s32 $0x19000;
	s30 =	simm.s32 $0x1;
	s4 =	smul.u32 $0x271000, s0  }
0x7: {  	s31 =	simm.s32 $0x1B800;
	[smem:$0x7FF] =	sst s3;
	s5 =	smul.u32 $0x27100, s0  }
0x8: {  	s18 =	sadd.s32 $0x1EC00, s1;
	s17 =	smul.u32 $0x3200, s0;
	s0 =	ssub.s32 $0x2, s0  }
0x9: {  	_ =	strace $0x8000004D;
	[dreg:$0x3] =	wrdreg s18;
	s20 =	sshrl.u32 s0, $0x1  }
0xa: {  	s21 =	sshrl.u32 s8, $0x2;
	s5 =	sadd.s32 s6, s5;
	s4 =	sadd.s32 s4, s1  }
0xb: {  	s19 =	sadd.s32 s7, s17;
	s0 =	ssub.s32 s0, s20;
	s5 =	sshrl.u32 s5, $0x3  }
0xc: {  	s22 =	sshll.u32 s19, $0x4;
	s0 =	smax.u32 s0, $0x1;
	s14 =	sadd.s32 s5, s1  }
0xd: {  	s5 =	sadd.s32 s21, s2;
	s1 =	sadd.s32 s22, s1;
	[dreg:$0x4] =	wrdreg s0  }
0xe: {  	s0 =	sadd.s32 s26, s4;
	s7 =	sadd.s32 $0x2800, s5;
	s8 =	sadd.s32 $0x5000, s5  }
0xf: {  	s9 =	sadd.s32 $0x7800, s5;
	s10 =	sadd.s32 $0xA000, s5;
	s11 =	sadd.s32 $0xC800, s5  }
0x10: {  	s12 =	sadd.s32 $0xF000, s5;
	s13 =	sadd.s32 $0x11800, s5;
	s23 =	sadd.s32 $0xF8000, s1  }
0x11: {  	s24 =	sadd.s32 $0xF8500, s1;
	s25 =	sadd.s32 $0xF8A00, s1;
	s17 =	sadd.s32 $0xF8F00, s1  }
0x12: {  	s18 =	sadd.s32 $0xF9400, s1;
	s19 =	sadd.s32 $0xF9900, s1;
	s20 =	sadd.s32 $0xF9E00, s1  }
0x13: {  	s21 =	sadd.s32 $0xFA300, s1;
	s22 =	sadd.s32 $0xFA800, s1;
	[dreg:$0x5] =	wrdreg s23  }
0x14: {  	s26 =	sadd.s32 $0x14000, s5;
	s28 =	sadd.s32 $0x16800, s5;
	[dreg:$0x6] =	wrdreg s24  }
0x15: {  	[dreg:$0x7] =	wrdreg s25;
	s23 =	sadd.s32 $0xFAD00, s1;
	s24 =	sadd.s32 $0x22CBE00, s0  }
0x16: {  	s25 =	sadd.s32 $0x14E00, s14;
	s0 =	simm.s32 $0x50;
	s1 =	simm.s32 $0x0  }
.LBB2_1:
0x17: {  	s4 =	rddreg [dreg:$0x3]  }
0x18: {  	[tilespmem:s29], [sflag:$0x1] =	stream.linear.gather [hbm4b:s4+s3], $0x2800, $0x38;
	[tilespmem:$0x1B880] =	vst v63  }
0x19: {  	_ =	swait.ge [sflag:s30], $0x2800  }
0x1a: {  	[sflag:s30] =	ssyncset.done $0x0  }
0x1b: {  	[sflag:s30] =	ssyncadd.s32 $0xFFFFD800  }
0x1c: {  	[spmem:s5] =	stream.linear.scatter [tilespmem:s29], [sflag:$0x1], $0x2800, $0x38;
	[tilespmem:$0x1B880] =	vst v63  }
0x1d: {  	_ =	swait.ge [sflag:s30], $0x2800  }
0x1e: {  	[sflag:s30] =	ssyncset.done $0x0  }
0x1f: {  	[sflag:s30] =	ssyncadd.s32 $0xFFFFD800  }
0x20: {  	[spmem:s7] =	stream.linear.scatter [tilespmem:s29], [sflag:$0x1], $0x2800, $0x38;
	[tilespmem:$0x1B880] =	vst v63  }
0x21: {  	_ =	swait.ge [sflag:s30], $0x2800  }
0x22: {  	[sflag:s30] =	ssyncset.done $0x0  }
0x23: {  	[sflag:s30] =	ssyncadd.s32 $0xFFFFD800  }
0x24: {  	[spmem:s8] =	stream.linear.scatter [tilespmem:s29], [sflag:$0x1], $0x2800, $0x38;
	[tilespmem:$0x1B880] =	vst v63  }
0x25: {  	_ =	swait.ge [sflag:s30], $0x2800  }
0x26: {  	[sflag:s30] =	ssyncset.done $0x0  }
0x27: {  	[sflag:s30] =	ssyncadd.s32 $0xFFFFD800  }
0x28: {  	[spmem:s9] =	stream.linear.scatter [tilespmem:s29], [sflag:$0x1], $0x2800, $0x38;
	[tilespmem:$0x1B880] =	vst v63  }
0x29: {  	_ =	swait.ge [sflag:s30], $0x2800  }
0x2a: {  	[sflag:s30] =	ssyncset.done $0x0  }
0x2b: {  	[sflag:s30] =	ssyncadd.s32 $0xFFFFD800  }
0x2c: {  	[spmem:s10] =	stream.linear.scatter [tilespmem:s29], [sflag:$0x1], $0x2800, $0x38;
	[tilespmem:$0x1B880] =	vst v63  }
0x2d: {  	_ =	swait.ge [sflag:s30], $0x2800  }
0x2e: {  	[sflag:s30] =	ssyncset.done $0x0  }
0x2f: {  	[sflag:s30] =	ssyncadd.s32 $0xFFFFD800  }
0x30: {  	[spmem:s11] =	stream.linear.scatter [tilespmem:s29], [sflag:$0x1], $0x2800, $0x38;
	[tilespmem:$0x1B880] =	vst v63  }
0x31: {  	_ =	swait.ge [sflag:s30], $0x2800  }
0x32: {  	[sflag:s30] =	ssyncset.done $0x0  }
0x33: {  	[sflag:s30] =	ssyncadd.s32 $0xFFFFD800  }
0x34: {  	[spmem:s12] =	stream.linear.scatter [tilespmem:s29], [sflag:$0x1], $0x2800, $0x38;
	[tilespmem:$0x1B880] =	vst v63  }
0x35: {  	_ =	swait.ge [sflag:s30], $0x2800  }
0x36: {  	[sflag:s30] =	ssyncset.done $0x0  }
0x37: {  	[sflag:s30] =	ssyncadd.s32 $0xFFFFD800  }
0x38: {  	[spmem:s13] =	stream.linear.scatter [tilespmem:s29], [sflag:$0x1], $0x2800, $0x38;
	[tilespmem:$0x1B880] =	vst v63  }
0x39: {  	_ =	swait.ge [sflag:s30], $0x2800  }
0x3a: {  	[sflag:s30] =	ssyncset.done $0x0  }
0x3b: {  	[sflag:s30] =	ssyncadd.s32 $0xFFFFD800  }
0x3c: {  	[spmem:s26] =	stream.linear.scatter [tilespmem:s29], [sflag:$0x1], $0x2800, $0x38;
	[tilespmem:$0x1B880] =	vst v63  }
0x3d: {  	_ =	swait.ge [sflag:s30], $0x2800  }
0x3e: {  	[sflag:s30] =	ssyncset.done $0x0  }
0x3f: {  	[sflag:s30] =	ssyncadd.s32 $0xFFFFD800  }
0x40: {  	[spmem:s28] =	stream.linear.scatter [tilespmem:s29], [sflag:$0x1], $0x2800, $0x38;
	[tilespmem:$0x1B880] =	vst v63  }
0x41: {  	_ =	swait.ge [sflag:s30], $0x2800  }
0x42: {  	[sflag:s30] =	ssyncset.done $0x0  }
0x43: {  	[sflag:s30] =	ssyncadd.s32 $0xFFFFD800  }
0x44: {  	s16 =	sadd.s32 $0x0, s25;
	[bflag:$0x0] =	sbarrier.arrive $0xFFFF  }
0x45: {  	[tilespmem:s31], [sflag:$0x1] =	stream.linear.gather [hbm4b:s16+s3], $0x50, $0x38;
	[tilespmem:$0x1B880] =	vst v63  }
0x46: {  	_ =	swait.ge [sflag:s30], $0x50  }
0x47: {  	[sflag:s30] =	ssyncset.done $0x0  }
0x48: {  	[sflag:s30] =	ssyncadd.s32 $0xFFFFFFB0  }
0x49: {  	[tilespmem:s29], [sflag:$0x1] =	stream.linear.gather [hbm4b:s24+s3], $0x2800, $0x38;
	[tilespmem:$0x1B880] =	vst v63  }
0x4a: {  	_ =	swait.ge [sflag:s30], $0x2800  }
0x4b: {  	[sflag:s30] =	ssyncset.done $0x0  }
0x4c: {  	[sflag:s30] =	ssyncadd.s32 $0xFFFFD800  }
0x4d: {  	[spmem:s2] =	stream.indirect.scatter.add.f32 [tilespmem:s29], [sflag:$0x1], $0x80, s31, s0, $0xb8;
	[tilespmem:$0x1B880] =	vst v63  }
0x4e: {  	s6 =	simm.s32 $0xA;
	_ =	swait.ge [sflag:s30], $0x2800  }
0x4f: {  	s14 =	simm.s32 $0x14;
	s4 =	sadd.s32 $0x500, s24;
	[sflag:s30] =	ssyncset.done $0x0  }
.LBB2_2:
0x50: {  	s15 =	sadd.s32 s6, s25  }
0x51: {  	[sflag:s30] =	ssyncadd.s32 $0xFFFFD800;
	s6 =	smov.u32 s14;
	s16 =	sadd.s32 $0xA, s14  }
0x52: {  	[tilespmem:s31], [sflag:$0x1] =	stream.linear.gather [hbm4b:s15+s3], $0x50, $0x38;
	[tilespmem:$0x1B880] =	vst v63  }
0x53: {  	p0 =	sne.s32 s14, $0x4D8;
	_ =	swait.ge [sflag:s30], $0x50  }
0x54: {  	[sflag:s30] =	ssyncset.done $0x0  }
0x55: {  	[sflag:s30] =	ssyncadd.s32 $0xFFFFFFB0  }
0x56: {  	[tilespmem:s29], [sflag:$0x1] =	stream.linear.gather [hbm4b:s4+s3], $0x2800, $0x38;
	[tilespmem:$0x1B880] =	vst v63  }
0x57: {  	_ =	swait.ge [sflag:s30], $0x2800  }
.Ltmp0:
0x58: {  	[sflag:s30] =	ssyncset.done $0x0;
	(pc) =	sbr.rel @p0 .LBB2_2-.Ltmp0, $4  }
0x59: {  	[sflag:s30] =	ssyncadd.s32 $0xFFFFD800  }
0x5a: {  	[spmem:s2] =	stream.indirect.scatter.add.f32 [tilespmem:s29], [sflag:$0x1], $0x80, s31, s0, $0xb8;
	[tilespmem:$0x1B880] =	vst v63  }
0x5b: {  	_ =	swait.ge [sflag:s30], $0x2800  }
0x5c: {  	s14 =	smov.u32 s16;
	s4 =	sadd.s32 $0x500, s4;
	[sflag:s30] =	ssyncset.done $0x0  }
0x5d: {  	s6 =	sadd.s32 s6, s25;
	[sflag:s30] =	ssyncadd.s32 $0xFFFFD800  }
0x5e: {  	[tilespmem:s31], [sflag:$0x1] =	stream.linear.gather [hbm4b:s6+s3], $0x50, $0x38;
	[tilespmem:$0x1B880] =	vst v63  }
0x5f: {  	_ =	swait.ge [sflag:s30], $0x50  }
0x60: {  	[sflag:s30] =	ssyncset.done $0x0  }
0x61: {  	[sflag:s30] =	ssyncadd.s32 $0xFFFFFFB0  }
0x62: {  	[tilespmem:s29], [sflag:$0x1] =	stream.linear.gather [hbm4b:s4+s3], $0x2800, $0x38;
	[tilespmem:$0x1B880] =	vst v63  }
0x63: {  	_ =	swait.ge [sflag:s30], $0x2800  }
0x64: {  	[sflag:s30] =	ssyncset.done $0x0  }
0x65: {  	[sflag:s30] =	ssyncadd.s32 $0xFFFFD800  }
0x66: {  	[spmem:s2] =	stream.indirect.scatter.add.f32 [tilespmem:s29], [sflag:$0x1], $0x80, s31, s0, $0xb8;
	[tilespmem:$0x1B880] =	vst v63  }
0x67: {  	_ =	swait.ge [sflag:s30], $0x2800  }
0x68: {  	[sflag:s30] =	ssyncset.done $0x0  }
0x69: {  	[sflag:s30] =	ssyncadd.s32 $0xFFFFD800  }
0x6a: {  	[bflag:$0x0] =	sbarrier.arrive $0xFFFF  }
0x6b: {  	[tilespmem:s29], [sflag:$0x1] =	stream.linear.gather [spmem:s5], $0x2800, $0x38;
	[tilespmem:$0x1B880] =	vst v63  }
0x6c: {  	_ =	swait.ge [sflag:s30], $0x2800  }
0x6d: {  	[sflag:s30] =	ssyncset.done $0x0  }
0x6e: {  	s6 =	rddreg [dreg:$0x5];
	[sflag:s30] =	ssyncadd.s32 $0xFFFFD800  }
0x6f: {  	[hbm4b:s6+s3] =	stream.linear.scatter [tilespmem:s29], [sflag:$0x1], $0x2800, $0x38;
	[tilespmem:$0x1B880] =	vst v63  }
0x70: {  	_ =	swait.ge [sflag:s30], $0x2800  }
0x71: {  	[sflag:s30] =	ssyncset.done $0x0  }
0x72: {  	[sflag:s30] =	ssyncadd.s32 $0xFFFFD800  }
0x73: {  	[tilespmem:s29], [sflag:$0x1] =	stream.linear.gather [spmem:s7], $0x2800, $0x38;
	[tilespmem:$0x1B880] =	vst v63  }
0x74: {  	_ =	swait.ge [sflag:s30], $0x2800  }
0x75: {  	[sflag:s30] =	ssyncset.done $0x0  }
0x76: {  	s14 =	rddreg [dreg:$0x6];
	[sflag:s30] =	ssyncadd.s32 $0xFFFFD800  }
0x77: {  	[hbm4b:s14+s3] =	stream.linear.scatter [tilespmem:s29], [sflag:$0x1], $0x2800, $0x38;
	[tilespmem:$0x1B880] =	vst v63  }
0x78: {  	_ =	swait.ge [sflag:s30], $0x2800  }
0x79: {  	[sflag:s30] =	ssyncset.done $0x0  }
0x7a: {  	[sflag:s30] =	ssyncadd.s32 $0xFFFFD800  }
0x7b: {  	[tilespmem:s29], [sflag:$0x1] =	stream.linear.gather [spmem:s8], $0x2800, $0x38;
	[tilespmem:$0x1B880] =	vst v63  }
0x7c: {  	_ =	swait.ge [sflag:s30], $0x2800  }
0x7d: {  	[sflag:s30] =	ssyncset.done $0x0  }
0x7e: {  	s15 =	rddreg [dreg:$0x7];
	[sflag:s30] =	ssyncadd.s32 $0xFFFFD800  }
0x7f: {  	[hbm4b:s15+s3] =	stream.linear.scatter [tilespmem:s29], [sflag:$0x1], $0x2800, $0x38;
	[tilespmem:$0x1B880] =	vst v63  }
0x80: {  	_ =	swait.ge [sflag:s30], $0x2800  }
0x81: {  	[sflag:s30] =	ssyncset.done $0x0  }
0x82: {  	[sflag:s30] =	ssyncadd.s32 $0xFFFFD800  }
0x83: {  	[tilespmem:s29], [sflag:$0x1] =	stream.linear.gather [spmem:s9], $0x2800, $0x38;
	[tilespmem:$0x1B880] =	vst v63  }
0x84: {  	_ =	swait.ge [sflag:s30], $0x2800  }
0x85: {  	[sflag:s30] =	ssyncset.done $0x0  }
0x86: {  	[sflag:s30] =	ssyncadd.s32 $0xFFFFD800  }
0x87: {  	[hbm4b:s17+s3] =	stream.linear.scatter [tilespmem:s29], [sflag:$0x1], $0x2800, $0x38;
	[tilespmem:$0x1B880] =	vst v63  }
0x88: {  	_ =	swait.ge [sflag:s30], $0x2800  }
0x89: {  	[sflag:s30] =	ssyncset.done $0x0  }
0x8a: {  	[sflag:s30] =	ssyncadd.s32 $0xFFFFD800  }
0x8b: {  	[tilespmem:s29], [sflag:$0x1] =	stream.linear.gather [spmem:s10], $0x2800, $0x38;
	[tilespmem:$0x1B880] =	vst v63  }
0x8c: {  	_ =	swait.ge [sflag:s30], $0x2800  }
0x8d: {  	[sflag:s30] =	ssyncset.done $0x0  }
0x8e: {  	[sflag:s30] =	ssyncadd.s32 $0xFFFFD800  }
0x8f: {  	[hbm4b:s18+s3] =	stream.linear.scatter [tilespmem:s29], [sflag:$0x1], $0x2800, $0x38;
	[tilespmem:$0x1B880] =	vst v63  }
0x90: {  	_ =	swait.ge [sflag:s30], $0x2800  }
0x91: {  	[sflag:s30] =	ssyncset.done $0x0  }
0x92: {  	[sflag:s30] =	ssyncadd.s32 $0xFFFFD800  }
0x93: {  	[tilespmem:s29], [sflag:$0x1] =	stream.linear.gather [spmem:s11], $0x2800, $0x38;
	[tilespmem:$0x1B880] =	vst v63  }
0x94: {  	_ =	swait.ge [sflag:s30], $0x2800  }
0x95: {  	[sflag:s30] =	ssyncset.done $0x0  }
0x96: {  	[sflag:s30] =	ssyncadd.s32 $0xFFFFD800  }
0x97: {  	[hbm4b:s19+s3] =	stream.linear.scatter [tilespmem:s29], [sflag:$0x1], $0x2800, $0x38;
	[tilespmem:$0x1B880] =	vst v63  }
0x98: {  	_ =	swait.ge [sflag:s30], $0x2800  }
0x99: {  	[sflag:s30] =	ssyncset.done $0x0  }
0x9a: {  	[sflag:s30] =	ssyncadd.s32 $0xFFFFD800  }
0x9b: {  	[tilespmem:s29], [sflag:$0x1] =	stream.linear.gather [spmem:s12], $0x2800, $0x38;
	[tilespmem:$0x1B880] =	vst v63  }
0x9c: {  	_ =	swait.ge [sflag:s30], $0x2800  }
0x9d: {  	[sflag:s30] =	ssyncset.done $0x0  }
0x9e: {  	[sflag:s30] =	ssyncadd.s32 $0xFFFFD800  }
0x9f: {  	[hbm4b:s20+s3] =	stream.linear.scatter [tilespmem:s29], [sflag:$0x1], $0x2800, $0x38;
	[tilespmem:$0x1B880] =	vst v63  }
0xa0: {  	_ =	swait.ge [sflag:s30], $0x2800  }
0xa1: {  	[sflag:s30] =	ssyncset.done $0x0  }
0xa2: {  	[sflag:s30] =	ssyncadd.s32 $0xFFFFD800  }
0xa3: {  	[tilespmem:s29], [sflag:$0x1] =	stream.linear.gather [spmem:s13], $0x2800, $0x38;
	[tilespmem:$0x1B880] =	vst v63  }
0xa4: {  	_ =	swait.ge [sflag:s30], $0x2800  }
0xa5: {  	[sflag:s30] =	ssyncset.done $0x0  }
0xa6: {  	[sflag:s30] =	ssyncadd.s32 $0xFFFFD800  }
0xa7: {  	[hbm4b:s21+s3] =	stream.linear.scatter [tilespmem:s29], [sflag:$0x1], $0x2800, $0x38;
	[tilespmem:$0x1B880] =	vst v63  }
0xa8: {  	_ =	swait.ge [sflag:s30], $0x2800  }
0xa9: {  	[sflag:s30] =	ssyncset.done $0x0  }
0xaa: {  	[sflag:s30] =	ssyncadd.s32 $0xFFFFD800  }
0xab: {  	[tilespmem:s29], [sflag:$0x1] =	stream.linear.gather [spmem:s26], $0x2800, $0x38;
	[tilespmem:$0x1B880] =	vst v63  }
0xac: {  	_ =	swait.ge [sflag:s30], $0x2800  }
0xad: {  	[sflag:s30] =	ssyncset.done $0x0  }
0xae: {  	[sflag:s30] =	ssyncadd.s32 $0xFFFFD800  }
0xaf: {  	[hbm4b:s22+s3] =	stream.linear.scatter [tilespmem:s29], [sflag:$0x1], $0x2800, $0x38;
	[tilespmem:$0x1B880] =	vst v63  }
0xb0: {  	_ =	swait.ge [sflag:s30], $0x2800  }
0xb1: {  	[sflag:s30] =	ssyncset.done $0x0  }
0xb2: {  	[sflag:s30] =	ssyncadd.s32 $0xFFFFD800  }
0xb3: {  	[tilespmem:s29], [sflag:$0x1] =	stream.linear.gather [spmem:s28], $0x2800, $0x38;
	[tilespmem:$0x1B880] =	vst v63  }
0xb4: {  	_ =	swait.ge [sflag:s30], $0x2800  }
0xb5: {  	[sflag:s30] =	ssyncset.done $0x0  }
0xb6: {  	[sflag:s30] =	ssyncadd.s32 $0xFFFFD800  }
0xb7: {  	[hbm4b:s23+s3] =	stream.linear.scatter [tilespmem:s29], [sflag:$0x1], $0x2800, $0x38;
	[tilespmem:$0x1B880] =	vst v63  }
0xb8: {  	_ =	swait.ge [sflag:s30], $0x2800  }
0xb9: {  	s1 =	sadd.s32 $0x1, s1;
	s16 =	rddreg [dreg:$0x4]  }
0xba: {  	p0 =	sne.s32 s1, s16  }
.Ltmp1:
0xbb: {  	_ = 	snop;
	(pc) =	sbr.rel @p0 .LBB2_1-.Ltmp1, $3  }
0xbc: {  	_ =	sdelay $0x1  }
0xbd: {  	[sflag:s30] =	ssyncset.done $0x0  }
0xbe: {  	[sflag:s30] =	ssyncadd.s32 $0xFFFFD800  }
0xbf: {  	_ =	sfence.sel $0x180000  }
0xc0: {  	[bflag:$0x0] =	sbarrier.arrive $0xFFFF  }
0xc1: {  	_ =	strace $0x9000004D  }
0xc2: {  	s0 =	stileid.u32;
	[bflag:$0x2] =	sbarrier.arrive $0xFFFF  }
0xc3: {  	p0 =	sne.s32 s0, $0x0;
	s0 =	rddreg [dreg:$0x2]  }
0xc4: {  	s0 =	sadd.s32 @!p0 $0x100000, s0  }
0xc5: {  	[sflag:s0] =	ssyncadd.tile.s32 @!p0 $0x1;
	_ =	shalt  }
.Lfunc_end2:
_tile_overlayer_lowered:
.L_overlay_start_2:
0xc6: {  	(tag) =	ssettag $0x2  }
0xc7: {  	s0 =	rddreg [dreg:$0x0];
	s2 =	stileid.u32  }
0xc8: {  	s1 =	rddreg [dreg:$0x1];
	p0 =	sne.s32 s2, $0x0  }
0xc9: {  	s3 =	rddreg [dreg:$0x2];
	[bflag:$0x3] =	sbarrier.arrive $0xFFFF;
	s2 =	simm.s32 @!p0 $0x1C01  }
0xca: {  	[timem:s3], [sflag:s2] =	dma.local @!p0 [hbm:s0], s1  }
0xcb: {  	s0 =	simm.s32 @!p0 $0x1  }
0xcc: {  	_ =	swait.ge @!p0 [sflag:s0], s1  }
0xcd: {  	s1 =	ssub.s32 @!p0 $0x0, s1;
	[sflag:s0] =	ssyncset.done @!p0 $0x0  }
0xce: {  	[sflag:s0] =	ssyncadd.s32 @!p0 s1  }
0xcf: {  	[bflag:$0x3] =	sbarrier.arrive $0xFFFF  }
0xd0: {  	_ =	shalt  }

// kernel: kernel.24.cloned.1.call-start
scs
__scs_entry_jumppad:
0x0: {  	(pc) =	sbr.rel $0x88, $3  }
0x1: {  	(tag) =	ssettag $0x0;
	lr =	simm.s32 $0x1  }
0x2: {  	[smem:$0x3F74] =	sst lr;
	_ =	strace $0xD0000000  }
0x3: {  	_ = 	snop  }
0x4: {  	_ = 	snop  }
0x5: {  	_ = 	snop  }
0x6: {  	_ = 	snop  }
0x7: {  	_ = 	snop  }
__scs_overlays_trampoline_lowered:
0x8: {  	[smem:$0x3F83] =	sst s0  }
0x9: {  	[smem:$0x3F84] =	sst s1  }
0xa: {  	[smem:$0x3F85] =	sst s2  }
0xb: {  	[smem:$0x3F86] =	sst s3  }
0xc: {  	[smem:$0x3F87] =	sst s4  }
0xd: {  	[smem:$0x3F88] =	sst s5  }
0xe: {  	[smem:$0x3F89] =	sst s6  }
0xf: {  	[smem:$0x3F8A] =	sst s7  }
0x10: {  	[smem:$0x3F8B] =	sst s8  }
0x11: {  	[smem:$0x3F8C] =	sst s9;
	s0 =	simm.s32 @!p0 $0x0  }
0x12: {  	s1 =	sld [smem:$0x3F72];
	s0 =	simm.s32 @p0 $0x1  }
0x13: {  	[smem:$0x3F8D] =	sst s0;
	s0 =	simm.s32 @!p1 $0x0  }
0x14: {  	s2 =	sld [smem:$0x3F71];
	s0 =	simm.s32 @p1 $0x1  }
0x15: {  	[smem:$0x3F8E] =	sst s0;
	s0 =	simm.s32 @!p2 $0x0  }
0x16: {  	s3 =	sld [smem:$0x3FDB];
	s0 =	simm.s32 @p2 $0x1  }
0x17: {  	s4 =	simm.s32 $0x1BF5;
	[smem:$0x3F90] =	sst s0  }
0x18: {  	s0 =	sld [smem:$0x3F73];
	_ =	swait.ge [sflag:s4], $0x0  }
0x19: {  	s7 =	sld [smem:$0x3F74]  }
0x1a: {  	s8 =	sadd.s32 $0xFFFFE003, lr  }
0x1b: {  	s9 =	sadd.s32 $0xFFFFFEF7, lr;
	s5 =	simm.s32 $0xFFFFFFFF;
	p2 =	slt.u32 s8, $0xFFFFF086  }
0x1c: {  	p1 =	slt.u32 s9, $0xF7A;
	s5 =	simm.s32 @!p2 $0x0  }
0x1d: {  	s5 =	simm.s32 @p1 $0x1;
	p0 =	seq.s32 s7, s2  }
0x1e: {  	s7 =	smul.u32 @!p0 $0xF7A, s2;
	p2 =	seq.s32 @!p0 s5, $0x0  }
0x1f: {  	s9 =	smul.u32 $0xF7A, s1;
	s8 =	simm.s32 @!p0 $0x1BF5;
	p2 =	por !p2, p0  }
0x20: {  	[sflag:s8] =	ssyncset.s32 @!p0 $0xFFFFF086;
	s6 =	sadd.s32 @!p0 s3, s7;
	s7 =	simm.s32 @!p0 $0x108  }
0x21: {  	s3 =	sadd.s32 s3, s9;
	s6 =	sadd.s32 @!p0 $0x88, s6;
	s7 =	simm.s32 @p2 $0x1082  }
0x22: {  	[simem:s7], [sflag:s8] =	dma.local @!p0 [hbm:s6], $0xF7A  }
0x23: {  	s9 =	sor.u32 $0xD0000000, s2;
	s6 =	simm.s32 $0x108;
	_ =	swait.ge @!p0 [sflag:s8], $0x0  }
0x24: {  	s3 =	sadd.s32 $0x88, s3;
	s6 =	simm.s32 @!p1 $0x1082;
	[sflag:s4] =	ssyncset.s32 $0xFFFFF086  }
0x25: {  	[simem:s6], [sflag:s4] =	dma.local [hbm:s3], $0xF7A  }
0x26: {  	[smem:$0x3F74] =	sst s1;
	(tag) =	ssettag s2;
	_ =	strace s9  }
0x27: {  	s1 =	sld [smem:$0x3F84]  }
0x28: {  	s2 =	sld [smem:$0x3F85]  }
0x29: {  	s4 =	sld [smem:$0x3F87]  }
0x2a: {  	p0 =	seq.s32 s5, $0x0;
	s5 =	sld [smem:$0x3F88]  }
0x2b: {  	s6 =	sld [smem:$0x3F89]  }
0x2c: {  	s7 =	sld [smem:$0x3F8A]  }
0x2d: {  	s3 =	simm.s32 $0x108;
	s8 =	sld [smem:$0x3F8B]  }
0x2e: {  	s3 =	simm.s32 @!p0 $0x1082;
	s9 =	sld [smem:$0x3F8C]  }
0x2f: {  	lr =	sadd.s32 s0, s3;
	s0 =	sld [smem:$0x3F83]  }
0x30: {  	s3 =	sld [smem:$0x3F86]  }
0x31: {  	[smem:$0x3F8F] =	sst s10  }
0x32: {  	s10 =	sld [smem:$0x3F8D];
	_ =	sdelay $0x3  }
0x33: {  	p0 =	seq.s32 s10, $0x1;
	s10 =	sld [smem:$0x3F8F];
	_ =	sdelay $0x3  }
0x34: {  	[smem:$0x3F8F] =	sst s10  }
0x35: {  	s10 =	sld [smem:$0x3F8E];
	_ =	sdelay $0x3  }
0x36: {  	p1 =	seq.s32 s10, $0x1;
	s10 =	sld [smem:$0x3F8F];
	_ =	sdelay $0x3  }
0x37: {  	[smem:$0x3F8F] =	sst s10  }
0x38: {  	s10 =	sld [smem:$0x3F90]  }
0x39: {  	_ = 	snop;
	(pc) =	sbr.ind lr, $3  }
0x3a: {  	_ = 	snop  }
0x3b: {  	_ = 	snop  }
0x3c: {  	p2 =	seq.s32 s10, $0x1;
	s10 =	sld [smem:$0x3F8F]  }
0x3d: {  	_ =	shalt  }
0x3e: {  	_ =	shalt  }
0x3f: {  	_ =	shalt  }
0x40: {  	_ =	shalt  }
0x41: {  	_ =	shalt  }
0x42: {  	_ =	shalt  }
0x43: {  	_ =	shalt  }
0x44: {  	_ =	shalt  }
0x45: {  	_ =	shalt  }
0x46: {  	_ =	shalt  }
0x47: {  	_ =	shalt  }
0x48: {  	_ =	shalt  }
0x49: {  	_ =	shalt  }
0x4a: {  	_ =	shalt  }
0x4b: {  	_ =	shalt  }
0x4c: {  	_ =	shalt  }
0x4d: {  	_ =	shalt  }
0x4e: {  	_ =	shalt  }
0x4f: {  	_ =	shalt  }
0x50: {  	_ =	shalt  }
0x51: {  	_ =	shalt  }
0x52: {  	_ =	shalt  }
0x53: {  	_ =	shalt  }
0x54: {  	_ =	shalt  }
0x55: {  	_ =	shalt  }
0x56: {  	_ =	shalt  }
0x57: {  	_ =	shalt  }
0x58: {  	_ =	shalt  }
0x59: {  	_ =	shalt  }
0x5a: {  	_ =	shalt  }
0x5b: {  	_ =	shalt  }
0x5c: {  	_ =	shalt  }
0x5d: {  	_ =	shalt  }
0x5e: {  	_ =	shalt  }
0x5f: {  	_ =	shalt  }
0x60: {  	_ =	shalt  }
0x61: {  	_ =	shalt  }
0x62: {  	_ =	shalt  }
0x63: {  	_ =	shalt  }
0x64: {  	_ =	shalt  }
0x65: {  	_ =	shalt  }
0x66: {  	_ =	shalt  }
0x67: {  	_ =	shalt  }
0x68: {  	_ =	shalt  }
0x69: {  	_ =	shalt  }
0x6a: {  	_ =	shalt  }
0x6b: {  	_ =	shalt  }
0x6c: {  	_ =	shalt  }
0x6d: {  	_ =	shalt  }
0x6e: {  	_ =	shalt  }
0x6f: {  	_ =	shalt  }
0x70: {  	_ =	shalt  }
0x71: {  	_ =	shalt  }
0x72: {  	_ =	shalt  }
0x73: {  	_ =	shalt  }
0x74: {  	_ =	shalt  }
0x75: {  	_ =	shalt  }
0x76: {  	_ =	shalt  }
0x77: {  	_ =	shalt  }
0x78: {  	_ =	shalt  }
0x79: {  	_ =	shalt  }
0x7a: {  	_ =	shalt  }
0x7b: {  	_ =	shalt  }
0x7c: {  	_ =	shalt  }
0x7d: {  	_ =	shalt  }
0x7e: {  	_ =	shalt  }
0x7f: {  	_ =	shalt  }
0x80: {  	_ =	shalt  }
0x81: {  	_ =	shalt  }
0x82: {  	_ =	shalt  }
0x83: {  	_ =	shalt  }
0x84: {  	_ =	shalt  }
0x85: {  	_ =	shalt  }
0x86: {  	_ =	shalt  }
0x87: {  	_ =	shalt  }
.Lfunc_end0:
.L_simem_size_0:
called_computation.2_lowered:
.L_overlay_start_0:
0x88: {  	s2 =	sld [smem:$0x3FD9]  }
0x89: {  	s3 =	sld [smem:$0x3FFE];
	_ =	sdelay $0x1  }
0x8a: {  	s1 =	srdreg.scid  }
0x8b: {  	s0 =	sand.u32 $0x1, s1  }
0x8c: {  	s16 =	sshll.u32 s0, $0xA;
	s2 =	sadd.s32 s3, s2  }
0x8d: {  	s2 =	sadd.s32 s2, s16  }
0x8e: {  	[smem:$0x3F9B] =	sst s2  }
0x8f: {  	_ = 	snop  }
0x90: {  	(tm) =	ssettm $0x1  }
0x91: {  	s17 =	sld [smem:$0x3FFB];
	_ =	sdelay $0x3  }
0x92: {  	_ =	strace s17  }
0x93: {  	s2 =	sld [smem:$0x3FFC];
	_ =	sdelay $0x3  }
0x94: {  	_ =	strace s2  }
0x95: {  	s2 =	sld [smem:$0x3FFD];
	_ =	sdelay $0x3  }
0x96: {  	_ =	strace s2  }
0x97: {  	_ =	strace $0x8FFFFFFF  }
0x98: {  	s18 =	sld [smem:$0x3FDB];
	_ =	sdelay $0x1  }
0x99: {  	s19 =	simm.s32 $_scs_section_size  }
0x9a: {  	s4 =	simm.s32 $_size__tile_overlayer_lowered;
	s5 =	simm.s32 $_tile_overlayer_lowered  }
0x9b: {  	s22 =	simm.s32 $0x1BFF;
	s21 =	sshll.u32 s5, $0x1;
	s2 =	sadd.s32 s19, s18  }
0x9c: {  	s6 =	simm.s32 $0x0;
	s20 =	sshll.u32 s4, $0x1;
	s4 =	sadd.s32 s21, s2  }
0x9d: {  	[timem:s6], [sflag:s22] =	dma.local [hbm:s4], s20  }
0x9e: {  	_ =	swait.ge [sflag:s22], s20  }
0x9f: {  	s3 =	ssub.s32 $0x0, s20;
	[sflag:s22] =	ssyncset.done $0x0  }
0xa0: {  	[sflag:s22] =	ssyncadd.s32 s3;
	_ =	sdelay $0x1  }
0xa1: {  	s23 =	simm.s32 $0x1B8B  }
0xa2: {  	_ =	swait.ge [sflag:s23], $0x1  }
0xa3: {  	[sflag:s23] =	ssyncset.done $0x0  }
0xa4: {  	s25 =	simm.s32 $0x1B8E;
	s24 =	sld [smem:$0x3FFE];
	[sflag:s23] =	ssyncadd.s32 $0xFFFFFFFF  }
0xa5: {  	s26 =	simm.s32 $execute0_lowered;
	[smem:$0x3FD2] =	sst s25  }
0xa6: {  	s4 =	sshll.u32 s26, $0x1;
	_ =	strace $0x80000049;
	[dreg:$0x1] =	wrdreg $0xFFFFFFFF  }
0xa7: {  	s28 =	simm.s32 $_size_execute0_lowered;
	s2 =	sadd.s32 s2, s4;
	[dreg:$0x0] =	wrdreg $0x0  }
0xa8: {  	s4 =	sshll.u32 s28, $0x1;
	[dreg:$0x2] =	wrdreg s2  }
0xa9: {  	[dreg:$0x3] =	wrdreg s4  }
0xaa: {  	[dreg:$0x4] =	wrdreg $0xC0  }
0xab: {  	_ =	task [dreg:s6], $0x5FFFF  }
0xac: {  	[dreg:$0x1] =	wrdreg $0xFFFFFFFF  }
0xad: {  	[dreg:$0x0] =	wrdreg $0x60  }
0xae: {  	[dreg:$0x2] =	wrdreg s24  }
0xaf: {  	[dreg:$0x3] =	wrdreg $0x0  }
0xb0: {  	[dreg:$0x4] =	wrdreg $0xA  }
0xb1: {  	_ =	task.clear_ibuf [dreg:s6], $0x5FFFF;
	_ =	strace $0x90000049  }
0xb2: {  	s29 =	simm.s32 $0xA;
	_ =	strace $0x8000004B  }
0xb3: {  	_ =	swait.ge [sflag:s29], $0x1  }
0xb4: {  	[sflag:s29] =	ssyncadd.s32 $0xFFFFFFFF  }
0xb5: {  	_ =	strace $0x9000004B  }
0xb6: {  	_ =	sfence  }
0xb7: {  	s30 =	sld [smem:$0x0];
	_ =	sdelay $0x2  }
0xb8: {  	s31 =	sshll.u32 s1, $0xD;
	s1 =	sshrl.u32 s1, $0x2  }
0xb9: {  	s3 =	sand.u32 $0x4000, s31;
	s1 =	sadd.s32 s1, s30  }
0xba: {  	s0 =	sor.u32 s3, s0;
	s1 =	sshll.u32 s1, $0x11  }
0xbb: {  	s0 =	sor.u32 s1, s0  }
0xbc: {  	s0 =	sadd.s32 $0x8F2B, s0  }
0xbd: {  	[sflag:s0] =	ssyncadd.remote.s32 $0x1  }
0xbe: {  	_ =	sfence.sel $0xFFFF  }
0xbf: {  	[dreg:$0x0] =	wrdreg $0xFFFFFFFF;
	(pc) =	sbr.abs _section_cstart, $3  }
0xc0: {  	[dreg:$0x1] =	wrdreg $0xFFFFFFFF  }
0xc1: {  	_ =	task.clear_ibuf [dreg:s6], $0x2FFFF;
	_ =	strace $0x9FFFFFFF  }
0xc2: {  	(tm) =	ssettm $0x7FFFFFFF  }
0xc3: {  	_ =	shalt  }
tec
execute0_lowered:
.L_overlay_start_1:
0x0: {  	(tag) =	ssettag $0x1  }
0x1: {  	s15 =	stileid.u32  }
0x2: {  	s0 =	srdreg.scid;
	s6 =	smul.u32 $0x2710, s15  }
0x3: {  	s1 =	rddreg [dreg:$0x0];
	s7 =	smul.u32 $0x320, s15  }
0x4: {  	s2 =	rddreg [dreg:$0x1];
	s8 =	smul.u32 $0x64000, s15  }
0x5: {  	s3 =	simm.s32 $0x0;
	s0 =	sand.u32 $0x1, s0;
	s26 =	smul.u32 $0x27100, s15  }
0x6: {  	s29 =	simm.s32 $0x19000;
	s30 =	simm.s32 $0x1;
	s4 =	smul.u32 $0x271000, s0  }
0x7: {  	s31 =	simm.s32 $0x1B800;
	[smem:$0x7FF] =	sst s3;
	s5 =	smul.u32 $0x27100, s0  }
0x8: {  	s18 =	sadd.s32 $0x1EC00, s1;
	s17 =	smul.u32 $0x3200, s0;
	s0 =	ssub.s32 $0x2, s0  }
0x9: {  	_ =	strace $0x8000004A;
	[dreg:$0x3] =	wrdreg s18;
	s20 =	sshrl.u32 s0, $0x1  }
0xa: {  	s21 =	sshrl.u32 s8, $0x2;
	s5 =	sadd.s32 s6, s5;
	s4 =	sadd.s32 s4, s1  }
0xb: {  	s19 =	sadd.s32 s7, s17;
	s0 =	ssub.s32 s0, s20;
	s5 =	sshrl.u32 s5, $0x3  }
0xc: {  	s22 =	sshll.u32 s19, $0x4;
	s0 =	smax.u32 s0, $0x1;
	s14 =	sadd.s32 s5, s1  }
0xd: {  	s5 =	sadd.s32 s21, s2;
	s1 =	sadd.s32 s22, s1;
	[dreg:$0x4] =	wrdreg s0  }
0xe: {  	s0 =	sadd.s32 s26, s4;
	s7 =	sadd.s32 $0x2800, s5;
	s8 =	sadd.s32 $0x5000, s5  }
0xf: {  	s9 =	sadd.s32 $0x7800, s5;
	s10 =	sadd.s32 $0xA000, s5;
	s11 =	sadd.s32 $0xC800, s5  }
0x10: {  	s12 =	sadd.s32 $0xF000, s5;
	s13 =	sadd.s32 $0x11800, s5;
	s23 =	sadd.s32 $0x94000, s1  }
0x11: {  	s24 =	sadd.s32 $0x94500, s1;
	s25 =	sadd.s32 $0x94A00, s1;
	s17 =	sadd.s32 $0x94F00, s1  }
0x12: {  	s18 =	sadd.s32 $0x95400, s1;
	s19 =	sadd.s32 $0x95900, s1;
	s20 =	sadd.s32 $0x95E00, s1  }
0x13: {  	s21 =	sadd.s32 $0x96300, s1;
	s22 =	sadd.s32 $0x96800, s1;
	[dreg:$0x5] =	wrdreg s23  }
0x14: {  	s26 =	sadd.s32 $0x14000, s5;
	s28 =	sadd.s32 $0x16800, s5;
	[dreg:$0x6] =	wrdreg s24  }
0x15: {  	[dreg:$0x7] =	wrdreg s25;
	s23 =	sadd.s32 $0x96D00, s1;
	s24 =	sadd.s32 $0x1DE9E00, s0  }
0x16: {  	s25 =	sadd.s32 $0x14E00, s14;
	s0 =	simm.s32 $0x50;
	s1 =	simm.s32 $0x0  }
.LBB2_1:
0x17: {  	s4 =	rddreg [dreg:$0x3]  }
0x18: {  	[tilespmem:s29], [sflag:$0x1] =	stream.linear.gather [hbm4b:s4+s3], $0x2800, $0x38;
	[tilespmem:$0x1B880] =	vst v63  }
0x19: {  	_ =	swait.ge [sflag:s30], $0x2800  }
0x1a: {  	[sflag:s30] =	ssyncset.done $0x0  }
0x1b: {  	[sflag:s30] =	ssyncadd.s32 $0xFFFFD800  }
0x1c: {  	[spmem:s5] =	stream.linear.scatter [tilespmem:s29], [sflag:$0x1], $0x2800, $0x38;
	[tilespmem:$0x1B880] =	vst v63  }
0x1d: {  	_ =	swait.ge [sflag:s30], $0x2800  }
0x1e: {  	[sflag:s30] =	ssyncset.done $0x0  }
0x1f: {  	[sflag:s30] =	ssyncadd.s32 $0xFFFFD800  }
0x20: {  	[spmem:s7] =	stream.linear.scatter [tilespmem:s29], [sflag:$0x1], $0x2800, $0x38;
	[tilespmem:$0x1B880] =	vst v63  }
0x21: {  	_ =	swait.ge [sflag:s30], $0x2800  }
0x22: {  	[sflag:s30] =	ssyncset.done $0x0  }
0x23: {  	[sflag:s30] =	ssyncadd.s32 $0xFFFFD800  }
0x24: {  	[spmem:s8] =	stream.linear.scatter [tilespmem:s29], [sflag:$0x1], $0x2800, $0x38;
	[tilespmem:$0x1B880] =	vst v63  }
0x25: {  	_ =	swait.ge [sflag:s30], $0x2800  }
0x26: {  	[sflag:s30] =	ssyncset.done $0x0  }
0x27: {  	[sflag:s30] =	ssyncadd.s32 $0xFFFFD800  }
0x28: {  	[spmem:s9] =	stream.linear.scatter [tilespmem:s29], [sflag:$0x1], $0x2800, $0x38;
	[tilespmem:$0x1B880] =	vst v63  }
0x29: {  	_ =	swait.ge [sflag:s30], $0x2800  }
0x2a: {  	[sflag:s30] =	ssyncset.done $0x0  }
0x2b: {  	[sflag:s30] =	ssyncadd.s32 $0xFFFFD800  }
0x2c: {  	[spmem:s10] =	stream.linear.scatter [tilespmem:s29], [sflag:$0x1], $0x2800, $0x38;
	[tilespmem:$0x1B880] =	vst v63  }
0x2d: {  	_ =	swait.ge [sflag:s30], $0x2800  }
0x2e: {  	[sflag:s30] =	ssyncset.done $0x0  }
0x2f: {  	[sflag:s30] =	ssyncadd.s32 $0xFFFFD800  }
0x30: {  	[spmem:s11] =	stream.linear.scatter [tilespmem:s29], [sflag:$0x1], $0x2800, $0x38;
	[tilespmem:$0x1B880] =	vst v63  }
0x31: {  	_ =	swait.ge [sflag:s30], $0x2800  }
0x32: {  	[sflag:s30] =	ssyncset.done $0x0  }
0x33: {  	[sflag:s30] =	ssyncadd.s32 $0xFFFFD800  }
0x34: {  	[spmem:s12] =	stream.linear.scatter [tilespmem:s29], [sflag:$0x1], $0x2800, $0x38;
	[tilespmem:$0x1B880] =	vst v63  }
0x35: {  	_ =	swait.ge [sflag:s30], $0x2800  }
0x36: {  	[sflag:s30] =	ssyncset.done $0x0  }
0x37: {  	[sflag:s30] =	ssyncadd.s32 $0xFFFFD800  }
0x38: {  	[spmem:s13] =	stream.linear.scatter [tilespmem:s29], [sflag:$0x1], $0x2800, $0x38;
	[tilespmem:$0x1B880] =	vst v63  }
0x39: {  	_ =	swait.ge [sflag:s30], $0x2800  }
0x3a: {  	[sflag:s30] =	ssyncset.done $0x0  }
0x3b: {  	[sflag:s30] =	ssyncadd.s32 $0xFFFFD800  }
0x3c: {  	[spmem:s26] =	stream.linear.scatter [tilespmem:s29], [sflag:$0x1], $0x2800, $0x38;
	[tilespmem:$0x1B880] =	vst v63  }
0x3d: {  	_ =	swait.ge [sflag:s30], $0x2800  }
0x3e: {  	[sflag:s30] =	ssyncset.done $0x0  }
0x3f: {  	[sflag:s30] =	ssyncadd.s32 $0xFFFFD800  }
0x40: {  	[spmem:s28] =	stream.linear.scatter [tilespmem:s29], [sflag:$0x1], $0x2800, $0x38;
	[tilespmem:$0x1B880] =	vst v63  }
0x41: {  	_ =	swait.ge [sflag:s30], $0x2800  }
0x42: {  	[sflag:s30] =	ssyncset.done $0x0  }
0x43: {  	[sflag:s30] =	ssyncadd.s32 $0xFFFFD800  }
0x44: {  	s16 =	sadd.s32 $0x0, s25;
	[bflag:$0x0] =	sbarrier.arrive $0xFFFF  }
0x45: {  	[tilespmem:s31], [sflag:$0x1] =	stream.linear.gather [hbm4b:s16+s3], $0x50, $0x38;
	[tilespmem:$0x1B880] =	vst v63  }
0x46: {  	_ =	swait.ge [sflag:s30], $0x50  }
0x47: {  	[sflag:s30] =	ssyncset.done $0x0  }
0x48: {  	[sflag:s30] =	ssyncadd.s32 $0xFFFFFFB0  }
0x49: {  	[tilespmem:s29], [sflag:$0x1] =	stream.linear.gather [hbm4b:s24+s3], $0x2800, $0x38;
	[tilespmem:$0x1B880] =	vst v63  }
0x4a: {  	_ =	swait.ge [sflag:s30], $0x2800  }
0x4b: {  	[sflag:s30] =	ssyncset.done $0x0  }
0x4c: {  	[sflag:s30] =	ssyncadd.s32 $0xFFFFD800  }
0x4d: {  	[spmem:s2] =	stream.indirect.scatter.add.f32 [tilespmem:s29], [sflag:$0x1], $0x80, s31, s0, $0xb8;
	[tilespmem:$0x1B880] =	vst v63  }
0x4e: {  	s6 =	simm.s32 $0xA;
	_ =	swait.ge [sflag:s30], $0x2800  }
0x4f: {  	s14 =	simm.s32 $0x14;
	s4 =	sadd.s32 $0x500, s24;
	[sflag:s30] =	ssyncset.done $0x0  }
.LBB2_2:
0x50: {  	s15 =	sadd.s32 s6, s25  }
0x51: {  	[sflag:s30] =	ssyncadd.s32 $0xFFFFD800;
	s6 =	smov.u32 s14;
	s16 =	sadd.s32 $0xA, s14  }
0x52: {  	[tilespmem:s31], [sflag:$0x1] =	stream.linear.gather [hbm4b:s15+s3], $0x50, $0x38;
	[tilespmem:$0x1B880] =	vst v63  }
0x53: {  	p0 =	sne.s32 s14, $0x4D8;
	_ =	swait.ge [sflag:s30], $0x50  }
0x54: {  	[sflag:s30] =	ssyncset.done $0x0  }
0x55: {  	[sflag:s30] =	ssyncadd.s32 $0xFFFFFFB0  }
0x56: {  	[tilespmem:s29], [sflag:$0x1] =	stream.linear.gather [hbm4b:s4+s3], $0x2800, $0x38;
	[tilespmem:$0x1B880] =	vst v63  }
0x57: {  	_ =	swait.ge [sflag:s30], $0x2800  }
.Ltmp0:
0x58: {  	[sflag:s30] =	ssyncset.done $0x0;
	(pc) =	sbr.rel @p0 .LBB2_2-.Ltmp0, $4  }
0x59: {  	[sflag:s30] =	ssyncadd.s32 $0xFFFFD800  }
0x5a: {  	[spmem:s2] =	stream.indirect.scatter.add.f32 [tilespmem:s29], [sflag:$0x1], $0x80, s31, s0, $0xb8;
	[tilespmem:$0x1B880] =	vst v63  }
0x5b: {  	_ =	swait.ge [sflag:s30], $0x2800  }
0x5c: {  	s14 =	smov.u32 s16;
	s4 =	sadd.s32 $0x500, s4;
	[sflag:s30] =	ssyncset.done $0x0  }
0x5d: {  	s6 =	sadd.s32 s6, s25;
	[sflag:s30] =	ssyncadd.s32 $0xFFFFD800  }
0x5e: {  	[tilespmem:s31], [sflag:$0x1] =	stream.linear.gather [hbm4b:s6+s3], $0x50, $0x38;
	[tilespmem:$0x1B880] =	vst v63  }
0x5f: {  	_ =	swait.ge [sflag:s30], $0x50  }
0x60: {  	[sflag:s30] =	ssyncset.done $0x0  }
0x61: {  	[sflag:s30] =	ssyncadd.s32 $0xFFFFFFB0  }
0x62: {  	[tilespmem:s29], [sflag:$0x1] =	stream.linear.gather [hbm4b:s4+s3], $0x2800, $0x38;
	[tilespmem:$0x1B880] =	vst v63  }
0x63: {  	_ =	swait.ge [sflag:s30], $0x2800  }
0x64: {  	[sflag:s30] =	ssyncset.done $0x0  }
0x65: {  	[sflag:s30] =	ssyncadd.s32 $0xFFFFD800  }
0x66: {  	[spmem:s2] =	stream.indirect.scatter.add.f32 [tilespmem:s29], [sflag:$0x1], $0x80, s31, s0, $0xb8;
	[tilespmem:$0x1B880] =	vst v63  }
0x67: {  	_ =	swait.ge [sflag:s30], $0x2800  }
0x68: {  	[sflag:s30] =	ssyncset.done $0x0  }
0x69: {  	[sflag:s30] =	ssyncadd.s32 $0xFFFFD800  }
0x6a: {  	[bflag:$0x0] =	sbarrier.arrive $0xFFFF  }
0x6b: {  	[tilespmem:s29], [sflag:$0x1] =	stream.linear.gather [spmem:s5], $0x2800, $0x38;
	[tilespmem:$0x1B880] =	vst v63  }
0x6c: {  	_ =	swait.ge [sflag:s30], $0x2800  }
0x6d: {  	[sflag:s30] =	ssyncset.done $0x0  }
0x6e: {  	s6 =	rddreg [dreg:$0x5];
	[sflag:s30] =	ssyncadd.s32 $0xFFFFD800  }
0x6f: {  	[hbm4b:s6+s3] =	stream.linear.scatter [tilespmem:s29], [sflag:$0x1], $0x2800, $0x38;
	[tilespmem:$0x1B880] =	vst v63  }
0x70: {  	_ =	swait.ge [sflag:s30], $0x2800  }
0x71: {  	[sflag:s30] =	ssyncset.done $0x0  }
0x72: {  	[sflag:s30] =	ssyncadd.s32 $0xFFFFD800  }
0x73: {  	[tilespmem:s29], [sflag:$0x1] =	stream.linear.gather [spmem:s7], $0x2800, $0x38;
	[tilespmem:$0x1B880] =	vst v63  }
0x74: {  	_ =	swait.ge [sflag:s30], $0x2800  }
0x75: {  	[sflag:s30] =	ssyncset.done $0x0  }
0x76: {  	s14 =	rddreg [dreg:$0x6];
	[sflag:s30] =	ssyncadd.s32 $0xFFFFD800  }
0x77: {  	[hbm4b:s14+s3] =	stream.linear.scatter [tilespmem:s29], [sflag:$0x1], $0x2800, $0x38;
	[tilespmem:$0x1B880] =	vst v63  }
0x78: {  	_ =	swait.ge [sflag:s30], $0x2800  }
0x79: {  	[sflag:s30] =	ssyncset.done $0x0  }
0x7a: {  	[sflag:s30] =	ssyncadd.s32 $0xFFFFD800  }
0x7b: {  	[tilespmem:s29], [sflag:$0x1] =	stream.linear.gather [spmem:s8], $0x2800, $0x38;
	[tilespmem:$0x1B880] =	vst v63  }
0x7c: {  	_ =	swait.ge [sflag:s30], $0x2800  }
0x7d: {  	[sflag:s30] =	ssyncset.done $0x0  }
0x7e: {  	s15 =	rddreg [dreg:$0x7];
	[sflag:s30] =	ssyncadd.s32 $0xFFFFD800  }
0x7f: {  	[hbm4b:s15+s3] =	stream.linear.scatter [tilespmem:s29], [sflag:$0x1], $0x2800, $0x38;
	[tilespmem:$0x1B880] =	vst v63  }
0x80: {  	_ =	swait.ge [sflag:s30], $0x2800  }
0x81: {  	[sflag:s30] =	ssyncset.done $0x0  }
0x82: {  	[sflag:s30] =	ssyncadd.s32 $0xFFFFD800  }
0x83: {  	[tilespmem:s29], [sflag:$0x1] =	stream.linear.gather [spmem:s9], $0x2800, $0x38;
	[tilespmem:$0x1B880] =	vst v63  }
0x84: {  	_ =	swait.ge [sflag:s30], $0x2800  }
0x85: {  	[sflag:s30] =	ssyncset.done $0x0  }
0x86: {  	[sflag:s30] =	ssyncadd.s32 $0xFFFFD800  }
0x87: {  	[hbm4b:s17+s3] =	stream.linear.scatter [tilespmem:s29], [sflag:$0x1], $0x2800, $0x38;
	[tilespmem:$0x1B880] =	vst v63  }
0x88: {  	_ =	swait.ge [sflag:s30], $0x2800  }
0x89: {  	[sflag:s30] =	ssyncset.done $0x0  }
0x8a: {  	[sflag:s30] =	ssyncadd.s32 $0xFFFFD800  }
0x8b: {  	[tilespmem:s29], [sflag:$0x1] =	stream.linear.gather [spmem:s10], $0x2800, $0x38;
	[tilespmem:$0x1B880] =	vst v63  }
0x8c: {  	_ =	swait.ge [sflag:s30], $0x2800  }
0x8d: {  	[sflag:s30] =	ssyncset.done $0x0  }
0x8e: {  	[sflag:s30] =	ssyncadd.s32 $0xFFFFD800  }
0x8f: {  	[hbm4b:s18+s3] =	stream.linear.scatter [tilespmem:s29], [sflag:$0x1], $0x2800, $0x38;
	[tilespmem:$0x1B880] =	vst v63  }
0x90: {  	_ =	swait.ge [sflag:s30], $0x2800  }
0x91: {  	[sflag:s30] =	ssyncset.done $0x0  }
0x92: {  	[sflag:s30] =	ssyncadd.s32 $0xFFFFD800  }
0x93: {  	[tilespmem:s29], [sflag:$0x1] =	stream.linear.gather [spmem:s11], $0x2800, $0x38;
	[tilespmem:$0x1B880] =	vst v63  }
0x94: {  	_ =	swait.ge [sflag:s30], $0x2800  }
0x95: {  	[sflag:s30] =	ssyncset.done $0x0  }
0x96: {  	[sflag:s30] =	ssyncadd.s32 $0xFFFFD800  }
0x97: {  	[hbm4b:s19+s3] =	stream.linear.scatter [tilespmem:s29], [sflag:$0x1], $0x2800, $0x38;
	[tilespmem:$0x1B880] =	vst v63  }
0x98: {  	_ =	swait.ge [sflag:s30], $0x2800  }
0x99: {  	[sflag:s30] =	ssyncset.done $0x0  }
0x9a: {  	[sflag:s30] =	ssyncadd.s32 $0xFFFFD800  }
0x9b: {  	[tilespmem:s29], [sflag:$0x1] =	stream.linear.gather [spmem:s12], $0x2800, $0x38;
	[tilespmem:$0x1B880] =	vst v63  }
0x9c: {  	_ =	swait.ge [sflag:s30], $0x2800  }
0x9d: {  	[sflag:s30] =	ssyncset.done $0x0  }
0x9e: {  	[sflag:s30] =	ssyncadd.s32 $0xFFFFD800  }
0x9f: {  	[hbm4b:s20+s3] =	stream.linear.scatter [tilespmem:s29], [sflag:$0x1], $0x2800, $0x38;
	[tilespmem:$0x1B880] =	vst v63  }
0xa0: {  	_ =	swait.ge [sflag:s30], $0x2800  }
0xa1: {  	[sflag:s30] =	ssyncset.done $0x0  }
0xa2: {  	[sflag:s30] =	ssyncadd.s32 $0xFFFFD800  }
0xa3: {  	[tilespmem:s29], [sflag:$0x1] =	stream.linear.gather [spmem:s13], $0x2800, $0x38;
	[tilespmem:$0x1B880] =	vst v63  }
0xa4: {  	_ =	swait.ge [sflag:s30], $0x2800  }
0xa5: {  	[sflag:s30] =	ssyncset.done $0x0  }
0xa6: {  	[sflag:s30] =	ssyncadd.s32 $0xFFFFD800  }
0xa7: {  	[hbm4b:s21+s3] =	stream.linear.scatter [tilespmem:s29], [sflag:$0x1], $0x2800, $0x38;
	[tilespmem:$0x1B880] =	vst v63  }
0xa8: {  	_ =	swait.ge [sflag:s30], $0x2800  }
0xa9: {  	[sflag:s30] =	ssyncset.done $0x0  }
0xaa: {  	[sflag:s30] =	ssyncadd.s32 $0xFFFFD800  }
0xab: {  	[tilespmem:s29], [sflag:$0x1] =	stream.linear.gather [spmem:s26], $0x2800, $0x38;
	[tilespmem:$0x1B880] =	vst v63  }
0xac: {  	_ =	swait.ge [sflag:s30], $0x2800  }
0xad: {  	[sflag:s30] =	ssyncset.done $0x0  }
0xae: {  	[sflag:s30] =	ssyncadd.s32 $0xFFFFD800  }
0xaf: {  	[hbm4b:s22+s3] =	stream.linear.scatter [tilespmem:s29], [sflag:$0x1], $0x2800, $0x38;
	[tilespmem:$0x1B880] =	vst v63  }
0xb0: {  	_ =	swait.ge [sflag:s30], $0x2800  }
0xb1: {  	[sflag:s30] =	ssyncset.done $0x0  }
0xb2: {  	[sflag:s30] =	ssyncadd.s32 $0xFFFFD800  }
0xb3: {  	[tilespmem:s29], [sflag:$0x1] =	stream.linear.gather [spmem:s28], $0x2800, $0x38;
	[tilespmem:$0x1B880] =	vst v63  }
0xb4: {  	_ =	swait.ge [sflag:s30], $0x2800  }
0xb5: {  	[sflag:s30] =	ssyncset.done $0x0  }
0xb6: {  	[sflag:s30] =	ssyncadd.s32 $0xFFFFD800  }
0xb7: {  	[hbm4b:s23+s3] =	stream.linear.scatter [tilespmem:s29], [sflag:$0x1], $0x2800, $0x38;
	[tilespmem:$0x1B880] =	vst v63  }
0xb8: {  	_ =	swait.ge [sflag:s30], $0x2800  }
0xb9: {  	s1 =	sadd.s32 $0x1, s1;
	s16 =	rddreg [dreg:$0x4]  }
0xba: {  	p0 =	sne.s32 s1, s16  }
.Ltmp1:
0xbb: {  	_ = 	snop;
	(pc) =	sbr.rel @p0 .LBB2_1-.Ltmp1, $3  }
0xbc: {  	_ =	sdelay $0x1  }
0xbd: {  	[sflag:s30] =	ssyncset.done $0x0  }
0xbe: {  	[sflag:s30] =	ssyncadd.s32 $0xFFFFD800  }
0xbf: {  	_ =	sfence.sel $0x180000  }
0xc0: {  	[bflag:$0x0] =	sbarrier.arrive $0xFFFF  }
0xc1: {  	_ =	strace $0x9000004A  }
0xc2: {  	s0 =	stileid.u32;
	[bflag:$0x2] =	sbarrier.arrive $0xFFFF  }
0xc3: {  	p0 =	sne.s32 s0, $0x0;
	s0 =	rddreg [dreg:$0x2]  }
0xc4: {  	s0 =	sadd.s32 @!p0 $0x100000, s0  }
0xc5: {  	[sflag:s0] =	ssyncadd.tile.s32 @!p0 $0x1;
	_ =	shalt  }
.Lfunc_end2:
_tile_overlayer_lowered:
.L_overlay_start_2:
0xc6: {  	(tag) =	ssettag $0x2  }
0xc7: {  	s0 =	rddreg [dreg:$0x0];
	s2 =	stileid.u32  }
0xc8: {  	s1 =	rddreg [dreg:$0x1];
	p0 =	sne.s32 s2, $0x0  }
0xc9: {  	s3 =	rddreg [dreg:$0x2];
	[bflag:$0x3] =	sbarrier.arrive $0xFFFF;
	s2 =	simm.s32 @!p0 $0x1C01  }
0xca: {  	[timem:s3], [sflag:s2] =	dma.local @!p0 [hbm:s0], s1  }
0xcb: {  	s0 =	simm.s32 @!p0 $0x1  }
0xcc: {  	_ =	swait.ge @!p0 [sflag:s0], s1  }
0xcd: {  	s1 =	ssub.s32 @!p0 $0x0, s1;
	[sflag:s0] =	ssyncset.done @!p0 $0x0  }
0xce: {  	[sflag:s0] =	ssyncadd.s32 @!p0 s1  }
0xcf: {  	[bflag:$0x3] =	sbarrier.arrive $0xFFFF  }
0xd0: {  	_ =	shalt  }

// kernel: kernel.27.cloned.1.call-start
scs
__scs_entry_jumppad:
0x0: {  	(pc) =	sbr.rel $0x88, $3  }
0x1: {  	(tag) =	ssettag $0x0;
	lr =	simm.s32 $0x1  }
0x2: {  	[smem:$0x3F74] =	sst lr;
	_ =	strace $0xD0000000  }
0x3: {  	_ = 	snop  }
0x4: {  	_ = 	snop  }
0x5: {  	_ = 	snop  }
0x6: {  	_ = 	snop  }
0x7: {  	_ = 	snop  }
__scs_overlays_trampoline_lowered:
0x8: {  	[smem:$0x3F83] =	sst s0  }
0x9: {  	[smem:$0x3F84] =	sst s1  }
0xa: {  	[smem:$0x3F85] =	sst s2  }
0xb: {  	[smem:$0x3F86] =	sst s3  }
0xc: {  	[smem:$0x3F87] =	sst s4  }
0xd: {  	[smem:$0x3F88] =	sst s5  }
0xe: {  	[smem:$0x3F89] =	sst s6  }
0xf: {  	[smem:$0x3F8A] =	sst s7  }
0x10: {  	[smem:$0x3F8B] =	sst s8  }
0x11: {  	[smem:$0x3F8C] =	sst s9;
	s0 =	simm.s32 @!p0 $0x0  }
0x12: {  	s1 =	sld [smem:$0x3F72];
	s0 =	simm.s32 @p0 $0x1  }
0x13: {  	[smem:$0x3F8D] =	sst s0;
	s0 =	simm.s32 @!p1 $0x0  }
0x14: {  	s2 =	sld [smem:$0x3F71];
	s0 =	simm.s32 @p1 $0x1  }
0x15: {  	[smem:$0x3F8E] =	sst s0;
	s0 =	simm.s32 @!p2 $0x0  }
0x16: {  	s3 =	sld [smem:$0x3FDB];
	s0 =	simm.s32 @p2 $0x1  }
0x17: {  	s4 =	simm.s32 $0x1BF5;
	[smem:$0x3F90] =	sst s0  }
0x18: {  	s0 =	sld [smem:$0x3F73];
	_ =	swait.ge [sflag:s4], $0x0  }
0x19: {  	s7 =	sld [smem:$0x3F74]  }
0x1a: {  	s8 =	sadd.s32 $0xFFFFE003, lr  }
0x1b: {  	s9 =	sadd.s32 $0xFFFFFEF7, lr;
	s5 =	simm.s32 $0xFFFFFFFF;
	p2 =	slt.u32 s8, $0xFFFFF086  }
0x1c: {  	p1 =	slt.u32 s9, $0xF7A;
	s5 =	simm.s32 @!p2 $0x0  }
0x1d: {  	s5 =	simm.s32 @p1 $0x1;
	p0 =	seq.s32 s7, s2  }
0x1e: {  	s7 =	smul.u32 @!p0 $0xF7A, s2;
	p2 =	seq.s32 @!p0 s5, $0x0  }
0x1f: {  	s9 =	smul.u32 $0xF7A, s1;
	s8 =	simm.s32 @!p0 $0x1BF5;
	p2 =	por !p2, p0  }
0x20: {  	[sflag:s8] =	ssyncset.s32 @!p0 $0xFFFFF086;
	s6 =	sadd.s32 @!p0 s3, s7;
	s7 =	simm.s32 @!p0 $0x108  }
0x21: {  	s3 =	sadd.s32 s3, s9;
	s6 =	sadd.s32 @!p0 $0x88, s6;
	s7 =	simm.s32 @p2 $0x1082  }
0x22: {  	[simem:s7], [sflag:s8] =	dma.local @!p0 [hbm:s6], $0xF7A  }
0x23: {  	s9 =	sor.u32 $0xD0000000, s2;
	s6 =	simm.s32 $0x108;
	_ =	swait.ge @!p0 [sflag:s8], $0x0  }
0x24: {  	s3 =	sadd.s32 $0x88, s3;
	s6 =	simm.s32 @!p1 $0x1082;
	[sflag:s4] =	ssyncset.s32 $0xFFFFF086  }
0x25: {  	[simem:s6], [sflag:s4] =	dma.local [hbm:s3], $0xF7A  }
0x26: {  	[smem:$0x3F74] =	sst s1;
	(tag) =	ssettag s2;
	_ =	strace s9  }
0x27: {  	s1 =	sld [smem:$0x3F84]  }
0x28: {  	s2 =	sld [smem:$0x3F85]  }
0x29: {  	s4 =	sld [smem:$0x3F87]  }
0x2a: {  	p0 =	seq.s32 s5, $0x0;
	s5 =	sld [smem:$0x3F88]  }
0x2b: {  	s6 =	sld [smem:$0x3F89]  }
0x2c: {  	s7 =	sld [smem:$0x3F8A]  }
0x2d: {  	s3 =	simm.s32 $0x108;
	s8 =	sld [smem:$0x3F8B]  }
0x2e: {  	s3 =	simm.s32 @!p0 $0x1082;
	s9 =	sld [smem:$0x3F8C]  }
0x2f: {  	lr =	sadd.s32 s0, s3;
	s0 =	sld [smem:$0x3F83]  }
0x30: {  	s3 =	sld [smem:$0x3F86]  }
0x31: {  	[smem:$0x3F8F] =	sst s10  }
0x32: {  	s10 =	sld [smem:$0x3F8D];
	_ =	sdelay $0x3  }
0x33: {  	p0 =	seq.s32 s10, $0x1;
	s10 =	sld [smem:$0x3F8F];
	_ =	sdelay $0x3  }
0x34: {  	[smem:$0x3F8F] =	sst s10  }
0x35: {  	s10 =	sld [smem:$0x3F8E];
	_ =	sdelay $0x3  }
0x36: {  	p1 =	seq.s32 s10, $0x1;
	s10 =	sld [smem:$0x3F8F];
	_ =	sdelay $0x3  }
0x37: {  	[smem:$0x3F8F] =	sst s10  }
0x38: {  	s10 =	sld [smem:$0x3F90]  }
0x39: {  	_ = 	snop;
	(pc) =	sbr.ind lr, $3  }
0x3a: {  	_ = 	snop  }
0x3b: {  	_ = 	snop  }
0x3c: {  	p2 =	seq.s32 s10, $0x1;
	s10 =	sld [smem:$0x3F8F]  }
0x3d: {  	_ =	shalt  }
0x3e: {  	_ =	shalt  }
0x3f: {  	_ =	shalt  }
0x40: {  	_ =	shalt  }
0x41: {  	_ =	shalt  }
0x42: {  	_ =	shalt  }
0x43: {  	_ =	shalt  }
0x44: {  	_ =	shalt  }
0x45: {  	_ =	shalt  }
0x46: {  	_ =	shalt  }
0x47: {  	_ =	shalt  }
0x48: {  	_ =	shalt  }
0x49: {  	_ =	shalt  }
0x4a: {  	_ =	shalt  }
0x4b: {  	_ =	shalt  }
0x4c: {  	_ =	shalt  }
0x4d: {  	_ =	shalt  }
0x4e: {  	_ =	shalt  }
0x4f: {  	_ =	shalt  }
0x50: {  	_ =	shalt  }
0x51: {  	_ =	shalt  }
0x52: {  	_ =	shalt  }
0x53: {  	_ =	shalt  }
0x54: {  	_ =	shalt  }
0x55: {  	_ =	shalt  }
0x56: {  	_ =	shalt  }
0x57: {  	_ =	shalt  }
0x58: {  	_ =	shalt  }
0x59: {  	_ =	shalt  }
0x5a: {  	_ =	shalt  }
0x5b: {  	_ =	shalt  }
0x5c: {  	_ =	shalt  }
0x5d: {  	_ =	shalt  }
0x5e: {  	_ =	shalt  }
0x5f: {  	_ =	shalt  }
0x60: {  	_ =	shalt  }
0x61: {  	_ =	shalt  }
0x62: {  	_ =	shalt  }
0x63: {  	_ =	shalt  }
0x64: {  	_ =	shalt  }
0x65: {  	_ =	shalt  }
0x66: {  	_ =	shalt  }
0x67: {  	_ =	shalt  }
0x68: {  	_ =	shalt  }
0x69: {  	_ =	shalt  }
0x6a: {  	_ =	shalt  }
0x6b: {  	_ =	shalt  }
0x6c: {  	_ =	shalt  }
0x6d: {  	_ =	shalt  }
0x6e: {  	_ =	shalt  }
0x6f: {  	_ =	shalt  }
0x70: {  	_ =	shalt  }
0x71: {  	_ =	shalt  }
0x72: {  	_ =	shalt  }
0x73: {  	_ =	shalt  }
0x74: {  	_ =	shalt  }
0x75: {  	_ =	shalt  }
0x76: {  	_ =	shalt  }
0x77: {  	_ =	shalt  }
0x78: {  	_ =	shalt  }
0x79: {  	_ =	shalt  }
0x7a: {  	_ =	shalt  }
0x7b: {  	_ =	shalt  }
0x7c: {  	_ =	shalt  }
0x7d: {  	_ =	shalt  }
0x7e: {  	_ =	shalt  }
0x7f: {  	_ =	shalt  }
0x80: {  	_ =	shalt  }
0x81: {  	_ =	shalt  }
0x82: {  	_ =	shalt  }
0x83: {  	_ =	shalt  }
0x84: {  	_ =	shalt  }
0x85: {  	_ =	shalt  }
0x86: {  	_ =	shalt  }
0x87: {  	_ =	shalt  }
.Lfunc_end0:
.L_simem_size_0:
called_computation.3_lowered:
.L_overlay_start_0:
0x88: {  	s2 =	sld [smem:$0x3FD9]  }
0x89: {  	s3 =	sld [smem:$0x3FFE];
	_ =	sdelay $0x1  }
0x8a: {  	s1 =	srdreg.scid  }
0x8b: {  	s0 =	sand.u32 $0x1, s1  }
0x8c: {  	s17 =	sshll.u32 s0, $0xA;
	s2 =	sadd.s32 s3, s2  }
0x8d: {  	s2 =	sadd.s32 s2, s17  }
0x8e: {  	[smem:$0x3F9B] =	sst s2  }
0x8f: {  	_ = 	snop  }
0x90: {  	s2 =	sld [smem:$0x3FD0];
	(tm) =	ssettm $0x1  }
0x91: {  	s18 =	sld [smem:$0x3FFB];
	_ =	sdelay $0x3  }
0x92: {  	_ =	strace s18  }
0x93: {  	s3 =	sld [smem:$0x3FFC];
	_ =	sdelay $0x3  }
0x94: {  	_ =	strace s3  }
0x95: {  	s3 =	sld [smem:$0x3FFD];
	_ =	sdelay $0x3  }
0x96: {  	_ =	strace s3  }
0x97: {  	_ =	strace $0x8FFFFFFF  }
0x98: {  	s19 =	sld [smem:$0x3FDB];
	_ =	sdelay $0x1  }
0x99: {  	s4 =	simm.s32 $_scs_section_size  }
0x9a: {  	s5 =	simm.s32 $_size__tile_overlayer_lowered;
	s6 =	simm.s32 $_tile_overlayer_lowered  }
0x9b: {  	s22 =	simm.s32 $0x1BFF;
	s21 =	sshll.u32 s6, $0x1;
	s3 =	sadd.s32 s4, s19  }
0x9c: {  	s7 =	simm.s32 $0x0;
	s20 =	sshll.u32 s5, $0x1;
	s5 =	sadd.s32 s21, s3  }
0x9d: {  	[timem:s7], [sflag:s22] =	dma.local [hbm:s5], s20  }
0x9e: {  	_ =	swait.ge [sflag:s22], s20  }
0x9f: {  	s4 =	ssub.s32 $0x0, s20;
	[sflag:s22] =	ssyncset.done $0x0  }
0xa0: {  	[sflag:s22] =	ssyncadd.s32 s4;
	_ =	sdelay $0x1  }
0xa1: {  	s23 =	simm.s32 $0x1B8B  }
0xa2: {  	_ =	swait.ge [sflag:s23], $0x1  }
0xa3: {  	[sflag:s23] =	ssyncset.done $0x0  }
0xa4: {  	s25 =	simm.s32 $0x1B8E;
	s24 =	sld [smem:$0x3FFE];
	[sflag:s23] =	ssyncadd.s32 $0xFFFFFFFF  }
0xa5: {  	s26 =	simm.s32 $execute0_lowered;
	[smem:$0x3FD2] =	sst s25  }
0xa6: {  	s5 =	sshll.u32 s26, $0x1;
	_ =	strace $0x8000004F;
	[dreg:$0x1] =	wrdreg $0xFFFFFFFF  }
0xa7: {  	s28 =	simm.s32 $_size_execute0_lowered;
	s3 =	sadd.s32 s3, s5;
	[dreg:$0x0] =	wrdreg $0x0  }
0xa8: {  	s5 =	sshll.u32 s28, $0x1;
	[dreg:$0x2] =	wrdreg s3  }
0xa9: {  	[dreg:$0x3] =	wrdreg s5  }
0xaa: {  	[dreg:$0x4] =	wrdreg $0xC0  }
0xab: {  	_ =	task [dreg:s7], $0x5FFFF  }
0xac: {  	[dreg:$0x1] =	wrdreg $0xFFFFFFFF  }
0xad: {  	[dreg:$0x0] =	wrdreg $0x60  }
0xae: {  	[dreg:$0x2] =	wrdreg s2  }
0xaf: {  	[dreg:$0x3] =	wrdreg s24  }
0xb0: {  	[dreg:$0x4] =	wrdreg $0x9  }
0xb1: {  	_ =	task.clear_ibuf [dreg:s7], $0x5FFFF;
	_ =	strace $0x9000004F  }
0xb2: {  	s29 =	simm.s32 $0x9;
	_ =	strace $0x80000051  }
0xb3: {  	_ =	swait.ge [sflag:s29], $0x1  }
0xb4: {  	[sflag:s29] =	ssyncadd.s32 $0xFFFFFFFF  }
0xb5: {  	_ =	strace $0x90000051  }
0xb6: {  	_ =	sfence  }
0xb7: {  	s30 =	sld [smem:$0x0];
	_ =	sdelay $0x2  }
0xb8: {  	s31 =	sshll.u32 s1, $0xD;
	s1 =	sshrl.u32 s1, $0x2  }
0xb9: {  	s3 =	sand.u32 $0x4000, s31;
	s1 =	sadd.s32 s1, s30  }
0xba: {  	s0 =	sor.u32 s3, s0;
	s1 =	sshll.u32 s1, $0x11  }
0xbb: {  	s0 =	sor.u32 s1, s0  }
0xbc: {  	s0 =	sadd.s32 $0x8F2B, s0  }
0xbd: {  	[sflag:s0] =	ssyncadd.remote.s32 $0x1  }
0xbe: {  	_ =	sfence.sel $0xFFFF  }
0xbf: {  	[dreg:$0x0] =	wrdreg $0xFFFFFFFF;
	(pc) =	sbr.abs _section_cstart, $3  }
0xc0: {  	[dreg:$0x1] =	wrdreg $0xFFFFFFFF  }
0xc1: {  	_ =	task.clear_ibuf [dreg:s7], $0x2FFFF;
	_ =	strace $0x9FFFFFFF  }
0xc2: {  	(tm) =	ssettm $0x7FFFFFFF  }
0xc3: {  	_ =	shalt  }
tec
execute0_lowered:
.L_overlay_start_1:
0x0: {  	(tag) =	ssettag $0x1  }
0x1: {  	s2 =	rddreg [dreg:$0x0];
	s1 =	srdreg.scid  }
0x2: {  	s0 =	stileid.u32;
	s5 =	rddreg [dreg:$0x1]  }
0x3: {  	s3 =	simm.s32 $0x0;
	s14 =	simm.s32 $0x2900;
	s15 =	simm.s32 $0x3100  }
0x4: {  	s16 =	simm.s32 $0x3900;
	s17 =	simm.s32 $0x4100;
	s18 =	simm.s32 $0x4900  }
0x5: {  	s19 =	simm.s32 $0x5100;
	s20 =	simm.s32 $0x5900;
	s4 =	smul.u32 $0x4E20, s0  }
0x6: {  	s21 =	simm.s32 $0x6100;
	s22 =	simm.s32 $0x6900;
	s8 =	smul.u32 $0x4E200, s0  }
0x7: {  	s23 =	simm.s32 $0x7100;
	s6 =	sand.u32 $0x1, s1;
	s9 =	smul.u32 $0x9C400, s0  }
0x8: {  	s24 =	simm.s32 $0x0;
	[smem:$0x7FF] =	sst s3;
	s7 =	smul.u32 $0x2710, s6  }
0x9: {  	s1 =	rddreg [dreg:$0x2];
	_ =	strace $0x80000050;
	s11 =	smul.u32 $0x4E200, s6  }
0xa: {  	s28 =	ssub.s32 $0x2, s6;
	s13 =	smul.u32 $0x27100, s6;
	s9 =	sadd.s32 s9, s5  }
0xb: {  	s12 =	sshrl.u32 s28, $0x1;
	s8 =	sadd.s32 s8, s5;
	s7 =	sadd.s32 s7, s4  }
0xc: {  	s4 =	sadd.s32 $0x1F200, s5;
	s29 =	ssub.s32 s28, s12;
	s30 =	sadd.s32 s11, s9  }
0xd: {  	s31 =	sadd.s32 s13, s8;
	s11 =	simm.s32 $0x80;
	s12 =	simm.s32 $0x50  }
0xe: {  	v2 =	vlaneseq.u32;
	s13 =	simm.s32 $0x100;
	s7 =	sshrl.u32 s7, $0x3;
	s6 =	sadd.s32 $0x576600, s30  }
0xf: {  	vm0 =	vmmov $0xffff;
	v1 =	vshrl.u32 v2, $0x3;
	s10 =	sadd.s32 s7, s5;
	s5 =	smax.u32 s29, $0x1;
	s7 =	sadd.s32 $0x94600, s31  }
0x10: {  	v0 =	vand.u32 $0x7, v2;
	v2 =	vor.u32 $0x8, v2;
	v1 =	vmul.u32 $0x8, v1;
	s8 =	sadd.s32 $0xB000, s10;
	s9 =	sadd.s32 $0x14E00, s10;
	s10 =	simm.s32 $0x1  }
.LBB2_1:
0x11: {  	s25 =	smov.u32 s7;
	s26 =	smov.u32 s6;
	s28 =	simm.s32 $0x0  }
.LBB2_2:
0x12: {  	s29 =	sadd.s32 s28, s9  }
0x13: {  	[tilespmem:s3], [sflag:$0x1] =	stream.linear.gather [hbm4b:s29+s3], $0x50, $0x38;
	[tilespmem:$0x7900] =	vst v63  }
0x14: {  	_ =	swait.ge [sflag:s10], $0x50  }
0x15: {  	[sflag:s10] =	ssyncset.done $0x0  }
0x16: {  	s31 =	sadd.s32 s28, s8;
	[sflag:s10] =	ssyncadd.s32 $0xFFFFFFB0  }
0x17: {  	[tilespmem:s11], [sflag:$0x1] =	stream.linear.gather [hbm4b:s31+s3], $0x50, $0x38;
	[tilespmem:$0x7900] =	vst v63  }
0x18: {  	_ =	swait.ge [sflag:s10], $0x50  }
0x19: {  	[sflag:s10] =	ssyncset.done $0x0  }
0x1a: {  	[sflag:s10] =	ssyncadd.s32 $0xFFFFFFB0  }
0x1b: {  	[tilespmem:s13], [sflag:$0x1] =	stream.indirect.gather [hbm4b:s2+s12], $0x80, s3, s12, $0xb8;
	[tilespmem:$0x7900] =	vst v63  }
0x1c: {  	_ =	swait.ge [sflag:s10], $0x2800  }
0x1d: {  	[sflag:s10] =	ssyncset.done $0x0  }
0x1e: {  	[sflag:s10] =	ssyncadd.s32 $0xFFFFD800  }
0x1f: {  	v3 =	vld [tilespmem:$0x80];
	_ =	sdelay $0x4  }
0x20: {  	v4 =	vshll.u32 v3, $0x1  }
0x21: {  	v3 =	vand.u32 $0x7, v3;
	v4 =	vand.u32 $0xFFFFFFF0, v4  }
0x22: {  	v3 =	vor.u32 v3, v4  }
0x23: {  	v4 =	vperm.xlane v3, v0;
	_ =	sdelay $0x1  }
0x24: {  	v3 =	vperm.xlane v3, v2;
	v4 =	vadd.s32 v1, v4;
	_ =	sdelay $0x1  }
0x25: {  	v3 =	vadd.s32 v1, v3;
	_ =	sdelay $0x2  }
0x26: {  	[tilespmem:s14], [sflag:$0x1] =	stream.indirect_vreg.gather [hbm4b:s4+s3], $0x80, v4, vm0, $0xb8;
	[tilespmem:$0x7900] =	vst v63  }
0x27: {  	_ = 	snop  }
0x28: {  	[tilespmem:s15], [sflag:$0x1] =	stream.indirect_vreg.gather [hbm4b:s4+s3], $0x80, v3, vm0, $0xb8;
	[tilespmem:$0x7900] =	vst v63  }
0x29: {  	v3 =	vld [tilespmem:$0x90];
	_ =	sdelay $0x4  }
0x2a: {  	v60 =	vshll.u32 v3, $0x1  }
0x2b: {  	v3 =	vand.u32 $0x7, v3;
	v4 =	vand.u32 $0xFFFFFFF0, v60  }
0x2c: {  	v3 =	vor.u32 v3, v4  }
0x2d: {  	v4 =	vperm.xlane v3, v0;
	_ =	sdelay $0x1  }
0x2e: {  	v3 =	vperm.xlane v3, v2;
	v4 =	vadd.s32 v1, v4;
	_ =	sdelay $0x1  }
0x2f: {  	v3 =	vadd.s32 v1, v3;
	_ =	sdelay $0x2  }
0x30: {  	[tilespmem:s16], [sflag:$0x1] =	stream.indirect_vreg.gather [hbm4b:s4+s3], $0x80, v4, vm0, $0xb8;
	[tilespmem:$0x7900] =	vst v63  }
0x31: {  	_ = 	snop  }
0x32: {  	[tilespmem:s17], [sflag:$0x1] =	stream.indirect_vreg.gather [hbm4b:s4+s3], $0x80, v3, vm0, $0xb8;
	[tilespmem:$0x7900] =	vst v63  }
0x33: {  	v3 =	vld [tilespmem:$0xA0];
	_ =	sdelay $0x4  }
0x34: {  	v61 =	vshll.u32 v3, $0x1  }
0x35: {  	v3 =	vand.u32 $0x7, v3;
	v4 =	vand.u32 $0xFFFFFFF0, v61  }
0x36: {  	v3 =	vor.u32 v3, v4  }
0x37: {  	v4 =	vperm.xlane v3, v0;
	_ =	sdelay $0x1  }
0x38: {  	v3 =	vperm.xlane v3, v2;
	v4 =	vadd.s32 v1, v4;
	_ =	sdelay $0x1  }
0x39: {  	v3 =	vadd.s32 v1, v3;
	_ =	sdelay $0x2  }
0x3a: {  	[tilespmem:s18], [sflag:$0x1] =	stream.indirect_vreg.gather [hbm4b:s4+s3], $0x80, v4, vm0, $0xb8;
	[tilespmem:$0x7900] =	vst v63  }
0x3b: {  	_ = 	snop  }
0x3c: {  	[tilespmem:s19], [sflag:$0x1] =	stream.indirect_vreg.gather [hbm4b:s4+s3], $0x80, v3, vm0, $0xb8;
	[tilespmem:$0x7900] =	vst v63  }
0x3d: {  	v3 =	vld [tilespmem:$0xB0];
	_ =	sdelay $0x4  }
0x3e: {  	v62 =	vshll.u32 v3, $0x1  }
0x3f: {  	v3 =	vand.u32 $0x7, v3;
	v4 =	vand.u32 $0xFFFFFFF0, v62  }
0x40: {  	v3 =	vor.u32 v3, v4  }
0x41: {  	v4 =	vperm.xlane v3, v0;
	_ =	sdelay $0x1  }
0x42: {  	v3 =	vperm.xlane v3, v2;
	v4 =	vadd.s32 v1, v4;
	_ =	sdelay $0x1  }
0x43: {  	v3 =	vadd.s32 v1, v3;
	_ =	sdelay $0x2  }
0x44: {  	[tilespmem:s20], [sflag:$0x1] =	stream.indirect_vreg.gather [hbm4b:s4+s3], $0x80, v4, vm0, $0xb8;
	[tilespmem:$0x7900] =	vst v63  }
0x45: {  	_ = 	snop  }
0x46: {  	[tilespmem:s21], [sflag:$0x1] =	stream.indirect_vreg.gather [hbm4b:s4+s3], $0x80, v3, vm0, $0xb8;
	[tilespmem:$0x7900] =	vst v63  }
0x47: {  	v3 =	vld [tilespmem:$0xC0];
	_ =	sdelay $0x4  }
0x48: {  	v63 =	vshll.u32 v3, $0x1  }
0x49: {  	v3 =	vand.u32 $0x7, v3;
	v4 =	vand.u32 $0xFFFFFFF0, v63  }
0x4a: {  	v3 =	vor.u32 v3, v4  }
0x4b: {  	v4 =	vperm.xlane v3, v0;
	_ =	sdelay $0x1  }
0x4c: {  	v3 =	vperm.xlane v3, v2;
	v4 =	vadd.s32 v1, v4;
	_ =	sdelay $0x1  }
0x4d: {  	v3 =	vadd.s32 v1, v3;
	_ =	sdelay $0x2  }
0x4e: {  	[tilespmem:s22], [sflag:$0x1] =	stream.indirect_vreg.gather [hbm4b:s4+s3], $0x80, v4, vm0, $0xb8;
	[tilespmem:$0x7900] =	vst v63  }
0x4f: {  	_ = 	snop  }
0x50: {  	[tilespmem:s23], [sflag:$0x1] =	stream.indirect_vreg.gather [hbm4b:s4+s3], $0x80, v3, vm0, $0xb8;
	[tilespmem:$0x7900] =	vst v63  }
0x51: {  	_ =	swait.ge [sflag:s10], $0x5000  }
0x52: {  	[sflag:s10] =	ssyncset.done $0x0  }
0x53: {  	[sflag:s10] =	ssyncadd.s32 $0xFFFFB000  }
0x54: {  	[hbm4b:s25+s3] =	stream.linear.scatter [tilespmem:s13], [sflag:$0x1], $0x2800, $0x38;
	[tilespmem:$0x7900] =	vst v63  }
0x55: {  	_ =	swait.ge [sflag:s10], $0x2800  }
0x56: {  	p0 =	sne.s32 s28, $0x4D8;
	[sflag:s10] =	ssyncset.done $0x0  }
.Ltmp0:
0x57: {  	[sflag:s10] =	ssyncadd.s32 $0xFFFFD800;
	(pc) =	sbr.rel @p0 .LBB2_2-.Ltmp0, $4  }
0x58: {  	[hbm4b:s26+s3] =	stream.linear.scatter [tilespmem:s14], [sflag:$0x1], $0x5000, $0x38;
	[tilespmem:$0x7900] =	vst v63  }
0x59: {  	_ =	swait.ge [sflag:s10], $0x5000  }
0x5a: {  	s28 =	sadd.s32 $0xA, s28;
	[sflag:s10] =	ssyncset.done $0x0  }
0x5b: {  	s25 =	sadd.s32 $0x500, s25;
	s26 =	sadd.s32 $0xA00, s26;
	[sflag:s10] =	ssyncadd.s32 $0xFFFFB000  }
0x5c: {  	s24 =	sadd.s32 $0x1, s24  }
0x5d: {  	p0 =	sne.s32 s24, s5  }
.Ltmp1:
0x5e: {  	_ = 	snop;
	(pc) =	sbr.rel @p0 .LBB2_1-.Ltmp1, $1  }
0x5f: {  	_ =	sdelay $0x3  }
0x60: {  	_ =	sfence.sel $0x180000  }
0x61: {  	[bflag:$0x0] =	sbarrier.arrive $0xFFFF  }
0x62: {  	p0 =	sne.s32 s0, $0x0;
	_ =	strace $0x90000050  }
0x63: {  	s0 =	sadd.s32 @!p0 $0x100000, s1;
	[bflag:$0x2] =	sbarrier.arrive $0xFFFF  }
0x64: {  	[sflag:s0] =	ssyncadd.tile.s32 @!p0 $0x1;
	_ =	shalt  }
.Lfunc_end2:
_tile_overlayer_lowered:
.L_overlay_start_2:
0x65: {  	(tag) =	ssettag $0x2  }
0x66: {  	s0 =	rddreg [dreg:$0x0];
	s2 =	stileid.u32  }
0x67: {  	s1 =	rddreg [dreg:$0x1];
	p0 =	sne.s32 s2, $0x0  }
0x68: {  	s3 =	rddreg [dreg:$0x2];
	[bflag:$0x3] =	sbarrier.arrive $0xFFFF;
	s2 =	simm.s32 @!p0 $0x1C01  }
0x69: {  	[timem:s3], [sflag:s2] =	dma.local @!p0 [hbm:s0], s1  }
0x6a: {  	s0 =	simm.s32 @!p0 $0x1  }
0x6b: {  	_ =	swait.ge @!p0 [sflag:s0], s1  }
0x6c: {  	s1 =	ssub.s32 @!p0 $0x0, s1;
	[sflag:s0] =	ssyncset.done @!p0 $0x0  }
0x6d: {  	[sflag:s0] =	ssyncadd.s32 @!p0 s1  }
0x6e: {  	[bflag:$0x3] =	sbarrier.arrive $0xFFFF  }
0x6f: {  	_ =	shalt  }

// kernel: kernel.30.cloned.1.call-start
scs
__scs_entry_jumppad:
0x0: {  	(pc) =	sbr.rel $0x88, $3  }
0x1: {  	(tag) =	ssettag $0x0;
	lr =	simm.s32 $0x1  }
0x2: {  	[smem:$0x3F74] =	sst lr;
	_ =	strace $0xD0000000  }
0x3: {  	_ = 	snop  }
0x4: {  	_ = 	snop  }
0x5: {  	_ = 	snop  }
0x6: {  	_ = 	snop  }
0x7: {  	_ = 	snop  }
__scs_overlays_trampoline_lowered:
0x8: {  	[smem:$0x3F83] =	sst s0  }
0x9: {  	[smem:$0x3F84] =	sst s1  }
0xa: {  	[smem:$0x3F85] =	sst s2  }
0xb: {  	[smem:$0x3F86] =	sst s3  }
0xc: {  	[smem:$0x3F87] =	sst s4  }
0xd: {  	[smem:$0x3F88] =	sst s5  }
0xe: {  	[smem:$0x3F89] =	sst s6  }
0xf: {  	[smem:$0x3F8A] =	sst s7  }
0x10: {  	[smem:$0x3F8B] =	sst s8  }
0x11: {  	[smem:$0x3F8C] =	sst s9;
	s0 =	simm.s32 @!p0 $0x0  }
0x12: {  	s1 =	sld [smem:$0x3F72];
	s0 =	simm.s32 @p0 $0x1  }
0x13: {  	[smem:$0x3F8D] =	sst s0;
	s0 =	simm.s32 @!p1 $0x0  }
0x14: {  	s2 =	sld [smem:$0x3F71];
	s0 =	simm.s32 @p1 $0x1  }
0x15: {  	[smem:$0x3F8E] =	sst s0;
	s0 =	simm.s32 @!p2 $0x0  }
0x16: {  	s3 =	sld [smem:$0x3FDB];
	s0 =	simm.s32 @p2 $0x1  }
0x17: {  	s4 =	simm.s32 $0x1BF5;
	[smem:$0x3F90] =	sst s0  }
0x18: {  	s0 =	sld [smem:$0x3F73];
	_ =	swait.ge [sflag:s4], $0x0  }
0x19: {  	s7 =	sld [smem:$0x3F74]  }
0x1a: {  	s8 =	sadd.s32 $0xFFFFE003, lr  }
0x1b: {  	s9 =	sadd.s32 $0xFFFFFEF7, lr;
	s5 =	simm.s32 $0xFFFFFFFF;
	p2 =	slt.u32 s8, $0xFFFFF086  }
0x1c: {  	p1 =	slt.u32 s9, $0xF7A;
	s5 =	simm.s32 @!p2 $0x0  }
0x1d: {  	s5 =	simm.s32 @p1 $0x1;
	p0 =	seq.s32 s7, s2  }
0x1e: {  	s7 =	smul.u32 @!p0 $0xF7A, s2;
	p2 =	seq.s32 @!p0 s5, $0x0  }
0x1f: {  	s9 =	smul.u32 $0xF7A, s1;
	s8 =	simm.s32 @!p0 $0x1BF5;
	p2 =	por !p2, p0  }
0x20: {  	[sflag:s8] =	ssyncset.s32 @!p0 $0xFFFFF086;
	s6 =	sadd.s32 @!p0 s3, s7;
	s7 =	simm.s32 @!p0 $0x108  }
0x21: {  	s3 =	sadd.s32 s3, s9;
	s6 =	sadd.s32 @!p0 $0x88, s6;
	s7 =	simm.s32 @p2 $0x1082  }
0x22: {  	[simem:s7], [sflag:s8] =	dma.local @!p0 [hbm:s6], $0xF7A  }
0x23: {  	s9 =	sor.u32 $0xD0000000, s2;
	s6 =	simm.s32 $0x108;
	_ =	swait.ge @!p0 [sflag:s8], $0x0  }
0x24: {  	s3 =	sadd.s32 $0x88, s3;
	s6 =	simm.s32 @!p1 $0x1082;
	[sflag:s4] =	ssyncset.s32 $0xFFFFF086  }
0x25: {  	[simem:s6], [sflag:s4] =	dma.local [hbm:s3], $0xF7A  }
0x26: {  	[smem:$0x3F74] =	sst s1;
	(tag) =	ssettag s2;
	_ =	strace s9  }
0x27: {  	s1 =	sld [smem:$0x3F84]  }
0x28: {  	s2 =	sld [smem:$0x3F85]  }
0x29: {  	s4 =	sld [smem:$0x3F87]  }
0x2a: {  	p0 =	seq.s32 s5, $0x0;
	s5 =	sld [smem:$0x3F88]  }
0x2b: {  	s6 =	sld [smem:$0x3F89]  }
0x2c: {  	s7 =	sld [smem:$0x3F8A]  }
0x2d: {  	s3 =	simm.s32 $0x108;
	s8 =	sld [smem:$0x3F8B]  }
0x2e: {  	s3 =	simm.s32 @!p0 $0x1082;
	s9 =	sld [smem:$0x3F8C]  }
0x2f: {  	lr =	sadd.s32 s0, s3;
	s0 =	sld [smem:$0x3F83]  }
0x30: {  	s3 =	sld [smem:$0x3F86]  }
0x31: {  	[smem:$0x3F8F] =	sst s10  }
0x32: {  	s10 =	sld [smem:$0x3F8D];
	_ =	sdelay $0x3  }
0x33: {  	p0 =	seq.s32 s10, $0x1;
	s10 =	sld [smem:$0x3F8F];
	_ =	sdelay $0x3  }
0x34: {  	[smem:$0x3F8F] =	sst s10  }
0x35: {  	s10 =	sld [smem:$0x3F8E];
	_ =	sdelay $0x3  }
0x36: {  	p1 =	seq.s32 s10, $0x1;
	s10 =	sld [smem:$0x3F8F];
	_ =	sdelay $0x3  }
0x37: {  	[smem:$0x3F8F] =	sst s10  }
0x38: {  	s10 =	sld [smem:$0x3F90]  }
0x39: {  	_ = 	snop;
	(pc) =	sbr.ind lr, $3  }
0x3a: {  	_ = 	snop  }
0x3b: {  	_ = 	snop  }
0x3c: {  	p2 =	seq.s32 s10, $0x1;
	s10 =	sld [smem:$0x3F8F]  }
0x3d: {  	_ =	shalt  }
0x3e: {  	_ =	shalt  }
0x3f: {  	_ =	shalt  }
0x40: {  	_ =	shalt  }
0x41: {  	_ =	shalt  }
0x42: {  	_ =	shalt  }
0x43: {  	_ =	shalt  }
0x44: {  	_ =	shalt  }
0x45: {  	_ =	shalt  }
0x46: {  	_ =	shalt  }
0x47: {  	_ =	shalt  }
0x48: {  	_ =	shalt  }
0x49: {  	_ =	shalt  }
0x4a: {  	_ =	shalt  }
0x4b: {  	_ =	shalt  }
0x4c: {  	_ =	shalt  }
0x4d: {  	_ =	shalt  }
0x4e: {  	_ =	shalt  }
0x4f: {  	_ =	shalt  }
0x50: {  	_ =	shalt  }
0x51: {  	_ =	shalt  }
0x52: {  	_ =	shalt  }
0x53: {  	_ =	shalt  }
0x54: {  	_ =	shalt  }
0x55: {  	_ =	shalt  }
0x56: {  	_ =	shalt  }
0x57: {  	_ =	shalt  }
0x58: {  	_ =	shalt  }
0x59: {  	_ =	shalt  }
0x5a: {  	_ =	shalt  }
0x5b: {  	_ =	shalt  }
0x5c: {  	_ =	shalt  }
0x5d: {  	_ =	shalt  }
0x5e: {  	_ =	shalt  }
0x5f: {  	_ =	shalt  }
0x60: {  	_ =	shalt  }
0x61: {  	_ =	shalt  }
0x62: {  	_ =	shalt  }
0x63: {  	_ =	shalt  }
0x64: {  	_ =	shalt  }
0x65: {  	_ =	shalt  }
0x66: {  	_ =	shalt  }
0x67: {  	_ =	shalt  }
0x68: {  	_ =	shalt  }
0x69: {  	_ =	shalt  }
0x6a: {  	_ =	shalt  }
0x6b: {  	_ =	shalt  }
0x6c: {  	_ =	shalt  }
0x6d: {  	_ =	shalt  }
0x6e: {  	_ =	shalt  }
0x6f: {  	_ =	shalt  }
0x70: {  	_ =	shalt  }
0x71: {  	_ =	shalt  }
0x72: {  	_ =	shalt  }
0x73: {  	_ =	shalt  }
0x74: {  	_ =	shalt  }
0x75: {  	_ =	shalt  }
0x76: {  	_ =	shalt  }
0x77: {  	_ =	shalt  }
0x78: {  	_ =	shalt  }
0x79: {  	_ =	shalt  }
0x7a: {  	_ =	shalt  }
0x7b: {  	_ =	shalt  }
0x7c: {  	_ =	shalt  }
0x7d: {  	_ =	shalt  }
0x7e: {  	_ =	shalt  }
0x7f: {  	_ =	shalt  }
0x80: {  	_ =	shalt  }
0x81: {  	_ =	shalt  }
0x82: {  	_ =	shalt  }
0x83: {  	_ =	shalt  }
0x84: {  	_ =	shalt  }
0x85: {  	_ =	shalt  }
0x86: {  	_ =	shalt  }
0x87: {  	_ =	shalt  }
.Lfunc_end0:
.L_simem_size_0:
called_computation.4_lowered:
.L_overlay_start_0:
0x88: {  	s2 =	sld [smem:$0x3FD9]  }
0x89: {  	s3 =	sld [smem:$0x3FFE];
	_ =	sdelay $0x1  }
0x8a: {  	s1 =	srdreg.scid  }
0x8b: {  	s0 =	sand.u32 $0x1, s1  }
0x8c: {  	s17 =	sshll.u32 s0, $0xA;
	s2 =	sadd.s32 s3, s2  }
0x8d: {  	s2 =	sadd.s32 s2, s17  }
0x8e: {  	[smem:$0x3F9B] =	sst s2  }
0x8f: {  	_ = 	snop  }
0x90: {  	(tm) =	ssettm $0x1  }
0x91: {  	s18 =	sld [smem:$0x3FFB];
	_ =	sdelay $0x3  }
0x92: {  	_ =	strace s18  }
0x93: {  	s2 =	sld [smem:$0x3FFC];
	_ =	sdelay $0x3  }
0x94: {  	_ =	strace s2  }
0x95: {  	s2 =	sld [smem:$0x3FFD];
	_ =	sdelay $0x3  }
0x96: {  	_ =	strace s2  }
0x97: {  	_ =	strace $0x8FFFFFFF  }
0x98: {  	s19 =	sld [smem:$0x3FDB];
	_ =	sdelay $0x1  }
0x99: {  	s20 =	simm.s32 $_scs_section_size  }
0x9a: {  	s4 =	simm.s32 $_size__tile_overlayer_lowered;
	s5 =	simm.s32 $_tile_overlayer_lowered  }
0x9b: {  	s6 =	simm.s32 $0x1BFF;
	s21 =	sshll.u32 s5, $0x1;
	s3 =	sadd.s32 s20, s19  }
0x9c: {  	s22 =	simm.s32 $0x0;
	s4 =	sshll.u32 s4, $0x1;
	s5 =	sadd.s32 s21, s3  }
0x9d: {  	[timem:s22], [sflag:s6] =	dma.local [hbm:s5], s4  }
0x9e: {  	_ =	swait.ge [sflag:s6], s4  }
0x9f: {  	s4 =	ssub.s32 $0x0, s4;
	[sflag:s6] =	ssyncset.done $0x0  }
0xa0: {  	[sflag:s6] =	ssyncadd.s32 s4;
	_ =	sdelay $0x1  }
0xa1: {  	s23 =	simm.s32 $0x1B8B  }
0xa2: {  	_ =	swait.ge [sflag:s23], $0x1  }
0xa3: {  	[sflag:s23] =	ssyncset.done $0x0  }
0xa4: {  	[sflag:s23] =	ssyncadd.s32 $0xFFFFFFFF  }
0xa5: {  	s4 =	sld [smem:$0x0]  }
0xa6: {  	s5 =	sand.u32 $0xFFFFFFFE, s1  }
0xa7: {  	p0 =	sne.s32 s1, s5  }
0xa8: {  	s5 =	sshll.u32 @p0 s5, $0xE  }
0xa9: {  	s5 =	sadd.s32 @p0 $0x11B8D, s5;
	s6 =	sshll.u32 @p0 s4, $0x11  }
0xaa: {  	s5 =	sor.u32 @p0 s6, s5  }
0xab: {  	[sflag:s5] =	ssyncadd.remote.s32 @p0 $0x1;
	_ =	sdelay $0x1  }
0xac: {  	s5 =	simm.s32 @p0 $0x1B8D  }
0xad: {  	_ =	swait.eq @p0 [sflag:s5], $0x1  }
0xae: {  	[sflag:s5] =	ssyncadd.s32 @p0 $0xFFFFFFFF  }
0xaf: {  	s6 =	sshll.u32 @!p0 s1, $0xE  }
0xb0: {  	s6 =	sor.u32 @!p0 $0x4000, s6;
	s5 =	simm.s32 @!p0 $0x1B8D  }
0xb1: {  	s4 =	sshll.u32 @!p0 s4, $0x11;
	s6 =	sadd.s32 @!p0 $0x11B8D, s6;
	_ =	swait.eq @!p0 [sflag:s5], $0x1  }
0xb2: {  	s4 =	sor.u32 @!p0 s4, s6;
	[sflag:s5] =	ssyncadd.s32 @!p0 $0xFFFFFFFF  }
0xb3: {  	s25 =	simm.s32 $0x1B8E;
	s24 =	sld [smem:$0x3FFE];
	[sflag:s4] =	ssyncadd.remote.s32 @!p0 $0x1  }
0xb4: {  	s26 =	simm.s32 $execute0_lowered;
	[smem:$0x3FD2] =	sst s25  }
0xb5: {  	s5 =	sshll.u32 s26, $0x1;
	_ =	strace $0x80000055;
	[dreg:$0x1] =	wrdreg $0xFFFFFFFF  }
0xb6: {  	s28 =	simm.s32 $_size_execute0_lowered;
	s3 =	sadd.s32 s3, s5;
	[dreg:$0x0] =	wrdreg $0x0  }
0xb7: {  	s5 =	sshll.u32 s28, $0x1;
	[dreg:$0x2] =	wrdreg s3  }
0xb8: {  	[dreg:$0x3] =	wrdreg s5  }
0xb9: {  	[dreg:$0x4] =	wrdreg $0xC0  }
0xba: {  	_ =	task [dreg:s22], $0x5FFFF  }
0xbb: {  	[dreg:$0x1] =	wrdreg $0xFFFFFFFF  }
0xbc: {  	[dreg:$0x0] =	wrdreg $0x60  }
0xbd: {  	[dreg:$0x2] =	wrdreg s24  }
0xbe: {  	[dreg:$0x3] =	wrdreg $0x0  }
0xbf: {  	[dreg:$0x4] =	wrdreg $0x9  }
0xc0: {  	_ =	task.clear_ibuf [dreg:s22], $0x5FFFF;
	_ =	strace $0x90000055  }
0xc1: {  	s29 =	simm.s32 $0x9;
	_ =	strace $0x80000057  }
0xc2: {  	_ =	swait.ge [sflag:s29], $0x1  }
0xc3: {  	[sflag:s29] =	ssyncadd.s32 $0xFFFFFFFF  }
0xc4: {  	_ =	strace $0x90000057  }
0xc5: {  	_ =	sfence  }
0xc6: {  	s30 =	sld [smem:$0x0];
	_ =	sdelay $0x2  }
0xc7: {  	s31 =	sshll.u32 s1, $0xD;
	s1 =	sshrl.u32 s1, $0x2  }
0xc8: {  	s4 =	sand.u32 $0x4000, s31;
	s1 =	sadd.s32 s1, s30  }
0xc9: {  	s0 =	sor.u32 s4, s0;
	s1 =	sshll.u32 s1, $0x11  }
0xca: {  	s0 =	sor.u32 s1, s0  }
0xcb: {  	s0 =	sadd.s32 $0x8F2B, s0  }
0xcc: {  	[sflag:s0] =	ssyncadd.remote.s32 $0x1  }
0xcd: {  	_ =	sfence.sel $0xFFFF  }
0xce: {  	[dreg:$0x0] =	wrdreg $0xFFFFFFFF;
	(pc) =	sbr.abs _section_cstart, $3  }
0xcf: {  	[dreg:$0x1] =	wrdreg $0xFFFFFFFF  }
0xd0: {  	_ =	task.clear_ibuf [dreg:s22], $0x2FFFF;
	_ =	strace $0x9FFFFFFF  }
0xd1: {  	(tm) =	ssettm $0x7FFFFFFF  }
tec
execute0_lowered:
.L_overlay_start_1:
0x0: {  	(tag) =	ssettag $0x1  }
0x1: {  	s15 =	stileid.u32  }
0x2: {  	s0 =	srdreg.scid;
	s6 =	smul.u32 $0x2710, s15  }
0x3: {  	s1 =	rddreg [dreg:$0x0];
	s7 =	smul.u32 $0x320, s15  }
0x4: {  	s2 =	rddreg [dreg:$0x1];
	s8 =	smul.u32 $0x64000, s15  }
0x5: {  	s3 =	simm.s32 $0x0;
	s0 =	sand.u32 $0x1, s0;
	s26 =	smul.u32 $0x27100, s15  }
0x6: {  	s29 =	simm.s32 $0x19000;
	s30 =	simm.s32 $0x1;
	s4 =	smul.u32 $0x271000, s0  }
0x7: {  	s31 =	simm.s32 $0x1B800;
	[smem:$0x7FF] =	sst s3;
	s5 =	smul.u32 $0x27100, s0  }
0x8: {  	s18 =	sadd.s32 $0x1EC00, s1;
	s17 =	smul.u32 $0x3200, s0;
	s0 =	ssub.s32 $0x2, s0  }
0x9: {  	_ =	strace $0x80000056;
	[dreg:$0x3] =	wrdreg s18;
	s20 =	sshrl.u32 s0, $0x1  }
0xa: {  	s21 =	sshrl.u32 s8, $0x2;
	s5 =	sadd.s32 s6, s5;
	s4 =	sadd.s32 s4, s1  }
0xb: {  	s19 =	sadd.s32 s7, s17;
	s0 =	ssub.s32 s0, s20;
	s5 =	sshrl.u32 s5, $0x3  }
0xc: {  	s22 =	sshll.u32 s19, $0x4;
	s0 =	smax.u32 s0, $0x1;
	s14 =	sadd.s32 s5, s1  }
0xd: {  	s5 =	sadd.s32 s21, s2;
	s1 =	sadd.s32 s22, s1;
	[dreg:$0x4] =	wrdreg s0  }
0xe: {  	s0 =	sadd.s32 s26, s4;
	s7 =	sadd.s32 $0x2800, s5;
	s8 =	sadd.s32 $0x5000, s5  }
0xf: {  	s9 =	sadd.s32 $0x7800, s5;
	s10 =	sadd.s32 $0xA000, s5;
	s11 =	sadd.s32 $0xC800, s5  }
0x10: {  	s12 =	sadd.s32 $0xF000, s5;
	s13 =	sadd.s32 $0x11800, s5;
	s23 =	sadd.s32 $0xF8600, s1  }
0x11: {  	s24 =	sadd.s32 $0xF8B00, s1;
	s25 =	sadd.s32 $0xF9000, s1;
	s17 =	sadd.s32 $0xF9500, s1  }
0x12: {  	s18 =	sadd.s32 $0xF9A00, s1;
	s19 =	sadd.s32 $0xF9F00, s1;
	s20 =	sadd.s32 $0xFA400, s1  }
0x13: {  	s21 =	sadd.s32 $0xFA900, s1;
	s22 =	sadd.s32 $0xFAE00, s1;
	[dreg:$0x5] =	wrdreg s23  }
0x14: {  	s26 =	sadd.s32 $0x14000, s5;
	s28 =	sadd.s32 $0x16800, s5;
	[dreg:$0x6] =	wrdreg s24  }
0x15: {  	[dreg:$0x7] =	wrdreg s25;
	s23 =	sadd.s32 $0xFB300, s1;
	s24 =	sadd.s32 $0x22CBE00, s0  }
0x16: {  	s25 =	sadd.s32 $0x14E00, s14;
	s0 =	simm.s32 $0x50;
	s1 =	simm.s32 $0x0  }
.LBB2_1:
0x17: {  	s4 =	rddreg [dreg:$0x3]  }
0x18: {  	[tilespmem:s29], [sflag:$0x1] =	stream.linear.gather [hbm4b:s4+s3], $0x2800, $0x38;
	[tilespmem:$0x1B880] =	vst v63  }
0x19: {  	_ =	swait.ge [sflag:s30], $0x2800  }
0x1a: {  	[sflag:s30] =	ssyncset.done $0x0  }
0x1b: {  	[sflag:s30] =	ssyncadd.s32 $0xFFFFD800  }
0x1c: {  	[spmem:s5] =	stream.linear.scatter [tilespmem:s29], [sflag:$0x1], $0x2800, $0x38;
	[tilespmem:$0x1B880] =	vst v63  }
0x1d: {  	_ =	swait.ge [sflag:s30], $0x2800  }
0x1e: {  	[sflag:s30] =	ssyncset.done $0x0  }
0x1f: {  	[sflag:s30] =	ssyncadd.s32 $0xFFFFD800  }
0x20: {  	[spmem:s7] =	stream.linear.scatter [tilespmem:s29], [sflag:$0x1], $0x2800, $0x38;
	[tilespmem:$0x1B880] =	vst v63  }
0x21: {  	_ =	swait.ge [sflag:s30], $0x2800  }
0x22: {  	[sflag:s30] =	ssyncset.done $0x0  }
0x23: {  	[sflag:s30] =	ssyncadd.s32 $0xFFFFD800  }
0x24: {  	[spmem:s8] =	stream.linear.scatter [tilespmem:s29], [sflag:$0x1], $0x2800, $0x38;
	[tilespmem:$0x1B880] =	vst v63  }
0x25: {  	_ =	swait.ge [sflag:s30], $0x2800  }
0x26: {  	[sflag:s30] =	ssyncset.done $0x0  }
0x27: {  	[sflag:s30] =	ssyncadd.s32 $0xFFFFD800  }
0x28: {  	[spmem:s9] =	stream.linear.scatter [tilespmem:s29], [sflag:$0x1], $0x2800, $0x38;
	[tilespmem:$0x1B880] =	vst v63  }
0x29: {  	_ =	swait.ge [sflag:s30], $0x2800  }
0x2a: {  	[sflag:s30] =	ssyncset.done $0x0  }
0x2b: {  	[sflag:s30] =	ssyncadd.s32 $0xFFFFD800  }
0x2c: {  	[spmem:s10] =	stream.linear.scatter [tilespmem:s29], [sflag:$0x1], $0x2800, $0x38;
	[tilespmem:$0x1B880] =	vst v63  }
0x2d: {  	_ =	swait.ge [sflag:s30], $0x2800  }
0x2e: {  	[sflag:s30] =	ssyncset.done $0x0  }
0x2f: {  	[sflag:s30] =	ssyncadd.s32 $0xFFFFD800  }
0x30: {  	[spmem:s11] =	stream.linear.scatter [tilespmem:s29], [sflag:$0x1], $0x2800, $0x38;
	[tilespmem:$0x1B880] =	vst v63  }
0x31: {  	_ =	swait.ge [sflag:s30], $0x2800  }
0x32: {  	[sflag:s30] =	ssyncset.done $0x0  }
0x33: {  	[sflag:s30] =	ssyncadd.s32 $0xFFFFD800  }
0x34: {  	[spmem:s12] =	stream.linear.scatter [tilespmem:s29], [sflag:$0x1], $0x2800, $0x38;
	[tilespmem:$0x1B880] =	vst v63  }
0x35: {  	_ =	swait.ge [sflag:s30], $0x2800  }
0x36: {  	[sflag:s30] =	ssyncset.done $0x0  }
0x37: {  	[sflag:s30] =	ssyncadd.s32 $0xFFFFD800  }
0x38: {  	[spmem:s13] =	stream.linear.scatter [tilespmem:s29], [sflag:$0x1], $0x2800, $0x38;
	[tilespmem:$0x1B880] =	vst v63  }
0x39: {  	_ =	swait.ge [sflag:s30], $0x2800  }
0x3a: {  	[sflag:s30] =	ssyncset.done $0x0  }
0x3b: {  	[sflag:s30] =	ssyncadd.s32 $0xFFFFD800  }
0x3c: {  	[spmem:s26] =	stream.linear.scatter [tilespmem:s29], [sflag:$0x1], $0x2800, $0x38;
	[tilespmem:$0x1B880] =	vst v63  }
0x3d: {  	_ =	swait.ge [sflag:s30], $0x2800  }
0x3e: {  	[sflag:s30] =	ssyncset.done $0x0  }
0x3f: {  	[sflag:s30] =	ssyncadd.s32 $0xFFFFD800  }
0x40: {  	[spmem:s28] =	stream.linear.scatter [tilespmem:s29], [sflag:$0x1], $0x2800, $0x38;
	[tilespmem:$0x1B880] =	vst v63  }
0x41: {  	_ =	swait.ge [sflag:s30], $0x2800  }
0x42: {  	[sflag:s30] =	ssyncset.done $0x0  }
0x43: {  	[sflag:s30] =	ssyncadd.s32 $0xFFFFD800  }
0x44: {  	s16 =	sadd.s32 $0x0, s25;
	[bflag:$0x0] =	sbarrier.arrive $0xFFFF  }
0x45: {  	[tilespmem:s31], [sflag:$0x1] =	stream.linear.gather [hbm4b:s16+s3], $0x50, $0x38;
	[tilespmem:$0x1B880] =	vst v63  }
0x46: {  	_ =	swait.ge [sflag:s30], $0x50  }
0x47: {  	[sflag:s30] =	ssyncset.done $0x0  }
0x48: {  	[sflag:s30] =	ssyncadd.s32 $0xFFFFFFB0  }
0x49: {  	[tilespmem:s29], [sflag:$0x1] =	stream.linear.gather [hbm4b:s24+s3], $0x2800, $0x38;
	[tilespmem:$0x1B880] =	vst v63  }
0x4a: {  	_ =	swait.ge [sflag:s30], $0x2800  }
0x4b: {  	[sflag:s30] =	ssyncset.done $0x0  }
0x4c: {  	[sflag:s30] =	ssyncadd.s32 $0xFFFFD800  }
0x4d: {  	[spmem:s2] =	stream.indirect.scatter.add.f32 [tilespmem:s29], [sflag:$0x1], $0x80, s31, s0, $0xb8;
	[tilespmem:$0x1B880] =	vst v63  }
0x4e: {  	s6 =	simm.s32 $0xA;
	_ =	swait.ge [sflag:s30], $0x2800  }
0x4f: {  	s14 =	simm.s32 $0x14;
	s4 =	sadd.s32 $0x500, s24;
	[sflag:s30] =	ssyncset.done $0x0  }
.LBB2_2:
0x50: {  	s15 =	sadd.s32 s6, s25  }
0x51: {  	[sflag:s30] =	ssyncadd.s32 $0xFFFFD800;
	s6 =	smov.u32 s14;
	s16 =	sadd.s32 $0xA, s14  }
0x52: {  	[tilespmem:s31], [sflag:$0x1] =	stream.linear.gather [hbm4b:s15+s3], $0x50, $0x38;
	[tilespmem:$0x1B880] =	vst v63  }
0x53: {  	p0 =	sne.s32 s14, $0x4D8;
	_ =	swait.ge [sflag:s30], $0x50  }
0x54: {  	[sflag:s30] =	ssyncset.done $0x0  }
0x55: {  	[sflag:s30] =	ssyncadd.s32 $0xFFFFFFB0  }
0x56: {  	[tilespmem:s29], [sflag:$0x1] =	stream.linear.gather [hbm4b:s4+s3], $0x2800, $0x38;
	[tilespmem:$0x1B880] =	vst v63  }
0x57: {  	_ =	swait.ge [sflag:s30], $0x2800  }
.Ltmp0:
0x58: {  	[sflag:s30] =	ssyncset.done $0x0;
	(pc) =	sbr.rel @p0 .LBB2_2-.Ltmp0, $4  }
0x59: {  	[sflag:s30] =	ssyncadd.s32 $0xFFFFD800  }
0x5a: {  	[spmem:s2] =	stream.indirect.scatter.add.f32 [tilespmem:s29], [sflag:$0x1], $0x80, s31, s0, $0xb8;
	[tilespmem:$0x1B880] =	vst v63  }
0x5b: {  	_ =	swait.ge [sflag:s30], $0x2800  }
0x5c: {  	s14 =	smov.u32 s16;
	s4 =	sadd.s32 $0x500, s4;
	[sflag:s30] =	ssyncset.done $0x0  }
0x5d: {  	s6 =	sadd.s32 s6, s25;
	[sflag:s30] =	ssyncadd.s32 $0xFFFFD800  }
0x5e: {  	[tilespmem:s31], [sflag:$0x1] =	stream.linear.gather [hbm4b:s6+s3], $0x50, $0x38;
	[tilespmem:$0x1B880] =	vst v63  }
0x5f: {  	_ =	swait.ge [sflag:s30], $0x50  }
0x60: {  	[sflag:s30] =	ssyncset.done $0x0  }
0x61: {  	[sflag:s30] =	ssyncadd.s32 $0xFFFFFFB0  }
0x62: {  	[tilespmem:s29], [sflag:$0x1] =	stream.linear.gather [hbm4b:s4+s3], $0x2800, $0x38;
	[tilespmem:$0x1B880] =	vst v63  }
0x63: {  	_ =	swait.ge [sflag:s30], $0x2800  }
0x64: {  	[sflag:s30] =	ssyncset.done $0x0  }
0x65: {  	[sflag:s30] =	ssyncadd.s32 $0xFFFFD800  }
0x66: {  	[spmem:s2] =	stream.indirect.scatter.add.f32 [tilespmem:s29], [sflag:$0x1], $0x80, s31, s0, $0xb8;
	[tilespmem:$0x1B880] =	vst v63  }
0x67: {  	_ =	swait.ge [sflag:s30], $0x2800  }
0x68: {  	[sflag:s30] =	ssyncset.done $0x0  }
0x69: {  	[sflag:s30] =	ssyncadd.s32 $0xFFFFD800  }
0x6a: {  	[bflag:$0x0] =	sbarrier.arrive $0xFFFF  }
0x6b: {  	[tilespmem:s29], [sflag:$0x1] =	stream.linear.gather [spmem:s5], $0x2800, $0x38;
	[tilespmem:$0x1B880] =	vst v63  }
0x6c: {  	_ =	swait.ge [sflag:s30], $0x2800  }
0x6d: {  	[sflag:s30] =	ssyncset.done $0x0  }
0x6e: {  	s6 =	rddreg [dreg:$0x5];
	[sflag:s30] =	ssyncadd.s32 $0xFFFFD800  }
0x6f: {  	[hbm4b:s6+s3] =	stream.linear.scatter [tilespmem:s29], [sflag:$0x1], $0x2800, $0x38;
	[tilespmem:$0x1B880] =	vst v63  }
0x70: {  	_ =	swait.ge [sflag:s30], $0x2800  }
0x71: {  	[sflag:s30] =	ssyncset.done $0x0  }
0x72: {  	[sflag:s30] =	ssyncadd.s32 $0xFFFFD800  }
0x73: {  	[tilespmem:s29], [sflag:$0x1] =	stream.linear.gather [spmem:s7], $0x2800, $0x38;
	[tilespmem:$0x1B880] =	vst v63  }
0x74: {  	_ =	swait.ge [sflag:s30], $0x2800  }
0x75: {  	[sflag:s30] =	ssyncset.done $0x0  }
0x76: {  	s14 =	rddreg [dreg:$0x6];
	[sflag:s30] =	ssyncadd.s32 $0xFFFFD800  }
0x77: {  	[hbm4b:s14+s3] =	stream.linear.scatter [tilespmem:s29], [sflag:$0x1], $0x2800, $0x38;
	[tilespmem:$0x1B880] =	vst v63  }
0x78: {  	_ =	swait.ge [sflag:s30], $0x2800  }
0x79: {  	[sflag:s30] =	ssyncset.done $0x0  }
0x7a: {  	[sflag:s30] =	ssyncadd.s32 $0xFFFFD800  }
0x7b: {  	[tilespmem:s29], [sflag:$0x1] =	stream.linear.gather [spmem:s8], $0x2800, $0x38;
	[tilespmem:$0x1B880] =	vst v63  }
0x7c: {  	_ =	swait.ge [sflag:s30], $0x2800  }
0x7d: {  	[sflag:s30] =	ssyncset.done $0x0  }
0x7e: {  	s15 =	rddreg [dreg:$0x7];
	[sflag:s30] =	ssyncadd.s32 $0xFFFFD800  }
0x7f: {  	[hbm4b:s15+s3] =	stream.linear.scatter [tilespmem:s29], [sflag:$0x1], $0x2800, $0x38;
	[tilespmem:$0x1B880] =	vst v63  }
0x80: {  	_ =	swait.ge [sflag:s30], $0x2800  }
0x81: {  	[sflag:s30] =	ssyncset.done $0x0  }
0x82: {  	[sflag:s30] =	ssyncadd.s32 $0xFFFFD800  }
0x83: {  	[tilespmem:s29], [sflag:$0x1] =	stream.linear.gather [spmem:s9], $0x2800, $0x38;
	[tilespmem:$0x1B880] =	vst v63  }
0x84: {  	_ =	swait.ge [sflag:s30], $0x2800  }
0x85: {  	[sflag:s30] =	ssyncset.done $0x0  }
0x86: {  	[sflag:s30] =	ssyncadd.s32 $0xFFFFD800  }
0x87: {  	[hbm4b:s17+s3] =	stream.linear.scatter [tilespmem:s29], [sflag:$0x1], $0x2800, $0x38;
	[tilespmem:$0x1B880] =	vst v63  }
0x88: {  	_ =	swait.ge [sflag:s30], $0x2800  }
0x89: {  	[sflag:s30] =	ssyncset.done $0x0  }
0x8a: {  	[sflag:s30] =	ssyncadd.s32 $0xFFFFD800  }
0x8b: {  	[tilespmem:s29], [sflag:$0x1] =	stream.linear.gather [spmem:s10], $0x2800, $0x38;
	[tilespmem:$0x1B880] =	vst v63  }
0x8c: {  	_ =	swait.ge [sflag:s30], $0x2800  }
0x8d: {  	[sflag:s30] =	ssyncset.done $0x0  }
0x8e: {  	[sflag:s30] =	ssyncadd.s32 $0xFFFFD800  }
0x8f: {  	[hbm4b:s18+s3] =	stream.linear.scatter [tilespmem:s29], [sflag:$0x1], $0x2800, $0x38;
	[tilespmem:$0x1B880] =	vst v63  }
0x90: {  	_ =	swait.ge [sflag:s30], $0x2800  }
0x91: {  	[sflag:s30] =	ssyncset.done $0x0  }
0x92: {  	[sflag:s30] =	ssyncadd.s32 $0xFFFFD800  }
0x93: {  	[tilespmem:s29], [sflag:$0x1] =	stream.linear.gather [spmem:s11], $0x2800, $0x38;
	[tilespmem:$0x1B880] =	vst v63  }
0x94: {  	_ =	swait.ge [sflag:s30], $0x2800  }
0x95: {  	[sflag:s30] =	ssyncset.done $0x0  }
0x96: {  	[sflag:s30] =	ssyncadd.s32 $0xFFFFD800  }
0x97: {  	[hbm4b:s19+s3] =	stream.linear.scatter [tilespmem:s29], [sflag:$0x1], $0x2800, $0x38;
	[tilespmem:$0x1B880] =	vst v63  }
0x98: {  	_ =	swait.ge [sflag:s30], $0x2800  }
0x99: {  	[sflag:s30] =	ssyncset.done $0x0  }
0x9a: {  	[sflag:s30] =	ssyncadd.s32 $0xFFFFD800  }
0x9b: {  	[tilespmem:s29], [sflag:$0x1] =	stream.linear.gather [spmem:s12], $0x2800, $0x38;
	[tilespmem:$0x1B880] =	vst v63  }
0x9c: {  	_ =	swait.ge [sflag:s30], $0x2800  }
0x9d: {  	[sflag:s30] =	ssyncset.done $0x0  }
0x9e: {  	[sflag:s30] =	ssyncadd.s32 $0xFFFFD800  }
0x9f: {  	[hbm4b:s20+s3] =	stream.linear.scatter [tilespmem:s29], [sflag:$0x1], $0x2800, $0x38;
	[tilespmem:$0x1B880] =	vst v63  }
0xa0: {  	_ =	swait.ge [sflag:s30], $0x2800  }
0xa1: {  	[sflag:s30] =	ssyncset.done $0x0  }
0xa2: {  	[sflag:s30] =	ssyncadd.s32 $0xFFFFD800  }
0xa3: {  	[tilespmem:s29], [sflag:$0x1] =	stream.linear.gather [spmem:s13], $0x2800, $0x38;
	[tilespmem:$0x1B880] =	vst v63  }
0xa4: {  	_ =	swait.ge [sflag:s30], $0x2800  }
0xa5: {  	[sflag:s30] =	ssyncset.done $0x0  }
0xa6: {  	[sflag:s30] =	ssyncadd.s32 $0xFFFFD800  }
0xa7: {  	[hbm4b:s21+s3] =	stream.linear.scatter [tilespmem:s29], [sflag:$0x1], $0x2800, $0x38;
	[tilespmem:$0x1B880] =	vst v63  }
0xa8: {  	_ =	swait.ge [sflag:s30], $0x2800  }
0xa9: {  	[sflag:s30] =	ssyncset.done $0x0  }
0xaa: {  	[sflag:s30] =	ssyncadd.s32 $0xFFFFD800  }
0xab: {  	[tilespmem:s29], [sflag:$0x1] =	stream.linear.gather [spmem:s26], $0x2800, $0x38;
	[tilespmem:$0x1B880] =	vst v63  }
0xac: {  	_ =	swait.ge [sflag:s30], $0x2800  }
0xad: {  	[sflag:s30] =	ssyncset.done $0x0  }
0xae: {  	[sflag:s30] =	ssyncadd.s32 $0xFFFFD800  }
0xaf: {  	[hbm4b:s22+s3] =	stream.linear.scatter [tilespmem:s29], [sflag:$0x1], $0x2800, $0x38;
	[tilespmem:$0x1B880] =	vst v63  }
0xb0: {  	_ =	swait.ge [sflag:s30], $0x2800  }
0xb1: {  	[sflag:s30] =	ssyncset.done $0x0  }
0xb2: {  	[sflag:s30] =	ssyncadd.s32 $0xFFFFD800  }
0xb3: {  	[tilespmem:s29], [sflag:$0x1] =	stream.linear.gather [spmem:s28], $0x2800, $0x38;
	[tilespmem:$0x1B880] =	vst v63  }
0xb4: {  	_ =	swait.ge [sflag:s30], $0x2800  }
0xb5: {  	[sflag:s30] =	ssyncset.done $0x0  }
0xb6: {  	[sflag:s30] =	ssyncadd.s32 $0xFFFFD800  }
0xb7: {  	[hbm4b:s23+s3] =	stream.linear.scatter [tilespmem:s29], [sflag:$0x1], $0x2800, $0x38;
	[tilespmem:$0x1B880] =	vst v63  }
0xb8: {  	_ =	swait.ge [sflag:s30], $0x2800  }
0xb9: {  	s1 =	sadd.s32 $0x1, s1;
	s16 =	rddreg [dreg:$0x4]  }
0xba: {  	p0 =	sne.s32 s1, s16  }
.Ltmp1:
0xbb: {  	_ = 	snop;
	(pc) =	sbr.rel @p0 .LBB2_1-.Ltmp1, $3  }
0xbc: {  	_ =	sdelay $0x1  }
0xbd: {  	[sflag:s30] =	ssyncset.done $0x0  }
0xbe: {  	[sflag:s30] =	ssyncadd.s32 $0xFFFFD800  }
0xbf: {  	_ =	sfence.sel $0x180000  }
0xc0: {  	[bflag:$0x0] =	sbarrier.arrive $0xFFFF  }
0xc1: {  	_ =	strace $0x90000056  }
0xc2: {  	s0 =	stileid.u32;
	[bflag:$0x2] =	sbarrier.arrive $0xFFFF  }
0xc3: {  	p0 =	sne.s32 s0, $0x0;
	s0 =	rddreg [dreg:$0x2]  }
0xc4: {  	s0 =	sadd.s32 @!p0 $0x100000, s0  }
0xc5: {  	[sflag:s0] =	ssyncadd.tile.s32 @!p0 $0x1;
	_ =	shalt  }
.Lfunc_end2:
_tile_overlayer_lowered:
.L_overlay_start_2:
0xc6: {  	(tag) =	ssettag $0x2  }
0xc7: {  	s0 =	rddreg [dreg:$0x0];
	s2 =	stileid.u32  }
0xc8: {  	s1 =	rddreg [dreg:$0x1];
	p0 =	sne.s32 s2, $0x0  }
0xc9: {  	s3 =	rddreg [dreg:$0x2];
	[bflag:$0x3] =	sbarrier.arrive $0xFFFF;
	s2 =	simm.s32 @!p0 $0x1C01  }
0xca: {  	[timem:s3], [sflag:s2] =	dma.local @!p0 [hbm:s0], s1  }
0xcb: {  	s0 =	simm.s32 @!p0 $0x1  }
0xcc: {  	_ =	swait.ge @!p0 [sflag:s0], s1  }
0xcd: {  	s1 =	ssub.s32 @!p0 $0x0, s1;
	[sflag:s0] =	ssyncset.done @!p0 $0x0  }
0xce: {  	[sflag:s0] =	ssyncadd.s32 @!p0 s1  }
0xcf: {  	[bflag:$0x3] =	sbarrier.arrive $0xFFFF  }
0xd0: {  	_ =	shalt  }

// kernel: kernel.33.cloned.1.call-start
scs
__scs_entry_jumppad:
0x0: {  	(pc) =	sbr.rel $0x88, $3  }
0x1: {  	(tag) =	ssettag $0x0;
	lr =	simm.s32 $0x1  }
0x2: {  	[smem:$0x3F74] =	sst lr;
	_ =	strace $0xD0000000  }
0x3: {  	_ = 	snop  }
0x4: {  	_ = 	snop  }
0x5: {  	_ = 	snop  }
0x6: {  	_ = 	snop  }
0x7: {  	_ = 	snop  }
__scs_overlays_trampoline_lowered:
0x8: {  	[smem:$0x3F83] =	sst s0  }
0x9: {  	[smem:$0x3F84] =	sst s1  }
0xa: {  	[smem:$0x3F85] =	sst s2  }
0xb: {  	[smem:$0x3F86] =	sst s3  }
0xc: {  	[smem:$0x3F87] =	sst s4  }
0xd: {  	[smem:$0x3F88] =	sst s5  }
0xe: {  	[smem:$0x3F89] =	sst s6  }
0xf: {  	[smem:$0x3F8A] =	sst s7  }
0x10: {  	[smem:$0x3F8B] =	sst s8  }
0x11: {  	[smem:$0x3F8C] =	sst s9;
	s0 =	simm.s32 @!p0 $0x0  }
0x12: {  	s1 =	sld [smem:$0x3F72];
	s0 =	simm.s32 @p0 $0x1  }
0x13: {  	[smem:$0x3F8D] =	sst s0;
	s0 =	simm.s32 @!p1 $0x0  }
0x14: {  	s2 =	sld [smem:$0x3F71];
	s0 =	simm.s32 @p1 $0x1  }
0x15: {  	[smem:$0x3F8E] =	sst s0;
	s0 =	simm.s32 @!p2 $0x0  }
0x16: {  	s3 =	sld [smem:$0x3FDB];
	s0 =	simm.s32 @p2 $0x1  }
0x17: {  	s4 =	simm.s32 $0x1BF5;
	[smem:$0x3F90] =	sst s0  }
0x18: {  	s0 =	sld [smem:$0x3F73];
	_ =	swait.ge [sflag:s4], $0x0  }
0x19: {  	s7 =	sld [smem:$0x3F74]  }
0x1a: {  	s8 =	sadd.s32 $0xFFFFE003, lr  }
0x1b: {  	s9 =	sadd.s32 $0xFFFFFEF7, lr;
	s5 =	simm.s32 $0xFFFFFFFF;
	p2 =	slt.u32 s8, $0xFFFFF086  }
0x1c: {  	p1 =	slt.u32 s9, $0xF7A;
	s5 =	simm.s32 @!p2 $0x0  }
0x1d: {  	s5 =	simm.s32 @p1 $0x1;
	p0 =	seq.s32 s7, s2  }
0x1e: {  	s7 =	smul.u32 @!p0 $0xF7A, s2;
	p2 =	seq.s32 @!p0 s5, $0x0  }
0x1f: {  	s9 =	smul.u32 $0xF7A, s1;
	s8 =	simm.s32 @!p0 $0x1BF5;
	p2 =	por !p2, p0  }
0x20: {  	[sflag:s8] =	ssyncset.s32 @!p0 $0xFFFFF086;
	s6 =	sadd.s32 @!p0 s3, s7;
	s7 =	simm.s32 @!p0 $0x108  }
0x21: {  	s3 =	sadd.s32 s3, s9;
	s6 =	sadd.s32 @!p0 $0x88, s6;
	s7 =	simm.s32 @p2 $0x1082  }
0x22: {  	[simem:s7], [sflag:s8] =	dma.local @!p0 [hbm:s6], $0xF7A  }
0x23: {  	s9 =	sor.u32 $0xD0000000, s2;
	s6 =	simm.s32 $0x108;
	_ =	swait.ge @!p0 [sflag:s8], $0x0  }
0x24: {  	s3 =	sadd.s32 $0x88, s3;
	s6 =	simm.s32 @!p1 $0x1082;
	[sflag:s4] =	ssyncset.s32 $0xFFFFF086  }
0x25: {  	[simem:s6], [sflag:s4] =	dma.local [hbm:s3], $0xF7A  }
0x26: {  	[smem:$0x3F74] =	sst s1;
	(tag) =	ssettag s2;
	_ =	strace s9  }
0x27: {  	s1 =	sld [smem:$0x3F84]  }
0x28: {  	s2 =	sld [smem:$0x3F85]  }
0x29: {  	s4 =	sld [smem:$0x3F87]  }
0x2a: {  	p0 =	seq.s32 s5, $0x0;
	s5 =	sld [smem:$0x3F88]  }
0x2b: {  	s6 =	sld [smem:$0x3F89]  }
0x2c: {  	s7 =	sld [smem:$0x3F8A]  }
0x2d: {  	s3 =	simm.s32 $0x108;
	s8 =	sld [smem:$0x3F8B]  }
0x2e: {  	s3 =	simm.s32 @!p0 $0x1082;
	s9 =	sld [smem:$0x3F8C]  }
0x2f: {  	lr =	sadd.s32 s0, s3;
	s0 =	sld [smem:$0x3F83]  }
0x30: {  	s3 =	sld [smem:$0x3F86]  }
0x31: {  	[smem:$0x3F8F] =	sst s10  }
0x32: {  	s10 =	sld [smem:$0x3F8D];
	_ =	sdelay $0x3  }
0x33: {  	p0 =	seq.s32 s10, $0x1;
	s10 =	sld [smem:$0x3F8F];
	_ =	sdelay $0x3  }
0x34: {  	[smem:$0x3F8F] =	sst s10  }
0x35: {  	s10 =	sld [smem:$0x3F8E];
	_ =	sdelay $0x3  }
0x36: {  	p1 =	seq.s32 s10, $0x1;
	s10 =	sld [smem:$0x3F8F];
	_ =	sdelay $0x3  }
0x37: {  	[smem:$0x3F8F] =	sst s10  }
0x38: {  	s10 =	sld [smem:$0x3F90]  }
0x39: {  	_ = 	snop;
	(pc) =	sbr.ind lr, $3  }
0x3a: {  	_ = 	snop  }
0x3b: {  	_ = 	snop  }
0x3c: {  	p2 =	seq.s32 s10, $0x1;
	s10 =	sld [smem:$0x3F8F]  }
0x3d: {  	_ =	shalt  }
0x3e: {  	_ =	shalt  }
0x3f: {  	_ =	shalt  }
0x40: {  	_ =	shalt  }
0x41: {  	_ =	shalt  }
0x42: {  	_ =	shalt  }
0x43: {  	_ =	shalt  }
0x44: {  	_ =	shalt  }
0x45: {  	_ =	shalt  }
0x46: {  	_ =	shalt  }
0x47: {  	_ =	shalt  }
0x48: {  	_ =	shalt  }
0x49: {  	_ =	shalt  }
0x4a: {  	_ =	shalt  }
0x4b: {  	_ =	shalt  }
0x4c: {  	_ =	shalt  }
0x4d: {  	_ =	shalt  }
0x4e: {  	_ =	shalt  }
0x4f: {  	_ =	shalt  }
0x50: {  	_ =	shalt  }
0x51: {  	_ =	shalt  }
0x52: {  	_ =	shalt  }
0x53: {  	_ =	shalt  }
0x54: {  	_ =	shalt  }
0x55: {  	_ =	shalt  }
0x56: {  	_ =	shalt  }
0x57: {  	_ =	shalt  }
0x58: {  	_ =	shalt  }
0x59: {  	_ =	shalt  }
0x5a: {  	_ =	shalt  }
0x5b: {  	_ =	shalt  }
0x5c: {  	_ =	shalt  }
0x5d: {  	_ =	shalt  }
0x5e: {  	_ =	shalt  }
0x5f: {  	_ =	shalt  }
0x60: {  	_ =	shalt  }
0x61: {  	_ =	shalt  }
0x62: {  	_ =	shalt  }
0x63: {  	_ =	shalt  }
0x64: {  	_ =	shalt  }
0x65: {  	_ =	shalt  }
0x66: {  	_ =	shalt  }
0x67: {  	_ =	shalt  }
0x68: {  	_ =	shalt  }
0x69: {  	_ =	shalt  }
0x6a: {  	_ =	shalt  }
0x6b: {  	_ =	shalt  }
0x6c: {  	_ =	shalt  }
0x6d: {  	_ =	shalt  }
0x6e: {  	_ =	shalt  }
0x6f: {  	_ =	shalt  }
0x70: {  	_ =	shalt  }
0x71: {  	_ =	shalt  }
0x72: {  	_ =	shalt  }
0x73: {  	_ =	shalt  }
0x74: {  	_ =	shalt  }
0x75: {  	_ =	shalt  }
0x76: {  	_ =	shalt  }
0x77: {  	_ =	shalt  }
0x78: {  	_ =	shalt  }
0x79: {  	_ =	shalt  }
0x7a: {  	_ =	shalt  }
0x7b: {  	_ =	shalt  }
0x7c: {  	_ =	shalt  }
0x7d: {  	_ =	shalt  }
0x7e: {  	_ =	shalt  }
0x7f: {  	_ =	shalt  }
0x80: {  	_ =	shalt  }
0x81: {  	_ =	shalt  }
0x82: {  	_ =	shalt  }
0x83: {  	_ =	shalt  }
0x84: {  	_ =	shalt  }
0x85: {  	_ =	shalt  }
0x86: {  	_ =	shalt  }
0x87: {  	_ =	shalt  }
.Lfunc_end0:
.L_simem_size_0:
called_computation.5_lowered:
.L_overlay_start_0:
0x88: {  	s2 =	sld [smem:$0x3FD9]  }
0x89: {  	s3 =	sld [smem:$0x3FFE];
	_ =	sdelay $0x1  }
0x8a: {  	s1 =	srdreg.scid  }
0x8b: {  	s0 =	sand.u32 $0x1, s1  }
0x8c: {  	s16 =	sshll.u32 s0, $0xA;
	s2 =	sadd.s32 s3, s2  }
0x8d: {  	s2 =	sadd.s32 s2, s16  }
0x8e: {  	[smem:$0x3F9B] =	sst s2  }
0x8f: {  	_ = 	snop  }
0x90: {  	(tm) =	ssettm $0x1  }
0x91: {  	s17 =	sld [smem:$0x3FFB];
	_ =	sdelay $0x3  }
0x92: {  	_ =	strace s17  }
0x93: {  	s2 =	sld [smem:$0x3FFC];
	_ =	sdelay $0x3  }
0x94: {  	_ =	strace s2  }
0x95: {  	s2 =	sld [smem:$0x3FFD];
	_ =	sdelay $0x3  }
0x96: {  	_ =	strace s2  }
0x97: {  	_ =	strace $0x8FFFFFFF  }
0x98: {  	s18 =	sld [smem:$0x3FDB];
	_ =	sdelay $0x1  }
0x99: {  	s19 =	simm.s32 $_scs_section_size  }
0x9a: {  	s4 =	simm.s32 $_size__tile_overlayer_lowered;
	s5 =	simm.s32 $_tile_overlayer_lowered  }
0x9b: {  	s22 =	simm.s32 $0x1BFF;
	s21 =	sshll.u32 s5, $0x1;
	s2 =	sadd.s32 s19, s18  }
0x9c: {  	s6 =	simm.s32 $0x0;
	s20 =	sshll.u32 s4, $0x1;
	s4 =	sadd.s32 s21, s2  }
0x9d: {  	[timem:s6], [sflag:s22] =	dma.local [hbm:s4], s20  }
0x9e: {  	_ =	swait.ge [sflag:s22], s20  }
0x9f: {  	s3 =	ssub.s32 $0x0, s20;
	[sflag:s22] =	ssyncset.done $0x0  }
0xa0: {  	[sflag:s22] =	ssyncadd.s32 s3;
	_ =	sdelay $0x1  }
0xa1: {  	s23 =	simm.s32 $0x1B8B  }
0xa2: {  	_ =	swait.ge [sflag:s23], $0x1  }
0xa3: {  	[sflag:s23] =	ssyncset.done $0x0  }
0xa4: {  	s25 =	simm.s32 $0x1B8E;
	s24 =	sld [smem:$0x3FFE];
	[sflag:s23] =	ssyncadd.s32 $0xFFFFFFFF  }
0xa5: {  	s26 =	simm.s32 $execute0_lowered;
	[smem:$0x3FD2] =	sst s25  }
0xa6: {  	s4 =	sshll.u32 s26, $0x1;
	_ =	strace $0x80000052;
	[dreg:$0x1] =	wrdreg $0xFFFFFFFF  }
0xa7: {  	s28 =	simm.s32 $_size_execute0_lowered;
	s2 =	sadd.s32 s2, s4;
	[dreg:$0x0] =	wrdreg $0x0  }
0xa8: {  	s4 =	sshll.u32 s28, $0x1;
	[dreg:$0x2] =	wrdreg s2  }
0xa9: {  	[dreg:$0x3] =	wrdreg s4  }
0xaa: {  	[dreg:$0x4] =	wrdreg $0xC0  }
0xab: {  	_ =	task [dreg:s6], $0x5FFFF  }
0xac: {  	[dreg:$0x1] =	wrdreg $0xFFFFFFFF  }
0xad: {  	[dreg:$0x0] =	wrdreg $0x60  }
0xae: {  	[dreg:$0x2] =	wrdreg s24  }
0xaf: {  	[dreg:$0x3] =	wrdreg $0x0  }
0xb0: {  	[dreg:$0x4] =	wrdreg $0xA  }
0xb1: {  	_ =	task.clear_ibuf [dreg:s6], $0x5FFFF;
	_ =	strace $0x90000052  }
0xb2: {  	s29 =	simm.s32 $0xA;
	_ =	strace $0x80000054  }
0xb3: {  	_ =	swait.ge [sflag:s29], $0x1  }
0xb4: {  	[sflag:s29] =	ssyncadd.s32 $0xFFFFFFFF  }
0xb5: {  	_ =	strace $0x90000054  }
0xb6: {  	_ =	sfence  }
0xb7: {  	s30 =	sld [smem:$0x0];
	_ =	sdelay $0x2  }
0xb8: {  	s31 =	sshll.u32 s1, $0xD;
	s1 =	sshrl.u32 s1, $0x2  }
0xb9: {  	s3 =	sand.u32 $0x4000, s31;
	s1 =	sadd.s32 s1, s30  }
0xba: {  	s0 =	sor.u32 s3, s0;
	s1 =	sshll.u32 s1, $0x11  }
0xbb: {  	s0 =	sor.u32 s1, s0  }
0xbc: {  	s0 =	sadd.s32 $0x8F2B, s0  }
0xbd: {  	[sflag:s0] =	ssyncadd.remote.s32 $0x1  }
0xbe: {  	_ =	sfence.sel $0xFFFF  }
0xbf: {  	[dreg:$0x0] =	wrdreg $0xFFFFFFFF;
	(pc) =	sbr.abs _section_cstart, $3  }
0xc0: {  	[dreg:$0x1] =	wrdreg $0xFFFFFFFF  }
0xc1: {  	_ =	task.clear_ibuf [dreg:s6], $0x2FFFF;
	_ =	strace $0x9FFFFFFF  }
0xc2: {  	(tm) =	ssettm $0x7FFFFFFF  }
0xc3: {  	_ =	shalt  }
tec
execute0_lowered:
.L_overlay_start_1:
0x0: {  	(tag) =	ssettag $0x1  }
0x1: {  	s15 =	stileid.u32  }
0x2: {  	s0 =	srdreg.scid;
	s6 =	smul.u32 $0x2710, s15  }
0x3: {  	s1 =	rddreg [dreg:$0x0];
	s7 =	smul.u32 $0x320, s15  }
0x4: {  	s2 =	rddreg [dreg:$0x1];
	s8 =	smul.u32 $0x64000, s15  }
0x5: {  	s3 =	simm.s32 $0x0;
	s0 =	sand.u32 $0x1, s0;
	s26 =	smul.u32 $0x27100, s15  }
0x6: {  	s29 =	simm.s32 $0x19000;
	s30 =	simm.s32 $0x1;
	s4 =	smul.u32 $0x271000, s0  }
0x7: {  	s31 =	simm.s32 $0x1B800;
	[smem:$0x7FF] =	sst s3;
	s5 =	smul.u32 $0x27100, s0  }
0x8: {  	s18 =	sadd.s32 $0x1EC00, s1;
	s17 =	smul.u32 $0x3200, s0;
	s0 =	ssub.s32 $0x2, s0  }
0x9: {  	_ =	strace $0x80000053;
	[dreg:$0x3] =	wrdreg s18;
	s20 =	sshrl.u32 s0, $0x1  }
0xa: {  	s21 =	sshrl.u32 s8, $0x2;
	s5 =	sadd.s32 s6, s5;
	s4 =	sadd.s32 s4, s1  }
0xb: {  	s19 =	sadd.s32 s7, s17;
	s0 =	ssub.s32 s0, s20;
	s5 =	sshrl.u32 s5, $0x3  }
0xc: {  	s22 =	sshll.u32 s19, $0x4;
	s0 =	smax.u32 s0, $0x1;
	s14 =	sadd.s32 s5, s1  }
0xd: {  	s5 =	sadd.s32 s21, s2;
	s1 =	sadd.s32 s22, s1;
	[dreg:$0x4] =	wrdreg s0  }
0xe: {  	s0 =	sadd.s32 s26, s4;
	s7 =	sadd.s32 $0x2800, s5;
	s8 =	sadd.s32 $0x5000, s5  }
0xf: {  	s9 =	sadd.s32 $0x7800, s5;
	s10 =	sadd.s32 $0xA000, s5;
	s11 =	sadd.s32 $0xC800, s5  }
0x10: {  	s12 =	sadd.s32 $0xF000, s5;
	s13 =	sadd.s32 $0x11800, s5;
	s23 =	sadd.s32 $0x94600, s1  }
0x11: {  	s24 =	sadd.s32 $0x94B00, s1;
	s25 =	sadd.s32 $0x95000, s1;
	s17 =	sadd.s32 $0x95500, s1  }
0x12: {  	s18 =	sadd.s32 $0x95A00, s1;
	s19 =	sadd.s32 $0x95F00, s1;
	s20 =	sadd.s32 $0x96400, s1  }
0x13: {  	s21 =	sadd.s32 $0x96900, s1;
	s22 =	sadd.s32 $0x96E00, s1;
	[dreg:$0x5] =	wrdreg s23  }
0x14: {  	s26 =	sadd.s32 $0x14000, s5;
	s28 =	sadd.s32 $0x16800, s5;
	[dreg:$0x6] =	wrdreg s24  }
0x15: {  	[dreg:$0x7] =	wrdreg s25;
	s23 =	sadd.s32 $0x97300, s1;
	s24 =	sadd.s32 $0x1DE9E00, s0  }
0x16: {  	s25 =	sadd.s32 $0x14E00, s14;
	s0 =	simm.s32 $0x50;
	s1 =	simm.s32 $0x0  }
.LBB2_1:
0x17: {  	s4 =	rddreg [dreg:$0x3]  }
0x18: {  	[tilespmem:s29], [sflag:$0x1] =	stream.linear.gather [hbm4b:s4+s3], $0x2800, $0x38;
	[tilespmem:$0x1B880] =	vst v63  }
0x19: {  	_ =	swait.ge [sflag:s30], $0x2800  }
0x1a: {  	[sflag:s30] =	ssyncset.done $0x0  }
0x1b: {  	[sflag:s30] =	ssyncadd.s32 $0xFFFFD800  }
0x1c: {  	[spmem:s5] =	stream.linear.scatter [tilespmem:s29], [sflag:$0x1], $0x2800, $0x38;
	[tilespmem:$0x1B880] =	vst v63  }
0x1d: {  	_ =	swait.ge [sflag:s30], $0x2800  }
0x1e: {  	[sflag:s30] =	ssyncset.done $0x0  }
0x1f: {  	[sflag:s30] =	ssyncadd.s32 $0xFFFFD800  }
0x20: {  	[spmem:s7] =	stream.linear.scatter [tilespmem:s29], [sflag:$0x1], $0x2800, $0x38;
	[tilespmem:$0x1B880] =	vst v63  }
0x21: {  	_ =	swait.ge [sflag:s30], $0x2800  }
0x22: {  	[sflag:s30] =	ssyncset.done $0x0  }
0x23: {  	[sflag:s30] =	ssyncadd.s32 $0xFFFFD800  }
0x24: {  	[spmem:s8] =	stream.linear.scatter [tilespmem:s29], [sflag:$0x1], $0x2800, $0x38;
	[tilespmem:$0x1B880] =	vst v63  }
0x25: {  	_ =	swait.ge [sflag:s30], $0x2800  }
0x26: {  	[sflag:s30] =	ssyncset.done $0x0  }
0x27: {  	[sflag:s30] =	ssyncadd.s32 $0xFFFFD800  }
0x28: {  	[spmem:s9] =	stream.linear.scatter [tilespmem:s29], [sflag:$0x1], $0x2800, $0x38;
	[tilespmem:$0x1B880] =	vst v63  }
0x29: {  	_ =	swait.ge [sflag:s30], $0x2800  }
0x2a: {  	[sflag:s30] =	ssyncset.done $0x0  }
0x2b: {  	[sflag:s30] =	ssyncadd.s32 $0xFFFFD800  }
0x2c: {  	[spmem:s10] =	stream.linear.scatter [tilespmem:s29], [sflag:$0x1], $0x2800, $0x38;
	[tilespmem:$0x1B880] =	vst v63  }
0x2d: {  	_ =	swait.ge [sflag:s30], $0x2800  }
0x2e: {  	[sflag:s30] =	ssyncset.done $0x0  }
0x2f: {  	[sflag:s30] =	ssyncadd.s32 $0xFFFFD800  }
0x30: {  	[spmem:s11] =	stream.linear.scatter [tilespmem:s29], [sflag:$0x1], $0x2800, $0x38;
	[tilespmem:$0x1B880] =	vst v63  }
0x31: {  	_ =	swait.ge [sflag:s30], $0x2800  }
0x32: {  	[sflag:s30] =	ssyncset.done $0x0  }
0x33: {  	[sflag:s30] =	ssyncadd.s32 $0xFFFFD800  }
0x34: {  	[spmem:s12] =	stream.linear.scatter [tilespmem:s29], [sflag:$0x1], $0x2800, $0x38;
	[tilespmem:$0x1B880] =	vst v63  }
0x35: {  	_ =	swait.ge [sflag:s30], $0x2800  }
0x36: {  	[sflag:s30] =	ssyncset.done $0x0  }
0x37: {  	[sflag:s30] =	ssyncadd.s32 $0xFFFFD800  }
0x38: {  	[spmem:s13] =	stream.linear.scatter [tilespmem:s29], [sflag:$0x1], $0x2800, $0x38;
	[tilespmem:$0x1B880] =	vst v63  }
0x39: {  	_ =	swait.ge [sflag:s30], $0x2800  }
0x3a: {  	[sflag:s30] =	ssyncset.done $0x0  }
0x3b: {  	[sflag:s30] =	ssyncadd.s32 $0xFFFFD800  }
0x3c: {  	[spmem:s26] =	stream.linear.scatter [tilespmem:s29], [sflag:$0x1], $0x2800, $0x38;
	[tilespmem:$0x1B880] =	vst v63  }
0x3d: {  	_ =	swait.ge [sflag:s30], $0x2800  }
0x3e: {  	[sflag:s30] =	ssyncset.done $0x0  }
0x3f: {  	[sflag:s30] =	ssyncadd.s32 $0xFFFFD800  }
0x40: {  	[spmem:s28] =	stream.linear.scatter [tilespmem:s29], [sflag:$0x1], $0x2800, $0x38;
	[tilespmem:$0x1B880] =	vst v63  }
0x41: {  	_ =	swait.ge [sflag:s30], $0x2800  }
0x42: {  	[sflag:s30] =	ssyncset.done $0x0  }
0x43: {  	[sflag:s30] =	ssyncadd.s32 $0xFFFFD800  }
0x44: {  	s16 =	sadd.s32 $0x0, s25;
	[bflag:$0x0] =	sbarrier.arrive $0xFFFF  }
0x45: {  	[tilespmem:s31], [sflag:$0x1] =	stream.linear.gather [hbm4b:s16+s3], $0x50, $0x38;
	[tilespmem:$0x1B880] =	vst v63  }
0x46: {  	_ =	swait.ge [sflag:s30], $0x50  }
0x47: {  	[sflag:s30] =	ssyncset.done $0x0  }
0x48: {  	[sflag:s30] =	ssyncadd.s32 $0xFFFFFFB0  }
0x49: {  	[tilespmem:s29], [sflag:$0x1] =	stream.linear.gather [hbm4b:s24+s3], $0x2800, $0x38;
	[tilespmem:$0x1B880] =	vst v63  }
0x4a: {  	_ =	swait.ge [sflag:s30], $0x2800  }
0x4b: {  	[sflag:s30] =	ssyncset.done $0x0  }
0x4c: {  	[sflag:s30] =	ssyncadd.s32 $0xFFFFD800  }
0x4d: {  	[spmem:s2] =	stream.indirect.scatter.add.f32 [tilespmem:s29], [sflag:$0x1], $0x80, s31, s0, $0xb8;
	[tilespmem:$0x1B880] =	vst v63  }
0x4e: {  	s6 =	simm.s32 $0xA;
	_ =	swait.ge [sflag:s30], $0x2800  }
0x4f: {  	s14 =	simm.s32 $0x14;
	s4 =	sadd.s32 $0x500, s24;
	[sflag:s30] =	ssyncset.done $0x0  }
.LBB2_2:
0x50: {  	s15 =	sadd.s32 s6, s25  }
0x51: {  	[sflag:s30] =	ssyncadd.s32 $0xFFFFD800;
	s6 =	smov.u32 s14;
	s16 =	sadd.s32 $0xA, s14  }
0x52: {  	[tilespmem:s31], [sflag:$0x1] =	stream.linear.gather [hbm4b:s15+s3], $0x50, $0x38;
	[tilespmem:$0x1B880] =	vst v63  }
0x53: {  	p0 =	sne.s32 s14, $0x4D8;
	_ =	swait.ge [sflag:s30], $0x50  }
0x54: {  	[sflag:s30] =	ssyncset.done $0x0  }
0x55: {  	[sflag:s30] =	ssyncadd.s32 $0xFFFFFFB0  }
0x56: {  	[tilespmem:s29], [sflag:$0x1] =	stream.linear.gather [hbm4b:s4+s3], $0x2800, $0x38;
	[tilespmem:$0x1B880] =	vst v63  }
0x57: {  	_ =	swait.ge [sflag:s30], $0x2800  }
.Ltmp0:
0x58: {  	[sflag:s30] =	ssyncset.done $0x0;
	(pc) =	sbr.rel @p0 .LBB2_2-.Ltmp0, $4  }
0x59: {  	[sflag:s30] =	ssyncadd.s32 $0xFFFFD800  }
0x5a: {  	[spmem:s2] =	stream.indirect.scatter.add.f32 [tilespmem:s29], [sflag:$0x1], $0x80, s31, s0, $0xb8;
	[tilespmem:$0x1B880] =	vst v63  }
0x5b: {  	_ =	swait.ge [sflag:s30], $0x2800  }
0x5c: {  	s14 =	smov.u32 s16;
	s4 =	sadd.s32 $0x500, s4;
	[sflag:s30] =	ssyncset.done $0x0  }
0x5d: {  	s6 =	sadd.s32 s6, s25;
	[sflag:s30] =	ssyncadd.s32 $0xFFFFD800  }
0x5e: {  	[tilespmem:s31], [sflag:$0x1] =	stream.linear.gather [hbm4b:s6+s3], $0x50, $0x38;
	[tilespmem:$0x1B880] =	vst v63  }
0x5f: {  	_ =	swait.ge [sflag:s30], $0x50  }
0x60: {  	[sflag:s30] =	ssyncset.done $0x0  }
0x61: {  	[sflag:s30] =	ssyncadd.s32 $0xFFFFFFB0  }
0x62: {  	[tilespmem:s29], [sflag:$0x1] =	stream.linear.gather [hbm4b:s4+s3], $0x2800, $0x38;
	[tilespmem:$0x1B880] =	vst v63  }
0x63: {  	_ =	swait.ge [sflag:s30], $0x2800  }
0x64: {  	[sflag:s30] =	ssyncset.done $0x0  }
0x65: {  	[sflag:s30] =	ssyncadd.s32 $0xFFFFD800  }
0x66: {  	[spmem:s2] =	stream.indirect.scatter.add.f32 [tilespmem:s29], [sflag:$0x1], $0x80, s31, s0, $0xb8;
	[tilespmem:$0x1B880] =	vst v63  }
0x67: {  	_ =	swait.ge [sflag:s30], $0x2800  }
0x68: {  	[sflag:s30] =	ssyncset.done $0x0  }
0x69: {  	[sflag:s30] =	ssyncadd.s32 $0xFFFFD800  }
0x6a: {  	[bflag:$0x0] =	sbarrier.arrive $0xFFFF  }
0x6b: {  	[tilespmem:s29], [sflag:$0x1] =	stream.linear.gather [spmem:s5], $0x2800, $0x38;
	[tilespmem:$0x1B880] =	vst v63  }
0x6c: {  	_ =	swait.ge [sflag:s30], $0x2800  }
0x6d: {  	[sflag:s30] =	ssyncset.done $0x0  }
0x6e: {  	s6 =	rddreg [dreg:$0x5];
	[sflag:s30] =	ssyncadd.s32 $0xFFFFD800  }
0x6f: {  	[hbm4b:s6+s3] =	stream.linear.scatter [tilespmem:s29], [sflag:$0x1], $0x2800, $0x38;
	[tilespmem:$0x1B880] =	vst v63  }
0x70: {  	_ =	swait.ge [sflag:s30], $0x2800  }
0x71: {  	[sflag:s30] =	ssyncset.done $0x0  }
0x72: {  	[sflag:s30] =	ssyncadd.s32 $0xFFFFD800  }
0x73: {  	[tilespmem:s29], [sflag:$0x1] =	stream.linear.gather [spmem:s7], $0x2800, $0x38;
	[tilespmem:$0x1B880] =	vst v63  }
0x74: {  	_ =	swait.ge [sflag:s30], $0x2800  }
0x75: {  	[sflag:s30] =	ssyncset.done $0x0  }
0x76: {  	s14 =	rddreg [dreg:$0x6];
	[sflag:s30] =	ssyncadd.s32 $0xFFFFD800  }
0x77: {  	[hbm4b:s14+s3] =	stream.linear.scatter [tilespmem:s29], [sflag:$0x1], $0x2800, $0x38;
	[tilespmem:$0x1B880] =	vst v63  }
0x78: {  	_ =	swait.ge [sflag:s30], $0x2800  }
0x79: {  	[sflag:s30] =	ssyncset.done $0x0  }
0x7a: {  	[sflag:s30] =	ssyncadd.s32 $0xFFFFD800  }
0x7b: {  	[tilespmem:s29], [sflag:$0x1] =	stream.linear.gather [spmem:s8], $0x2800, $0x38;
	[tilespmem:$0x1B880] =	vst v63  }
0x7c: {  	_ =	swait.ge [sflag:s30], $0x2800  }
0x7d: {  	[sflag:s30] =	ssyncset.done $0x0  }
0x7e: {  	s15 =	rddreg [dreg:$0x7];
	[sflag:s30] =	ssyncadd.s32 $0xFFFFD800  }
0x7f: {  	[hbm4b:s15+s3] =	stream.linear.scatter [tilespmem:s29], [sflag:$0x1], $0x2800, $0x38;
	[tilespmem:$0x1B880] =	vst v63  }
0x80: {  	_ =	swait.ge [sflag:s30], $0x2800  }
0x81: {  	[sflag:s30] =	ssyncset.done $0x0  }
0x82: {  	[sflag:s30] =	ssyncadd.s32 $0xFFFFD800  }
0x83: {  	[tilespmem:s29], [sflag:$0x1] =	stream.linear.gather [spmem:s9], $0x2800, $0x38;
	[tilespmem:$0x1B880] =	vst v63  }
0x84: {  	_ =	swait.ge [sflag:s30], $0x2800  }
0x85: {  	[sflag:s30] =	ssyncset.done $0x0  }
0x86: {  	[sflag:s30] =	ssyncadd.s32 $0xFFFFD800  }
0x87: {  	[hbm4b:s17+s3] =	stream.linear.scatter [tilespmem:s29], [sflag:$0x1], $0x2800, $0x38;
	[tilespmem:$0x1B880] =	vst v63  }
0x88: {  	_ =	swait.ge [sflag:s30], $0x2800  }
0x89: {  	[sflag:s30] =	ssyncset.done $0x0  }
0x8a: {  	[sflag:s30] =	ssyncadd.s32 $0xFFFFD800  }
0x8b: {  	[tilespmem:s29], [sflag:$0x1] =	stream.linear.gather [spmem:s10], $0x2800, $0x38;
	[tilespmem:$0x1B880] =	vst v63  }
0x8c: {  	_ =	swait.ge [sflag:s30], $0x2800  }
0x8d: {  	[sflag:s30] =	ssyncset.done $0x0  }
0x8e: {  	[sflag:s30] =	ssyncadd.s32 $0xFFFFD800  }
0x8f: {  	[hbm4b:s18+s3] =	stream.linear.scatter [tilespmem:s29], [sflag:$0x1], $0x2800, $0x38;
	[tilespmem:$0x1B880] =	vst v63  }
0x90: {  	_ =	swait.ge [sflag:s30], $0x2800  }
0x91: {  	[sflag:s30] =	ssyncset.done $0x0  }
0x92: {  	[sflag:s30] =	ssyncadd.s32 $0xFFFFD800  }
0x93: {  	[tilespmem:s29], [sflag:$0x1] =	stream.linear.gather [spmem:s11], $0x2800, $0x38;
	[tilespmem:$0x1B880] =	vst v63  }
0x94: {  	_ =	swait.ge [sflag:s30], $0x2800  }
0x95: {  	[sflag:s30] =	ssyncset.done $0x0  }
0x96: {  	[sflag:s30] =	ssyncadd.s32 $0xFFFFD800  }
0x97: {  	[hbm4b:s19+s3] =	stream.linear.scatter [tilespmem:s29], [sflag:$0x1], $0x2800, $0x38;
	[tilespmem:$0x1B880] =	vst v63  }
0x98: {  	_ =	swait.ge [sflag:s30], $0x2800  }
0x99: {  	[sflag:s30] =	ssyncset.done $0x0  }
0x9a: {  	[sflag:s30] =	ssyncadd.s32 $0xFFFFD800  }
0x9b: {  	[tilespmem:s29], [sflag:$0x1] =	stream.linear.gather [spmem:s12], $0x2800, $0x38;
	[tilespmem:$0x1B880] =	vst v63  }
0x9c: {  	_ =	swait.ge [sflag:s30], $0x2800  }
0x9d: {  	[sflag:s30] =	ssyncset.done $0x0  }
0x9e: {  	[sflag:s30] =	ssyncadd.s32 $0xFFFFD800  }
0x9f: {  	[hbm4b:s20+s3] =	stream.linear.scatter [tilespmem:s29], [sflag:$0x1], $0x2800, $0x38;
	[tilespmem:$0x1B880] =	vst v63  }
0xa0: {  	_ =	swait.ge [sflag:s30], $0x2800  }
0xa1: {  	[sflag:s30] =	ssyncset.done $0x0  }
0xa2: {  	[sflag:s30] =	ssyncadd.s32 $0xFFFFD800  }
0xa3: {  	[tilespmem:s29], [sflag:$0x1] =	stream.linear.gather [spmem:s13], $0x2800, $0x38;
	[tilespmem:$0x1B880] =	vst v63  }
0xa4: {  	_ =	swait.ge [sflag:s30], $0x2800  }
0xa5: {  	[sflag:s30] =	ssyncset.done $0x0  }
0xa6: {  	[sflag:s30] =	ssyncadd.s32 $0xFFFFD800  }
0xa7: {  	[hbm4b:s21+s3] =	stream.linear.scatter [tilespmem:s29], [sflag:$0x1], $0x2800, $0x38;
	[tilespmem:$0x1B880] =	vst v63  }
0xa8: {  	_ =	swait.ge [sflag:s30], $0x2800  }
0xa9: {  	[sflag:s30] =	ssyncset.done $0x0  }
0xaa: {  	[sflag:s30] =	ssyncadd.s32 $0xFFFFD800  }
0xab: {  	[tilespmem:s29], [sflag:$0x1] =	stream.linear.gather [spmem:s26], $0x2800, $0x38;
	[tilespmem:$0x1B880] =	vst v63  }
0xac: {  	_ =	swait.ge [sflag:s30], $0x2800  }
0xad: {  	[sflag:s30] =	ssyncset.done $0x0  }
0xae: {  	[sflag:s30] =	ssyncadd.s32 $0xFFFFD800  }
0xaf: {  	[hbm4b:s22+s3] =	stream.linear.scatter [tilespmem:s29], [sflag:$0x1], $0x2800, $0x38;
	[tilespmem:$0x1B880] =	vst v63  }
0xb0: {  	_ =	swait.ge [sflag:s30], $0x2800  }
0xb1: {  	[sflag:s30] =	ssyncset.done $0x0  }
0xb2: {  	[sflag:s30] =	ssyncadd.s32 $0xFFFFD800  }
0xb3: {  	[tilespmem:s29], [sflag:$0x1] =	stream.linear.gather [spmem:s28], $0x2800, $0x38;
	[tilespmem:$0x1B880] =	vst v63  }
0xb4: {  	_ =	swait.ge [sflag:s30], $0x2800  }
0xb5: {  	[sflag:s30] =	ssyncset.done $0x0  }
0xb6: {  	[sflag:s30] =	ssyncadd.s32 $0xFFFFD800  }
0xb7: {  	[hbm4b:s23+s3] =	stream.linear.scatter [tilespmem:s29], [sflag:$0x1], $0x2800, $0x38;
	[tilespmem:$0x1B880] =	vst v63  }
0xb8: {  	_ =	swait.ge [sflag:s30], $0x2800  }
0xb9: {  	s1 =	sadd.s32 $0x1, s1;
	s16 =	rddreg [dreg:$0x4]  }
0xba: {  	p0 =	sne.s32 s1, s16  }
.Ltmp1:
0xbb: {  	_ = 	snop;
	(pc) =	sbr.rel @p0 .LBB2_1-.Ltmp1, $3  }
0xbc: {  	_ =	sdelay $0x1  }
0xbd: {  	[sflag:s30] =	ssyncset.done $0x0  }
0xbe: {  	[sflag:s30] =	ssyncadd.s32 $0xFFFFD800  }
0xbf: {  	_ =	sfence.sel $0x180000  }
0xc0: {  	[bflag:$0x0] =	sbarrier.arrive $0xFFFF  }
0xc1: {  	_ =	strace $0x90000053  }
0xc2: {  	s0 =	stileid.u32;
	[bflag:$0x2] =	sbarrier.arrive $0xFFFF  }
0xc3: {  	p0 =	sne.s32 s0, $0x0;
	s0 =	rddreg [dreg:$0x2]  }
0xc4: {  	s0 =	sadd.s32 @!p0 $0x100000, s0  }
0xc5: {  	[sflag:s0] =	ssyncadd.tile.s32 @!p0 $0x1;
	_ =	shalt  }
.Lfunc_end2:
_tile_overlayer_lowered:
.L_overlay_start_2:
0xc6: {  	(tag) =	ssettag $0x2  }
0xc7: {  	s0 =	rddreg [dreg:$0x0];
	s2 =	stileid.u32  }
0xc8: {  	s1 =	rddreg [dreg:$0x1];
	p0 =	sne.s32 s2, $0x0  }
0xc9: {  	s3 =	rddreg [dreg:$0x2];
	[bflag:$0x3] =	sbarrier.arrive $0xFFFF;
	s2 =	simm.s32 @!p0 $0x1C01  }
0xca: {  	[timem:s3], [sflag:s2] =	dma.local @!p0 [hbm:s0], s1  }
0xcb: {  	s0 =	simm.s32 @!p0 $0x1  }
0xcc: {  	_ =	swait.ge @!p0 [sflag:s0], s1  }
0xcd: {  	s1 =	ssub.s32 @!p0 $0x0, s1;
	[sflag:s0] =	ssyncset.done @!p0 $0x0  }
0xce: {  	[sflag:s0] =	ssyncadd.s32 @!p0 s1  }
0xcf: {  	[bflag:$0x3] =	sbarrier.arrive $0xFFFF  }
0xd0: {  	_ =	shalt  }

// kernel: kernel.36.cloned.1.call-start
scs
__scs_entry_jumppad:
0x0: {  	(pc) =	sbr.rel $0x88, $3  }
0x1: {  	(tag) =	ssettag $0x0;
	lr =	simm.s32 $0x1  }
0x2: {  	[smem:$0x3F74] =	sst lr;
	_ =	strace $0xD0000000  }
0x3: {  	_ = 	snop  }
0x4: {  	_ = 	snop  }
0x5: {  	_ = 	snop  }
0x6: {  	_ = 	snop  }
0x7: {  	_ = 	snop  }
__scs_overlays_trampoline_lowered:
0x8: {  	[smem:$0x3F83] =	sst s0  }
0x9: {  	[smem:$0x3F84] =	sst s1  }
0xa: {  	[smem:$0x3F85] =	sst s2  }
0xb: {  	[smem:$0x3F86] =	sst s3  }
0xc: {  	[smem:$0x3F87] =	sst s4  }
0xd: {  	[smem:$0x3F88] =	sst s5  }
0xe: {  	[smem:$0x3F89] =	sst s6  }
0xf: {  	[smem:$0x3F8A] =	sst s7  }
0x10: {  	[smem:$0x3F8B] =	sst s8  }
0x11: {  	[smem:$0x3F8C] =	sst s9;
	s0 =	simm.s32 @!p0 $0x0  }
0x12: {  	s1 =	sld [smem:$0x3F72];
	s0 =	simm.s32 @p0 $0x1  }
0x13: {  	[smem:$0x3F8D] =	sst s0;
	s0 =	simm.s32 @!p1 $0x0  }
0x14: {  	s2 =	sld [smem:$0x3F71];
	s0 =	simm.s32 @p1 $0x1  }
0x15: {  	[smem:$0x3F8E] =	sst s0;
	s0 =	simm.s32 @!p2 $0x0  }
0x16: {  	s3 =	sld [smem:$0x3FDB];
	s0 =	simm.s32 @p2 $0x1  }
0x17: {  	s4 =	simm.s32 $0x1BF5;
	[smem:$0x3F90] =	sst s0  }
0x18: {  	s0 =	sld [smem:$0x3F73];
	_ =	swait.ge [sflag:s4], $0x0  }
0x19: {  	s7 =	sld [smem:$0x3F74]  }
0x1a: {  	s8 =	sadd.s32 $0xFFFFE003, lr  }
0x1b: {  	s9 =	sadd.s32 $0xFFFFFEF7, lr;
	s5 =	simm.s32 $0xFFFFFFFF;
	p2 =	slt.u32 s8, $0xFFFFF086  }
0x1c: {  	p1 =	slt.u32 s9, $0xF7A;
	s5 =	simm.s32 @!p2 $0x0  }
0x1d: {  	s5 =	simm.s32 @p1 $0x1;
	p0 =	seq.s32 s7, s2  }
0x1e: {  	s7 =	smul.u32 @!p0 $0xF7A, s2;
	p2 =	seq.s32 @!p0 s5, $0x0  }
0x1f: {  	s9 =	smul.u32 $0xF7A, s1;
	s8 =	simm.s32 @!p0 $0x1BF5;
	p2 =	por !p2, p0  }
0x20: {  	[sflag:s8] =	ssyncset.s32 @!p0 $0xFFFFF086;
	s6 =	sadd.s32 @!p0 s3, s7;
	s7 =	simm.s32 @!p0 $0x108  }
0x21: {  	s3 =	sadd.s32 s3, s9;
	s6 =	sadd.s32 @!p0 $0x88, s6;
	s7 =	simm.s32 @p2 $0x1082  }
0x22: {  	[simem:s7], [sflag:s8] =	dma.local @!p0 [hbm:s6], $0xF7A  }
0x23: {  	s9 =	sor.u32 $0xD0000000, s2;
	s6 =	simm.s32 $0x108;
	_ =	swait.ge @!p0 [sflag:s8], $0x0  }
0x24: {  	s3 =	sadd.s32 $0x88, s3;
	s6 =	simm.s32 @!p1 $0x1082;
	[sflag:s4] =	ssyncset.s32 $0xFFFFF086  }
0x25: {  	[simem:s6], [sflag:s4] =	dma.local [hbm:s3], $0xF7A  }
0x26: {  	[smem:$0x3F74] =	sst s1;
	(tag) =	ssettag s2;
	_ =	strace s9  }
0x27: {  	s1 =	sld [smem:$0x3F84]  }
0x28: {  	s2 =	sld [smem:$0x3F85]  }
0x29: {  	s4 =	sld [smem:$0x3F87]  }
0x2a: {  	p0 =	seq.s32 s5, $0x0;
	s5 =	sld [smem:$0x3F88]  }
0x2b: {  	s6 =	sld [smem:$0x3F89]  }
0x2c: {  	s7 =	sld [smem:$0x3F8A]  }
0x2d: {  	s3 =	simm.s32 $0x108;
	s8 =	sld [smem:$0x3F8B]  }
0x2e: {  	s3 =	simm.s32 @!p0 $0x1082;
	s9 =	sld [smem:$0x3F8C]  }
0x2f: {  	lr =	sadd.s32 s0, s3;
	s0 =	sld [smem:$0x3F83]  }
0x30: {  	s3 =	sld [smem:$0x3F86]  }
0x31: {  	[smem:$0x3F8F] =	sst s10  }
0x32: {  	s10 =	sld [smem:$0x3F8D];
	_ =	sdelay $0x3  }
0x33: {  	p0 =	seq.s32 s10, $0x1;
	s10 =	sld [smem:$0x3F8F];
	_ =	sdelay $0x3  }
0x34: {  	[smem:$0x3F8F] =	sst s10  }
0x35: {  	s10 =	sld [smem:$0x3F8E];
	_ =	sdelay $0x3  }
0x36: {  	p1 =	seq.s32 s10, $0x1;
	s10 =	sld [smem:$0x3F8F];
	_ =	sdelay $0x3  }
0x37: {  	[smem:$0x3F8F] =	sst s10  }
0x38: {  	s10 =	sld [smem:$0x3F90]  }
0x39: {  	_ = 	snop;
	(pc) =	sbr.ind lr, $3  }
0x3a: {  	_ = 	snop  }
0x3b: {  	_ = 	snop  }
0x3c: {  	p2 =	seq.s32 s10, $0x1;
	s10 =	sld [smem:$0x3F8F]  }
0x3d: {  	_ =	shalt  }
0x3e: {  	_ =	shalt  }
0x3f: {  	_ =	shalt  }
0x40: {  	_ =	shalt  }
0x41: {  	_ =	shalt  }
0x42: {  	_ =	shalt  }
0x43: {  	_ =	shalt  }
0x44: {  	_ =	shalt  }
0x45: {  	_ =	shalt  }
0x46: {  	_ =	shalt  }
0x47: {  	_ =	shalt  }
0x48: {  	_ =	shalt  }
0x49: {  	_ =	shalt  }
0x4a: {  	_ =	shalt  }
0x4b: {  	_ =	shalt  }
0x4c: {  	_ =	shalt  }
0x4d: {  	_ =	shalt  }
0x4e: {  	_ =	shalt  }
0x4f: {  	_ =	shalt  }
0x50: {  	_ =	shalt  }
0x51: {  	_ =	shalt  }
0x52: {  	_ =	shalt  }
0x53: {  	_ =	shalt  }
0x54: {  	_ =	shalt  }
0x55: {  	_ =	shalt  }
0x56: {  	_ =	shalt  }
0x57: {  	_ =	shalt  }
0x58: {  	_ =	shalt  }
0x59: {  	_ =	shalt  }
0x5a: {  	_ =	shalt  }
0x5b: {  	_ =	shalt  }
0x5c: {  	_ =	shalt  }
0x5d: {  	_ =	shalt  }
0x5e: {  	_ =	shalt  }
0x5f: {  	_ =	shalt  }
0x60: {  	_ =	shalt  }
0x61: {  	_ =	shalt  }
0x62: {  	_ =	shalt  }
0x63: {  	_ =	shalt  }
0x64: {  	_ =	shalt  }
0x65: {  	_ =	shalt  }
0x66: {  	_ =	shalt  }
0x67: {  	_ =	shalt  }
0x68: {  	_ =	shalt  }
0x69: {  	_ =	shalt  }
0x6a: {  	_ =	shalt  }
0x6b: {  	_ =	shalt  }
0x6c: {  	_ =	shalt  }
0x6d: {  	_ =	shalt  }
0x6e: {  	_ =	shalt  }
0x6f: {  	_ =	shalt  }
0x70: {  	_ =	shalt  }
0x71: {  	_ =	shalt  }
0x72: {  	_ =	shalt  }
0x73: {  	_ =	shalt  }
0x74: {  	_ =	shalt  }
0x75: {  	_ =	shalt  }
0x76: {  	_ =	shalt  }
0x77: {  	_ =	shalt  }
0x78: {  	_ =	shalt  }
0x79: {  	_ =	shalt  }
0x7a: {  	_ =	shalt  }
0x7b: {  	_ =	shalt  }
0x7c: {  	_ =	shalt  }
0x7d: {  	_ =	shalt  }
0x7e: {  	_ =	shalt  }
0x7f: {  	_ =	shalt  }
0x80: {  	_ =	shalt  }
0x81: {  	_ =	shalt  }
0x82: {  	_ =	shalt  }
0x83: {  	_ =	shalt  }
0x84: {  	_ =	shalt  }
0x85: {  	_ =	shalt  }
0x86: {  	_ =	shalt  }
0x87: {  	_ =	shalt  }
.Lfunc_end0:
.L_simem_size_0:
called_computation.6_lowered:
.L_overlay_start_0:
0x88: {  	s2 =	sld [smem:$0x3FD9]  }
0x89: {  	s3 =	sld [smem:$0x3FFE];
	_ =	sdelay $0x1  }
0x8a: {  	s1 =	srdreg.scid  }
0x8b: {  	s0 =	sand.u32 $0x1, s1  }
0x8c: {  	s17 =	sshll.u32 s0, $0xA;
	s2 =	sadd.s32 s3, s2  }
0x8d: {  	s2 =	sadd.s32 s2, s17  }
0x8e: {  	[smem:$0x3F9B] =	sst s2  }
0x8f: {  	_ = 	snop  }
0x90: {  	s2 =	sld [smem:$0x3FD0];
	(tm) =	ssettm $0x1  }
0x91: {  	s18 =	sld [smem:$0x3FFB];
	_ =	sdelay $0x3  }
0x92: {  	_ =	strace s18  }
0x93: {  	s3 =	sld [smem:$0x3FFC];
	_ =	sdelay $0x3  }
0x94: {  	_ =	strace s3  }
0x95: {  	s3 =	sld [smem:$0x3FFD];
	_ =	sdelay $0x3  }
0x96: {  	_ =	strace s3  }
0x97: {  	_ =	strace $0x8FFFFFFF  }
0x98: {  	s19 =	sld [smem:$0x3FDB];
	_ =	sdelay $0x1  }
0x99: {  	s4 =	simm.s32 $_scs_section_size  }
0x9a: {  	s5 =	simm.s32 $_size__tile_overlayer_lowered;
	s6 =	simm.s32 $_tile_overlayer_lowered  }
0x9b: {  	s22 =	simm.s32 $0x1BFF;
	s21 =	sshll.u32 s6, $0x1;
	s3 =	sadd.s32 s4, s19  }
0x9c: {  	s7 =	simm.s32 $0x0;
	s20 =	sshll.u32 s5, $0x1;
	s5 =	sadd.s32 s21, s3  }
0x9d: {  	[timem:s7], [sflag:s22] =	dma.local [hbm:s5], s20  }
0x9e: {  	_ =	swait.ge [sflag:s22], s20  }
0x9f: {  	s4 =	ssub.s32 $0x0, s20;
	[sflag:s22] =	ssyncset.done $0x0  }
0xa0: {  	[sflag:s22] =	ssyncadd.s32 s4;
	_ =	sdelay $0x1  }
0xa1: {  	s23 =	simm.s32 $0x1B8B  }
0xa2: {  	_ =	swait.ge [sflag:s23], $0x1  }
0xa3: {  	[sflag:s23] =	ssyncset.done $0x0  }
0xa4: {  	s25 =	simm.s32 $0x1B8E;
	s24 =	sld [smem:$0x3FFE];
	[sflag:s23] =	ssyncadd.s32 $0xFFFFFFFF  }
0xa5: {  	s26 =	simm.s32 $execute0_lowered;
	[smem:$0x3FD2] =	sst s25  }
0xa6: {  	s5 =	sshll.u32 s26, $0x1;
	_ =	strace $0x80000058;
	[dreg:$0x1] =	wrdreg $0xFFFFFFFF  }
0xa7: {  	s28 =	simm.s32 $_size_execute0_lowered;
	s3 =	sadd.s32 s3, s5;
	[dreg:$0x0] =	wrdreg $0x0  }
0xa8: {  	s5 =	sshll.u32 s28, $0x1;
	[dreg:$0x2] =	wrdreg s3  }
0xa9: {  	[dreg:$0x3] =	wrdreg s5  }
0xaa: {  	[dreg:$0x4] =	wrdreg $0xC0  }
0xab: {  	_ =	task [dreg:s7], $0x5FFFF  }
0xac: {  	[dreg:$0x1] =	wrdreg $0xFFFFFFFF  }
0xad: {  	[dreg:$0x0] =	wrdreg $0x60  }
0xae: {  	[dreg:$0x2] =	wrdreg s2  }
0xaf: {  	[dreg:$0x3] =	wrdreg s24  }
0xb0: {  	[dreg:$0x4] =	wrdreg $0x9  }
0xb1: {  	_ =	task.clear_ibuf [dreg:s7], $0x5FFFF;
	_ =	strace $0x90000058  }
0xb2: {  	s29 =	simm.s32 $0x9;
	_ =	strace $0x8000005A  }
0xb3: {  	_ =	swait.ge [sflag:s29], $0x1  }
0xb4: {  	[sflag:s29] =	ssyncadd.s32 $0xFFFFFFFF  }
0xb5: {  	_ =	strace $0x9000005A  }
0xb6: {  	_ =	sfence  }
0xb7: {  	s30 =	sld [smem:$0x0];
	_ =	sdelay $0x2  }
0xb8: {  	s31 =	sshll.u32 s1, $0xD;
	s1 =	sshrl.u32 s1, $0x2  }
0xb9: {  	s3 =	sand.u32 $0x4000, s31;
	s1 =	sadd.s32 s1, s30  }
0xba: {  	s0 =	sor.u32 s3, s0;
	s1 =	sshll.u32 s1, $0x11  }
0xbb: {  	s0 =	sor.u32 s1, s0  }
0xbc: {  	s0 =	sadd.s32 $0x8F2B, s0  }
0xbd: {  	[sflag:s0] =	ssyncadd.remote.s32 $0x1  }
0xbe: {  	_ =	sfence.sel $0xFFFF  }
0xbf: {  	[dreg:$0x0] =	wrdreg $0xFFFFFFFF;
	(pc) =	sbr.abs _section_cstart, $3  }
0xc0: {  	[dreg:$0x1] =	wrdreg $0xFFFFFFFF  }
0xc1: {  	_ =	task.clear_ibuf [dreg:s7], $0x2FFFF;
	_ =	strace $0x9FFFFFFF  }
0xc2: {  	(tm) =	ssettm $0x7FFFFFFF  }
0xc3: {  	_ =	shalt  }
tec
execute0_lowered:
.L_overlay_start_1:
0x0: {  	(tag) =	ssettag $0x1  }
0x1: {  	s2 =	rddreg [dreg:$0x0];
	s1 =	srdreg.scid  }
0x2: {  	s0 =	stileid.u32;
	s5 =	rddreg [dreg:$0x1]  }
0x3: {  	s3 =	simm.s32 $0x0;
	s14 =	simm.s32 $0x2900;
	s15 =	simm.s32 $0x3100  }
0x4: {  	s16 =	simm.s32 $0x3900;
	s17 =	simm.s32 $0x4100;
	s18 =	simm.s32 $0x4900  }
0x5: {  	s19 =	simm.s32 $0x5100;
	s20 =	simm.s32 $0x5900;
	s4 =	smul.u32 $0x4E20, s0  }
0x6: {  	s21 =	simm.s32 $0x6100;
	s22 =	simm.s32 $0x6900;
	s8 =	smul.u32 $0x4E200, s0  }
0x7: {  	s23 =	simm.s32 $0x7100;
	s6 =	sand.u32 $0x1, s1;
	s9 =	smul.u32 $0x9C400, s0  }
0x8: {  	s24 =	simm.s32 $0x0;
	[smem:$0x7FF] =	sst s3;
	s7 =	smul.u32 $0x2710, s6  }
0x9: {  	s1 =	rddreg [dreg:$0x2];
	_ =	strace $0x80000059;
	s11 =	smul.u32 $0x4E200, s6  }
0xa: {  	s28 =	ssub.s32 $0x2, s6;
	s13 =	smul.u32 $0x27100, s6;
	s9 =	sadd.s32 s9, s5  }
0xb: {  	s12 =	sshrl.u32 s28, $0x1;
	s8 =	sadd.s32 s8, s5;
	s7 =	sadd.s32 s7, s4  }
0xc: {  	s4 =	sadd.s32 $0x1F200, s5;
	s29 =	ssub.s32 s28, s12;
	s30 =	sadd.s32 s11, s9  }
0xd: {  	s31 =	sadd.s32 s13, s8;
	s11 =	simm.s32 $0x80;
	s12 =	simm.s32 $0x50  }
0xe: {  	v2 =	vlaneseq.u32;
	s13 =	simm.s32 $0x100;
	s7 =	sshrl.u32 s7, $0x3;
	s6 =	sadd.s32 $0x576600, s30  }
0xf: {  	vm0 =	vmmov $0xffff;
	v1 =	vshrl.u32 v2, $0x3;
	s10 =	sadd.s32 s7, s5;
	s5 =	smax.u32 s29, $0x1;
	s7 =	sadd.s32 $0x94600, s31  }
0x10: {  	v0 =	vand.u32 $0x7, v2;
	v2 =	vor.u32 $0x8, v2;
	v1 =	vmul.u32 $0x8, v1;
	s8 =	sadd.s32 $0xB000, s10;
	s9 =	sadd.s32 $0x14E00, s10;
	s10 =	simm.s32 $0x1  }
.LBB2_1:
0x11: {  	s25 =	smov.u32 s7;
	s26 =	smov.u32 s6;
	s28 =	simm.s32 $0x0  }
.LBB2_2:
0x12: {  	s29 =	sadd.s32 s28, s9  }
0x13: {  	[tilespmem:s3], [sflag:$0x1] =	stream.linear.gather [hbm4b:s29+s3], $0x50, $0x38;
	[tilespmem:$0x7900] =	vst v63  }
0x14: {  	_ =	swait.ge [sflag:s10], $0x50  }
0x15: {  	[sflag:s10] =	ssyncset.done $0x0  }
0x16: {  	s31 =	sadd.s32 s28, s8;
	[sflag:s10] =	ssyncadd.s32 $0xFFFFFFB0  }
0x17: {  	[tilespmem:s11], [sflag:$0x1] =	stream.linear.gather [hbm4b:s31+s3], $0x50, $0x38;
	[tilespmem:$0x7900] =	vst v63  }
0x18: {  	_ =	swait.ge [sflag:s10], $0x50  }
0x19: {  	[sflag:s10] =	ssyncset.done $0x0  }
0x1a: {  	[sflag:s10] =	ssyncadd.s32 $0xFFFFFFB0  }
0x1b: {  	[tilespmem:s13], [sflag:$0x1] =	stream.indirect.gather [hbm4b:s2+s12], $0x80, s3, s12, $0xb8;
	[tilespmem:$0x7900] =	vst v63  }
0x1c: {  	_ =	swait.ge [sflag:s10], $0x2800  }
0x1d: {  	[sflag:s10] =	ssyncset.done $0x0  }
0x1e: {  	[sflag:s10] =	ssyncadd.s32 $0xFFFFD800  }
0x1f: {  	v3 =	vld [tilespmem:$0x80];
	_ =	sdelay $0x4  }
0x20: {  	v4 =	vshll.u32 v3, $0x1  }
0x21: {  	v3 =	vand.u32 $0x7, v3;
	v4 =	vand.u32 $0xFFFFFFF0, v4  }
0x22: {  	v3 =	vor.u32 v3, v4  }
0x23: {  	v4 =	vperm.xlane v3, v0;
	_ =	sdelay $0x1  }
0x24: {  	v3 =	vperm.xlane v3, v2;
	v4 =	vadd.s32 v1, v4;
	_ =	sdelay $0x1  }
0x25: {  	v3 =	vadd.s32 v1, v3;
	_ =	sdelay $0x2  }
0x26: {  	[tilespmem:s14], [sflag:$0x1] =	stream.indirect_vreg.gather [hbm4b:s4+s3], $0x80, v4, vm0, $0xb8;
	[tilespmem:$0x7900] =	vst v63  }
0x27: {  	_ = 	snop  }
0x28: {  	[tilespmem:s15], [sflag:$0x1] =	stream.indirect_vreg.gather [hbm4b:s4+s3], $0x80, v3, vm0, $0xb8;
	[tilespmem:$0x7900] =	vst v63  }
0x29: {  	v3 =	vld [tilespmem:$0x90];
	_ =	sdelay $0x4  }
0x2a: {  	v60 =	vshll.u32 v3, $0x1  }
0x2b: {  	v3 =	vand.u32 $0x7, v3;
	v4 =	vand.u32 $0xFFFFFFF0, v60  }
0x2c: {  	v3 =	vor.u32 v3, v4  }
0x2d: {  	v4 =	vperm.xlane v3, v0;
	_ =	sdelay $0x1  }
0x2e: {  	v3 =	vperm.xlane v3, v2;
	v4 =	vadd.s32 v1, v4;
	_ =	sdelay $0x1  }
0x2f: {  	v3 =	vadd.s32 v1, v3;
	_ =	sdelay $0x2  }
0x30: {  	[tilespmem:s16], [sflag:$0x1] =	stream.indirect_vreg.gather [hbm4b:s4+s3], $0x80, v4, vm0, $0xb8;
	[tilespmem:$0x7900] =	vst v63  }
0x31: {  	_ = 	snop  }
0x32: {  	[tilespmem:s17], [sflag:$0x1] =	stream.indirect_vreg.gather [hbm4b:s4+s3], $0x80, v3, vm0, $0xb8;
	[tilespmem:$0x7900] =	vst v63  }
0x33: {  	v3 =	vld [tilespmem:$0xA0];
	_ =	sdelay $0x4  }
0x34: {  	v61 =	vshll.u32 v3, $0x1  }
0x35: {  	v3 =	vand.u32 $0x7, v3;
	v4 =	vand.u32 $0xFFFFFFF0, v61  }
0x36: {  	v3 =	vor.u32 v3, v4  }
0x37: {  	v4 =	vperm.xlane v3, v0;
	_ =	sdelay $0x1  }
0x38: {  	v3 =	vperm.xlane v3, v2;
	v4 =	vadd.s32 v1, v4;
	_ =	sdelay $0x1  }
0x39: {  	v3 =	vadd.s32 v1, v3;
	_ =	sdelay $0x2  }
0x3a: {  	[tilespmem:s18], [sflag:$0x1] =	stream.indirect_vreg.gather [hbm4b:s4+s3], $0x80, v4, vm0, $0xb8;
	[tilespmem:$0x7900] =	vst v63  }
0x3b: {  	_ = 	snop  }
0x3c: {  	[tilespmem:s19], [sflag:$0x1] =	stream.indirect_vreg.gather [hbm4b:s4+s3], $0x80, v3, vm0, $0xb8;
	[tilespmem:$0x7900] =	vst v63  }
0x3d: {  	v3 =	vld [tilespmem:$0xB0];
	_ =	sdelay $0x4  }
0x3e: {  	v62 =	vshll.u32 v3, $0x1  }
0x3f: {  	v3 =	vand.u32 $0x7, v3;
	v4 =	vand.u32 $0xFFFFFFF0, v62  }
0x40: {  	v3 =	vor.u32 v3, v4  }
0x41: {  	v4 =	vperm.xlane v3, v0;
	_ =	sdelay $0x1  }
0x42: {  	v3 =	vperm.xlane v3, v2;
	v4 =	vadd.s32 v1, v4;
	_ =	sdelay $0x1  }
0x43: {  	v3 =	vadd.s32 v1, v3;
	_ =	sdelay $0x2  }
0x44: {  	[tilespmem:s20], [sflag:$0x1] =	stream.indirect_vreg.gather [hbm4b:s4+s3], $0x80, v4, vm0, $0xb8;
	[tilespmem:$0x7900] =	vst v63  }
0x45: {  	_ = 	snop  }
0x46: {  	[tilespmem:s21], [sflag:$0x1] =	stream.indirect_vreg.gather [hbm4b:s4+s3], $0x80, v3, vm0, $0xb8;
	[tilespmem:$0x7900] =	vst v63  }
0x47: {  	v3 =	vld [tilespmem:$0xC0];
	_ =	sdelay $0x4  }
0x48: {  	v63 =	vshll.u32 v3, $0x1  }
0x49: {  	v3 =	vand.u32 $0x7, v3;
	v4 =	vand.u32 $0xFFFFFFF0, v63  }
0x4a: {  	v3 =	vor.u32 v3, v4  }
0x4b: {  	v4 =	vperm.xlane v3, v0;
	_ =	sdelay $0x1  }
0x4c: {  	v3 =	vperm.xlane v3, v2;
	v4 =	vadd.s32 v1, v4;
	_ =	sdelay $0x1  }
0x4d: {  	v3 =	vadd.s32 v1, v3;
	_ =	sdelay $0x2  }
0x4e: {  	[tilespmem:s22], [sflag:$0x1] =	stream.indirect_vreg.gather [hbm4b:s4+s3], $0x80, v4, vm0, $0xb8;
	[tilespmem:$0x7900] =	vst v63  }
0x4f: {  	_ = 	snop  }
0x50: {  	[tilespmem:s23], [sflag:$0x1] =	stream.indirect_vreg.gather [hbm4b:s4+s3], $0x80, v3, vm0, $0xb8;
	[tilespmem:$0x7900] =	vst v63  }
0x51: {  	_ =	swait.ge [sflag:s10], $0x5000  }
0x52: {  	[sflag:s10] =	ssyncset.done $0x0  }
0x53: {  	[sflag:s10] =	ssyncadd.s32 $0xFFFFB000  }
0x54: {  	[hbm4b:s25+s3] =	stream.linear.scatter [tilespmem:s13], [sflag:$0x1], $0x2800, $0x38;
	[tilespmem:$0x7900] =	vst v63  }
0x55: {  	_ =	swait.ge [sflag:s10], $0x2800  }
0x56: {  	p0 =	sne.s32 s28, $0x4D8;
	[sflag:s10] =	ssyncset.done $0x0  }
.Ltmp0:
0x57: {  	[sflag:s10] =	ssyncadd.s32 $0xFFFFD800;
	(pc) =	sbr.rel @p0 .LBB2_2-.Ltmp0, $4  }
0x58: {  	[hbm4b:s26+s3] =	stream.linear.scatter [tilespmem:s14], [sflag:$0x1], $0x5000, $0x38;
	[tilespmem:$0x7900] =	vst v63  }
0x59: {  	_ =	swait.ge [sflag:s10], $0x5000  }
0x5a: {  	s28 =	sadd.s32 $0xA, s28;
	[sflag:s10] =	ssyncset.done $0x0  }
0x5b: {  	s25 =	sadd.s32 $0x500, s25;
	s26 =	sadd.s32 $0xA00, s26;
	[sflag:s10] =	ssyncadd.s32 $0xFFFFB000  }
0x5c: {  	s24 =	sadd.s32 $0x1, s24  }
0x5d: {  	p0 =	sne.s32 s24, s5  }
.Ltmp1:
0x5e: {  	_ = 	snop;
	(pc) =	sbr.rel @p0 .LBB2_1-.Ltmp1, $1  }
0x5f: {  	_ =	sdelay $0x3  }
0x60: {  	_ =	sfence.sel $0x180000  }
0x61: {  	[bflag:$0x0] =	sbarrier.arrive $0xFFFF  }
0x62: {  	p0 =	sne.s32 s0, $0x0;
	_ =	strace $0x90000059  }
0x63: {  	s0 =	sadd.s32 @!p0 $0x100000, s1;
	[bflag:$0x2] =	sbarrier.arrive $0xFFFF  }
0x64: {  	[sflag:s0] =	ssyncadd.tile.s32 @!p0 $0x1;
	_ =	shalt  }
.Lfunc_end2:
_tile_overlayer_lowered:
.L_overlay_start_2:
0x65: {  	(tag) =	ssettag $0x2  }
0x66: {  	s0 =	rddreg [dreg:$0x0];
	s2 =	stileid.u32  }
0x67: {  	s1 =	rddreg [dreg:$0x1];
	p0 =	sne.s32 s2, $0x0  }
0x68: {  	s3 =	rddreg [dreg:$0x2];
	[bflag:$0x3] =	sbarrier.arrive $0xFFFF;
	s2 =	simm.s32 @!p0 $0x1C01  }
0x69: {  	[timem:s3], [sflag:s2] =	dma.local @!p0 [hbm:s0], s1  }
0x6a: {  	s0 =	simm.s32 @!p0 $0x1  }
0x6b: {  	_ =	swait.ge @!p0 [sflag:s0], s1  }
0x6c: {  	s1 =	ssub.s32 @!p0 $0x0, s1;
	[sflag:s0] =	ssyncset.done @!p0 $0x0  }
0x6d: {  	[sflag:s0] =	ssyncadd.s32 @!p0 s1  }
0x6e: {  	[bflag:$0x3] =	sbarrier.arrive $0xFFFF  }
0x6f: {  	_ =	shalt  }

// kernel: kernel.39.cloned.1.call-start
scs
__scs_entry_jumppad:
0x0: {  	(pc) =	sbr.rel $0x88, $3  }
0x1: {  	(tag) =	ssettag $0x0;
	lr =	simm.s32 $0x1  }
0x2: {  	[smem:$0x3F74] =	sst lr;
	_ =	strace $0xD0000000  }
0x3: {  	_ = 	snop  }
0x4: {  	_ = 	snop  }
0x5: {  	_ = 	snop  }
0x6: {  	_ = 	snop  }
0x7: {  	_ = 	snop  }
__scs_overlays_trampoline_lowered:
0x8: {  	[smem:$0x3F83] =	sst s0  }
0x9: {  	[smem:$0x3F84] =	sst s1  }
0xa: {  	[smem:$0x3F85] =	sst s2  }
0xb: {  	[smem:$0x3F86] =	sst s3  }
0xc: {  	[smem:$0x3F87] =	sst s4  }
0xd: {  	[smem:$0x3F88] =	sst s5  }
0xe: {  	[smem:$0x3F89] =	sst s6  }
0xf: {  	[smem:$0x3F8A] =	sst s7  }
0x10: {  	[smem:$0x3F8B] =	sst s8  }
0x11: {  	[smem:$0x3F8C] =	sst s9;
	s0 =	simm.s32 @!p0 $0x0  }
0x12: {  	s1 =	sld [smem:$0x3F72];
	s0 =	simm.s32 @p0 $0x1  }
0x13: {  	[smem:$0x3F8D] =	sst s0;
	s0 =	simm.s32 @!p1 $0x0  }
0x14: {  	s2 =	sld [smem:$0x3F71];
	s0 =	simm.s32 @p1 $0x1  }
0x15: {  	[smem:$0x3F8E] =	sst s0;
	s0 =	simm.s32 @!p2 $0x0  }
0x16: {  	s3 =	sld [smem:$0x3FDB];
	s0 =	simm.s32 @p2 $0x1  }
0x17: {  	s4 =	simm.s32 $0x1BF5;
	[smem:$0x3F90] =	sst s0  }
0x18: {  	s0 =	sld [smem:$0x3F73];
	_ =	swait.ge [sflag:s4], $0x0  }
0x19: {  	s7 =	sld [smem:$0x3F74]  }
0x1a: {  	s8 =	sadd.s32 $0xFFFFE003, lr  }
0x1b: {  	s9 =	sadd.s32 $0xFFFFFEF7, lr;
	s5 =	simm.s32 $0xFFFFFFFF;
	p2 =	slt.u32 s8, $0xFFFFF086  }
0x1c: {  	p1 =	slt.u32 s9, $0xF7A;
	s5 =	simm.s32 @!p2 $0x0  }
0x1d: {  	s5 =	simm.s32 @p1 $0x1;
	p0 =	seq.s32 s7, s2  }
0x1e: {  	s7 =	smul.u32 @!p0 $0xF7A, s2;
	p2 =	seq.s32 @!p0 s5, $0x0  }
0x1f: {  	s9 =	smul.u32 $0xF7A, s1;
	s8 =	simm.s32 @!p0 $0x1BF5;
	p2 =	por !p2, p0  }
0x20: {  	[sflag:s8] =	ssyncset.s32 @!p0 $0xFFFFF086;
	s6 =	sadd.s32 @!p0 s3, s7;
	s7 =	simm.s32 @!p0 $0x108  }
0x21: {  	s3 =	sadd.s32 s3, s9;
	s6 =	sadd.s32 @!p0 $0x88, s6;
	s7 =	simm.s32 @p2 $0x1082  }
0x22: {  	[simem:s7], [sflag:s8] =	dma.local @!p0 [hbm:s6], $0xF7A  }
0x23: {  	s9 =	sor.u32 $0xD0000000, s2;
	s6 =	simm.s32 $0x108;
	_ =	swait.ge @!p0 [sflag:s8], $0x0  }
0x24: {  	s3 =	sadd.s32 $0x88, s3;
	s6 =	simm.s32 @!p1 $0x1082;
	[sflag:s4] =	ssyncset.s32 $0xFFFFF086  }
0x25: {  	[simem:s6], [sflag:s4] =	dma.local [hbm:s3], $0xF7A  }
0x26: {  	[smem:$0x3F74] =	sst s1;
	(tag) =	ssettag s2;
	_ =	strace s9  }
0x27: {  	s1 =	sld [smem:$0x3F84]  }
0x28: {  	s2 =	sld [smem:$0x3F85]  }
0x29: {  	s4 =	sld [smem:$0x3F87]  }
0x2a: {  	p0 =	seq.s32 s5, $0x0;
	s5 =	sld [smem:$0x3F88]  }
0x2b: {  	s6 =	sld [smem:$0x3F89]  }
0x2c: {  	s7 =	sld [smem:$0x3F8A]  }
0x2d: {  	s3 =	simm.s32 $0x108;
	s8 =	sld [smem:$0x3F8B]  }
0x2e: {  	s3 =	simm.s32 @!p0 $0x1082;
	s9 =	sld [smem:$0x3F8C]  }
0x2f: {  	lr =	sadd.s32 s0, s3;
	s0 =	sld [smem:$0x3F83]  }
0x30: {  	s3 =	sld [smem:$0x3F86]  }
0x31: {  	[smem:$0x3F8F] =	sst s10  }
0x32: {  	s10 =	sld [smem:$0x3F8D];
	_ =	sdelay $0x3  }
0x33: {  	p0 =	seq.s32 s10, $0x1;
	s10 =	sld [smem:$0x3F8F];
	_ =	sdelay $0x3  }
0x34: {  	[smem:$0x3F8F] =	sst s10  }
0x35: {  	s10 =	sld [smem:$0x3F8E];
	_ =	sdelay $0x3  }
0x36: {  	p1 =	seq.s32 s10, $0x1;
	s10 =	sld [smem:$0x3F8F];
	_ =	sdelay $0x3  }
0x37: {  	[smem:$0x3F8F] =	sst s10  }
0x38: {  	s10 =	sld [smem:$0x3F90]  }
0x39: {  	_ = 	snop;
	(pc) =	sbr.ind lr, $3  }
0x3a: {  	_ = 	snop  }
0x3b: {  	_ = 	snop  }
0x3c: {  	p2 =	seq.s32 s10, $0x1;
	s10 =	sld [smem:$0x3F8F]  }
0x3d: {  	_ =	shalt  }
0x3e: {  	_ =	shalt  }
0x3f: {  	_ =	shalt  }
0x40: {  	_ =	shalt  }
0x41: {  	_ =	shalt  }
0x42: {  	_ =	shalt  }
0x43: {  	_ =	shalt  }
0x44: {  	_ =	shalt  }
0x45: {  	_ =	shalt  }
0x46: {  	_ =	shalt  }
0x47: {  	_ =	shalt  }
0x48: {  	_ =	shalt  }
0x49: {  	_ =	shalt  }
0x4a: {  	_ =	shalt  }
0x4b: {  	_ =	shalt  }
0x4c: {  	_ =	shalt  }
0x4d: {  	_ =	shalt  }
0x4e: {  	_ =	shalt  }
0x4f: {  	_ =	shalt  }
0x50: {  	_ =	shalt  }
0x51: {  	_ =	shalt  }
0x52: {  	_ =	shalt  }
0x53: {  	_ =	shalt  }
0x54: {  	_ =	shalt  }
0x55: {  	_ =	shalt  }
0x56: {  	_ =	shalt  }
0x57: {  	_ =	shalt  }
0x58: {  	_ =	shalt  }
0x59: {  	_ =	shalt  }
0x5a: {  	_ =	shalt  }
0x5b: {  	_ =	shalt  }
0x5c: {  	_ =	shalt  }
0x5d: {  	_ =	shalt  }
0x5e: {  	_ =	shalt  }
0x5f: {  	_ =	shalt  }
0x60: {  	_ =	shalt  }
0x61: {  	_ =	shalt  }
0x62: {  	_ =	shalt  }
0x63: {  	_ =	shalt  }
0x64: {  	_ =	shalt  }
0x65: {  	_ =	shalt  }
0x66: {  	_ =	shalt  }
0x67: {  	_ =	shalt  }
0x68: {  	_ =	shalt  }
0x69: {  	_ =	shalt  }
0x6a: {  	_ =	shalt  }
0x6b: {  	_ =	shalt  }
0x6c: {  	_ =	shalt  }
0x6d: {  	_ =	shalt  }
0x6e: {  	_ =	shalt  }
0x6f: {  	_ =	shalt  }
0x70: {  	_ =	shalt  }
0x71: {  	_ =	shalt  }
0x72: {  	_ =	shalt  }
0x73: {  	_ =	shalt  }
0x74: {  	_ =	shalt  }
0x75: {  	_ =	shalt  }
0x76: {  	_ =	shalt  }
0x77: {  	_ =	shalt  }
0x78: {  	_ =	shalt  }
0x79: {  	_ =	shalt  }
0x7a: {  	_ =	shalt  }
0x7b: {  	_ =	shalt  }
0x7c: {  	_ =	shalt  }
0x7d: {  	_ =	shalt  }
0x7e: {  	_ =	shalt  }
0x7f: {  	_ =	shalt  }
0x80: {  	_ =	shalt  }
0x81: {  	_ =	shalt  }
0x82: {  	_ =	shalt  }
0x83: {  	_ =	shalt  }
0x84: {  	_ =	shalt  }
0x85: {  	_ =	shalt  }
0x86: {  	_ =	shalt  }
0x87: {  	_ =	shalt  }
.Lfunc_end0:
.L_simem_size_0:
called_computation.7_lowered:
.L_overlay_start_0:
0x88: {  	s2 =	sld [smem:$0x3FD9]  }
0x89: {  	s3 =	sld [smem:$0x3FFE];
	_ =	sdelay $0x1  }
0x8a: {  	s1 =	srdreg.scid  }
0x8b: {  	s0 =	sand.u32 $0x1, s1  }
0x8c: {  	s17 =	sshll.u32 s0, $0xA;
	s2 =	sadd.s32 s3, s2  }
0x8d: {  	s2 =	sadd.s32 s2, s17  }
0x8e: {  	[smem:$0x3F9B] =	sst s2  }
0x8f: {  	_ = 	snop  }
0x90: {  	(tm) =	ssettm $0x1  }
0x91: {  	s18 =	sld [smem:$0x3FFB];
	_ =	sdelay $0x3  }
0x92: {  	_ =	strace s18  }
0x93: {  	s2 =	sld [smem:$0x3FFC];
	_ =	sdelay $0x3  }
0x94: {  	_ =	strace s2  }
0x95: {  	s2 =	sld [smem:$0x3FFD];
	_ =	sdelay $0x3  }
0x96: {  	_ =	strace s2  }
0x97: {  	_ =	strace $0x8FFFFFFF  }
0x98: {  	s19 =	sld [smem:$0x3FDB];
	_ =	sdelay $0x1  }
0x99: {  	s20 =	simm.s32 $_scs_section_size  }
0x9a: {  	s4 =	simm.s32 $_size__tile_overlayer_lowered;
	s5 =	simm.s32 $_tile_overlayer_lowered  }
0x9b: {  	s6 =	simm.s32 $0x1BFF;
	s21 =	sshll.u32 s5, $0x1;
	s3 =	sadd.s32 s20, s19  }
0x9c: {  	s22 =	simm.s32 $0x0;
	s4 =	sshll.u32 s4, $0x1;
	s5 =	sadd.s32 s21, s3  }
0x9d: {  	[timem:s22], [sflag:s6] =	dma.local [hbm:s5], s4  }
0x9e: {  	_ =	swait.ge [sflag:s6], s4  }
0x9f: {  	s4 =	ssub.s32 $0x0, s4;
	[sflag:s6] =	ssyncset.done $0x0  }
0xa0: {  	[sflag:s6] =	ssyncadd.s32 s4;
	_ =	sdelay $0x1  }
0xa1: {  	s23 =	simm.s32 $0x1B8B  }
0xa2: {  	_ =	swait.ge [sflag:s23], $0x1  }
0xa3: {  	[sflag:s23] =	ssyncset.done $0x0  }
0xa4: {  	[sflag:s23] =	ssyncadd.s32 $0xFFFFFFFF  }
0xa5: {  	s4 =	sld [smem:$0x0]  }
0xa6: {  	s5 =	sand.u32 $0xFFFFFFFE, s1  }
0xa7: {  	p0 =	sne.s32 s1, s5  }
0xa8: {  	s5 =	sshll.u32 @p0 s5, $0xE  }
0xa9: {  	s5 =	sadd.s32 @p0 $0x11B8D, s5;
	s6 =	sshll.u32 @p0 s4, $0x11  }
0xaa: {  	s5 =	sor.u32 @p0 s6, s5  }
0xab: {  	[sflag:s5] =	ssyncadd.remote.s32 @p0 $0x1;
	_ =	sdelay $0x1  }
0xac: {  	s5 =	simm.s32 @p0 $0x1B8D  }
0xad: {  	_ =	swait.eq @p0 [sflag:s5], $0x1  }
0xae: {  	[sflag:s5] =	ssyncadd.s32 @p0 $0xFFFFFFFF  }
0xaf: {  	s6 =	sshll.u32 @!p0 s1, $0xE  }
0xb0: {  	s6 =	sor.u32 @!p0 $0x4000, s6;
	s5 =	simm.s32 @!p0 $0x1B8D  }
0xb1: {  	s4 =	sshll.u32 @!p0 s4, $0x11;
	s6 =	sadd.s32 @!p0 $0x11B8D, s6;
	_ =	swait.eq @!p0 [sflag:s5], $0x1  }
0xb2: {  	s4 =	sor.u32 @!p0 s4, s6;
	[sflag:s5] =	ssyncadd.s32 @!p0 $0xFFFFFFFF  }
0xb3: {  	s25 =	simm.s32 $0x1B8E;
	s24 =	sld [smem:$0x3FFE];
	[sflag:s4] =	ssyncadd.remote.s32 @!p0 $0x1  }
0xb4: {  	s26 =	simm.s32 $execute0_lowered;
	[smem:$0x3FD2] =	sst s25  }
0xb5: {  	s5 =	sshll.u32 s26, $0x1;
	_ =	strace $0x8000005E;
	[dreg:$0x1] =	wrdreg $0xFFFFFFFF  }
0xb6: {  	s28 =	simm.s32 $_size_execute0_lowered;
	s3 =	sadd.s32 s3, s5;
	[dreg:$0x0] =	wrdreg $0x0  }
0xb7: {  	s5 =	sshll.u32 s28, $0x1;
	[dreg:$0x2] =	wrdreg s3  }
0xb8: {  	[dreg:$0x3] =	wrdreg s5  }
0xb9: {  	[dreg:$0x4] =	wrdreg $0xC0  }
0xba: {  	_ =	task [dreg:s22], $0x5FFFF  }
0xbb: {  	[dreg:$0x1] =	wrdreg $0xFFFFFFFF  }
0xbc: {  	[dreg:$0x0] =	wrdreg $0x60  }
0xbd: {  	[dreg:$0x2] =	wrdreg s24  }
0xbe: {  	[dreg:$0x3] =	wrdreg $0x0  }
0xbf: {  	[dreg:$0x4] =	wrdreg $0x9  }
0xc0: {  	_ =	task.clear_ibuf [dreg:s22], $0x5FFFF;
	_ =	strace $0x9000005E  }
0xc1: {  	s29 =	simm.s32 $0x9;
	_ =	strace $0x80000060  }
0xc2: {  	_ =	swait.ge [sflag:s29], $0x1  }
0xc3: {  	[sflag:s29] =	ssyncadd.s32 $0xFFFFFFFF  }
0xc4: {  	_ =	strace $0x90000060  }
0xc5: {  	_ =	sfence  }
0xc6: {  	s30 =	sld [smem:$0x0];
	_ =	sdelay $0x2  }
0xc7: {  	s31 =	sshll.u32 s1, $0xD;
	s1 =	sshrl.u32 s1, $0x2  }
0xc8: {  	s4 =	sand.u32 $0x4000, s31;
	s1 =	sadd.s32 s1, s30  }
0xc9: {  	s0 =	sor.u32 s4, s0;
	s1 =	sshll.u32 s1, $0x11  }
0xca: {  	s0 =	sor.u32 s1, s0  }
0xcb: {  	s0 =	sadd.s32 $0x8F2B, s0  }
0xcc: {  	[sflag:s0] =	ssyncadd.remote.s32 $0x1  }
0xcd: {  	_ =	sfence.sel $0xFFFF  }
0xce: {  	[dreg:$0x0] =	wrdreg $0xFFFFFFFF;
	(pc) =	sbr.abs _section_cstart, $3  }
0xcf: {  	[dreg:$0x1] =	wrdreg $0xFFFFFFFF  }
0xd0: {  	_ =	task.clear_ibuf [dreg:s22], $0x2FFFF;
	_ =	strace $0x9FFFFFFF  }
0xd1: {  	(tm) =	ssettm $0x7FFFFFFF  }
tec
execute0_lowered:
.L_overlay_start_1:
0x0: {  	(tag) =	ssettag $0x1  }
0x1: {  	s15 =	stileid.u32  }
0x2: {  	s0 =	srdreg.scid;
	s6 =	smul.u32 $0x2710, s15  }
0x3: {  	s1 =	rddreg [dreg:$0x0];
	s7 =	smul.u32 $0x320, s15  }
0x4: {  	s2 =	rddreg [dreg:$0x1];
	s8 =	smul.u32 $0x64000, s15  }
0x5: {  	s3 =	simm.s32 $0x0;
	s0 =	sand.u32 $0x1, s0;
	s26 =	smul.u32 $0x27100, s15  }
0x6: {  	s29 =	simm.s32 $0x19000;
	s30 =	simm.s32 $0x1;
	s4 =	smul.u32 $0x271000, s0  }
0x7: {  	s31 =	simm.s32 $0x1B800;
	[smem:$0x7FF] =	sst s3;
	s5 =	smul.u32 $0x27100, s0  }
0x8: {  	s18 =	sadd.s32 $0x1EC00, s1;
	s17 =	smul.u32 $0x3200, s0;
	s0 =	ssub.s32 $0x2, s0  }
0x9: {  	_ =	strace $0x8000005F;
	[dreg:$0x3] =	wrdreg s18;
	s20 =	sshrl.u32 s0, $0x1  }
0xa: {  	s21 =	sshrl.u32 s8, $0x2;
	s5 =	sadd.s32 s6, s5;
	s4 =	sadd.s32 s4, s1  }
0xb: {  	s19 =	sadd.s32 s7, s17;
	s0 =	ssub.s32 s0, s20;
	s5 =	sshrl.u32 s5, $0x3  }
0xc: {  	s22 =	sshll.u32 s19, $0x4;
	s0 =	smax.u32 s0, $0x1;
	s14 =	sadd.s32 s5, s1  }
0xd: {  	s5 =	sadd.s32 s21, s2;
	s1 =	sadd.s32 s22, s1;
	[dreg:$0x4] =	wrdreg s0  }
0xe: {  	s0 =	sadd.s32 s26, s4;
	s7 =	sadd.s32 $0x2800, s5;
	s8 =	sadd.s32 $0x5000, s5  }
0xf: {  	s9 =	sadd.s32 $0x7800, s5;
	s10 =	sadd.s32 $0xA000, s5;
	s11 =	sadd.s32 $0xC800, s5  }
0x10: {  	s12 =	sadd.s32 $0xF000, s5;
	s13 =	sadd.s32 $0x11800, s5;
	s23 =	sadd.s32 $0xF8600, s1  }
0x11: {  	s24 =	sadd.s32 $0xF8B00, s1;
	s25 =	sadd.s32 $0xF9000, s1;
	s17 =	sadd.s32 $0xF9500, s1  }
0x12: {  	s18 =	sadd.s32 $0xF9A00, s1;
	s19 =	sadd.s32 $0xF9F00, s1;
	s20 =	sadd.s32 $0xFA400, s1  }
0x13: {  	s21 =	sadd.s32 $0xFA900, s1;
	s22 =	sadd.s32 $0xFAE00, s1;
	[dreg:$0x5] =	wrdreg s23  }
0x14: {  	s26 =	sadd.s32 $0x14000, s5;
	s28 =	sadd.s32 $0x16800, s5;
	[dreg:$0x6] =	wrdreg s24  }
0x15: {  	[dreg:$0x7] =	wrdreg s25;
	s23 =	sadd.s32 $0xFB300, s1;
	s24 =	sadd.s32 $0x22CBE00, s0  }
0x16: {  	s25 =	sadd.s32 $0x14E00, s14;
	s0 =	simm.s32 $0x50;
	s1 =	simm.s32 $0x0  }
.LBB2_1:
0x17: {  	s4 =	rddreg [dreg:$0x3]  }
0x18: {  	[tilespmem:s29], [sflag:$0x1] =	stream.linear.gather [hbm4b:s4+s3], $0x2800, $0x38;
	[tilespmem:$0x1B880] =	vst v63  }
0x19: {  	_ =	swait.ge [sflag:s30], $0x2800  }
0x1a: {  	[sflag:s30] =	ssyncset.done $0x0  }
0x1b: {  	[sflag:s30] =	ssyncadd.s32 $0xFFFFD800  }
0x1c: {  	[spmem:s5] =	stream.linear.scatter [tilespmem:s29], [sflag:$0x1], $0x2800, $0x38;
	[tilespmem:$0x1B880] =	vst v63  }
0x1d: {  	_ =	swait.ge [sflag:s30], $0x2800  }
0x1e: {  	[sflag:s30] =	ssyncset.done $0x0  }
0x1f: {  	[sflag:s30] =	ssyncadd.s32 $0xFFFFD800  }
0x20: {  	[spmem:s7] =	stream.linear.scatter [tilespmem:s29], [sflag:$0x1], $0x2800, $0x38;
	[tilespmem:$0x1B880] =	vst v63  }
0x21: {  	_ =	swait.ge [sflag:s30], $0x2800  }
0x22: {  	[sflag:s30] =	ssyncset.done $0x0  }
0x23: {  	[sflag:s30] =	ssyncadd.s32 $0xFFFFD800  }
0x24: {  	[spmem:s8] =	stream.linear.scatter [tilespmem:s29], [sflag:$0x1], $0x2800, $0x38;
	[tilespmem:$0x1B880] =	vst v63  }
0x25: {  	_ =	swait.ge [sflag:s30], $0x2800  }
0x26: {  	[sflag:s30] =	ssyncset.done $0x0  }
0x27: {  	[sflag:s30] =	ssyncadd.s32 $0xFFFFD800  }
0x28: {  	[spmem:s9] =	stream.linear.scatter [tilespmem:s29], [sflag:$0x1], $0x2800, $0x38;
	[tilespmem:$0x1B880] =	vst v63  }
0x29: {  	_ =	swait.ge [sflag:s30], $0x2800  }
0x2a: {  	[sflag:s30] =	ssyncset.done $0x0  }
0x2b: {  	[sflag:s30] =	ssyncadd.s32 $0xFFFFD800  }
0x2c: {  	[spmem:s10] =	stream.linear.scatter [tilespmem:s29], [sflag:$0x1], $0x2800, $0x38;
	[tilespmem:$0x1B880] =	vst v63  }
0x2d: {  	_ =	swait.ge [sflag:s30], $0x2800  }
0x2e: {  	[sflag:s30] =	ssyncset.done $0x0  }
0x2f: {  	[sflag:s30] =	ssyncadd.s32 $0xFFFFD800  }
0x30: {  	[spmem:s11] =	stream.linear.scatter [tilespmem:s29], [sflag:$0x1], $0x2800, $0x38;
	[tilespmem:$0x1B880] =	vst v63  }
0x31: {  	_ =	swait.ge [sflag:s30], $0x2800  }
0x32: {  	[sflag:s30] =	ssyncset.done $0x0  }
0x33: {  	[sflag:s30] =	ssyncadd.s32 $0xFFFFD800  }
0x34: {  	[spmem:s12] =	stream.linear.scatter [tilespmem:s29], [sflag:$0x1], $0x2800, $0x38;
	[tilespmem:$0x1B880] =	vst v63  }
0x35: {  	_ =	swait.ge [sflag:s30], $0x2800  }
0x36: {  	[sflag:s30] =	ssyncset.done $0x0  }
0x37: {  	[sflag:s30] =	ssyncadd.s32 $0xFFFFD800  }
0x38: {  	[spmem:s13] =	stream.linear.scatter [tilespmem:s29], [sflag:$0x1], $0x2800, $0x38;
	[tilespmem:$0x1B880] =	vst v63  }
0x39: {  	_ =	swait.ge [sflag:s30], $0x2800  }
0x3a: {  	[sflag:s30] =	ssyncset.done $0x0  }
0x3b: {  	[sflag:s30] =	ssyncadd.s32 $0xFFFFD800  }
0x3c: {  	[spmem:s26] =	stream.linear.scatter [tilespmem:s29], [sflag:$0x1], $0x2800, $0x38;
	[tilespmem:$0x1B880] =	vst v63  }
0x3d: {  	_ =	swait.ge [sflag:s30], $0x2800  }
0x3e: {  	[sflag:s30] =	ssyncset.done $0x0  }
0x3f: {  	[sflag:s30] =	ssyncadd.s32 $0xFFFFD800  }
0x40: {  	[spmem:s28] =	stream.linear.scatter [tilespmem:s29], [sflag:$0x1], $0x2800, $0x38;
	[tilespmem:$0x1B880] =	vst v63  }
0x41: {  	_ =	swait.ge [sflag:s30], $0x2800  }
0x42: {  	[sflag:s30] =	ssyncset.done $0x0  }
0x43: {  	[sflag:s30] =	ssyncadd.s32 $0xFFFFD800  }
0x44: {  	s16 =	sadd.s32 $0x0, s25;
	[bflag:$0x0] =	sbarrier.arrive $0xFFFF  }
0x45: {  	[tilespmem:s31], [sflag:$0x1] =	stream.linear.gather [hbm4b:s16+s3], $0x50, $0x38;
	[tilespmem:$0x1B880] =	vst v63  }
0x46: {  	_ =	swait.ge [sflag:s30], $0x50  }
0x47: {  	[sflag:s30] =	ssyncset.done $0x0  }
0x48: {  	[sflag:s30] =	ssyncadd.s32 $0xFFFFFFB0  }
0x49: {  	[tilespmem:s29], [sflag:$0x1] =	stream.linear.gather [hbm4b:s24+s3], $0x2800, $0x38;
	[tilespmem:$0x1B880] =	vst v63  }
0x4a: {  	_ =	swait.ge [sflag:s30], $0x2800  }
0x4b: {  	[sflag:s30] =	ssyncset.done $0x0  }
0x4c: {  	[sflag:s30] =	ssyncadd.s32 $0xFFFFD800  }
0x4d: {  	[spmem:s2] =	stream.indirect.scatter.add.f32 [tilespmem:s29], [sflag:$0x1], $0x80, s31, s0, $0xb8;
	[tilespmem:$0x1B880] =	vst v63  }
0x4e: {  	s6 =	simm.s32 $0xA;
	_ =	swait.ge [sflag:s30], $0x2800  }
0x4f: {  	s14 =	simm.s32 $0x14;
	s4 =	sadd.s32 $0x500, s24;
	[sflag:s30] =	ssyncset.done $0x0  }
.LBB2_2:
0x50: {  	s15 =	sadd.s32 s6, s25  }
0x51: {  	[sflag:s30] =	ssyncadd.s32 $0xFFFFD800;
	s6 =	smov.u32 s14;
	s16 =	sadd.s32 $0xA, s14  }
0x52: {  	[tilespmem:s31], [sflag:$0x1] =	stream.linear.gather [hbm4b:s15+s3], $0x50, $0x38;
	[tilespmem:$0x1B880] =	vst v63  }
0x53: {  	p0 =	sne.s32 s14, $0x4D8;
	_ =	swait.ge [sflag:s30], $0x50  }
0x54: {  	[sflag:s30] =	ssyncset.done $0x0  }
0x55: {  	[sflag:s30] =	ssyncadd.s32 $0xFFFFFFB0  }
0x56: {  	[tilespmem:s29], [sflag:$0x1] =	stream.linear.gather [hbm4b:s4+s3], $0x2800, $0x38;
	[tilespmem:$0x1B880] =	vst v63  }
0x57: {  	_ =	swait.ge [sflag:s30], $0x2800  }
.Ltmp0:
0x58: {  	[sflag:s30] =	ssyncset.done $0x0;
	(pc) =	sbr.rel @p0 .LBB2_2-.Ltmp0, $4  }
0x59: {  	[sflag:s30] =	ssyncadd.s32 $0xFFFFD800  }
0x5a: {  	[spmem:s2] =	stream.indirect.scatter.add.f32 [tilespmem:s29], [sflag:$0x1], $0x80, s31, s0, $0xb8;
	[tilespmem:$0x1B880] =	vst v63  }
0x5b: {  	_ =	swait.ge [sflag:s30], $0x2800  }
0x5c: {  	s14 =	smov.u32 s16;
	s4 =	sadd.s32 $0x500, s4;
	[sflag:s30] =	ssyncset.done $0x0  }
0x5d: {  	s6 =	sadd.s32 s6, s25;
	[sflag:s30] =	ssyncadd.s32 $0xFFFFD800  }
0x5e: {  	[tilespmem:s31], [sflag:$0x1] =	stream.linear.gather [hbm4b:s6+s3], $0x50, $0x38;
	[tilespmem:$0x1B880] =	vst v63  }
0x5f: {  	_ =	swait.ge [sflag:s30], $0x50  }
0x60: {  	[sflag:s30] =	ssyncset.done $0x0  }
0x61: {  	[sflag:s30] =	ssyncadd.s32 $0xFFFFFFB0  }
0x62: {  	[tilespmem:s29], [sflag:$0x1] =	stream.linear.gather [hbm4b:s4+s3], $0x2800, $0x38;
	[tilespmem:$0x1B880] =	vst v63  }
0x63: {  	_ =	swait.ge [sflag:s30], $0x2800  }
0x64: {  	[sflag:s30] =	ssyncset.done $0x0  }
0x65: {  	[sflag:s30] =	ssyncadd.s32 $0xFFFFD800  }
0x66: {  	[spmem:s2] =	stream.indirect.scatter.add.f32 [tilespmem:s29], [sflag:$0x1], $0x80, s31, s0, $0xb8;
	[tilespmem:$0x1B880] =	vst v63  }
0x67: {  	_ =	swait.ge [sflag:s30], $0x2800  }
0x68: {  	[sflag:s30] =	ssyncset.done $0x0  }
0x69: {  	[sflag:s30] =	ssyncadd.s32 $0xFFFFD800  }
0x6a: {  	[bflag:$0x0] =	sbarrier.arrive $0xFFFF  }
0x6b: {  	[tilespmem:s29], [sflag:$0x1] =	stream.linear.gather [spmem:s5], $0x2800, $0x38;
	[tilespmem:$0x1B880] =	vst v63  }
0x6c: {  	_ =	swait.ge [sflag:s30], $0x2800  }
0x6d: {  	[sflag:s30] =	ssyncset.done $0x0  }
0x6e: {  	s6 =	rddreg [dreg:$0x5];
	[sflag:s30] =	ssyncadd.s32 $0xFFFFD800  }
0x6f: {  	[hbm4b:s6+s3] =	stream.linear.scatter [tilespmem:s29], [sflag:$0x1], $0x2800, $0x38;
	[tilespmem:$0x1B880] =	vst v63  }
0x70: {  	_ =	swait.ge [sflag:s30], $0x2800  }
0x71: {  	[sflag:s30] =	ssyncset.done $0x0  }
0x72: {  	[sflag:s30] =	ssyncadd.s32 $0xFFFFD800  }
0x73: {  	[tilespmem:s29], [sflag:$0x1] =	stream.linear.gather [spmem:s7], $0x2800, $0x38;
	[tilespmem:$0x1B880] =	vst v63  }
0x74: {  	_ =	swait.ge [sflag:s30], $0x2800  }
0x75: {  	[sflag:s30] =	ssyncset.done $0x0  }
0x76: {  	s14 =	rddreg [dreg:$0x6];
	[sflag:s30] =	ssyncadd.s32 $0xFFFFD800  }
0x77: {  	[hbm4b:s14+s3] =	stream.linear.scatter [tilespmem:s29], [sflag:$0x1], $0x2800, $0x38;
	[tilespmem:$0x1B880] =	vst v63  }
0x78: {  	_ =	swait.ge [sflag:s30], $0x2800  }
0x79: {  	[sflag:s30] =	ssyncset.done $0x0  }
0x7a: {  	[sflag:s30] =	ssyncadd.s32 $0xFFFFD800  }
0x7b: {  	[tilespmem:s29], [sflag:$0x1] =	stream.linear.gather [spmem:s8], $0x2800, $0x38;
	[tilespmem:$0x1B880] =	vst v63  }
0x7c: {  	_ =	swait.ge [sflag:s30], $0x2800  }
0x7d: {  	[sflag:s30] =	ssyncset.done $0x0  }
0x7e: {  	s15 =	rddreg [dreg:$0x7];
	[sflag:s30] =	ssyncadd.s32 $0xFFFFD800  }
0x7f: {  	[hbm4b:s15+s3] =	stream.linear.scatter [tilespmem:s29], [sflag:$0x1], $0x2800, $0x38;
	[tilespmem:$0x1B880] =	vst v63  }
0x80: {  	_ =	swait.ge [sflag:s30], $0x2800  }
0x81: {  	[sflag:s30] =	ssyncset.done $0x0  }
0x82: {  	[sflag:s30] =	ssyncadd.s32 $0xFFFFD800  }
0x83: {  	[tilespmem:s29], [sflag:$0x1] =	stream.linear.gather [spmem:s9], $0x2800, $0x38;
	[tilespmem:$0x1B880] =	vst v63  }
0x84: {  	_ =	swait.ge [sflag:s30], $0x2800  }
0x85: {  	[sflag:s30] =	ssyncset.done $0x0  }
0x86: {  	[sflag:s30] =	ssyncadd.s32 $0xFFFFD800  }
0x87: {  	[hbm4b:s17+s3] =	stream.linear.scatter [tilespmem:s29], [sflag:$0x1], $0x2800, $0x38;
	[tilespmem:$0x1B880] =	vst v63  }
0x88: {  	_ =	swait.ge [sflag:s30], $0x2800  }
0x89: {  	[sflag:s30] =	ssyncset.done $0x0  }
0x8a: {  	[sflag:s30] =	ssyncadd.s32 $0xFFFFD800  }
0x8b: {  	[tilespmem:s29], [sflag:$0x1] =	stream.linear.gather [spmem:s10], $0x2800, $0x38;
	[tilespmem:$0x1B880] =	vst v63  }
0x8c: {  	_ =	swait.ge [sflag:s30], $0x2800  }
0x8d: {  	[sflag:s30] =	ssyncset.done $0x0  }
0x8e: {  	[sflag:s30] =	ssyncadd.s32 $0xFFFFD800  }
0x8f: {  	[hbm4b:s18+s3] =	stream.linear.scatter [tilespmem:s29], [sflag:$0x1], $0x2800, $0x38;
	[tilespmem:$0x1B880] =	vst v63  }
0x90: {  	_ =	swait.ge [sflag:s30], $0x2800  }
0x91: {  	[sflag:s30] =	ssyncset.done $0x0  }
0x92: {  	[sflag:s30] =	ssyncadd.s32 $0xFFFFD800  }
0x93: {  	[tilespmem:s29], [sflag:$0x1] =	stream.linear.gather [spmem:s11], $0x2800, $0x38;
	[tilespmem:$0x1B880] =	vst v63  }
0x94: {  	_ =	swait.ge [sflag:s30], $0x2800  }
0x95: {  	[sflag:s30] =	ssyncset.done $0x0  }
0x96: {  	[sflag:s30] =	ssyncadd.s32 $0xFFFFD800  }
0x97: {  	[hbm4b:s19+s3] =	stream.linear.scatter [tilespmem:s29], [sflag:$0x1], $0x2800, $0x38;
	[tilespmem:$0x1B880] =	vst v63  }
0x98: {  	_ =	swait.ge [sflag:s30], $0x2800  }
0x99: {  	[sflag:s30] =	ssyncset.done $0x0  }
0x9a: {  	[sflag:s30] =	ssyncadd.s32 $0xFFFFD800  }
0x9b: {  	[tilespmem:s29], [sflag:$0x1] =	stream.linear.gather [spmem:s12], $0x2800, $0x38;
	[tilespmem:$0x1B880] =	vst v63  }
0x9c: {  	_ =	swait.ge [sflag:s30], $0x2800  }
0x9d: {  	[sflag:s30] =	ssyncset.done $0x0  }
0x9e: {  	[sflag:s30] =	ssyncadd.s32 $0xFFFFD800  }
0x9f: {  	[hbm4b:s20+s3] =	stream.linear.scatter [tilespmem:s29], [sflag:$0x1], $0x2800, $0x38;
	[tilespmem:$0x1B880] =	vst v63  }
0xa0: {  	_ =	swait.ge [sflag:s30], $0x2800  }
0xa1: {  	[sflag:s30] =	ssyncset.done $0x0  }
0xa2: {  	[sflag:s30] =	ssyncadd.s32 $0xFFFFD800  }
0xa3: {  	[tilespmem:s29], [sflag:$0x1] =	stream.linear.gather [spmem:s13], $0x2800, $0x38;
	[tilespmem:$0x1B880] =	vst v63  }
0xa4: {  	_ =	swait.ge [sflag:s30], $0x2800  }
0xa5: {  	[sflag:s30] =	ssyncset.done $0x0  }
0xa6: {  	[sflag:s30] =	ssyncadd.s32 $0xFFFFD800  }
0xa7: {  	[hbm4b:s21+s3] =	stream.linear.scatter [tilespmem:s29], [sflag:$0x1], $0x2800, $0x38;
	[tilespmem:$0x1B880] =	vst v63  }
0xa8: {  	_ =	swait.ge [sflag:s30], $0x2800  }
0xa9: {  	[sflag:s30] =	ssyncset.done $0x0  }
0xaa: {  	[sflag:s30] =	ssyncadd.s32 $0xFFFFD800  }
0xab: {  	[tilespmem:s29], [sflag:$0x1] =	stream.linear.gather [spmem:s26], $0x2800, $0x38;
	[tilespmem:$0x1B880] =	vst v63  }
0xac: {  	_ =	swait.ge [sflag:s30], $0x2800  }
0xad: {  	[sflag:s30] =	ssyncset.done $0x0  }
0xae: {  	[sflag:s30] =	ssyncadd.s32 $0xFFFFD800  }
0xaf: {  	[hbm4b:s22+s3] =	stream.linear.scatter [tilespmem:s29], [sflag:$0x1], $0x2800, $0x38;
	[tilespmem:$0x1B880] =	vst v63  }
0xb0: {  	_ =	swait.ge [sflag:s30], $0x2800  }
0xb1: {  	[sflag:s30] =	ssyncset.done $0x0  }
0xb2: {  	[sflag:s30] =	ssyncadd.s32 $0xFFFFD800  }
0xb3: {  	[tilespmem:s29], [sflag:$0x1] =	stream.linear.gather [spmem:s28], $0x2800, $0x38;
	[tilespmem:$0x1B880] =	vst v63  }
0xb4: {  	_ =	swait.ge [sflag:s30], $0x2800  }
0xb5: {  	[sflag:s30] =	ssyncset.done $0x0  }
0xb6: {  	[sflag:s30] =	ssyncadd.s32 $0xFFFFD800  }
0xb7: {  	[hbm4b:s23+s3] =	stream.linear.scatter [tilespmem:s29], [sflag:$0x1], $0x2800, $0x38;
	[tilespmem:$0x1B880] =	vst v63  }
0xb8: {  	_ =	swait.ge [sflag:s30], $0x2800  }
0xb9: {  	s1 =	sadd.s32 $0x1, s1;
	s16 =	rddreg [dreg:$0x4]  }
0xba: {  	p0 =	sne.s32 s1, s16  }
.Ltmp1:
0xbb: {  	_ = 	snop;
	(pc) =	sbr.rel @p0 .LBB2_1-.Ltmp1, $3  }
0xbc: {  	_ =	sdelay $0x1  }
0xbd: {  	[sflag:s30] =	ssyncset.done $0x0  }
0xbe: {  	[sflag:s30] =	ssyncadd.s32 $0xFFFFD800  }
0xbf: {  	_ =	sfence.sel $0x180000  }
0xc0: {  	[bflag:$0x0] =	sbarrier.arrive $0xFFFF  }
0xc1: {  	_ =	strace $0x9000005F  }
0xc2: {  	s0 =	stileid.u32;
	[bflag:$0x2] =	sbarrier.arrive $0xFFFF  }
0xc3: {  	p0 =	sne.s32 s0, $0x0;
	s0 =	rddreg [dreg:$0x2]  }
0xc4: {  	s0 =	sadd.s32 @!p0 $0x100000, s0  }
0xc5: {  	[sflag:s0] =	ssyncadd.tile.s32 @!p0 $0x1;
	_ =	shalt  }
.Lfunc_end2:
_tile_overlayer_lowered:
.L_overlay_start_2:
0xc6: {  	(tag) =	ssettag $0x2  }
0xc7: {  	s0 =	rddreg [dreg:$0x0];
	s2 =	stileid.u32  }
0xc8: {  	s1 =	rddreg [dreg:$0x1];
	p0 =	sne.s32 s2, $0x0  }
0xc9: {  	s3 =	rddreg [dreg:$0x2];
	[bflag:$0x3] =	sbarrier.arrive $0xFFFF;
	s2 =	simm.s32 @!p0 $0x1C01  }
0xca: {  	[timem:s3], [sflag:s2] =	dma.local @!p0 [hbm:s0], s1  }
0xcb: {  	s0 =	simm.s32 @!p0 $0x1  }
0xcc: {  	_ =	swait.ge @!p0 [sflag:s0], s1  }
0xcd: {  	s1 =	ssub.s32 @!p0 $0x0, s1;
	[sflag:s0] =	ssyncset.done @!p0 $0x0  }
0xce: {  	[sflag:s0] =	ssyncadd.s32 @!p0 s1  }
0xcf: {  	[bflag:$0x3] =	sbarrier.arrive $0xFFFF  }
0xd0: {  	_ =	shalt  }

// kernel: kernel.42.cloned.1.call-start
scs
__scs_entry_jumppad:
0x0: {  	(pc) =	sbr.rel $0x88, $3  }
0x1: {  	(tag) =	ssettag $0x0;
	lr =	simm.s32 $0x1  }
0x2: {  	[smem:$0x3F74] =	sst lr;
	_ =	strace $0xD0000000  }
0x3: {  	_ = 	snop  }
0x4: {  	_ = 	snop  }
0x5: {  	_ = 	snop  }
0x6: {  	_ = 	snop  }
0x7: {  	_ = 	snop  }
__scs_overlays_trampoline_lowered:
0x8: {  	[smem:$0x3F83] =	sst s0  }
0x9: {  	[smem:$0x3F84] =	sst s1  }
0xa: {  	[smem:$0x3F85] =	sst s2  }
0xb: {  	[smem:$0x3F86] =	sst s3  }
0xc: {  	[smem:$0x3F87] =	sst s4  }
0xd: {  	[smem:$0x3F88] =	sst s5  }
0xe: {  	[smem:$0x3F89] =	sst s6  }
0xf: {  	[smem:$0x3F8A] =	sst s7  }
0x10: {  	[smem:$0x3F8B] =	sst s8  }
0x11: {  	[smem:$0x3F8C] =	sst s9;
	s0 =	simm.s32 @!p0 $0x0  }
0x12: {  	s1 =	sld [smem:$0x3F72];
	s0 =	simm.s32 @p0 $0x1  }
0x13: {  	[smem:$0x3F8D] =	sst s0;
	s0 =	simm.s32 @!p1 $0x0  }
0x14: {  	s2 =	sld [smem:$0x3F71];
	s0 =	simm.s32 @p1 $0x1  }
0x15: {  	[smem:$0x3F8E] =	sst s0;
	s0 =	simm.s32 @!p2 $0x0  }
0x16: {  	s3 =	sld [smem:$0x3FDB];
	s0 =	simm.s32 @p2 $0x1  }
0x17: {  	s4 =	simm.s32 $0x1BF5;
	[smem:$0x3F90] =	sst s0  }
0x18: {  	s0 =	sld [smem:$0x3F73];
	_ =	swait.ge [sflag:s4], $0x0  }
0x19: {  	s7 =	sld [smem:$0x3F74]  }
0x1a: {  	s8 =	sadd.s32 $0xFFFFE003, lr  }
0x1b: {  	s9 =	sadd.s32 $0xFFFFFEF7, lr;
	s5 =	simm.s32 $0xFFFFFFFF;
	p2 =	slt.u32 s8, $0xFFFFF086  }
0x1c: {  	p1 =	slt.u32 s9, $0xF7A;
	s5 =	simm.s32 @!p2 $0x0  }
0x1d: {  	s5 =	simm.s32 @p1 $0x1;
	p0 =	seq.s32 s7, s2  }
0x1e: {  	s7 =	smul.u32 @!p0 $0xF7A, s2;
	p2 =	seq.s32 @!p0 s5, $0x0  }
0x1f: {  	s9 =	smul.u32 $0xF7A, s1;
	s8 =	simm.s32 @!p0 $0x1BF5;
	p2 =	por !p2, p0  }
0x20: {  	[sflag:s8] =	ssyncset.s32 @!p0 $0xFFFFF086;
	s6 =	sadd.s32 @!p0 s3, s7;
	s7 =	simm.s32 @!p0 $0x108  }
0x21: {  	s3 =	sadd.s32 s3, s9;
	s6 =	sadd.s32 @!p0 $0x88, s6;
	s7 =	simm.s32 @p2 $0x1082  }
0x22: {  	[simem:s7], [sflag:s8] =	dma.local @!p0 [hbm:s6], $0xF7A  }
0x23: {  	s9 =	sor.u32 $0xD0000000, s2;
	s6 =	simm.s32 $0x108;
	_ =	swait.ge @!p0 [sflag:s8], $0x0  }
0x24: {  	s3 =	sadd.s32 $0x88, s3;
	s6 =	simm.s32 @!p1 $0x1082;
	[sflag:s4] =	ssyncset.s32 $0xFFFFF086  }
0x25: {  	[simem:s6], [sflag:s4] =	dma.local [hbm:s3], $0xF7A  }
0x26: {  	[smem:$0x3F74] =	sst s1;
	(tag) =	ssettag s2;
	_ =	strace s9  }
0x27: {  	s1 =	sld [smem:$0x3F84]  }
0x28: {  	s2 =	sld [smem:$0x3F85]  }
0x29: {  	s4 =	sld [smem:$0x3F87]  }
0x2a: {  	p0 =	seq.s32 s5, $0x0;
	s5 =	sld [smem:$0x3F88]  }
0x2b: {  	s6 =	sld [smem:$0x3F89]  }
0x2c: {  	s7 =	sld [smem:$0x3F8A]  }
0x2d: {  	s3 =	simm.s32 $0x108;
	s8 =	sld [smem:$0x3F8B]  }
0x2e: {  	s3 =	simm.s32 @!p0 $0x1082;
	s9 =	sld [smem:$0x3F8C]  }
0x2f: {  	lr =	sadd.s32 s0, s3;
	s0 =	sld [smem:$0x3F83]  }
0x30: {  	s3 =	sld [smem:$0x3F86]  }
0x31: {  	[smem:$0x3F8F] =	sst s10  }
0x32: {  	s10 =	sld [smem:$0x3F8D];
	_ =	sdelay $0x3  }
0x33: {  	p0 =	seq.s32 s10, $0x1;
	s10 =	sld [smem:$0x3F8F];
	_ =	sdelay $0x3  }
0x34: {  	[smem:$0x3F8F] =	sst s10  }
0x35: {  	s10 =	sld [smem:$0x3F8E];
	_ =	sdelay $0x3  }
0x36: {  	p1 =	seq.s32 s10, $0x1;
	s10 =	sld [smem:$0x3F8F];
	_ =	sdelay $0x3  }
0x37: {  	[smem:$0x3F8F] =	sst s10  }
0x38: {  	s10 =	sld [smem:$0x3F90]  }
0x39: {  	_ = 	snop;
	(pc) =	sbr.ind lr, $3  }
0x3a: {  	_ = 	snop  }
0x3b: {  	_ = 	snop  }
0x3c: {  	p2 =	seq.s32 s10, $0x1;
	s10 =	sld [smem:$0x3F8F]  }
0x3d: {  	_ =	shalt  }
0x3e: {  	_ =	shalt  }
0x3f: {  	_ =	shalt  }
0x40: {  	_ =	shalt  }
0x41: {  	_ =	shalt  }
0x42: {  	_ =	shalt  }
0x43: {  	_ =	shalt  }
0x44: {  	_ =	shalt  }
0x45: {  	_ =	shalt  }
0x46: {  	_ =	shalt  }
0x47: {  	_ =	shalt  }
0x48: {  	_ =	shalt  }
0x49: {  	_ =	shalt  }
0x4a: {  	_ =	shalt  }
0x4b: {  	_ =	shalt  }
0x4c: {  	_ =	shalt  }
0x4d: {  	_ =	shalt  }
0x4e: {  	_ =	shalt  }
0x4f: {  	_ =	shalt  }
0x50: {  	_ =	shalt  }
0x51: {  	_ =	shalt  }
0x52: {  	_ =	shalt  }
0x53: {  	_ =	shalt  }
0x54: {  	_ =	shalt  }
0x55: {  	_ =	shalt  }
0x56: {  	_ =	shalt  }
0x57: {  	_ =	shalt  }
0x58: {  	_ =	shalt  }
0x59: {  	_ =	shalt  }
0x5a: {  	_ =	shalt  }
0x5b: {  	_ =	shalt  }
0x5c: {  	_ =	shalt  }
0x5d: {  	_ =	shalt  }
0x5e: {  	_ =	shalt  }
0x5f: {  	_ =	shalt  }
0x60: {  	_ =	shalt  }
0x61: {  	_ =	shalt  }
0x62: {  	_ =	shalt  }
0x63: {  	_ =	shalt  }
0x64: {  	_ =	shalt  }
0x65: {  	_ =	shalt  }
0x66: {  	_ =	shalt  }
0x67: {  	_ =	shalt  }
0x68: {  	_ =	shalt  }
0x69: {  	_ =	shalt  }
0x6a: {  	_ =	shalt  }
0x6b: {  	_ =	shalt  }
0x6c: {  	_ =	shalt  }
0x6d: {  	_ =	shalt  }
0x6e: {  	_ =	shalt  }
0x6f: {  	_ =	shalt  }
0x70: {  	_ =	shalt  }
0x71: {  	_ =	shalt  }
0x72: {  	_ =	shalt  }
0x73: {  	_ =	shalt  }
0x74: {  	_ =	shalt  }
0x75: {  	_ =	shalt  }
0x76: {  	_ =	shalt  }
0x77: {  	_ =	shalt  }
0x78: {  	_ =	shalt  }
0x79: {  	_ =	shalt  }
0x7a: {  	_ =	shalt  }
0x7b: {  	_ =	shalt  }
0x7c: {  	_ =	shalt  }
0x7d: {  	_ =	shalt  }
0x7e: {  	_ =	shalt  }
0x7f: {  	_ =	shalt  }
0x80: {  	_ =	shalt  }
0x81: {  	_ =	shalt  }
0x82: {  	_ =	shalt  }
0x83: {  	_ =	shalt  }
0x84: {  	_ =	shalt  }
0x85: {  	_ =	shalt  }
0x86: {  	_ =	shalt  }
0x87: {  	_ =	shalt  }
.Lfunc_end0:
.L_simem_size_0:
called_computation.8_lowered:
.L_overlay_start_0:
0x88: {  	s2 =	sld [smem:$0x3FD9]  }
0x89: {  	s3 =	sld [smem:$0x3FFE];
	_ =	sdelay $0x1  }
0x8a: {  	s1 =	srdreg.scid  }
0x8b: {  	s0 =	sand.u32 $0x1, s1  }
0x8c: {  	s16 =	sshll.u32 s0, $0xA;
	s2 =	sadd.s32 s3, s2  }
0x8d: {  	s2 =	sadd.s32 s2, s16  }
0x8e: {  	[smem:$0x3F9B] =	sst s2  }
0x8f: {  	_ = 	snop  }
0x90: {  	(tm) =	ssettm $0x1  }
0x91: {  	s17 =	sld [smem:$0x3FFB];
	_ =	sdelay $0x3  }
0x92: {  	_ =	strace s17  }
0x93: {  	s2 =	sld [smem:$0x3FFC];
	_ =	sdelay $0x3  }
0x94: {  	_ =	strace s2  }
0x95: {  	s2 =	sld [smem:$0x3FFD];
	_ =	sdelay $0x3  }
0x96: {  	_ =	strace s2  }
0x97: {  	_ =	strace $0x8FFFFFFF  }
0x98: {  	s18 =	sld [smem:$0x3FDB];
	_ =	sdelay $0x1  }
0x99: {  	s19 =	simm.s32 $_scs_section_size  }
0x9a: {  	s4 =	simm.s32 $_size__tile_overlayer_lowered;
	s5 =	simm.s32 $_tile_overlayer_lowered  }
0x9b: {  	s22 =	simm.s32 $0x1BFF;
	s21 =	sshll.u32 s5, $0x1;
	s2 =	sadd.s32 s19, s18  }
0x9c: {  	s6 =	simm.s32 $0x0;
	s20 =	sshll.u32 s4, $0x1;
	s4 =	sadd.s32 s21, s2  }
0x9d: {  	[timem:s6], [sflag:s22] =	dma.local [hbm:s4], s20  }
0x9e: {  	_ =	swait.ge [sflag:s22], s20  }
0x9f: {  	s3 =	ssub.s32 $0x0, s20;
	[sflag:s22] =	ssyncset.done $0x0  }
0xa0: {  	[sflag:s22] =	ssyncadd.s32 s3;
	_ =	sdelay $0x1  }
0xa1: {  	s23 =	simm.s32 $0x1B8B  }
0xa2: {  	_ =	swait.ge [sflag:s23], $0x1  }
0xa3: {  	[sflag:s23] =	ssyncset.done $0x0  }
0xa4: {  	s25 =	simm.s32 $0x1B8E;
	s24 =	sld [smem:$0x3FFE];
	[sflag:s23] =	ssyncadd.s32 $0xFFFFFFFF  }
0xa5: {  	s26 =	simm.s32 $execute0_lowered;
	[smem:$0x3FD2] =	sst s25  }
0xa6: {  	s4 =	sshll.u32 s26, $0x1;
	_ =	strace $0x8000005B;
	[dreg:$0x1] =	wrdreg $0xFFFFFFFF  }
0xa7: {  	s28 =	simm.s32 $_size_execute0_lowered;
	s2 =	sadd.s32 s2, s4;
	[dreg:$0x0] =	wrdreg $0x0  }
0xa8: {  	s4 =	sshll.u32 s28, $0x1;
	[dreg:$0x2] =	wrdreg s2  }
0xa9: {  	[dreg:$0x3] =	wrdreg s4  }
0xaa: {  	[dreg:$0x4] =	wrdreg $0xC0  }
0xab: {  	_ =	task [dreg:s6], $0x5FFFF  }
0xac: {  	[dreg:$0x1] =	wrdreg $0xFFFFFFFF  }
0xad: {  	[dreg:$0x0] =	wrdreg $0x60  }
0xae: {  	[dreg:$0x2] =	wrdreg s24  }
0xaf: {  	[dreg:$0x3] =	wrdreg $0x0  }
0xb0: {  	[dreg:$0x4] =	wrdreg $0xA  }
0xb1: {  	_ =	task.clear_ibuf [dreg:s6], $0x5FFFF;
	_ =	strace $0x9000005B  }
0xb2: {  	s29 =	simm.s32 $0xA;
	_ =	strace $0x8000005D  }
0xb3: {  	_ =	swait.ge [sflag:s29], $0x1  }
0xb4: {  	[sflag:s29] =	ssyncadd.s32 $0xFFFFFFFF  }
0xb5: {  	_ =	strace $0x9000005D  }
0xb6: {  	_ =	sfence  }
0xb7: {  	s30 =	sld [smem:$0x0];
	_ =	sdelay $0x2  }
0xb8: {  	s31 =	sshll.u32 s1, $0xD;
	s1 =	sshrl.u32 s1, $0x2  }
0xb9: {  	s3 =	sand.u32 $0x4000, s31;
	s1 =	sadd.s32 s1, s30  }
0xba: {  	s0 =	sor.u32 s3, s0;
	s1 =	sshll.u32 s1, $0x11  }
0xbb: {  	s0 =	sor.u32 s1, s0  }
0xbc: {  	s0 =	sadd.s32 $0x8F2B, s0  }
0xbd: {  	[sflag:s0] =	ssyncadd.remote.s32 $0x1  }
0xbe: {  	_ =	sfence.sel $0xFFFF  }
0xbf: {  	[dreg:$0x0] =	wrdreg $0xFFFFFFFF;
	(pc) =	sbr.abs _section_cstart, $3  }
0xc0: {  	[dreg:$0x1] =	wrdreg $0xFFFFFFFF  }
0xc1: {  	_ =	task.clear_ibuf [dreg:s6], $0x2FFFF;
	_ =	strace $0x9FFFFFFF  }
0xc2: {  	(tm) =	ssettm $0x7FFFFFFF  }
0xc3: {  	_ =	shalt  }
tec
execute0_lowered:
.L_overlay_start_1:
0x0: {  	(tag) =	ssettag $0x1  }
0x1: {  	s15 =	stileid.u32  }
0x2: {  	s0 =	srdreg.scid;
	s6 =	smul.u32 $0x2710, s15  }
0x3: {  	s1 =	rddreg [dreg:$0x0];
	s7 =	smul.u32 $0x320, s15  }
0x4: {  	s2 =	rddreg [dreg:$0x1];
	s8 =	smul.u32 $0x64000, s15  }
0x5: {  	s3 =	simm.s32 $0x0;
	s0 =	sand.u32 $0x1, s0;
	s26 =	smul.u32 $0x27100, s15  }
0x6: {  	s29 =	simm.s32 $0x19000;
	s30 =	simm.s32 $0x1;
	s4 =	smul.u32 $0x271000, s0  }
0x7: {  	s31 =	simm.s32 $0x1B800;
	[smem:$0x7FF] =	sst s3;
	s5 =	smul.u32 $0x27100, s0  }
0x8: {  	s18 =	sadd.s32 $0x1EC00, s1;
	s17 =	smul.u32 $0x3200, s0;
	s0 =	ssub.s32 $0x2, s0  }
0x9: {  	_ =	strace $0x8000005C;
	[dreg:$0x3] =	wrdreg s18;
	s20 =	sshrl.u32 s0, $0x1  }
0xa: {  	s21 =	sshrl.u32 s8, $0x2;
	s5 =	sadd.s32 s6, s5;
	s4 =	sadd.s32 s4, s1  }
0xb: {  	s19 =	sadd.s32 s7, s17;
	s0 =	ssub.s32 s0, s20;
	s5 =	sshrl.u32 s5, $0x3  }
0xc: {  	s22 =	sshll.u32 s19, $0x4;
	s0 =	smax.u32 s0, $0x1;
	s14 =	sadd.s32 s5, s1  }
0xd: {  	s5 =	sadd.s32 s21, s2;
	s1 =	sadd.s32 s22, s1;
	[dreg:$0x4] =	wrdreg s0  }
0xe: {  	s0 =	sadd.s32 s26, s4;
	s7 =	sadd.s32 $0x2800, s5;
	s8 =	sadd.s32 $0x5000, s5  }
0xf: {  	s9 =	sadd.s32 $0x7800, s5;
	s10 =	sadd.s32 $0xA000, s5;
	s11 =	sadd.s32 $0xC800, s5  }
0x10: {  	s12 =	sadd.s32 $0xF000, s5;
	s13 =	sadd.s32 $0x11800, s5;
	s23 =	sadd.s32 $0x94600, s1  }
0x11: {  	s24 =	sadd.s32 $0x94B00, s1;
	s25 =	sadd.s32 $0x95000, s1;
	s17 =	sadd.s32 $0x95500, s1  }
0x12: {  	s18 =	sadd.s32 $0x95A00, s1;
	s19 =	sadd.s32 $0x95F00, s1;
	s20 =	sadd.s32 $0x96400, s1  }
0x13: {  	s21 =	sadd.s32 $0x96900, s1;
	s22 =	sadd.s32 $0x96E00, s1;
	[dreg:$0x5] =	wrdreg s23  }
0x14: {  	s26 =	sadd.s32 $0x14000, s5;
	s28 =	sadd.s32 $0x16800, s5;
	[dreg:$0x6] =	wrdreg s24  }
0x15: {  	[dreg:$0x7] =	wrdreg s25;
	s23 =	sadd.s32 $0x97300, s1;
	s24 =	sadd.s32 $0x1DE9E00, s0  }
0x16: {  	s25 =	sadd.s32 $0x14E00, s14;
	s0 =	simm.s32 $0x50;
	s1 =	simm.s32 $0x0  }
.LBB2_1:
0x17: {  	s4 =	rddreg [dreg:$0x3]  }
0x18: {  	[tilespmem:s29], [sflag:$0x1] =	stream.linear.gather [hbm4b:s4+s3], $0x2800, $0x38;
	[tilespmem:$0x1B880] =	vst v63  }
0x19: {  	_ =	swait.ge [sflag:s30], $0x2800  }
0x1a: {  	[sflag:s30] =	ssyncset.done $0x0  }
0x1b: {  	[sflag:s30] =	ssyncadd.s32 $0xFFFFD800  }
0x1c: {  	[spmem:s5] =	stream.linear.scatter [tilespmem:s29], [sflag:$0x1], $0x2800, $0x38;
	[tilespmem:$0x1B880] =	vst v63  }
0x1d: {  	_ =	swait.ge [sflag:s30], $0x2800  }
0x1e: {  	[sflag:s30] =	ssyncset.done $0x0  }
0x1f: {  	[sflag:s30] =	ssyncadd.s32 $0xFFFFD800  }
0x20: {  	[spmem:s7] =	stream.linear.scatter [tilespmem:s29], [sflag:$0x1], $0x2800, $0x38;
	[tilespmem:$0x1B880] =	vst v63  }
0x21: {  	_ =	swait.ge [sflag:s30], $0x2800  }
0x22: {  	[sflag:s30] =	ssyncset.done $0x0  }
0x23: {  	[sflag:s30] =	ssyncadd.s32 $0xFFFFD800  }
0x24: {  	[spmem:s8] =	stream.linear.scatter [tilespmem:s29], [sflag:$0x1], $0x2800, $0x38;
	[tilespmem:$0x1B880] =	vst v63  }
0x25: {  	_ =	swait.ge [sflag:s30], $0x2800  }
0x26: {  	[sflag:s30] =	ssyncset.done $0x0  }
0x27: {  	[sflag:s30] =	ssyncadd.s32 $0xFFFFD800  }
0x28: {  	[spmem:s9] =	stream.linear.scatter [tilespmem:s29], [sflag:$0x1], $0x2800, $0x38;
	[tilespmem:$0x1B880] =	vst v63  }
0x29: {  	_ =	swait.ge [sflag:s30], $0x2800  }
0x2a: {  	[sflag:s30] =	ssyncset.done $0x0  }
0x2b: {  	[sflag:s30] =	ssyncadd.s32 $0xFFFFD800  }
0x2c: {  	[spmem:s10] =	stream.linear.scatter [tilespmem:s29], [sflag:$0x1], $0x2800, $0x38;
	[tilespmem:$0x1B880] =	vst v63  }
0x2d: {  	_ =	swait.ge [sflag:s30], $0x2800  }
0x2e: {  	[sflag:s30] =	ssyncset.done $0x0  }
0x2f: {  	[sflag:s30] =	ssyncadd.s32 $0xFFFFD800  }
0x30: {  	[spmem:s11] =	stream.linear.scatter [tilespmem:s29], [sflag:$0x1], $0x2800, $0x38;
	[tilespmem:$0x1B880] =	vst v63  }
0x31: {  	_ =	swait.ge [sflag:s30], $0x2800  }
0x32: {  	[sflag:s30] =	ssyncset.done $0x0  }
0x33: {  	[sflag:s30] =	ssyncadd.s32 $0xFFFFD800  }
0x34: {  	[spmem:s12] =	stream.linear.scatter [tilespmem:s29], [sflag:$0x1], $0x2800, $0x38;
	[tilespmem:$0x1B880] =	vst v63  }
0x35: {  	_ =	swait.ge [sflag:s30], $0x2800  }
0x36: {  	[sflag:s30] =	ssyncset.done $0x0  }
0x37: {  	[sflag:s30] =	ssyncadd.s32 $0xFFFFD800  }
0x38: {  	[spmem:s13] =	stream.linear.scatter [tilespmem:s29], [sflag:$0x1], $0x2800, $0x38;
	[tilespmem:$0x1B880] =	vst v63  }
0x39: {  	_ =	swait.ge [sflag:s30], $0x2800  }
0x3a: {  	[sflag:s30] =	ssyncset.done $0x0  }
0x3b: {  	[sflag:s30] =	ssyncadd.s32 $0xFFFFD800  }
0x3c: {  	[spmem:s26] =	stream.linear.scatter [tilespmem:s29], [sflag:$0x1], $0x2800, $0x38;
	[tilespmem:$0x1B880] =	vst v63  }
0x3d: {  	_ =	swait.ge [sflag:s30], $0x2800  }
0x3e: {  	[sflag:s30] =	ssyncset.done $0x0  }
0x3f: {  	[sflag:s30] =	ssyncadd.s32 $0xFFFFD800  }
0x40: {  	[spmem:s28] =	stream.linear.scatter [tilespmem:s29], [sflag:$0x1], $0x2800, $0x38;
	[tilespmem:$0x1B880] =	vst v63  }
0x41: {  	_ =	swait.ge [sflag:s30], $0x2800  }
0x42: {  	[sflag:s30] =	ssyncset.done $0x0  }
0x43: {  	[sflag:s30] =	ssyncadd.s32 $0xFFFFD800  }
0x44: {  	s16 =	sadd.s32 $0x0, s25;
	[bflag:$0x0] =	sbarrier.arrive $0xFFFF  }
0x45: {  	[tilespmem:s31], [sflag:$0x1] =	stream.linear.gather [hbm4b:s16+s3], $0x50, $0x38;
	[tilespmem:$0x1B880] =	vst v63  }
0x46: {  	_ =	swait.ge [sflag:s30], $0x50  }
0x47: {  	[sflag:s30] =	ssyncset.done $0x0  }
0x48: {  	[sflag:s30] =	ssyncadd.s32 $0xFFFFFFB0  }
0x49: {  	[tilespmem:s29], [sflag:$0x1] =	stream.linear.gather [hbm4b:s24+s3], $0x2800, $0x38;
	[tilespmem:$0x1B880] =	vst v63  }
0x4a: {  	_ =	swait.ge [sflag:s30], $0x2800  }
0x4b: {  	[sflag:s30] =	ssyncset.done $0x0  }
0x4c: {  	[sflag:s30] =	ssyncadd.s32 $0xFFFFD800  }
0x4d: {  	[spmem:s2] =	stream.indirect.scatter.add.f32 [tilespmem:s29], [sflag:$0x1], $0x80, s31, s0, $0xb8;
	[tilespmem:$0x1B880] =	vst v63  }
0x4e: {  	s6 =	simm.s32 $0xA;
	_ =	swait.ge [sflag:s30], $0x2800  }
0x4f: {  	s14 =	simm.s32 $0x14;
	s4 =	sadd.s32 $0x500, s24;
	[sflag:s30] =	ssyncset.done $0x0  }
.LBB2_2:
0x50: {  	s15 =	sadd.s32 s6, s25  }
0x51: {  	[sflag:s30] =	ssyncadd.s32 $0xFFFFD800;
	s6 =	smov.u32 s14;
	s16 =	sadd.s32 $0xA, s14  }
0x52: {  	[tilespmem:s31], [sflag:$0x1] =	stream.linear.gather [hbm4b:s15+s3], $0x50, $0x38;
	[tilespmem:$0x1B880] =	vst v63  }
0x53: {  	p0 =	sne.s32 s14, $0x4D8;
	_ =	swait.ge [sflag:s30], $0x50  }
0x54: {  	[sflag:s30] =	ssyncset.done $0x0  }
0x55: {  	[sflag:s30] =	ssyncadd.s32 $0xFFFFFFB0  }
0x56: {  	[tilespmem:s29], [sflag:$0x1] =	stream.linear.gather [hbm4b:s4+s3], $0x2800, $0x38;
	[tilespmem:$0x1B880] =	vst v63  }
0x57: {  	_ =	swait.ge [sflag:s30], $0x2800  }
.Ltmp0:
0x58: {  	[sflag:s30] =	ssyncset.done $0x0;
	(pc) =	sbr.rel @p0 .LBB2_2-.Ltmp0, $4  }
0x59: {  	[sflag:s30] =	ssyncadd.s32 $0xFFFFD800  }
0x5a: {  	[spmem:s2] =	stream.indirect.scatter.add.f32 [tilespmem:s29], [sflag:$0x1], $0x80, s31, s0, $0xb8;
	[tilespmem:$0x1B880] =	vst v63  }
0x5b: {  	_ =	swait.ge [sflag:s30], $0x2800  }
0x5c: {  	s14 =	smov.u32 s16;
	s4 =	sadd.s32 $0x500, s4;
	[sflag:s30] =	ssyncset.done $0x0  }
0x5d: {  	s6 =	sadd.s32 s6, s25;
	[sflag:s30] =	ssyncadd.s32 $0xFFFFD800  }
0x5e: {  	[tilespmem:s31], [sflag:$0x1] =	stream.linear.gather [hbm4b:s6+s3], $0x50, $0x38;
	[tilespmem:$0x1B880] =	vst v63  }
0x5f: {  	_ =	swait.ge [sflag:s30], $0x50  }
0x60: {  	[sflag:s30] =	ssyncset.done $0x0  }
0x61: {  	[sflag:s30] =	ssyncadd.s32 $0xFFFFFFB0  }
0x62: {  	[tilespmem:s29], [sflag:$0x1] =	stream.linear.gather [hbm4b:s4+s3], $0x2800, $0x38;
	[tilespmem:$0x1B880] =	vst v63  }
0x63: {  	_ =	swait.ge [sflag:s30], $0x2800  }
0x64: {  	[sflag:s30] =	ssyncset.done $0x0  }
0x65: {  	[sflag:s30] =	ssyncadd.s32 $0xFFFFD800  }
0x66: {  	[spmem:s2] =	stream.indirect.scatter.add.f32 [tilespmem:s29], [sflag:$0x1], $0x80, s31, s0, $0xb8;
	[tilespmem:$0x1B880] =	vst v63  }
0x67: {  	_ =	swait.ge [sflag:s30], $0x2800  }
0x68: {  	[sflag:s30] =	ssyncset.done $0x0  }
0x69: {  	[sflag:s30] =	ssyncadd.s32 $0xFFFFD800  }
0x6a: {  	[bflag:$0x0] =	sbarrier.arrive $0xFFFF  }
0x6b: {  	[tilespmem:s29], [sflag:$0x1] =	stream.linear.gather [spmem:s5], $0x2800, $0x38;
	[tilespmem:$0x1B880] =	vst v63  }
0x6c: {  	_ =	swait.ge [sflag:s30], $0x2800  }
0x6d: {  	[sflag:s30] =	ssyncset.done $0x0  }
0x6e: {  	s6 =	rddreg [dreg:$0x5];
	[sflag:s30] =	ssyncadd.s32 $0xFFFFD800  }
0x6f: {  	[hbm4b:s6+s3] =	stream.linear.scatter [tilespmem:s29], [sflag:$0x1], $0x2800, $0x38;
	[tilespmem:$0x1B880] =	vst v63  }
0x70: {  	_ =	swait.ge [sflag:s30], $0x2800  }
0x71: {  	[sflag:s30] =	ssyncset.done $0x0  }
0x72: {  	[sflag:s30] =	ssyncadd.s32 $0xFFFFD800  }
0x73: {  	[tilespmem:s29], [sflag:$0x1] =	stream.linear.gather [spmem:s7], $0x2800, $0x38;
	[tilespmem:$0x1B880] =	vst v63  }
0x74: {  	_ =	swait.ge [sflag:s30], $0x2800  }
0x75: {  	[sflag:s30] =	ssyncset.done $0x0  }
0x76: {  	s14 =	rddreg [dreg:$0x6];
	[sflag:s30] =	ssyncadd.s32 $0xFFFFD800  }
0x77: {  	[hbm4b:s14+s3] =	stream.linear.scatter [tilespmem:s29], [sflag:$0x1], $0x2800, $0x38;
	[tilespmem:$0x1B880] =	vst v63  }
0x78: {  	_ =	swait.ge [sflag:s30], $0x2800  }
0x79: {  	[sflag:s30] =	ssyncset.done $0x0  }
0x7a: {  	[sflag:s30] =	ssyncadd.s32 $0xFFFFD800  }
0x7b: {  	[tilespmem:s29], [sflag:$0x1] =	stream.linear.gather [spmem:s8], $0x2800, $0x38;
	[tilespmem:$0x1B880] =	vst v63  }
0x7c: {  	_ =	swait.ge [sflag:s30], $0x2800  }
0x7d: {  	[sflag:s30] =	ssyncset.done $0x0  }
0x7e: {  	s15 =	rddreg [dreg:$0x7];
	[sflag:s30] =	ssyncadd.s32 $0xFFFFD800  }
0x7f: {  	[hbm4b:s15+s3] =	stream.linear.scatter [tilespmem:s29], [sflag:$0x1], $0x2800, $0x38;
	[tilespmem:$0x1B880] =	vst v63  }
0x80: {  	_ =	swait.ge [sflag:s30], $0x2800  }
0x81: {  	[sflag:s30] =	ssyncset.done $0x0  }
0x82: {  	[sflag:s30] =	ssyncadd.s32 $0xFFFFD800  }
0x83: {  	[tilespmem:s29], [sflag:$0x1] =	stream.linear.gather [spmem:s9], $0x2800, $0x38;
	[tilespmem:$0x1B880] =	vst v63  }
0x84: {  	_ =	swait.ge [sflag:s30], $0x2800  }
0x85: {  	[sflag:s30] =	ssyncset.done $0x0  }
0x86: {  	[sflag:s30] =	ssyncadd.s32 $0xFFFFD800  }
0x87: {  	[hbm4b:s17+s3] =	stream.linear.scatter [tilespmem:s29], [sflag:$0x1], $0x2800, $0x38;
	[tilespmem:$0x1B880] =	vst v63  }
0x88: {  	_ =	swait.ge [sflag:s30], $0x2800  }
0x89: {  	[sflag:s30] =	ssyncset.done $0x0  }
0x8a: {  	[sflag:s30] =	ssyncadd.s32 $0xFFFFD800  }
0x8b: {  	[tilespmem:s29], [sflag:$0x1] =	stream.linear.gather [spmem:s10], $0x2800, $0x38;
	[tilespmem:$0x1B880] =	vst v63  }
0x8c: {  	_ =	swait.ge [sflag:s30], $0x2800  }
0x8d: {  	[sflag:s30] =	ssyncset.done $0x0  }
0x8e: {  	[sflag:s30] =	ssyncadd.s32 $0xFFFFD800  }
0x8f: {  	[hbm4b:s18+s3] =	stream.linear.scatter [tilespmem:s29], [sflag:$0x1], $0x2800, $0x38;
	[tilespmem:$0x1B880] =	vst v63  }
0x90: {  	_ =	swait.ge [sflag:s30], $0x2800  }
0x91: {  	[sflag:s30] =	ssyncset.done $0x0  }
0x92: {  	[sflag:s30] =	ssyncadd.s32 $0xFFFFD800  }
0x93: {  	[tilespmem:s29], [sflag:$0x1] =	stream.linear.gather [spmem:s11], $0x2800, $0x38;
	[tilespmem:$0x1B880] =	vst v63  }
0x94: {  	_ =	swait.ge [sflag:s30], $0x2800  }
0x95: {  	[sflag:s30] =	ssyncset.done $0x0  }
0x96: {  	[sflag:s30] =	ssyncadd.s32 $0xFFFFD800  }
0x97: {  	[hbm4b:s19+s3] =	stream.linear.scatter [tilespmem:s29], [sflag:$0x1], $0x2800, $0x38;
	[tilespmem:$0x1B880] =	vst v63  }
0x98: {  	_ =	swait.ge [sflag:s30], $0x2800  }
0x99: {  	[sflag:s30] =	ssyncset.done $0x0  }
0x9a: {  	[sflag:s30] =	ssyncadd.s32 $0xFFFFD800  }
0x9b: {  	[tilespmem:s29], [sflag:$0x1] =	stream.linear.gather [spmem:s12], $0x2800, $0x38;
	[tilespmem:$0x1B880] =	vst v63  }
0x9c: {  	_ =	swait.ge [sflag:s30], $0x2800  }
0x9d: {  	[sflag:s30] =	ssyncset.done $0x0  }
0x9e: {  	[sflag:s30] =	ssyncadd.s32 $0xFFFFD800  }
0x9f: {  	[hbm4b:s20+s3] =	stream.linear.scatter [tilespmem:s29], [sflag:$0x1], $0x2800, $0x38;
	[tilespmem:$0x1B880] =	vst v63  }
0xa0: {  	_ =	swait.ge [sflag:s30], $0x2800  }
0xa1: {  	[sflag:s30] =	ssyncset.done $0x0  }
0xa2: {  	[sflag:s30] =	ssyncadd.s32 $0xFFFFD800  }
0xa3: {  	[tilespmem:s29], [sflag:$0x1] =	stream.linear.gather [spmem:s13], $0x2800, $0x38;
	[tilespmem:$0x1B880] =	vst v63  }
0xa4: {  	_ =	swait.ge [sflag:s30], $0x2800  }
0xa5: {  	[sflag:s30] =	ssyncset.done $0x0  }
0xa6: {  	[sflag:s30] =	ssyncadd.s32 $0xFFFFD800  }
0xa7: {  	[hbm4b:s21+s3] =	stream.linear.scatter [tilespmem:s29], [sflag:$0x1], $0x2800, $0x38;
	[tilespmem:$0x1B880] =	vst v63  }
0xa8: {  	_ =	swait.ge [sflag:s30], $0x2800  }
0xa9: {  	[sflag:s30] =	ssyncset.done $0x0  }
0xaa: {  	[sflag:s30] =	ssyncadd.s32 $0xFFFFD800  }
0xab: {  	[tilespmem:s29], [sflag:$0x1] =	stream.linear.gather [spmem:s26], $0x2800, $0x38;
	[tilespmem:$0x1B880] =	vst v63  }
0xac: {  	_ =	swait.ge [sflag:s30], $0x2800  }
0xad: {  	[sflag:s30] =	ssyncset.done $0x0  }
0xae: {  	[sflag:s30] =	ssyncadd.s32 $0xFFFFD800  }
0xaf: {  	[hbm4b:s22+s3] =	stream.linear.scatter [tilespmem:s29], [sflag:$0x1], $0x2800, $0x38;
	[tilespmem:$0x1B880] =	vst v63  }
0xb0: {  	_ =	swait.ge [sflag:s30], $0x2800  }
0xb1: {  	[sflag:s30] =	ssyncset.done $0x0  }
0xb2: {  	[sflag:s30] =	ssyncadd.s32 $0xFFFFD800  }
0xb3: {  	[tilespmem:s29], [sflag:$0x1] =	stream.linear.gather [spmem:s28], $0x2800, $0x38;
	[tilespmem:$0x1B880] =	vst v63  }
0xb4: {  	_ =	swait.ge [sflag:s30], $0x2800  }
0xb5: {  	[sflag:s30] =	ssyncset.done $0x0  }
0xb6: {  	[sflag:s30] =	ssyncadd.s32 $0xFFFFD800  }
0xb7: {  	[hbm4b:s23+s3] =	stream.linear.scatter [tilespmem:s29], [sflag:$0x1], $0x2800, $0x38;
	[tilespmem:$0x1B880] =	vst v63  }
0xb8: {  	_ =	swait.ge [sflag:s30], $0x2800  }
0xb9: {  	s1 =	sadd.s32 $0x1, s1;
	s16 =	rddreg [dreg:$0x4]  }
0xba: {  	p0 =	sne.s32 s1, s16  }
.Ltmp1:
0xbb: {  	_ = 	snop;
	(pc) =	sbr.rel @p0 .LBB2_1-.Ltmp1, $3  }
0xbc: {  	_ =	sdelay $0x1  }
0xbd: {  	[sflag:s30] =	ssyncset.done $0x0  }
0xbe: {  	[sflag:s30] =	ssyncadd.s32 $0xFFFFD800  }
0xbf: {  	_ =	sfence.sel $0x180000  }
0xc0: {  	[bflag:$0x0] =	sbarrier.arrive $0xFFFF  }
0xc1: {  	_ =	strace $0x9000005C  }
0xc2: {  	s0 =	stileid.u32;
	[bflag:$0x2] =	sbarrier.arrive $0xFFFF  }
0xc3: {  	p0 =	sne.s32 s0, $0x0;
	s0 =	rddreg [dreg:$0x2]  }
0xc4: {  	s0 =	sadd.s32 @!p0 $0x100000, s0  }
0xc5: {  	[sflag:s0] =	ssyncadd.tile.s32 @!p0 $0x1;
	_ =	shalt  }
.Lfunc_end2:
_tile_overlayer_lowered:
.L_overlay_start_2:
0xc6: {  	(tag) =	ssettag $0x2  }
0xc7: {  	s0 =	rddreg [dreg:$0x0];
	s2 =	stileid.u32  }
0xc8: {  	s1 =	rddreg [dreg:$0x1];
	p0 =	sne.s32 s2, $0x0  }
0xc9: {  	s3 =	rddreg [dreg:$0x2];
	[bflag:$0x3] =	sbarrier.arrive $0xFFFF;
	s2 =	simm.s32 @!p0 $0x1C01  }
0xca: {  	[timem:s3], [sflag:s2] =	dma.local @!p0 [hbm:s0], s1  }
0xcb: {  	s0 =	simm.s32 @!p0 $0x1  }
0xcc: {  	_ =	swait.ge @!p0 [sflag:s0], s1  }
0xcd: {  	s1 =	ssub.s32 @!p0 $0x0, s1;
	[sflag:s0] =	ssyncset.done @!p0 $0x0  }
0xce: {  	[sflag:s0] =	ssyncadd.s32 @!p0 s1  }
0xcf: {  	[bflag:$0x3] =	sbarrier.arrive $0xFFFF  }
0xd0: {  	_ =	shalt  }

</sc_bundles>
